<compile_context>
chip_gen: v7x
topology: tpu7x:2x2x1
jax: 0.10.2.dev20260603
libtpu: 0.0.44.dev20260713+nightly
codegen_flags: <defaults>
</compile_context>

<pallas_src>
import functools

import jax
import jax.numpy as jnp
from jax import lax
from jax.experimental import pallas as pl
from jax.experimental.pallas import tpu as pltpu
from jax.experimental.pallas import tpu_sc as plsc

N_NODES = 10000
N_EDGES = 320000
D = 128

NC = 2
NS = 16
NW = NC * NS

WIN = 64
G = 8
N_WINDOWS = 5120
WPW = N_WINDOWS // NW
NG = WPW // G
IDX_WINDOWS = N_WINDOWS + G
E_PAD = IDX_WINDOWS * WIN
N_PAD = 10240
RPT = N_PAD // NS
NBUF = 4
LAG = 2


def _sc_agg_body(compute_cnt, x_hbm, src_hbm, dst_hbm, *refs):
    if compute_cnt:
        (agg_out, cnt_out, sidx0, sidx1, didx0, didx1,
         rows0, rows1, rows2, rows3, pidx, pidx_lo, ones_v,
         agg_sh, cnt_sh,
         gsem0, gsem1, gsem2, gsem3, ssem0, ssem1, ssem2, ssem3,
         csem0, csem1, csem2, csem3, isem0, isem1) = refs
        csem = (csem0, csem1, csem2, csem3)
    else:
        (agg_out, sidx0, sidx1, didx0, didx1,
         rows0, rows1, rows2, rows3, pidx, pidx_lo,
         agg_sh,
         gsem0, gsem1, gsem2, gsem3, ssem0, ssem1, ssem2, ssem3,
         isem0, isem1) = refs

    sidx = (sidx0, sidx1)
    didx = (didx0, didx1)
    rows = (rows0, rows1, rows2, rows3)
    gsem = (gsem0, gsem1, gsem2, gsem3)
    ssem = (ssem0, ssem1, ssem2, ssem3)
    isem = (isem0, isem1)

    c = lax.axis_index("c")
    s = lax.axis_index("s")
    wid = s * NC + c
    wbase = wid * WPW

    z16 = jnp.zeros((16,), jnp.float32)
    iota16 = lax.iota(jnp.int32, 16)
    for j in range(WIN // 16):
        pidx[pl.ds(j * 16, 16)] = iota16 + (
            N_NODES + (s * WIN + j * 16) % (N_PAD - N_NODES - 16))
        pidx_lo[pl.ds(j * 16, 16)] = iota16 + s * WIN + j * 16

    def _zrow(i, carry):
        for j in range(D // 16):
            rows0[i, pl.ds(j * 16, 16)] = z16
        return carry

    lax.fori_loop(0, WIN, _zrow, 0)

    if compute_cnt:
        one16 = jnp.ones((16,), jnp.float32)
        for j in range(WIN // 16):
            ones_v[pl.ds(j * 16, 16)] = one16

    base = s * RPT
    for t in range(RPT // WIN):
        pltpu.sync_copy(rows0, agg_sh.at[pl.ds(base + t * WIN, WIN)])
    if compute_cnt:
        for t in range(RPT // D):
            pltpu.sync_copy(rows0.at[0], cnt_sh.at[pl.ds(base + t * D, D)])
    plsc.subcore_barrier()

    def wait_gather(b):
        pltpu.make_async_copy(x_hbm.at[pidx_lo], rows[b], gsem[b]).wait()

    def wait_scatter(b):
        pltpu.make_async_copy(rows[b], agg_sh.at[pidx], ssem[b]).wait()
        if compute_cnt:
            pltpu.make_async_copy(ones_v, cnt_sh.at[pidx], csem[b]).wait()

    def wait_idx(gb, off):
        pltpu.make_async_copy(src_hbm.at[pl.ds(off, G)], sidx[gb],
                              isem[gb]).wait()
        pltpu.make_async_copy(dst_hbm.at[pl.ds(off, G)], didx[gb],
                              isem[gb]).wait()

    pltpu.async_copy(src_hbm.at[pl.ds(wbase, G)], sidx0, isem0)
    pltpu.async_copy(dst_hbm.at[pl.ds(wbase, G)], didx0, isem0)
    for j in range(WIN // 16):
        didx1[G - 2, pl.ds(j * 16, 16)] = pidx[pl.ds(j * 16, 16)]
        didx1[G - 1, pl.ds(j * 16, 16)] = pidx[pl.ds(j * 16, 16)]
    pltpu.async_copy(x_hbm.at[pidx_lo], rows2, gsem2)
    pltpu.async_copy(x_hbm.at[pidx_lo], rows3, gsem3)
    for b in range(LAG):
        pltpu.async_copy(rows[b], agg_sh.at[pidx], ssem[b], add=True)
        if compute_cnt:
            pltpu.async_copy(ones_v, cnt_sh.at[pidx], csem[b], add=True)

    def pair_body(gg, carry):
        for gpar in range(2):
            gb = gpar
            g = 2 * gg + gpar
            gwbase = wbase + g * G
            wait_idx(gb, gwbase)
            for k in range(G):
                b = k % NBUF
                bv = (k + LAG) % NBUF
                wait_scatter(b)
                pltpu.async_copy(x_hbm.at[sidx[gb].at[k]], rows[b], gsem[b])
                wait_gather(bv)
                if k < LAG:
                    dv = didx[gb ^ 1].at[G - LAG + k]
                else:
                    dv = didx[gb].at[k - LAG]
                pltpu.async_copy(rows[bv], agg_sh.at[dv], ssem[bv], add=True)
                if compute_cnt:
                    pltpu.async_copy(ones_v, cnt_sh.at[dv], csem[bv],
                                     add=True)
                if k == 3:
                    nxt = wbase + (g + 1) * G
                    pltpu.async_copy(src_hbm.at[pl.ds(nxt, G)], sidx[gb ^ 1],
                                     isem[gb ^ 1])
                    pltpu.async_copy(dst_hbm.at[pl.ds(nxt, G)], didx[gb ^ 1],
                                     isem[gb ^ 1])
        return carry

    lax.fori_loop(0, NG // 2, pair_body, 0)

    for e in range(LAG):
        v = WPW - LAG + e
        kv = G - LAG + e
        bv = v % NBUF
        wait_gather(bv)
        pltpu.async_copy(rows[bv], agg_sh.at[didx1.at[kv]], ssem[bv],
                         add=True)
        if compute_cnt:
            pltpu.async_copy(ones_v, cnt_sh.at[didx1.at[kv]], csem[bv],
                             add=True)
    for b in range(NBUF):
        wait_scatter(b)
    wait_idx(0, wbase + NG * G)

    plsc.subcore_barrier()

    for t in range(RPT // 128):
        pltpu.sync_copy(agg_sh.at[pl.ds(base + t * 128, 128)],
                        agg_out.at[c, pl.ds(base + t * 128, 128)])
    if compute_cnt:
        pltpu.sync_copy(cnt_sh.at[pl.ds(base, RPT)],
                        cnt_out.at[c, pl.ds(base, RPT)])


def _make_sc_agg(compute_cnt):
    mesh = plsc.VectorSubcoreMesh(core_axis_name="c", subcore_axis_name="s",
                                  num_cores=NC, num_subcores=NS)
    out_type = [jax.ShapeDtypeStruct((NC, N_PAD, D), jnp.float32)]
    if compute_cnt:
        out_type.append(jax.ShapeDtypeStruct((NC, N_PAD), jnp.float32))
    scratch = [
        pltpu.VMEM((G, WIN), jnp.int32),
        pltpu.VMEM((G, WIN), jnp.int32),
        pltpu.VMEM((G, WIN), jnp.int32),
        pltpu.VMEM((G, WIN), jnp.int32),
        pltpu.VMEM((WIN, D), jnp.float32),
        pltpu.VMEM((WIN, D), jnp.float32),
        pltpu.VMEM((WIN, D), jnp.float32),
        pltpu.VMEM((WIN, D), jnp.float32),
        pltpu.VMEM((WIN,), jnp.int32),
        pltpu.VMEM((WIN,), jnp.int32),
    ]
    if compute_cnt:
        scratch.append(pltpu.VMEM((WIN,), jnp.float32))
    scratch.append(pltpu.VMEM_SHARED((N_PAD, D), jnp.float32))
    if compute_cnt:
        scratch.append(pltpu.VMEM_SHARED((N_PAD,), jnp.float32))
    nsem = 10 + (4 if compute_cnt else 0)
    scratch += [pltpu.SemaphoreType.DMA] * nsem

    return pl.kernel(
        functools.partial(_sc_agg_body, compute_cnt),
        out_type=tuple(out_type),
        mesh=mesh,
        scratch_types=scratch,
        name=f"sage_sc_agg_cnt{int(compute_cnt)}",
    )


_SC_AGG_CNT = _make_sc_agg(True)
_SC_AGG = _make_sc_agg(False)


def _combine_body(relu, a0, a1, c0, c1, xr, wn, ws, br, o):
    cnt = c0[...] + c1[...]
    r = 1.0 / jnp.maximum(cnt, 1.0)
    mean = (a0[...] + a1[...]) * r
    acc = jnp.dot(mean, wn[...], preferred_element_type=jnp.float32)
    acc = acc + jnp.dot(xr[...], ws[...], preferred_element_type=jnp.float32)
    acc = acc + br[...]
    if relu:
        acc = jnp.maximum(acc, 0.0)
    o[...] = acc


_R_BLK = 2000


def _combine(a0, a1, c0, c1, xr, wn, ws, br, relu):
    grid = (N_NODES // _R_BLK,)
    row_spec = pl.BlockSpec((_R_BLK, D), lambda i: (i, 0))
    cnt_spec = pl.BlockSpec((_R_BLK, 1), lambda i: (i, 0))
    w_spec = pl.BlockSpec((D, D), lambda i: (0, 0))
    b_spec = pl.BlockSpec((1, D), lambda i: (0, 0))
    return pl.pallas_call(
        functools.partial(_combine_body, relu),
        grid=grid,
        in_specs=[row_spec, row_spec, cnt_spec, cnt_spec, row_spec,
                  w_spec, w_spec, b_spec],
        out_specs=row_spec,
        out_shape=jax.ShapeDtypeStruct((N_NODES, D), jnp.float32),
        name=f"sage_combine_relu{int(relu)}",
    )(a0, a1, c0, c1, xr, wn, ws, br)


def kernel(x, edge_index, W1_self, W1_neigh, b1, W2_self, W2_neigh, b2):
    src = edge_index[0]
    dst = edge_index[1]
    pad = E_PAD - N_EDGES
    pad_ids = jnp.arange(pad, dtype=jnp.int32)
    src_p = jnp.concatenate([src, pad_ids % N_NODES]).reshape(IDX_WINDOWS, WIN)
    dst_p = jnp.concatenate([dst, N_NODES + pad_ids % (N_PAD - N_NODES)]
                            ).reshape(IDX_WINDOWS, WIN)

    agg1, cnt = _SC_AGG_CNT(x, src_p, dst_p)
    c0 = cnt[0].reshape(N_PAD, 1)
    c1 = cnt[1].reshape(N_PAD, 1)
    b1r = b1.reshape(1, D)
    b2r = b2.reshape(1, D)

    h = _combine(agg1[0], agg1[1], c0, c1, x, W1_neigh, W1_self, b1r,
                 relu=True)
    (agg2,) = _SC_AGG(h, src_p, dst_p)
    out = _combine(agg2[0], agg2[1], c0, c1, h, W2_neigh, W2_self, b2r,
                   relu=False)
    return out

# --- scband reference (transcript-rebuilt; emitter-appended) ---
"""Pipeline reference for scband-graph-sage-10514079941583 (READ-ONLY COPY).

The authoritative reference and input builder live on the scoring server;
editing this copy changes nothing except your own understanding.
"""

import jax, jax.numpy as jnp
import numpy as np

N_NODES = 10000
N_EDGES = 320000
D_IN = 128
D_HID = 128
D_OUT = 128


def setup_inputs(seed: int = 0) -> dict:
    key = jax.random.key(seed)
    k = jax.random.split(key, 8)
    x = jax.random.normal(k[0], (N_NODES, D_IN), dtype=jnp.float32)
    edge_index = jax.random.randint(k[1], (2, N_EDGES), 0, N_NODES, dtype=jnp.int64 if jax.config.jax_enable_x64 else jnp.int32).astype(jnp.int32)
    s1 = 1.0 / np.sqrt(D_IN)
    s2 = 1.0 / np.sqrt(D_HID)
    W1_self = jax.random.uniform(k[2], (D_IN, D_HID), dtype=jnp.float32, minval=-s1, maxval=s1)
    W1_neigh = jax.random.uniform(k[3], (D_IN, D_HID), dtype=jnp.float32, minval=-s1, maxval=s1)
    b1 = jnp.zeros((D_HID,), dtype=jnp.float32)
    W2_self = jax.random.uniform(k[4], (D_HID, D_OUT), dtype=jnp.float32, minval=-s2, maxval=s2)
    W2_neigh = jax.random.uniform(k[5], (D_HID, D_OUT), dtype=jnp.float32, minval=-s2, maxval=s2)
    b2 = jnp.zeros((D_OUT,), dtype=jnp.float32)
    return {"x": x, "edge_index": edge_index, "W1_self": W1_self, "W1_neigh": W1_neigh, "b1": b1, "W2_self": W2_self, "W2_neigh": W2_neigh, "b2": b2}


def _sage_conv(x, edge_index, W_self, W_neigh, b):
    src = edge_index[0]
    dst = edge_index[1]
    msgs = jnp.take(x, src, axis=0)
    agg = jax.ops.segment_sum(msgs, dst, num_segments=N_NODES)
    cnt = jax.ops.segment_sum(jnp.ones((msgs.shape[0], 1), dtype=x.dtype), dst, num_segments=N_NODES)
    mean = agg / jnp.maximum(cnt, 1.0)
    return mean @ W_neigh + x @ W_self + b


def reference(x, edge_index, W1_self, W1_neigh, b1, W2_self, W2_neigh, b2):
    h = _sage_conv(x, edge_index, W1_self, W1_neigh, b1)
    h = jax.nn.relu(h)
    # dropout is identity in eval/inference mode
    out = _sage_conv(h, edge_index, W2_self, W2_neigh, b2)
    return out

if __name__ == "__main__":
    import jax
    _d = setup_inputs()
    print(jax.jit(kernel)(*tuple(_d.values())))

</pallas_src>

<mosaic_0001>
#map = affine_map<(d0, d1) -> (0, 0)>
#map1 = affine_map<(d0, d1) -> (0, 0, 0)>
module attributes {stable_mosaic.version = 14 : i64} {
  func.func @sage_sc_agg_cnt1(%arg0: i32, %arg1: i32, %arg2: memref<10000x128xf32, #tpu.memory_space<hbm>>, %arg3: memref<5128x64xi32, #tpu.memory_space<hbm>>, %arg4: memref<5128x64xi32, #tpu.memory_space<hbm>>, %arg5: memref<2x10240x128xf32, #tpu.memory_space<hbm>>, %arg6: memref<2x10240xf32, #tpu.memory_space<hbm>>, %arg7: memref<8x64xi32, #tpu.memory_space<vmem>>, %arg8: memref<8x64xi32, #tpu.memory_space<vmem>>, %arg9: memref<8x64xi32, #tpu.memory_space<vmem>>, %arg10: memref<8x64xi32, #tpu.memory_space<vmem>>, %arg11: memref<64x128xf32, #tpu.memory_space<vmem>>, %arg12: memref<64x128xf32, #tpu.memory_space<vmem>>, %arg13: memref<64x128xf32, #tpu.memory_space<vmem>>, %arg14: memref<64x128xf32, #tpu.memory_space<vmem>>, %arg15: memref<64xi32, #tpu.memory_space<vmem>>, %arg16: memref<64xi32, #tpu.memory_space<vmem>>, %arg17: memref<64xf32, #tpu.memory_space<vmem>>, %arg18: memref<10240x128xf32, #tpu.memory_space<vmem_shared>>, %arg19: memref<10240xf32, #tpu.memory_space<vmem_shared>>, %arg20: memref<!tpu.dma_semaphore, #tpu.memory_space<semaphore_mem>>, %arg21: memref<!tpu.dma_semaphore, #tpu.memory_space<semaphore_mem>>, %arg22: memref<!tpu.dma_semaphore, #tpu.memory_space<semaphore_mem>>, %arg23: memref<!tpu.dma_semaphore, #tpu.memory_space<semaphore_mem>>, %arg24: memref<!tpu.dma_semaphore, #tpu.memory_space<semaphore_mem>>, %arg25: memref<!tpu.dma_semaphore, #tpu.memory_space<semaphore_mem>>, %arg26: memref<!tpu.dma_semaphore, #tpu.memory_space<semaphore_mem>>, %arg27: memref<!tpu.dma_semaphore, #tpu.memory_space<semaphore_mem>>, %arg28: memref<!tpu.dma_semaphore, #tpu.memory_space<semaphore_mem>>, %arg29: memref<!tpu.dma_semaphore, #tpu.memory_space<semaphore_mem>>, %arg30: memref<!tpu.dma_semaphore, #tpu.memory_space<semaphore_mem>>, %arg31: memref<!tpu.dma_semaphore, #tpu.memory_space<semaphore_mem>>, %arg32: memref<!tpu.dma_semaphore, #tpu.memory_space<semaphore_mem>>, %arg33: memref<!tpu.dma_semaphore, #tpu.memory_space<semaphore_mem>>) attributes {dimension_semantics = [#tpu.dimension_semantics<core_parallel>, #tpu.dimension_semantics<subcore_parallel>], iteration_bounds = array<i64: 2, 16>, scalar_prefetch = 0 : i64, scratch_operands = 27 : i64, tpu.core_type = #tpu.core_type<sc_vector_subcore>, window_params = [{transform_indices = #map}, {transform_indices = #map}, {transform_indices = #map}, {transform_indices = #map1}, {transform_indices = #map}]} {
    %mul3A = arith.constant 2 : i32
    %mul3A_0 = arith.muli %arg1, %mul3A : i32
    %add3A = arith.addi %mul3A_0, %arg0 : i32
    %mul3A_1 = arith.constant 160 : i32
    %mul3A_2 = arith.muli %add3A, %mul3A_1 : i32
    %broadcast_in_dim3A = arith.constant 0.000000e+00 : f32
    %broadcast_in_dim3A_3 = vector.broadcast %broadcast_in_dim3A : f32 to vector<16xf32>
    %iota3A = tpu.iota {dimensions = array<i32: 0>} : vector<16xi32>
    %mul3A_4 = arith.constant 64 : i32
    %mul3A_5 = arith.muli %arg1, %mul3A_4 : i32
    %add3A_6 = arith.constant 0 : i32
    %add3A_7 = arith.addi %mul3A_5, %add3A_6 : i32
    %jit3A = arith.constant 224 : i32
    %eq3A = arith.constant 0 : i32
    %eq3A_8 = arith.cmpi eq, %jit3A, %eq3A : i32
    %jit3A_9 = arith.constant 1 : i32
    %select_n3A = arith.select %eq3A_8, %jit3A_9, %jit3A : i32
    %rem3A = arith.remsi %add3A_7, %select_n3A : i32
    %ne3A = arith.constant 0 : i32
    %ne3A_10 = arith.cmpi ne, %rem3A, %ne3A : i32
    %lt3A = arith.constant 0 : i32
    %lt3A_11 = arith.cmpi slt, %rem3A, %lt3A : i32
    %lt3A_12 = arith.constant 0 : i32
    %lt3A_13 = arith.cmpi slt, %select_n3A, %lt3A_12 : i32
    %ne3A_14 = arith.xori %lt3A_11, %lt3A_13 : i1
    %and3A = arith.andi %ne3A_14, %ne3A_10 : i1
    %add3A_15 = arith.addi %rem3A, %select_n3A : i32
    %select_n3A_16 = arith.select %and3A, %add3A_15, %rem3A : i32
    %add3A_17 = arith.constant 10000 : i32
    %add3A_18 = arith.addi %add3A_17, %select_n3A_16 : i32
    %add3A_19 = vector.broadcast %add3A_18 : i32 to vector<16xi32>
    %add3A_20 = arith.addi %iota3A, %add3A_19 : vector<16xi32>
    %swap3A = arith.constant 0 : index
    %swap3A_21 = tpu.vector_load %arg15[%swap3A] {strides = array<i32>} : memref<64xi32, #tpu.memory_space<vmem>>, vector<16xi32>,
    %swap3A_22 = vector.shape_cast %swap3A_21 : vector<16xi32> to vector<16xi32>
    %swap3A_23 = vector.shape_cast %add3A_20 : vector<16xi32> to vector<16xi32>
    tpu.vector_store %arg15[%swap3A], %swap3A_23 {strides = array<i32>} : memref<64xi32, #tpu.memory_space<vmem>>, vector<16xi32>,
    %mul3A_24 = arith.constant 64 : i32
    %mul3A_25 = arith.muli %arg1, %mul3A_24 : i32
    %add3A_26 = vector.broadcast %mul3A_25 : i32 to vector<16xi32>
    %add3A_27 = arith.addi %iota3A, %add3A_26 : vector<16xi32>
    %add3A_28 = arith.constant 0 : i32
    %add3A_29 = vector.broadcast %add3A_28 : i32 to vector<16xi32>
    %add3A_30 = arith.addi %add3A_27, %add3A_29 : vector<16xi32>
    %swap3A_31 = arith.constant 0 : index
    %swap3A_32 = tpu.vector_load %arg16[%swap3A_31] {strides = array<i32>} : memref<64xi32, #tpu.memory_space<vmem>>, vector<16xi32>,
    %swap3A_33 = vector.shape_cast %swap3A_32 : vector<16xi32> to vector<16xi32>
    %swap3A_34 = vector.shape_cast %add3A_30 : vector<16xi32> to vector<16xi32>
    tpu.vector_store %arg16[%swap3A_31], %swap3A_34 {strides = array<i32>} : memref<64xi32, #tpu.memory_space<vmem>>, vector<16xi32>,
    %mul3A_35 = arith.constant 64 : i32
    %mul3A_36 = arith.muli %arg1, %mul3A_35 : i32
    %add3A_37 = arith.constant 16 : i32
    %add3A_38 = arith.addi %mul3A_36, %add3A_37 : i32
    %jit3A_39 = arith.constant 224 : i32
    %eq3A_40 = arith.constant 0 : i32
    %eq3A_41 = arith.cmpi eq, %jit3A_39, %eq3A_40 : i32
    %jit3A_42 = arith.constant 1 : i32
    %select_n3A_43 = arith.select %eq3A_41, %jit3A_42, %jit3A_39 : i32
    %rem3A_44 = arith.remsi %add3A_38, %select_n3A_43 : i32
    %ne3A_45 = arith.constant 0 : i32
    %ne3A_46 = arith.cmpi ne, %rem3A_44, %ne3A_45 : i32
    %lt3A_47 = arith.constant 0 : i32
    %lt3A_48 = arith.cmpi slt, %rem3A_44, %lt3A_47 : i32
    %lt3A_49 = arith.constant 0 : i32
    %lt3A_50 = arith.cmpi slt, %select_n3A_43, %lt3A_49 : i32
    %ne3A_51 = arith.xori %lt3A_48, %lt3A_50 : i1
    %and3A_52 = arith.andi %ne3A_51, %ne3A_46 : i1
    %add3A_53 = arith.addi %rem3A_44, %select_n3A_43 : i32
    %select_n3A_54 = arith.select %and3A_52, %add3A_53, %rem3A_44 : i32
    %add3A_55 = arith.constant 10000 : i32
    %add3A_56 = arith.addi %add3A_55, %select_n3A_54 : i32
    %add3A_57 = vector.broadcast %add3A_56 : i32 to vector<16xi32>
    %add3A_58 = arith.addi %iota3A, %add3A_57 : vector<16xi32>
    %swap3A_59 = arith.constant 16 : index
    %swap3A_60 = tpu.vector_load %arg15[%swap3A_59] {strides = array<i32>} : memref<64xi32, #tpu.memory_space<vmem>>, vector<16xi32>,
    %swap3A_61 = vector.shape_cast %swap3A_60 : vector<16xi32> to vector<16xi32>
    %swap3A_62 = vector.shape_cast %add3A_58 : vector<16xi32> to vector<16xi32>
    tpu.vector_store %arg15[%swap3A_59], %swap3A_62 {strides = array<i32>} : memref<64xi32, #tpu.memory_space<vmem>>, vector<16xi32>,
    %mul3A_63 = arith.constant 64 : i32
    %mul3A_64 = arith.muli %arg1, %mul3A_63 : i32
    %add3A_65 = vector.broadcast %mul3A_64 : i32 to vector<16xi32>
    %add3A_66 = arith.addi %iota3A, %add3A_65 : vector<16xi32>
    %add3A_67 = arith.constant 16 : i32
    %add3A_68 = vector.broadcast %add3A_67 : i32 to vector<16xi32>
    %add3A_69 = arith.addi %add3A_66, %add3A_68 : vector<16xi32>
    %swap3A_70 = arith.constant 16 : index
    %swap3A_71 = tpu.vector_load %arg16[%swap3A_70] {strides = array<i32>} : memref<64xi32, #tpu.memory_space<vmem>>, vector<16xi32>,
    %swap3A_72 = vector.shape_cast %swap3A_71 : vector<16xi32> to vector<16xi32>
    %swap3A_73 = vector.shape_cast %add3A_69 : vector<16xi32> to vector<16xi32>
    tpu.vector_store %arg16[%swap3A_70], %swap3A_73 {strides = array<i32>} : memref<64xi32, #tpu.memory_space<vmem>>, vector<16xi32>,
    %mul3A_74 = arith.constant 64 : i32
    %mul3A_75 = arith.muli %arg1, %mul3A_74 : i32
    %add3A_76 = arith.constant 32 : i32
    %add3A_77 = arith.addi %mul3A_75, %add3A_76 : i32
    %jit3A_78 = arith.constant 224 : i32
    %eq3A_79 = arith.constant 0 : i32
    %eq3A_80 = arith.cmpi eq, %jit3A_78, %eq3A_79 : i32
    %jit3A_81 = arith.constant 1 : i32
    %select_n3A_82 = arith.select %eq3A_80, %jit3A_81, %jit3A_78 : i32
    %rem3A_83 = arith.remsi %add3A_77, %select_n3A_82 : i32
    %ne3A_84 = arith.constant 0 : i32
    %ne3A_85 = arith.cmpi ne, %rem3A_83, %ne3A_84 : i32
    %lt3A_86 = arith.constant 0 : i32
    %lt3A_87 = arith.cmpi slt, %rem3A_83, %lt3A_86 : i32
    %lt3A_88 = arith.constant 0 : i32
    %lt3A_89 = arith.cmpi slt, %select_n3A_82, %lt3A_88 : i32
    %ne3A_90 = arith.xori %lt3A_87, %lt3A_89 : i1
    %and3A_91 = arith.andi %ne3A_90, %ne3A_85 : i1
    %add3A_92 = arith.addi %rem3A_83, %select_n3A_82 : i32
    %select_n3A_93 = arith.select %and3A_91, %add3A_92, %rem3A_83 : i32
    %add3A_94 = arith.constant 10000 : i32
    %add3A_95 = arith.addi %add3A_94, %select_n3A_93 : i32
    %add3A_96 = vector.broadcast %add3A_95 : i32 to vector<16xi32>
    %add3A_97 = arith.addi %iota3A, %add3A_96 : vector<16xi32>
    %swap3A_98 = arith.constant 32 : index
    %swap3A_99 = tpu.vector_load %arg15[%swap3A_98] {strides = array<i32>} : memref<64xi32, #tpu.memory_space<vmem>>, vector<16xi32>,
    %swap3A_100 = vector.shape_cast %swap3A_99 : vector<16xi32> to vector<16xi32>
    %swap3A_101 = vector.shape_cast %add3A_97 : vector<16xi32> to vector<16xi32>
    tpu.vector_store %arg15[%swap3A_98], %swap3A_101 {strides = array<i32>} : memref<64xi32, #tpu.memory_space<vmem>>, vector<16xi32>,
    %mul3A_102 = arith.constant 64 : i32
    %mul3A_103 = arith.muli %arg1, %mul3A_102 : i32
    %add3A_104 = vector.broadcast %mul3A_103 : i32 to vector<16xi32>
    %add3A_105 = arith.addi %iota3A, %add3A_104 : vector<16xi32>
    %add3A_106 = arith.constant 32 : i32
    %add3A_107 = vector.broadcast %add3A_106 : i32 to vector<16xi32>
    %add3A_108 = arith.addi %add3A_105, %add3A_107 : vector<16xi32>
    %swap3A_109 = arith.constant 32 : index
    %swap3A_110 = tpu.vector_load %arg16[%swap3A_109] {strides = array<i32>} : memref<64xi32, #tpu.memory_space<vmem>>, vector<16xi32>,
    %swap3A_111 = vector.shape_cast %swap3A_110 : vector<16xi32> to vector<16xi32>
    %swap3A_112 = vector.shape_cast %add3A_108 : vector<16xi32> to vector<16xi32>
    tpu.vector_store %arg16[%swap3A_109], %swap3A_112 {strides = array<i32>} : memref<64xi32, #tpu.memory_space<vmem>>, vector<16xi32>,
    %mul3A_113 = arith.constant 64 : i32
    %mul3A_114 = arith.muli %arg1, %mul3A_113 : i32
    %add3A_115 = arith.constant 48 : i32
    %add3A_116 = arith.addi %mul3A_114, %add3A_115 : i32
    %jit3A_117 = arith.constant 224 : i32
    %eq3A_118 = arith.constant 0 : i32
    %eq3A_119 = arith.cmpi eq, %jit3A_117, %eq3A_118 : i32
    %jit3A_120 = arith.constant 1 : i32
    %select_n3A_121 = arith.select %eq3A_119, %jit3A_120, %jit3A_117 : i32
    %rem3A_122 = arith.remsi %add3A_116, %select_n3A_121 : i32
    %ne3A_123 = arith.constant 0 : i32
    %ne3A_124 = arith.cmpi ne, %rem3A_122, %ne3A_123 : i32
    %lt3A_125 = arith.constant 0 : i32
    %lt3A_126 = arith.cmpi slt, %rem3A_122, %lt3A_125 : i32
    %lt3A_127 = arith.constant 0 : i32
    %lt3A_128 = arith.cmpi slt, %select_n3A_121, %lt3A_127 : i32
    %ne3A_129 = arith.xori %lt3A_126, %lt3A_128 : i1
    %and3A_130 = arith.andi %ne3A_129, %ne3A_124 : i1
    %add3A_131 = arith.addi %rem3A_122, %select_n3A_121 : i32
    %select_n3A_132 = arith.select %and3A_130, %add3A_131, %rem3A_122 : i32
    %add3A_133 = arith.constant 10000 : i32
    %add3A_134 = arith.addi %add3A_133, %select_n3A_132 : i32
    %add3A_135 = vector.broadcast %add3A_134 : i32 to vector<16xi32>
    %add3A_136 = arith.addi %iota3A, %add3A_135 : vector<16xi32>
    %swap3A_137 = arith.constant 48 : index
    %swap3A_138 = tpu.vector_load %arg15[%swap3A_137] {strides = array<i32>} : memref<64xi32, #tpu.memory_space<vmem>>, vector<16xi32>,
    %swap3A_139 = vector.shape_cast %swap3A_138 : vector<16xi32> to vector<16xi32>
    %swap3A_140 = vector.shape_cast %add3A_136 : vector<16xi32> to vector<16xi32>
    tpu.vector_store %arg15[%swap3A_137], %swap3A_140 {strides = array<i32>} : memref<64xi32, #tpu.memory_space<vmem>>, vector<16xi32>,
    %mul3A_141 = arith.constant 64 : i32
    %mul3A_142 = arith.muli %arg1, %mul3A_141 : i32
    %add3A_143 = vector.broadcast %mul3A_142 : i32 to vector<16xi32>
    %add3A_144 = arith.addi %iota3A, %add3A_143 : vector<16xi32>
    %add3A_145 = arith.constant 48 : i32
    %add3A_146 = vector.broadcast %add3A_145 : i32 to vector<16xi32>
    %add3A_147 = arith.addi %add3A_144, %add3A_146 : vector<16xi32>
    %swap3A_148 = arith.constant 48 : index
    %swap3A_149 = tpu.vector_load %arg16[%swap3A_148] {strides = array<i32>} : memref<64xi32, #tpu.memory_space<vmem>>, vector<16xi32>,
    %swap3A_150 = vector.shape_cast %swap3A_149 : vector<16xi32> to vector<16xi32>
    %swap3A_151 = vector.shape_cast %add3A_147 : vector<16xi32> to vector<16xi32>
    tpu.vector_store %arg16[%swap3A_148], %swap3A_151 {strides = array<i32>} : memref<64xi32, #tpu.memory_space<vmem>>, vector<16xi32>,
    %scan3A = arith.constant 0 : i32
    %scan3A_152 = arith.constant 0 : i32
    %scan3A_153 = arith.constant 64 : i32
    %scan3A_154 = arith.addi %scan3A_152, %scan3A_153 : i32
    %scan3A_155 = arith.constant 1 : i32
    scf.for %scan3A_393 = %scan3A_152 to %scan3A_154 step %scan3A_155  : i32 {
      %swap3A_394 = arith.index_cast %scan3A_393 : i32 to index
      %swap3A_395 = arith.constant 0 : index
      %swap3A_396 = tpu.vector_load %arg11[%swap3A_394, %swap3A_395] {strides = array<i32>} : memref<64x128xf32, #tpu.memory_space<vmem>>, vector<1x16xf32>,
      %swap3A_397 = vector.shape_cast %swap3A_396 : vector<1x16xf32> to vector<16xf32>
      %swap3A_398 = vector.shape_cast %broadcast_in_dim3A_3 : vector<16xf32> to vector<1x16xf32>
      tpu.vector_store %arg11[%swap3A_394, %swap3A_395], %swap3A_398 {strides = array<i32>} : memref<64x128xf32, #tpu.memory_space<vmem>>, vector<1x16xf32>,
      %swap3A_399 = arith.index_cast %scan3A_393 : i32 to index
      %swap3A_400 = arith.constant 16 : index
      %swap3A_401 = tpu.vector_load %arg11[%swap3A_399, %swap3A_400] {strides = array<i32>} : memref<64x128xf32, #tpu.memory_space<vmem>>, vector<1x16xf32>,
      %swap3A_402 = vector.shape_cast %swap3A_401 : vector<1x16xf32> to vector<16xf32>
      %swap3A_403 = vector.shape_cast %broadcast_in_dim3A_3 : vector<16xf32> to vector<1x16xf32>
      tpu.vector_store %arg11[%swap3A_399, %swap3A_400], %swap3A_403 {strides = array<i32>} : memref<64x128xf32, #tpu.memory_space<vmem>>, vector<1x16xf32>,
      %swap3A_404 = arith.index_cast %scan3A_393 : i32 to index
      %swap3A_405 = arith.constant 32 : index
      %swap3A_406 = tpu.vector_load %arg11[%swap3A_404, %swap3A_405] {strides = array<i32>} : memref<64x128xf32, #tpu.memory_space<vmem>>, vector<1x16xf32>,
      %swap3A_407 = vector.shape_cast %swap3A_406 : vector<1x16xf32> to vector<16xf32>
      %swap3A_408 = vector.shape_cast %broadcast_in_dim3A_3 : vector<16xf32> to vector<1x16xf32>
      tpu.vector_store %arg11[%swap3A_404, %swap3A_405], %swap3A_408 {strides = array<i32>} : memref<64x128xf32, #tpu.memory_space<vmem>>, vector<1x16xf32>,
      %swap3A_409 = arith.index_cast %scan3A_393 : i32 to index
      %swap3A_410 = arith.constant 48 : index
      %swap3A_411 = tpu.vector_load %arg11[%swap3A_409, %swap3A_410] {strides = array<i32>} : memref<64x128xf32, #tpu.memory_space<vmem>>, vector<1x16xf32>,
      %swap3A_412 = vector.shape_cast %swap3A_411 : vector<1x16xf32> to vector<16xf32>
      %swap3A_413 = vector.shape_cast %broadcast_in_dim3A_3 : vector<16xf32> to vector<1x16xf32>
      tpu.vector_store %arg11[%swap3A_409, %swap3A_410], %swap3A_413 {strides = array<i32>} : memref<64x128xf32, #tpu.memory_space<vmem>>, vector<1x16xf32>,
      %swap3A_414 = arith.index_cast %scan3A_393 : i32 to index
      %swap3A_415 = arith.constant 64 : index
      %swap3A_416 = tpu.vector_load %arg11[%swap3A_414, %swap3A_415] {strides = array<i32>} : memref<64x128xf32, #tpu.memory_space<vmem>>, vector<1x16xf32>,
      %swap3A_417 = vector.shape_cast %swap3A_416 : vector<1x16xf32> to vector<16xf32>
      %swap3A_418 = vector.shape_cast %broadcast_in_dim3A_3 : vector<16xf32> to vector<1x16xf32>
      tpu.vector_store %arg11[%swap3A_414, %swap3A_415], %swap3A_418 {strides = array<i32>} : memref<64x128xf32, #tpu.memory_space<vmem>>, vector<1x16xf32>,
      %swap3A_419 = arith.index_cast %scan3A_393 : i32 to index
      %swap3A_420 = arith.constant 80 : index
      %swap3A_421 = tpu.vector_load %arg11[%swap3A_419, %swap3A_420] {strides = array<i32>} : memref<64x128xf32, #tpu.memory_space<vmem>>, vector<1x16xf32>,
      %swap3A_422 = vector.shape_cast %swap3A_421 : vector<1x16xf32> to vector<16xf32>
      %swap3A_423 = vector.shape_cast %broadcast_in_dim3A_3 : vector<16xf32> to vector<1x16xf32>
      tpu.vector_store %arg11[%swap3A_419, %swap3A_420], %swap3A_423 {strides = array<i32>} : memref<64x128xf32, #tpu.memory_space<vmem>>, vector<1x16xf32>,
      %swap3A_424 = arith.index_cast %scan3A_393 : i32 to index
      %swap3A_425 = arith.constant 96 : index
      %swap3A_426 = tpu.vector_load %arg11[%swap3A_424, %swap3A_425] {strides = array<i32>} : memref<64x128xf32, #tpu.memory_space<vmem>>, vector<1x16xf32>,
      %swap3A_427 = vector.shape_cast %swap3A_426 : vector<1x16xf32> to vector<16xf32>
      %swap3A_428 = vector.shape_cast %broadcast_in_dim3A_3 : vector<16xf32> to vector<1x16xf32>
      tpu.vector_store %arg11[%swap3A_424, %swap3A_425], %swap3A_428 {strides = array<i32>} : memref<64x128xf32, #tpu.memory_space<vmem>>, vector<1x16xf32>,
      %swap3A_429 = arith.index_cast %scan3A_393 : i32 to index
      %swap3A_430 = arith.constant 112 : index
      %swap3A_431 = tpu.vector_load %arg11[%swap3A_429, %swap3A_430] {strides = array<i32>} : memref<64x128xf32, #tpu.memory_space<vmem>>, vector<1x16xf32>,
      %swap3A_432 = vector.shape_cast %swap3A_431 : vector<1x16xf32> to vector<16xf32>
      %swap3A_433 = vector.shape_cast %broadcast_in_dim3A_3 : vector<16xf32> to vector<1x16xf32>
      tpu.vector_store %arg11[%swap3A_429, %swap3A_430], %swap3A_433 {strides = array<i32>} : memref<64x128xf32, #tpu.memory_space<vmem>>, vector<1x16xf32>,
    }
    %scan3A_156 = arith.constant 64 : i32
    %broadcast_in_dim3A_157 = arith.constant 1.000000e+00 : f32
    %broadcast_in_dim3A_158 = vector.broadcast %broadcast_in_dim3A_157 : f32 to vector<16xf32>
    %swap3A_159 = arith.constant 0 : index
    %swap3A_160 = tpu.vector_load %arg17[%swap3A_159] {strides = array<i32>} : memref<64xf32, #tpu.memory_space<vmem>>, vector<16xf32>,
    %swap3A_161 = vector.shape_cast %swap3A_160 : vector<16xf32> to vector<16xf32>
    %swap3A_162 = vector.shape_cast %broadcast_in_dim3A_158 : vector<16xf32> to vector<16xf32>
    tpu.vector_store %arg17[%swap3A_159], %swap3A_162 {strides = array<i32>} : memref<64xf32, #tpu.memory_space<vmem>>, vector<16xf32>,
    %swap3A_163 = arith.constant 16 : index
    %swap3A_164 = tpu.vector_load %arg17[%swap3A_163] {strides = array<i32>} : memref<64xf32, #tpu.memory_space<vmem>>, vector<16xf32>,
    %swap3A_165 = vector.shape_cast %swap3A_164 : vector<16xf32> to vector<16xf32>
    %swap3A_166 = vector.shape_cast %broadcast_in_dim3A_158 : vector<16xf32> to vector<16xf32>
    tpu.vector_store %arg17[%swap3A_163], %swap3A_166 {strides = array<i32>} : memref<64xf32, #tpu.memory_space<vmem>>, vector<16xf32>,
    %swap3A_167 = arith.constant 32 : index
    %swap3A_168 = tpu.vector_load %arg17[%swap3A_167] {strides = array<i32>} : memref<64xf32, #tpu.memory_space<vmem>>, vector<16xf32>,
    %swap3A_169 = vector.shape_cast %swap3A_168 : vector<16xf32> to vector<16xf32>
    %swap3A_170 = vector.shape_cast %broadcast_in_dim3A_158 : vector<16xf32> to vector<16xf32>
    tpu.vector_store %arg17[%swap3A_167], %swap3A_170 {strides = array<i32>} : memref<64xf32, #tpu.memory_space<vmem>>, vector<16xf32>,
    %swap3A_171 = arith.constant 48 : index
    %swap3A_172 = tpu.vector_load %arg17[%swap3A_171] {strides = array<i32>} : memref<64xf32, #tpu.memory_space<vmem>>, vector<16xf32>,
    %swap3A_173 = vector.shape_cast %swap3A_172 : vector<16xf32> to vector<16xf32>
    %swap3A_174 = vector.shape_cast %broadcast_in_dim3A_158 : vector<16xf32> to vector<16xf32>
    tpu.vector_store %arg17[%swap3A_171], %swap3A_174 {strides = array<i32>} : memref<64xf32, #tpu.memory_space<vmem>>, vector<16xf32>,
    %mul3A_175 = arith.constant 640 : i32
    %mul3A_176 = arith.muli %arg1, %mul3A_175 : i32
    %add3A_177 = arith.constant 0 : i32
    %add3A_178 = arith.addi %mul3A_176, %add3A_177 : i32
    "tpu.region"() ({
      %run_scoped3A_393 = tpu.sem_alloc : memref<!tpu.dma_semaphore, #tpu.memory_space<semaphore_mem>>
      %dma_start3A_394 = arith.constant 0 : i32
      %dma_start3A_395 = tpu.memref_slice %arg18[%add3A_178, %dma_start3A_394] : memref<10240x128xf32, #tpu.memory_space<vmem_shared>> -> memref<64x128xf32, #tpu.memory_space<vmem_shared>>
      %dma_start3A_396 = arith.constant 0 : i32
      %dma_start3A_397 = tpu.memref_slice %arg18[%add3A_178, %dma_start3A_396] : memref<10240x128xf32, #tpu.memory_space<vmem_shared>> -> memref<64x128xf32, #tpu.memory_space<vmem_shared>>
      tpu.enqueue_dma source(%arg11 : memref<64x128xf32, #tpu.memory_space<vmem>>) target(%dma_start3A_397 : memref<64x128xf32, #tpu.memory_space<vmem_shared>>) target_semaphore(%run_scoped3A_393 : memref<!tpu.dma_semaphore, #tpu.memory_space<semaphore_mem>>)
      %dma_wait3A_398 = arith.constant 0 : i32
      %dma_wait3A_399 = tpu.memref_slice %arg18[%add3A_178, %dma_wait3A_398] : memref<10240x128xf32, #tpu.memory_space<vmem_shared>> -> memref<64x128xf32, #tpu.memory_space<vmem_shared>>
      %dma_wait3A_400 = arith.constant 0 : i32
      %dma_wait3A_401 = tpu.memref_slice %arg18[%add3A_178, %dma_wait3A_400] : memref<10240x128xf32, #tpu.memory_space<vmem_shared>> -> memref<64x128xf32, #tpu.memory_space<vmem_shared>>
      tpu.wait_dma2 semaphore(%run_scoped3A_393 : memref<!tpu.dma_semaphore, #tpu.memory_space<semaphore_mem>>) src(%arg11 : memref<64x128xf32, #tpu.memory_space<vmem>>) dst(%dma_wait3A_401 : memref<64x128xf32, #tpu.memory_space<vmem_shared>>)
      tpu.yield
    }) : () -> ()
    %add3A_179 = arith.constant 64 : i32
    %add3A_180 = arith.addi %mul3A_176, %add3A_179 : i32
    "tpu.region"() ({
      %run_scoped3A_393 = tpu.sem_alloc : memref<!tpu.dma_semaphore, #tpu.memory_space<semaphore_mem>>
      %dma_start3A_394 = arith.constant 0 : i32
      %dma_start3A_395 = tpu.memref_slice %arg18[%add3A_180, %dma_start3A_394] : memref<10240x128xf32, #tpu.memory_space<vmem_shared>> -> memref<64x128xf32, #tpu.memory_space<vmem_shared>>
      %dma_start3A_396 = arith.constant 0 : i32
      %dma_start3A_397 = tpu.memref_slice %arg18[%add3A_180, %dma_start3A_396] : memref<10240x128xf32, #tpu.memory_space<vmem_shared>> -> memref<64x128xf32, #tpu.memory_space<vmem_shared>>
      tpu.enqueue_dma source(%arg11 : memref<64x128xf32, #tpu.memory_space<vmem>>) target(%dma_start3A_397 : memref<64x128xf32, #tpu.memory_space<vmem_shared>>) target_semaphore(%run_scoped3A_393 : memref<!tpu.dma_semaphore, #tpu.memory_space<semaphore_mem>>)
      %dma_wait3A_398 = arith.constant 0 : i32
      %dma_wait3A_399 = tpu.memref_slice %arg18[%add3A_180, %dma_wait3A_398] : memref<10240x128xf32, #tpu.memory_space<vmem_shared>> -> memref<64x128xf32, #tpu.memory_space<vmem_shared>>
      %dma_wait3A_400 = arith.constant 0 : i32
      %dma_wait3A_401 = tpu.memref_slice %arg18[%add3A_180, %dma_wait3A_400] : memref<10240x128xf32, #tpu.memory_space<vmem_shared>> -> memref<64x128xf32, #tpu.memory_space<vmem_shared>>
      tpu.wait_dma2 semaphore(%run_scoped3A_393 : memref<!tpu.dma_semaphore, #tpu.memory_space<semaphore_mem>>) src(%arg11 : memref<64x128xf32, #tpu.memory_space<vmem>>) dst(%dma_wait3A_401 : memref<64x128xf32, #tpu.memory_space<vmem_shared>>)
      tpu.yield
    }) : () -> ()
    %add3A_181 = arith.constant 128 : i32
    %add3A_182 = arith.addi %mul3A_176, %add3A_181 : i32
    "tpu.region"() ({
      %run_scoped3A_393 = tpu.sem_alloc : memref<!tpu.dma_semaphore, #tpu.memory_space<semaphore_mem>>
      %dma_start3A_394 = arith.constant 0 : i32
      %dma_start3A_395 = tpu.memref_slice %arg18[%add3A_182, %dma_start3A_394] : memref<10240x128xf32, #tpu.memory_space<vmem_shared>> -> memref<64x128xf32, #tpu.memory_space<vmem_shared>>
      %dma_start3A_396 = arith.constant 0 : i32
      %dma_start3A_397 = tpu.memref_slice %arg18[%add3A_182, %dma_start3A_396] : memref<10240x128xf32, #tpu.memory_space<vmem_shared>> -> memref<64x128xf32, #tpu.memory_space<vmem_shared>>
      tpu.enqueue_dma source(%arg11 : memref<64x128xf32, #tpu.memory_space<vmem>>) target(%dma_start3A_397 : memref<64x128xf32, #tpu.memory_space<vmem_shared>>) target_semaphore(%run_scoped3A_393 : memref<!tpu.dma_semaphore, #tpu.memory_space<semaphore_mem>>)
      %dma_wait3A_398 = arith.constant 0 : i32
      %dma_wait3A_399 = tpu.memref_slice %arg18[%add3A_182, %dma_wait3A_398] : memref<10240x128xf32, #tpu.memory_space<vmem_shared>> -> memref<64x128xf32, #tpu.memory_space<vmem_shared>>
      %dma_wait3A_400 = arith.constant 0 : i32
      %dma_wait3A_401 = tpu.memref_slice %arg18[%add3A_182, %dma_wait3A_400] : memref<10240x128xf32, #tpu.memory_space<vmem_shared>> -> memref<64x128xf32, #tpu.memory_space<vmem_shared>>
      tpu.wait_dma2 semaphore(%run_scoped3A_393 : memref<!tpu.dma_semaphore, #tpu.memory_space<semaphore_mem>>) src(%arg11 : memref<64x128xf32, #tpu.memory_space<vmem>>) dst(%dma_wait3A_401 : memref<64x128xf32, #tpu.memory_space<vmem_shared>>)
      tpu.yield
    }) : () -> ()
    %add3A_183 = arith.constant 192 : i32
    %add3A_184 = arith.addi %mul3A_176, %add3A_183 : i32
    "tpu.region"() ({
      %run_scoped3A_393 = tpu.sem_alloc : memref<!tpu.dma_semaphore, #tpu.memory_space<semaphore_mem>>
      %dma_start3A_394 = arith.constant 0 : i32
      %dma_start3A_395 = tpu.memref_slice %arg18[%add3A_184, %dma_start3A_394] : memref<10240x128xf32, #tpu.memory_space<vmem_shared>> -> memref<64x128xf32, #tpu.memory_space<vmem_shared>>
      %dma_start3A_396 = arith.constant 0 : i32
      %dma_start3A_397 = tpu.memref_slice %arg18[%add3A_184, %dma_start3A_396] : memref<10240x128xf32, #tpu.memory_space<vmem_shared>> -> memref<64x128xf32, #tpu.memory_space<vmem_shared>>
      tpu.enqueue_dma source(%arg11 : memref<64x128xf32, #tpu.memory_space<vmem>>) target(%dma_start3A_397 : memref<64x128xf32, #tpu.memory_space<vmem_shared>>) target_semaphore(%run_scoped3A_393 : memref<!tpu.dma_semaphore, #tpu.memory_space<semaphore_mem>>)
      %dma_wait3A_398 = arith.constant 0 : i32
      %dma_wait3A_399 = tpu.memref_slice %arg18[%add3A_184, %dma_wait3A_398] : memref<10240x128xf32, #tpu.memory_space<vmem_shared>> -> memref<64x128xf32, #tpu.memory_space<vmem_shared>>
      %dma_wait3A_400 = arith.constant 0 : i32
      %dma_wait3A_401 = tpu.memref_slice %arg18[%add3A_184, %dma_wait3A_400] : memref<10240x128xf32, #tpu.memory_space<vmem_shared>> -> memref<64x128xf32, #tpu.memory_space<vmem_shared>>
      tpu.wait_dma2 semaphore(%run_scoped3A_393 : memref<!tpu.dma_semaphore, #tpu.memory_space<semaphore_mem>>) src(%arg11 : memref<64x128xf32, #tpu.memory_space<vmem>>) dst(%dma_wait3A_401 : memref<64x128xf32, #tpu.memory_space<vmem_shared>>)
      tpu.yield
    }) : () -> ()
    %add3A_185 = arith.constant 256 : i32
    %add3A_186 = arith.addi %mul3A_176, %add3A_185 : i32
    "tpu.region"() ({
      %run_scoped3A_393 = tpu.sem_alloc : memref<!tpu.dma_semaphore, #tpu.memory_space<semaphore_mem>>
      %dma_start3A_394 = arith.constant 0 : i32
      %dma_start3A_395 = tpu.memref_slice %arg18[%add3A_186, %dma_start3A_394] : memref<10240x128xf32, #tpu.memory_space<vmem_shared>> -> memref<64x128xf32, #tpu.memory_space<vmem_shared>>
      %dma_start3A_396 = arith.constant 0 : i32
      %dma_start3A_397 = tpu.memref_slice %arg18[%add3A_186, %dma_start3A_396] : memref<10240x128xf32, #tpu.memory_space<vmem_shared>> -> memref<64x128xf32, #tpu.memory_space<vmem_shared>>
      tpu.enqueue_dma source(%arg11 : memref<64x128xf32, #tpu.memory_space<vmem>>) target(%dma_start3A_397 : memref<64x128xf32, #tpu.memory_space<vmem_shared>>) target_semaphore(%run_scoped3A_393 : memref<!tpu.dma_semaphore, #tpu.memory_space<semaphore_mem>>)
      %dma_wait3A_398 = arith.constant 0 : i32
      %dma_wait3A_399 = tpu.memref_slice %arg18[%add3A_186, %dma_wait3A_398] : memref<10240x128xf32, #tpu.memory_space<vmem_shared>> -> memref<64x128xf32, #tpu.memory_space<vmem_shared>>
      %dma_wait3A_400 = arith.constant 0 : i32
      %dma_wait3A_401 = tpu.memref_slice %arg18[%add3A_186, %dma_wait3A_400] : memref<10240x128xf32, #tpu.memory_space<vmem_shared>> -> memref<64x128xf32, #tpu.memory_space<vmem_shared>>
      tpu.wait_dma2 semaphore(%run_scoped3A_393 : memref<!tpu.dma_semaphore, #tpu.memory_space<semaphore_mem>>) src(%arg11 : memref<64x128xf32, #tpu.memory_space<vmem>>) dst(%dma_wait3A_401 : memref<64x128xf32, #tpu.memory_space<vmem_shared>>)
      tpu.yield
    }) : () -> ()
    %add3A_187 = arith.constant 320 : i32
    %add3A_188 = arith.addi %mul3A_176, %add3A_187 : i32
    "tpu.region"() ({
      %run_scoped3A_393 = tpu.sem_alloc : memref<!tpu.dma_semaphore, #tpu.memory_space<semaphore_mem>>
      %dma_start3A_394 = arith.constant 0 : i32
      %dma_start3A_395 = tpu.memref_slice %arg18[%add3A_188, %dma_start3A_394] : memref<10240x128xf32, #tpu.memory_space<vmem_shared>> -> memref<64x128xf32, #tpu.memory_space<vmem_shared>>
      %dma_start3A_396 = arith.constant 0 : i32
      %dma_start3A_397 = tpu.memref_slice %arg18[%add3A_188, %dma_start3A_396] : memref<10240x128xf32, #tpu.memory_space<vmem_shared>> -> memref<64x128xf32, #tpu.memory_space<vmem_shared>>
      tpu.enqueue_dma source(%arg11 : memref<64x128xf32, #tpu.memory_space<vmem>>) target(%dma_start3A_397 : memref<64x128xf32, #tpu.memory_space<vmem_shared>>) target_semaphore(%run_scoped3A_393 : memref<!tpu.dma_semaphore, #tpu.memory_space<semaphore_mem>>)
      %dma_wait3A_398 = arith.constant 0 : i32
      %dma_wait3A_399 = tpu.memref_slice %arg18[%add3A_188, %dma_wait3A_398] : memref<10240x128xf32, #tpu.memory_space<vmem_shared>> -> memref<64x128xf32, #tpu.memory_space<vmem_shared>>
      %dma_wait3A_400 = arith.constant 0 : i32
      %dma_wait3A_401 = tpu.memref_slice %arg18[%add3A_188, %dma_wait3A_400] : memref<10240x128xf32, #tpu.memory_space<vmem_shared>> -> memref<64x128xf32, #tpu.memory_space<vmem_shared>>
      tpu.wait_dma2 semaphore(%run_scoped3A_393 : memref<!tpu.dma_semaphore, #tpu.memory_space<semaphore_mem>>) src(%arg11 : memref<64x128xf32, #tpu.memory_space<vmem>>) dst(%dma_wait3A_401 : memref<64x128xf32, #tpu.memory_space<vmem_shared>>)
      tpu.yield
    }) : () -> ()
    %add3A_189 = arith.constant 384 : i32
    %add3A_190 = arith.addi %mul3A_176, %add3A_189 : i32
    "tpu.region"() ({
      %run_scoped3A_393 = tpu.sem_alloc : memref<!tpu.dma_semaphore, #tpu.memory_space<semaphore_mem>>
      %dma_start3A_394 = arith.constant 0 : i32
      %dma_start3A_395 = tpu.memref_slice %arg18[%add3A_190, %dma_start3A_394] : memref<10240x128xf32, #tpu.memory_space<vmem_shared>> -> memref<64x128xf32, #tpu.memory_space<vmem_shared>>
      %dma_start3A_396 = arith.constant 0 : i32
      %dma_start3A_397 = tpu.memref_slice %arg18[%add3A_190, %dma_start3A_396] : memref<10240x128xf32, #tpu.memory_space<vmem_shared>> -> memref<64x128xf32, #tpu.memory_space<vmem_shared>>
      tpu.enqueue_dma source(%arg11 : memref<64x128xf32, #tpu.memory_space<vmem>>) target(%dma_start3A_397 : memref<64x128xf32, #tpu.memory_space<vmem_shared>>) target_semaphore(%run_scoped3A_393 : memref<!tpu.dma_semaphore, #tpu.memory_space<semaphore_mem>>)
      %dma_wait3A_398 = arith.constant 0 : i32
      %dma_wait3A_399 = tpu.memref_slice %arg18[%add3A_190, %dma_wait3A_398] : memref<10240x128xf32, #tpu.memory_space<vmem_shared>> -> memref<64x128xf32, #tpu.memory_space<vmem_shared>>
      %dma_wait3A_400 = arith.constant 0 : i32
      %dma_wait3A_401 = tpu.memref_slice %arg18[%add3A_190, %dma_wait3A_400] : memref<10240x128xf32, #tpu.memory_space<vmem_shared>> -> memref<64x128xf32, #tpu.memory_space<vmem_shared>>
      tpu.wait_dma2 semaphore(%run_scoped3A_393 : memref<!tpu.dma_semaphore, #tpu.memory_space<semaphore_mem>>) src(%arg11 : memref<64x128xf32, #tpu.memory_space<vmem>>) dst(%dma_wait3A_401 : memref<64x128xf32, #tpu.memory_space<vmem_shared>>)
      tpu.yield
    }) : () -> ()
    %add3A_191 = arith.constant 448 : i32
    %add3A_192 = arith.addi %mul3A_176, %add3A_191 : i32
    "tpu.region"() ({
      %run_scoped3A_393 = tpu.sem_alloc : memref<!tpu.dma_semaphore, #tpu.memory_space<semaphore_mem>>
      %dma_start3A_394 = arith.constant 0 : i32
      %dma_start3A_395 = tpu.memref_slice %arg18[%add3A_192, %dma_start3A_394] : memref<10240x128xf32, #tpu.memory_space<vmem_shared>> -> memref<64x128xf32, #tpu.memory_space<vmem_shared>>
      %dma_start3A_396 = arith.constant 0 : i32
      %dma_start3A_397 = tpu.memref_slice %arg18[%add3A_192, %dma_start3A_396] : memref<10240x128xf32, #tpu.memory_space<vmem_shared>> -> memref<64x128xf32, #tpu.memory_space<vmem_shared>>
      tpu.enqueue_dma source(%arg11 : memref<64x128xf32, #tpu.memory_space<vmem>>) target(%dma_start3A_397 : memref<64x128xf32, #tpu.memory_space<vmem_shared>>) target_semaphore(%run_scoped3A_393 : memref<!tpu.dma_semaphore, #tpu.memory_space<semaphore_mem>>)
      %dma_wait3A_398 = arith.constant 0 : i32
      %dma_wait3A_399 = tpu.memref_slice %arg18[%add3A_192, %dma_wait3A_398] : memref<10240x128xf32, #tpu.memory_space<vmem_shared>> -> memref<64x128xf32, #tpu.memory_space<vmem_shared>>
      %dma_wait3A_400 = arith.constant 0 : i32
      %dma_wait3A_401 = tpu.memref_slice %arg18[%add3A_192, %dma_wait3A_400] : memref<10240x128xf32, #tpu.memory_space<vmem_shared>> -> memref<64x128xf32, #tpu.memory_space<vmem_shared>>
      tpu.wait_dma2 semaphore(%run_scoped3A_393 : memref<!tpu.dma_semaphore, #tpu.memory_space<semaphore_mem>>) src(%arg11 : memref<64x128xf32, #tpu.memory_space<vmem>>) dst(%dma_wait3A_401 : memref<64x128xf32, #tpu.memory_space<vmem_shared>>)
      tpu.yield
    }) : () -> ()
    %add3A_193 = arith.constant 512 : i32
    %add3A_194 = arith.addi %mul3A_176, %add3A_193 : i32
    "tpu.region"() ({
      %run_scoped3A_393 = tpu.sem_alloc : memref<!tpu.dma_semaphore, #tpu.memory_space<semaphore_mem>>
      %dma_start3A_394 = arith.constant 0 : i32
      %dma_start3A_395 = tpu.memref_slice %arg18[%add3A_194, %dma_start3A_394] : memref<10240x128xf32, #tpu.memory_space<vmem_shared>> -> memref<64x128xf32, #tpu.memory_space<vmem_shared>>
      %dma_start3A_396 = arith.constant 0 : i32
      %dma_start3A_397 = tpu.memref_slice %arg18[%add3A_194, %dma_start3A_396] : memref<10240x128xf32, #tpu.memory_space<vmem_shared>> -> memref<64x128xf32, #tpu.memory_space<vmem_shared>>
      tpu.enqueue_dma source(%arg11 : memref<64x128xf32, #tpu.memory_space<vmem>>) target(%dma_start3A_397 : memref<64x128xf32, #tpu.memory_space<vmem_shared>>) target_semaphore(%run_scoped3A_393 : memref<!tpu.dma_semaphore, #tpu.memory_space<semaphore_mem>>)
      %dma_wait3A_398 = arith.constant 0 : i32
      %dma_wait3A_399 = tpu.memref_slice %arg18[%add3A_194, %dma_wait3A_398] : memref<10240x128xf32, #tpu.memory_space<vmem_shared>> -> memref<64x128xf32, #tpu.memory_space<vmem_shared>>
      %dma_wait3A_400 = arith.constant 0 : i32
      %dma_wait3A_401 = tpu.memref_slice %arg18[%add3A_194, %dma_wait3A_400] : memref<10240x128xf32, #tpu.memory_space<vmem_shared>> -> memref<64x128xf32, #tpu.memory_space<vmem_shared>>
      tpu.wait_dma2 semaphore(%run_scoped3A_393 : memref<!tpu.dma_semaphore, #tpu.memory_space<semaphore_mem>>) src(%arg11 : memref<64x128xf32, #tpu.memory_space<vmem>>) dst(%dma_wait3A_401 : memref<64x128xf32, #tpu.memory_space<vmem_shared>>)
      tpu.yield
    }) : () -> ()
    %add3A_195 = arith.constant 576 : i32
    %add3A_196 = arith.addi %mul3A_176, %add3A_195 : i32
    "tpu.region"() ({
      %run_scoped3A_393 = tpu.sem_alloc : memref<!tpu.dma_semaphore, #tpu.memory_space<semaphore_mem>>
      %dma_start3A_394 = arith.constant 0 : i32
      %dma_start3A_395 = tpu.memref_slice %arg18[%add3A_196, %dma_start3A_394] : memref<10240x128xf32, #tpu.memory_space<vmem_shared>> -> memref<64x128xf32, #tpu.memory_space<vmem_shared>>
      %dma_start3A_396 = arith.constant 0 : i32
      %dma_start3A_397 = tpu.memref_slice %arg18[%add3A_196, %dma_start3A_396] : memref<10240x128xf32, #tpu.memory_space<vmem_shared>> -> memref<64x128xf32, #tpu.memory_space<vmem_shared>>
      tpu.enqueue_dma source(%arg11 : memref<64x128xf32, #tpu.memory_space<vmem>>) target(%dma_start3A_397 : memref<64x128xf32, #tpu.memory_space<vmem_shared>>) target_semaphore(%run_scoped3A_393 : memref<!tpu.dma_semaphore, #tpu.memory_space<semaphore_mem>>)
      %dma_wait3A_398 = arith.constant 0 : i32
      %dma_wait3A_399 = tpu.memref_slice %arg18[%add3A_196, %dma_wait3A_398] : memref<10240x128xf32, #tpu.memory_space<vmem_shared>> -> memref<64x128xf32, #tpu.memory_space<vmem_shared>>
      %dma_wait3A_400 = arith.constant 0 : i32
      %dma_wait3A_401 = tpu.memref_slice %arg18[%add3A_196, %dma_wait3A_400] : memref<10240x128xf32, #tpu.memory_space<vmem_shared>> -> memref<64x128xf32, #tpu.memory_space<vmem_shared>>
      tpu.wait_dma2 semaphore(%run_scoped3A_393 : memref<!tpu.dma_semaphore, #tpu.memory_space<semaphore_mem>>) src(%arg11 : memref<64x128xf32, #tpu.memory_space<vmem>>) dst(%dma_wait3A_401 : memref<64x128xf32, #tpu.memory_space<vmem_shared>>)
      tpu.yield
    }) : () -> ()
    %add3A_197 = arith.constant 0 : i32
    %add3A_198 = arith.addi %mul3A_176, %add3A_197 : i32
    %run_scoped3A = arith.constant 0 : i32
    "tpu.region"() ({
      %run_scoped3A_393 = tpu.sem_alloc : memref<!tpu.dma_semaphore, #tpu.memory_space<semaphore_mem>>
      %dma_start3A_394 = arith.constant 0 : i32
      %dma_start3A_395 = tpu.memref_slice %arg11[%run_scoped3A, %dma_start3A_394] : memref<64x128xf32, #tpu.memory_space<vmem>> -> memref<1x128xf32, #tpu.memory_space<vmem>>
      %dma_start3A_396 = tpu.memref_squeeze %dma_start3A_395 : memref<1x128xf32, #tpu.memory_space<vmem>> -> memref<128xf32, #tpu.memory_space<vmem>>
      %dma_start3A_397 = tpu.memref_slice %arg19[%add3A_198] : memref<10240xf32, #tpu.memory_space<vmem_shared>> -> memref<128xf32, #tpu.memory_space<vmem_shared>>
      %dma_start3A_398 = tpu.memref_slice %arg19[%add3A_198] : memref<10240xf32, #tpu.memory_space<vmem_shared>> -> memref<128xf32, #tpu.memory_space<vmem_shared>>
      %dma_start3A_399 = arith.constant 0 : i32
      %dma_start3A_400 = tpu.memref_slice %arg11[%run_scoped3A, %dma_start3A_399] : memref<64x128xf32, #tpu.memory_space<vmem>> -> memref<1x128xf32, #tpu.memory_space<vmem>>
      %dma_start3A_401 = tpu.memref_squeeze %dma_start3A_400 : memref<1x128xf32, #tpu.memory_space<vmem>> -> memref<128xf32, #tpu.memory_space<vmem>>
      tpu.enqueue_dma source(%dma_start3A_401 : memref<128xf32, #tpu.memory_space<vmem>>) target(%dma_start3A_398 : memref<128xf32, #tpu.memory_space<vmem_shared>>) target_semaphore(%run_scoped3A_393 : memref<!tpu.dma_semaphore, #tpu.memory_space<semaphore_mem>>)
      %dma_wait3A_402 = arith.constant 0 : i32
      %dma_wait3A_403 = tpu.memref_slice %arg11[%run_scoped3A, %dma_wait3A_402] : memref<64x128xf32, #tpu.memory_space<vmem>> -> memref<1x128xf32, #tpu.memory_space<vmem>>
      %dma_wait3A_404 = tpu.memref_squeeze %dma_wait3A_403 : memref<1x128xf32, #tpu.memory_space<vmem>> -> memref<128xf32, #tpu.memory_space<vmem>>
      %dma_wait3A_405 = tpu.memref_slice %arg19[%add3A_198] : memref<10240xf32, #tpu.memory_space<vmem_shared>> -> memref<128xf32, #tpu.memory_space<vmem_shared>>
      %dma_wait3A_406 = tpu.memref_slice %arg19[%add3A_198] : memref<10240xf32, #tpu.memory_space<vmem_shared>> -> memref<128xf32, #tpu.memory_space<vmem_shared>>
      %dma_wait3A_407 = arith.constant 0 : i32
      %dma_wait3A_408 = tpu.memref_slice %arg11[%run_scoped3A, %dma_wait3A_407] : memref<64x128xf32, #tpu.memory_space<vmem>> -> memref<1x128xf32, #tpu.memory_space<vmem>>
      %dma_wait3A_409 = tpu.memref_squeeze %dma_wait3A_408 : memref<1x128xf32, #tpu.memory_space<vmem>> -> memref<128xf32, #tpu.memory_space<vmem>>
      tpu.wait_dma2 semaphore(%run_scoped3A_393 : memref<!tpu.dma_semaphore, #tpu.memory_space<semaphore_mem>>) src(%dma_wait3A_409 : memref<128xf32, #tpu.memory_space<vmem>>) dst(%dma_wait3A_406 : memref<128xf32, #tpu.memory_space<vmem_shared>>)
      tpu.yield
    }) : () -> ()
    %add3A_199 = arith.constant 128 : i32
    %add3A_200 = arith.addi %mul3A_176, %add3A_199 : i32
    %run_scoped3A_201 = arith.constant 0 : i32
    "tpu.region"() ({
      %run_scoped3A_393 = tpu.sem_alloc : memref<!tpu.dma_semaphore, #tpu.memory_space<semaphore_mem>>
      %dma_start3A_394 = arith.constant 0 : i32
      %dma_start3A_395 = tpu.memref_slice %arg11[%run_scoped3A_201, %dma_start3A_394] : memref<64x128xf32, #tpu.memory_space<vmem>> -> memref<1x128xf32, #tpu.memory_space<vmem>>
      %dma_start3A_396 = tpu.memref_squeeze %dma_start3A_395 : memref<1x128xf32, #tpu.memory_space<vmem>> -> memref<128xf32, #tpu.memory_space<vmem>>
      %dma_start3A_397 = tpu.memref_slice %arg19[%add3A_200] : memref<10240xf32, #tpu.memory_space<vmem_shared>> -> memref<128xf32, #tpu.memory_space<vmem_shared>>
      %dma_start3A_398 = tpu.memref_slice %arg19[%add3A_200] : memref<10240xf32, #tpu.memory_space<vmem_shared>> -> memref<128xf32, #tpu.memory_space<vmem_shared>>
      %dma_start3A_399 = arith.constant 0 : i32
      %dma_start3A_400 = tpu.memref_slice %arg11[%run_scoped3A_201, %dma_start3A_399] : memref<64x128xf32, #tpu.memory_space<vmem>> -> memref<1x128xf32, #tpu.memory_space<vmem>>
      %dma_start3A_401 = tpu.memref_squeeze %dma_start3A_400 : memref<1x128xf32, #tpu.memory_space<vmem>> -> memref<128xf32, #tpu.memory_space<vmem>>
      tpu.enqueue_dma source(%dma_start3A_401 : memref<128xf32, #tpu.memory_space<vmem>>) target(%dma_start3A_398 : memref<128xf32, #tpu.memory_space<vmem_shared>>) target_semaphore(%run_scoped3A_393 : memref<!tpu.dma_semaphore, #tpu.memory_space<semaphore_mem>>)
      %dma_wait3A_402 = arith.constant 0 : i32
      %dma_wait3A_403 = tpu.memref_slice %arg11[%run_scoped3A_201, %dma_wait3A_402] : memref<64x128xf32, #tpu.memory_space<vmem>> -> memref<1x128xf32, #tpu.memory_space<vmem>>
      %dma_wait3A_404 = tpu.memref_squeeze %dma_wait3A_403 : memref<1x128xf32, #tpu.memory_space<vmem>> -> memref<128xf32, #tpu.memory_space<vmem>>
      %dma_wait3A_405 = tpu.memref_slice %arg19[%add3A_200] : memref<10240xf32, #tpu.memory_space<vmem_shared>> -> memref<128xf32, #tpu.memory_space<vmem_shared>>
      %dma_wait3A_406 = tpu.memref_slice %arg19[%add3A_200] : memref<10240xf32, #tpu.memory_space<vmem_shared>> -> memref<128xf32, #tpu.memory_space<vmem_shared>>
      %dma_wait3A_407 = arith.constant 0 : i32
      %dma_wait3A_408 = tpu.memref_slice %arg11[%run_scoped3A_201, %dma_wait3A_407] : memref<64x128xf32, #tpu.memory_space<vmem>> -> memref<1x128xf32, #tpu.memory_space<vmem>>
      %dma_wait3A_409 = tpu.memref_squeeze %dma_wait3A_408 : memref<1x128xf32, #tpu.memory_space<vmem>> -> memref<128xf32, #tpu.memory_space<vmem>>
      tpu.wait_dma2 semaphore(%run_scoped3A_393 : memref<!tpu.dma_semaphore, #tpu.memory_space<semaphore_mem>>) src(%dma_wait3A_409 : memref<128xf32, #tpu.memory_space<vmem>>) dst(%dma_wait3A_406 : memref<128xf32, #tpu.memory_space<vmem_shared>>)
      tpu.yield
    }) : () -> ()
    %add3A_202 = arith.constant 256 : i32
    %add3A_203 = arith.addi %mul3A_176, %add3A_202 : i32
    %run_scoped3A_204 = arith.constant 0 : i32
    "tpu.region"() ({
      %run_scoped3A_393 = tpu.sem_alloc : memref<!tpu.dma_semaphore, #tpu.memory_space<semaphore_mem>>
      %dma_start3A_394 = arith.constant 0 : i32
      %dma_start3A_395 = tpu.memref_slice %arg11[%run_scoped3A_204, %dma_start3A_394] : memref<64x128xf32, #tpu.memory_space<vmem>> -> memref<1x128xf32, #tpu.memory_space<vmem>>
      %dma_start3A_396 = tpu.memref_squeeze %dma_start3A_395 : memref<1x128xf32, #tpu.memory_space<vmem>> -> memref<128xf32, #tpu.memory_space<vmem>>
      %dma_start3A_397 = tpu.memref_slice %arg19[%add3A_203] : memref<10240xf32, #tpu.memory_space<vmem_shared>> -> memref<128xf32, #tpu.memory_space<vmem_shared>>
      %dma_start3A_398 = tpu.memref_slice %arg19[%add3A_203] : memref<10240xf32, #tpu.memory_space<vmem_shared>> -> memref<128xf32, #tpu.memory_space<vmem_shared>>
      %dma_start3A_399 = arith.constant 0 : i32
      %dma_start3A_400 = tpu.memref_slice %arg11[%run_scoped3A_204, %dma_start3A_399] : memref<64x128xf32, #tpu.memory_space<vmem>> -> memref<1x128xf32, #tpu.memory_space<vmem>>
      %dma_start3A_401 = tpu.memref_squeeze %dma_start3A_400 : memref<1x128xf32, #tpu.memory_space<vmem>> -> memref<128xf32, #tpu.memory_space<vmem>>
      tpu.enqueue_dma source(%dma_start3A_401 : memref<128xf32, #tpu.memory_space<vmem>>) target(%dma_start3A_398 : memref<128xf32, #tpu.memory_space<vmem_shared>>) target_semaphore(%run_scoped3A_393 : memref<!tpu.dma_semaphore, #tpu.memory_space<semaphore_mem>>)
      %dma_wait3A_402 = arith.constant 0 : i32
      %dma_wait3A_403 = tpu.memref_slice %arg11[%run_scoped3A_204, %dma_wait3A_402] : memref<64x128xf32, #tpu.memory_space<vmem>> -> memref<1x128xf32, #tpu.memory_space<vmem>>
      %dma_wait3A_404 = tpu.memref_squeeze %dma_wait3A_403 : memref<1x128xf32, #tpu.memory_space<vmem>> -> memref<128xf32, #tpu.memory_space<vmem>>
      %dma_wait3A_405 = tpu.memref_slice %arg19[%add3A_203] : memref<10240xf32, #tpu.memory_space<vmem_shared>> -> memref<128xf32, #tpu.memory_space<vmem_shared>>
      %dma_wait3A_406 = tpu.memref_slice %arg19[%add3A_203] : memref<10240xf32, #tpu.memory_space<vmem_shared>> -> memref<128xf32, #tpu.memory_space<vmem_shared>>
      %dma_wait3A_407 = arith.constant 0 : i32
      %dma_wait3A_408 = tpu.memref_slice %arg11[%run_scoped3A_204, %dma_wait3A_407] : memref<64x128xf32, #tpu.memory_space<vmem>> -> memref<1x128xf32, #tpu.memory_space<vmem>>
      %dma_wait3A_409 = tpu.memref_squeeze %dma_wait3A_408 : memref<1x128xf32, #tpu.memory_space<vmem>> -> memref<128xf32, #tpu.memory_space<vmem>>
      tpu.wait_dma2 semaphore(%run_scoped3A_393 : memref<!tpu.dma_semaphore, #tpu.memory_space<semaphore_mem>>) src(%dma_wait3A_409 : memref<128xf32, #tpu.memory_space<vmem>>) dst(%dma_wait3A_406 : memref<128xf32, #tpu.memory_space<vmem_shared>>)
      tpu.yield
    }) : () -> ()
    %add3A_205 = arith.constant 384 : i32
    %add3A_206 = arith.addi %mul3A_176, %add3A_205 : i32
    %run_scoped3A_207 = arith.constant 0 : i32
    "tpu.region"() ({
      %run_scoped3A_393 = tpu.sem_alloc : memref<!tpu.dma_semaphore, #tpu.memory_space<semaphore_mem>>
      %dma_start3A_394 = arith.constant 0 : i32
      %dma_start3A_395 = tpu.memref_slice %arg11[%run_scoped3A_207, %dma_start3A_394] : memref<64x128xf32, #tpu.memory_space<vmem>> -> memref<1x128xf32, #tpu.memory_space<vmem>>
      %dma_start3A_396 = tpu.memref_squeeze %dma_start3A_395 : memref<1x128xf32, #tpu.memory_space<vmem>> -> memref<128xf32, #tpu.memory_space<vmem>>
      %dma_start3A_397 = tpu.memref_slice %arg19[%add3A_206] : memref<10240xf32, #tpu.memory_space<vmem_shared>> -> memref<128xf32, #tpu.memory_space<vmem_shared>>
      %dma_start3A_398 = tpu.memref_slice %arg19[%add3A_206] : memref<10240xf32, #tpu.memory_space<vmem_shared>> -> memref<128xf32, #tpu.memory_space<vmem_shared>>
      %dma_start3A_399 = arith.constant 0 : i32
      %dma_start3A_400 = tpu.memref_slice %arg11[%run_scoped3A_207, %dma_start3A_399] : memref<64x128xf32, #tpu.memory_space<vmem>> -> memref<1x128xf32, #tpu.memory_space<vmem>>
      %dma_start3A_401 = tpu.memref_squeeze %dma_start3A_400 : memref<1x128xf32, #tpu.memory_space<vmem>> -> memref<128xf32, #tpu.memory_space<vmem>>
      tpu.enqueue_dma source(%dma_start3A_401 : memref<128xf32, #tpu.memory_space<vmem>>) target(%dma_start3A_398 : memref<128xf32, #tpu.memory_space<vmem_shared>>) target_semaphore(%run_scoped3A_393 : memref<!tpu.dma_semaphore, #tpu.memory_space<semaphore_mem>>)
      %dma_wait3A_402 = arith.constant 0 : i32
      %dma_wait3A_403 = tpu.memref_slice %arg11[%run_scoped3A_207, %dma_wait3A_402] : memref<64x128xf32, #tpu.memory_space<vmem>> -> memref<1x128xf32, #tpu.memory_space<vmem>>
      %dma_wait3A_404 = tpu.memref_squeeze %dma_wait3A_403 : memref<1x128xf32, #tpu.memory_space<vmem>> -> memref<128xf32, #tpu.memory_space<vmem>>
      %dma_wait3A_405 = tpu.memref_slice %arg19[%add3A_206] : memref<10240xf32, #tpu.memory_space<vmem_shared>> -> memref<128xf32, #tpu.memory_space<vmem_shared>>
      %dma_wait3A_406 = tpu.memref_slice %arg19[%add3A_206] : memref<10240xf32, #tpu.memory_space<vmem_shared>> -> memref<128xf32, #tpu.memory_space<vmem_shared>>
      %dma_wait3A_407 = arith.constant 0 : i32
      %dma_wait3A_408 = tpu.memref_slice %arg11[%run_scoped3A_207, %dma_wait3A_407] : memref<64x128xf32, #tpu.memory_space<vmem>> -> memref<1x128xf32, #tpu.memory_space<vmem>>
      %dma_wait3A_409 = tpu.memref_squeeze %dma_wait3A_408 : memref<1x128xf32, #tpu.memory_space<vmem>> -> memref<128xf32, #tpu.memory_space<vmem>>
      tpu.wait_dma2 semaphore(%run_scoped3A_393 : memref<!tpu.dma_semaphore, #tpu.memory_space<semaphore_mem>>) src(%dma_wait3A_409 : memref<128xf32, #tpu.memory_space<vmem>>) dst(%dma_wait3A_406 : memref<128xf32, #tpu.memory_space<vmem_shared>>)
      tpu.yield
    }) : () -> ()
    %add3A_208 = arith.constant 512 : i32
    %add3A_209 = arith.addi %mul3A_176, %add3A_208 : i32
    %run_scoped3A_210 = arith.constant 0 : i32
    "tpu.region"() ({
      %run_scoped3A_393 = tpu.sem_alloc : memref<!tpu.dma_semaphore, #tpu.memory_space<semaphore_mem>>
      %dma_start3A_394 = arith.constant 0 : i32
      %dma_start3A_395 = tpu.memref_slice %arg11[%run_scoped3A_210, %dma_start3A_394] : memref<64x128xf32, #tpu.memory_space<vmem>> -> memref<1x128xf32, #tpu.memory_space<vmem>>
      %dma_start3A_396 = tpu.memref_squeeze %dma_start3A_395 : memref<1x128xf32, #tpu.memory_space<vmem>> -> memref<128xf32, #tpu.memory_space<vmem>>
      %dma_start3A_397 = tpu.memref_slice %arg19[%add3A_209] : memref<10240xf32, #tpu.memory_space<vmem_shared>> -> memref<128xf32, #tpu.memory_space<vmem_shared>>
      %dma_start3A_398 = tpu.memref_slice %arg19[%add3A_209] : memref<10240xf32, #tpu.memory_space<vmem_shared>> -> memref<128xf32, #tpu.memory_space<vmem_shared>>
      %dma_start3A_399 = arith.constant 0 : i32
      %dma_start3A_400 = tpu.memref_slice %arg11[%run_scoped3A_210, %dma_start3A_399] : memref<64x128xf32, #tpu.memory_space<vmem>> -> memref<1x128xf32, #tpu.memory_space<vmem>>
      %dma_start3A_401 = tpu.memref_squeeze %dma_start3A_400 : memref<1x128xf32, #tpu.memory_space<vmem>> -> memref<128xf32, #tpu.memory_space<vmem>>
      tpu.enqueue_dma source(%dma_start3A_401 : memref<128xf32, #tpu.memory_space<vmem>>) target(%dma_start3A_398 : memref<128xf32, #tpu.memory_space<vmem_shared>>) target_semaphore(%run_scoped3A_393 : memref<!tpu.dma_semaphore, #tpu.memory_space<semaphore_mem>>)
      %dma_wait3A_402 = arith.constant 0 : i32
      %dma_wait3A_403 = tpu.memref_slice %arg11[%run_scoped3A_210, %dma_wait3A_402] : memref<64x128xf32, #tpu.memory_space<vmem>> -> memref<1x128xf32, #tpu.memory_space<vmem>>
      %dma_wait3A_404 = tpu.memref_squeeze %dma_wait3A_403 : memref<1x128xf32, #tpu.memory_space<vmem>> -> memref<128xf32, #tpu.memory_space<vmem>>
      %dma_wait3A_405 = tpu.memref_slice %arg19[%add3A_209] : memref<10240xf32, #tpu.memory_space<vmem_shared>> -> memref<128xf32, #tpu.memory_space<vmem_shared>>
      %dma_wait3A_406 = tpu.memref_slice %arg19[%add3A_209] : memref<10240xf32, #tpu.memory_space<vmem_shared>> -> memref<128xf32, #tpu.memory_space<vmem_shared>>
      %dma_wait3A_407 = arith.constant 0 : i32
      %dma_wait3A_408 = tpu.memref_slice %arg11[%run_scoped3A_210, %dma_wait3A_407] : memref<64x128xf32, #tpu.memory_space<vmem>> -> memref<1x128xf32, #tpu.memory_space<vmem>>
      %dma_wait3A_409 = tpu.memref_squeeze %dma_wait3A_408 : memref<1x128xf32, #tpu.memory_space<vmem>> -> memref<128xf32, #tpu.memory_space<vmem>>
      tpu.wait_dma2 semaphore(%run_scoped3A_393 : memref<!tpu.dma_semaphore, #tpu.memory_space<semaphore_mem>>) src(%dma_wait3A_409 : memref<128xf32, #tpu.memory_space<vmem>>) dst(%dma_wait3A_406 : memref<128xf32, #tpu.memory_space<vmem_shared>>)
      tpu.yield
    }) : () -> ()
    %barrier3A = arith.constant 0 : index
    tpu.barrier barrier_id(%barrier3A)
    %dma_start3A = arith.constant 0 : i32
    %dma_start3A_211 = tpu.memref_slice %arg3[%mul3A_2, %dma_start3A] : memref<5128x64xi32, #tpu.memory_space<hbm>> -> memref<8x64xi32, #tpu.memory_space<hbm>>
    %dma_start3A_212 = arith.constant 0 : i32
    %dma_start3A_213 = tpu.memref_slice %arg3[%mul3A_2, %dma_start3A_212] : memref<5128x64xi32, #tpu.memory_space<hbm>> -> memref<8x64xi32, #tpu.memory_space<hbm>>
    tpu.enqueue_dma source(%dma_start3A_213 : memref<8x64xi32, #tpu.memory_space<hbm>>) target(%arg7 : memref<8x64xi32, #tpu.memory_space<vmem>>) target_semaphore(%arg32 : memref<!tpu.dma_semaphore, #tpu.memory_space<semaphore_mem>>)
    %dma_start3A_214 = arith.constant 0 : i32
    %dma_start3A_215 = tpu.memref_slice %arg4[%mul3A_2, %dma_start3A_214] : memref<5128x64xi32, #tpu.memory_space<hbm>> -> memref<8x64xi32, #tpu.memory_space<hbm>>
    %dma_start3A_216 = arith.constant 0 : i32
    %dma_start3A_217 = tpu.memref_slice %arg4[%mul3A_2, %dma_start3A_216] : memref<5128x64xi32, #tpu.memory_space<hbm>> -> memref<8x64xi32, #tpu.memory_space<hbm>>
    tpu.enqueue_dma source(%dma_start3A_217 : memref<8x64xi32, #tpu.memory_space<hbm>>) target(%arg9 : memref<8x64xi32, #tpu.memory_space<vmem>>) target_semaphore(%arg32 : memref<!tpu.dma_semaphore, #tpu.memory_space<semaphore_mem>>)
    %get3A = arith.constant 0 : index
    %get3A_218 = tpu.vector_load %arg15[%get3A] {strides = array<i32>} : memref<64xi32, #tpu.memory_space<vmem>>, vector<16xi32>,
    %get3A_219 = vector.shape_cast %get3A_218 : vector<16xi32> to vector<16xi32>
    %swap3A_220 = arith.constant 6 : i32
    %swap3A_221 = arith.index_cast %swap3A_220 : i32 to index
    %swap3A_222 = arith.constant 0 : index
    %swap3A_223 = tpu.vector_load %arg10[%swap3A_221, %swap3A_222] {strides = array<i32>} : memref<8x64xi32, #tpu.memory_space<vmem>>, vector<1x16xi32>,
    %swap3A_224 = vector.shape_cast %swap3A_223 : vector<1x16xi32> to vector<16xi32>
    %swap3A_225 = vector.shape_cast %get3A_219 : vector<16xi32> to vector<1x16xi32>
    tpu.vector_store %arg10[%swap3A_221, %swap3A_222], %swap3A_225 {strides = array<i32>} : memref<8x64xi32, #tpu.memory_space<vmem>>, vector<1x16xi32>,
    %get3A_226 = arith.constant 0 : index
    %get3A_227 = tpu.vector_load %arg15[%get3A_226] {strides = array<i32>} : memref<64xi32, #tpu.memory_space<vmem>>, vector<16xi32>,
    %get3A_228 = vector.shape_cast %get3A_227 : vector<16xi32> to vector<16xi32>
    %swap3A_229 = arith.constant 7 : i32
    %swap3A_230 = arith.index_cast %swap3A_229 : i32 to index
    %swap3A_231 = arith.constant 0 : index
    %swap3A_232 = tpu.vector_load %arg10[%swap3A_230, %swap3A_231] {strides = array<i32>} : memref<8x64xi32, #tpu.memory_space<vmem>>, vector<1x16xi32>,
    %swap3A_233 = vector.shape_cast %swap3A_232 : vector<1x16xi32> to vector<16xi32>
    %swap3A_234 = vector.shape_cast %get3A_228 : vector<16xi32> to vector<1x16xi32>
    tpu.vector_store %arg10[%swap3A_230, %swap3A_231], %swap3A_234 {strides = array<i32>} : memref<8x64xi32, #tpu.memory_space<vmem>>, vector<1x16xi32>,
    %get3A_235 = arith.constant 16 : index
    %get3A_236 = tpu.vector_load %arg15[%get3A_235] {strides = array<i32>} : memref<64xi32, #tpu.memory_space<vmem>>, vector<16xi32>,
    %get3A_237 = vector.shape_cast %get3A_236 : vector<16xi32> to vector<16xi32>
    %swap3A_238 = arith.constant 6 : i32
    %swap3A_239 = arith.index_cast %swap3A_238 : i32 to index
    %swap3A_240 = arith.constant 16 : index
    %swap3A_241 = tpu.vector_load %arg10[%swap3A_239, %swap3A_240] {strides = array<i32>} : memref<8x64xi32, #tpu.memory_space<vmem>>, vector<1x16xi32>,
    %swap3A_242 = vector.shape_cast %swap3A_241 : vector<1x16xi32> to vector<16xi32>
    %swap3A_243 = vector.shape_cast %get3A_237 : vector<16xi32> to vector<1x16xi32>
    tpu.vector_store %arg10[%swap3A_239, %swap3A_240], %swap3A_243 {strides = array<i32>} : memref<8x64xi32, #tpu.memory_space<vmem>>, vector<1x16xi32>,
    %get3A_244 = arith.constant 16 : index
    %get3A_245 = tpu.vector_load %arg15[%get3A_244] {strides = array<i32>} : memref<64xi32, #tpu.memory_space<vmem>>, vector<16xi32>,
    %get3A_246 = vector.shape_cast %get3A_245 : vector<16xi32> to vector<16xi32>
    %swap3A_247 = arith.constant 7 : i32
    %swap3A_248 = arith.index_cast %swap3A_247 : i32 to index
    %swap3A_249 = arith.constant 16 : index
    %swap3A_250 = tpu.vector_load %arg10[%swap3A_248, %swap3A_249] {strides = array<i32>} : memref<8x64xi32, #tpu.memory_space<vmem>>, vector<1x16xi32>,
    %swap3A_251 = vector.shape_cast %swap3A_250 : vector<1x16xi32> to vector<16xi32>
    %swap3A_252 = vector.shape_cast %get3A_246 : vector<16xi32> to vector<1x16xi32>
    tpu.vector_store %arg10[%swap3A_248, %swap3A_249], %swap3A_252 {strides = array<i32>} : memref<8x64xi32, #tpu.memory_space<vmem>>, vector<1x16xi32>,
    %get3A_253 = arith.constant 32 : index
    %get3A_254 = tpu.vector_load %arg15[%get3A_253] {strides = array<i32>} : memref<64xi32, #tpu.memory_space<vmem>>, vector<16xi32>,
    %get3A_255 = vector.shape_cast %get3A_254 : vector<16xi32> to vector<16xi32>
    %swap3A_256 = arith.constant 6 : i32
    %swap3A_257 = arith.index_cast %swap3A_256 : i32 to index
    %swap3A_258 = arith.constant 32 : index
    %swap3A_259 = tpu.vector_load %arg10[%swap3A_257, %swap3A_258] {strides = array<i32>} : memref<8x64xi32, #tpu.memory_space<vmem>>, vector<1x16xi32>,
    %swap3A_260 = vector.shape_cast %swap3A_259 : vector<1x16xi32> to vector<16xi32>
    %swap3A_261 = vector.shape_cast %get3A_255 : vector<16xi32> to vector<1x16xi32>
    tpu.vector_store %arg10[%swap3A_257, %swap3A_258], %swap3A_261 {strides = array<i32>} : memref<8x64xi32, #tpu.memory_space<vmem>>, vector<1x16xi32>,
    %get3A_262 = arith.constant 32 : index
    %get3A_263 = tpu.vector_load %arg15[%get3A_262] {strides = array<i32>} : memref<64xi32, #tpu.memory_space<vmem>>, vector<16xi32>,
    %get3A_264 = vector.shape_cast %get3A_263 : vector<16xi32> to vector<16xi32>
    %swap3A_265 = arith.constant 7 : i32
    %swap3A_266 = arith.index_cast %swap3A_265 : i32 to index
    %swap3A_267 = arith.constant 32 : index
    %swap3A_268 = tpu.vector_load %arg10[%swap3A_266, %swap3A_267] {strides = array<i32>} : memref<8x64xi32, #tpu.memory_space<vmem>>, vector<1x16xi32>,
    %swap3A_269 = vector.shape_cast %swap3A_268 : vector<1x16xi32> to vector<16xi32>
    %swap3A_270 = vector.shape_cast %get3A_264 : vector<16xi32> to vector<1x16xi32>
    tpu.vector_store %arg10[%swap3A_266, %swap3A_267], %swap3A_270 {strides = array<i32>} : memref<8x64xi32, #tpu.memory_space<vmem>>, vector<1x16xi32>,
    %get3A_271 = arith.constant 48 : index
    %get3A_272 = tpu.vector_load %arg15[%get3A_271] {strides = array<i32>} : memref<64xi32, #tpu.memory_space<vmem>>, vector<16xi32>,
    %get3A_273 = vector.shape_cast %get3A_272 : vector<16xi32> to vector<16xi32>
    %swap3A_274 = arith.constant 6 : i32
    %swap3A_275 = arith.index_cast %swap3A_274 : i32 to index
    %swap3A_276 = arith.constant 48 : index
    %swap3A_277 = tpu.vector_load %arg10[%swap3A_275, %swap3A_276] {strides = array<i32>} : memref<8x64xi32, #tpu.memory_space<vmem>>, vector<1x16xi32>,
    %swap3A_278 = vector.shape_cast %swap3A_277 : vector<1x16xi32> to vector<16xi32>
    %swap3A_279 = vector.shape_cast %get3A_273 : vector<16xi32> to vector<1x16xi32>
    tpu.vector_store %arg10[%swap3A_275, %swap3A_276], %swap3A_279 {strides = array<i32>} : memref<8x64xi32, #tpu.memory_space<vmem>>, vector<1x16xi32>,
    %get3A_280 = arith.constant 48 : index
    %get3A_281 = tpu.vector_load %arg15[%get3A_280] {strides = array<i32>} : memref<64xi32, #tpu.memory_space<vmem>>, vector<16xi32>,
    %get3A_282 = vector.shape_cast %get3A_281 : vector<16xi32> to vector<16xi32>
    %swap3A_283 = arith.constant 7 : i32
    %swap3A_284 = arith.index_cast %swap3A_283 : i32 to index
    %swap3A_285 = arith.constant 48 : index
    %swap3A_286 = tpu.vector_load %arg10[%swap3A_284, %swap3A_285] {strides = array<i32>} : memref<8x64xi32, #tpu.memory_space<vmem>>, vector<1x16xi32>,
    %swap3A_287 = vector.shape_cast %swap3A_286 : vector<1x16xi32> to vector<16xi32>
    %swap3A_288 = vector.shape_cast %get3A_282 : vector<16xi32> to vector<1x16xi32>
    tpu.vector_store %arg10[%swap3A_284, %swap3A_285], %swap3A_288 {strides = array<i32>} : memref<8x64xi32, #tpu.memory_space<vmem>>, vector<1x16xi32>,
    %dma_start3A_289 = arith.constant 0 : i32
    %dma_start3A_290 = arith.constant 0 : i32
    %dma_start3A_291 = tpu.memref_slice %arg2[%dma_start3A_289, %dma_start3A_290] : memref<10000x128xf32, #tpu.memory_space<hbm>> -> memref<10000x128xf32, #tpu.memory_space<hbm>>
    tpu.enqueue_indirect_dma source(%dma_start3A_291 : memref<10000x128xf32, #tpu.memory_space<hbm>>) target(%arg13 : memref<64x128xf32, #tpu.memory_space<vmem>>) offsets(%arg16 : memref<64xi32, #tpu.memory_space<vmem>>) semaphore(%arg22 : memref<!tpu.dma_semaphore, #tpu.memory_space<semaphore_mem>>)
    %dma_start3A_292 = arith.constant 0 : i32
    %dma_start3A_293 = arith.constant 0 : i32
    %dma_start3A_294 = tpu.memref_slice %arg2[%dma_start3A_292, %dma_start3A_293] : memref<10000x128xf32, #tpu.memory_space<hbm>> -> memref<10000x128xf32, #tpu.memory_space<hbm>>
    tpu.enqueue_indirect_dma source(%dma_start3A_294 : memref<10000x128xf32, #tpu.memory_space<hbm>>) target(%arg14 : memref<64x128xf32, #tpu.memory_space<vmem>>) offsets(%arg16 : memref<64xi32, #tpu.memory_space<vmem>>) semaphore(%arg23 : memref<!tpu.dma_semaphore, #tpu.memory_space<semaphore_mem>>)
    %dma_start3A_295 = arith.constant 0 : i32
    %dma_start3A_296 = arith.constant 0 : i32
    %dma_start3A_297 = tpu.memref_slice %arg18[%dma_start3A_295, %dma_start3A_296] : memref<10240x128xf32, #tpu.memory_space<vmem_shared>> -> memref<10240x128xf32, #tpu.memory_space<vmem_shared>>
    tpu.enqueue_indirect_dma source(%arg11 : memref<64x128xf32, #tpu.memory_space<vmem>>) target(%dma_start3A_297 : memref<10240x128xf32, #tpu.memory_space<vmem_shared>>) offsets(%arg15 : memref<64xi32, #tpu.memory_space<vmem>>) semaphore(%arg24 : memref<!tpu.dma_semaphore, #tpu.memory_space<semaphore_mem>>) {add = true}
    %dma_start3A_298 = arith.constant 0 : i32
    %dma_start3A_299 = tpu.memref_slice %arg19[%dma_start3A_298] : memref<10240xf32, #tpu.memory_space<vmem_shared>> -> memref<10240xf32, #tpu.memory_space<vmem_shared>>
    tpu.enqueue_indirect_dma source(%arg17 : memref<64xf32, #tpu.memory_space<vmem>>) target(%dma_start3A_299 : memref<10240xf32, #tpu.memory_space<vmem_shared>>) offsets(%arg15 : memref<64xi32, #tpu.memory_space<vmem>>) semaphore(%arg28 : memref<!tpu.dma_semaphore, #tpu.memory_space<semaphore_mem>>) {add = true}
    %dma_start3A_300 = arith.constant 0 : i32
    %dma_start3A_301 = arith.constant 0 : i32
    %dma_start3A_302 = tpu.memref_slice %arg18[%dma_start3A_300, %dma_start3A_301] : memref<10240x128xf32, #tpu.memory_space<vmem_shared>> -> memref<10240x128xf32, #tpu.memory_space<vmem_shared>>
    tpu.enqueue_indirect_dma source(%arg12 : memref<64x128xf32, #tpu.memory_space<vmem>>) target(%dma_start3A_302 : memref<10240x128xf32, #tpu.memory_space<vmem_shared>>) offsets(%arg15 : memref<64xi32, #tpu.memory_space<vmem>>) semaphore(%arg25 : memref<!tpu.dma_semaphore, #tpu.memory_space<semaphore_mem>>) {add = true}
    %dma_start3A_303 = arith.constant 0 : i32
    %dma_start3A_304 = tpu.memref_slice %arg19[%dma_start3A_303] : memref<10240xf32, #tpu.memory_space<vmem_shared>> -> memref<10240xf32, #tpu.memory_space<vmem_shared>>
    tpu.enqueue_indirect_dma source(%arg17 : memref<64xf32, #tpu.memory_space<vmem>>) target(%dma_start3A_304 : memref<10240xf32, #tpu.memory_space<vmem_shared>>) offsets(%arg15 : memref<64xi32, #tpu.memory_space<vmem>>) semaphore(%arg29 : memref<!tpu.dma_semaphore, #tpu.memory_space<semaphore_mem>>) {add = true}
    %scan3A_305 = arith.constant 0 : i32
    %scan3A_306 = arith.constant 0 : i32
    %scan3A_307 = arith.constant 10 : i32
    %scan3A_308 = arith.addi %scan3A_306, %scan3A_307 : i32
    %scan3A_309 = arith.constant 1 : i32
    scf.for %scan3A_393 = %scan3A_306 to %scan3A_308 step %scan3A_309  : i32 {
      %mul3A_394 = arith.constant 2 : i32
      %mul3A_395 = arith.muli %mul3A_394, %scan3A_393 : i32
      %add3A_396 = arith.constant 0 : i32
      %add3A_397 = arith.addi %mul3A_395, %add3A_396 : i32
      %mul3A_398 = arith.constant 8 : i32
      %mul3A_399 = arith.muli %add3A_397, %mul3A_398 : i32
      %add3A_400 = arith.addi %mul3A_2, %mul3A_399 : i32
      %dma_wait3A_401 = arith.constant 0 : i32
      %dma_wait3A_402 = tpu.memref_slice %arg3[%add3A_400, %dma_wait3A_401] : memref<5128x64xi32, #tpu.memory_space<hbm>> -> memref<8x64xi32, #tpu.memory_space<hbm>>
      %dma_wait3A_403 = arith.constant 0 : i32
      %dma_wait3A_404 = tpu.memref_slice %arg3[%add3A_400, %dma_wait3A_403] : memref<5128x64xi32, #tpu.memory_space<hbm>> -> memref<8x64xi32, #tpu.memory_space<hbm>>
      tpu.wait_dma2 semaphore(%arg32 : memref<!tpu.dma_semaphore, #tpu.memory_space<semaphore_mem>>) src(%dma_wait3A_404 : memref<8x64xi32, #tpu.memory_space<hbm>>) dst(%arg7 : memref<8x64xi32, #tpu.memory_space<vmem>>)
      %dma_wait3A_405 = arith.constant 0 : i32
      %dma_wait3A_406 = tpu.memref_slice %arg4[%add3A_400, %dma_wait3A_405] : memref<5128x64xi32, #tpu.memory_space<hbm>> -> memref<8x64xi32, #tpu.memory_space<hbm>>
      %dma_wait3A_407 = arith.constant 0 : i32
      %dma_wait3A_408 = tpu.memref_slice %arg4[%add3A_400, %dma_wait3A_407] : memref<5128x64xi32, #tpu.memory_space<hbm>> -> memref<8x64xi32, #tpu.memory_space<hbm>>
      tpu.wait_dma2 semaphore(%arg32 : memref<!tpu.dma_semaphore, #tpu.memory_space<semaphore_mem>>) src(%dma_wait3A_408 : memref<8x64xi32, #tpu.memory_space<hbm>>) dst(%arg9 : memref<8x64xi32, #tpu.memory_space<vmem>>)
      %dma_wait3A_409 = arith.constant 0 : i32
      %dma_wait3A_410 = arith.constant 0 : i32
      %dma_wait3A_411 = tpu.memref_slice %arg18[%dma_wait3A_409, %dma_wait3A_410] : memref<10240x128xf32, #tpu.memory_space<vmem_shared>> -> memref<10240x128xf32, #tpu.memory_space<vmem_shared>>
      tpu.wait_indirect_dma semaphore(%arg24 : memref<!tpu.dma_semaphore, #tpu.memory_space<semaphore_mem>>) src(%arg11 : memref<64x128xf32, #tpu.memory_space<vmem>>) dst(%dma_wait3A_411 : memref<10240x128xf32, #tpu.memory_space<vmem_shared>>)
      %dma_wait3A_412 = arith.constant 0 : i32
      %dma_wait3A_413 = tpu.memref_slice %arg19[%dma_wait3A_412] : memref<10240xf32, #tpu.memory_space<vmem_shared>> -> memref<10240xf32, #tpu.memory_space<vmem_shared>>
      tpu.wait_indirect_dma semaphore(%arg28 : memref<!tpu.dma_semaphore, #tpu.memory_space<semaphore_mem>>) src(%arg17 : memref<64xf32, #tpu.memory_space<vmem>>) dst(%dma_wait3A_413 : memref<10240xf32, #tpu.memory_space<vmem_shared>>)
      %dma_start3A_414 = arith.constant 0 : i32
      %dma_start3A_415 = arith.constant 0 : i32
      %dma_start3A_416 = tpu.memref_slice %arg7[%dma_start3A_414, %dma_start3A_415] : memref<8x64xi32, #tpu.memory_space<vmem>> -> memref<1x64xi32, #tpu.memory_space<vmem>>
      %dma_start3A_417 = tpu.memref_squeeze %dma_start3A_416 : memref<1x64xi32, #tpu.memory_space<vmem>> -> memref<64xi32, #tpu.memory_space<vmem>>
      %dma_start3A_418 = arith.constant 0 : i32
      %dma_start3A_419 = arith.constant 0 : i32
      %dma_start3A_420 = tpu.memref_slice %arg2[%dma_start3A_418, %dma_start3A_419] : memref<10000x128xf32, #tpu.memory_space<hbm>> -> memref<10000x128xf32, #tpu.memory_space<hbm>>
      tpu.enqueue_indirect_dma source(%dma_start3A_420 : memref<10000x128xf32, #tpu.memory_space<hbm>>) target(%arg11 : memref<64x128xf32, #tpu.memory_space<vmem>>) offsets(%dma_start3A_417 : memref<64xi32, #tpu.memory_space<vmem>>) semaphore(%arg20 : memref<!tpu.dma_semaphore, #tpu.memory_space<semaphore_mem>>)
      %dma_wait3A_421 = arith.constant 0 : i32
      %dma_wait3A_422 = arith.constant 0 : i32
      %dma_wait3A_423 = tpu.memref_slice %arg2[%dma_wait3A_421, %dma_wait3A_422] : memref<10000x128xf32, #tpu.memory_space<hbm>> -> memref<10000x128xf32, #tpu.memory_space<hbm>>
      tpu.wait_indirect_dma semaphore(%arg22 : memref<!tpu.dma_semaphore, #tpu.memory_space<semaphore_mem>>) src(%dma_wait3A_423 : memref<10000x128xf32, #tpu.memory_space<hbm>>) dst(%arg13 : memref<64x128xf32, #tpu.memory_space<vmem>>)
      %dma_start3A_424 = arith.constant 6 : i32
      %dma_start3A_425 = arith.constant 0 : i32
      %dma_start3A_426 = tpu.memref_slice %arg10[%dma_start3A_424, %dma_start3A_425] : memref<8x64xi32, #tpu.memory_space<vmem>> -> memref<1x64xi32, #tpu.memory_space<vmem>>
      %dma_start3A_427 = tpu.memref_squeeze %dma_start3A_426 : memref<1x64xi32, #tpu.memory_space<vmem>> -> memref<64xi32, #tpu.memory_space<vmem>>
      %dma_start3A_428 = arith.constant 0 : i32
      %dma_start3A_429 = arith.constant 0 : i32
      %dma_start3A_430 = tpu.memref_slice %arg18[%dma_start3A_428, %dma_start3A_429] : memref<10240x128xf32, #tpu.memory_space<vmem_shared>> -> memref<10240x128xf32, #tpu.memory_space<vmem_shared>>
      tpu.enqueue_indirect_dma source(%arg13 : memref<64x128xf32, #tpu.memory_space<vmem>>) target(%dma_start3A_430 : memref<10240x128xf32, #tpu.memory_space<vmem_shared>>) offsets(%dma_start3A_427 : memref<64xi32, #tpu.memory_space<vmem>>) semaphore(%arg26 : memref<!tpu.dma_semaphore, #tpu.memory_space<semaphore_mem>>) {add = true}
      %dma_start3A_431 = arith.constant 6 : i32
      %dma_start3A_432 = arith.constant 0 : i32
      %dma_start3A_433 = tpu.memref_slice %arg10[%dma_start3A_431, %dma_start3A_432] : memref<8x64xi32, #tpu.memory_space<vmem>> -> memref<1x64xi32, #tpu.memory_space<vmem>>
      %dma_start3A_434 = tpu.memref_squeeze %dma_start3A_433 : memref<1x64xi32, #tpu.memory_space<vmem>> -> memref<64xi32, #tpu.memory_space<vmem>>
      %dma_start3A_435 = arith.constant 0 : i32
      %dma_start3A_436 = tpu.memref_slice %arg19[%dma_start3A_435] : memref<10240xf32, #tpu.memory_space<vmem_shared>> -> memref<10240xf32, #tpu.memory_space<vmem_shared>>
      tpu.enqueue_indirect_dma source(%arg17 : memref<64xf32, #tpu.memory_space<vmem>>) target(%dma_start3A_436 : memref<10240xf32, #tpu.memory_space<vmem_shared>>) offsets(%dma_start3A_434 : memref<64xi32, #tpu.memory_space<vmem>>) semaphore(%arg30 : memref<!tpu.dma_semaphore, #tpu.memory_space<semaphore_mem>>) {add = true}
      %dma_wait3A_437 = arith.constant 0 : i32
      %dma_wait3A_438 = arith.constant 0 : i32
      %dma_wait3A_439 = tpu.memref_slice %arg18[%dma_wait3A_437, %dma_wait3A_438] : memref<10240x128xf32, #tpu.memory_space<vmem_shared>> -> memref<10240x128xf32, #tpu.memory_space<vmem_shared>>
      tpu.wait_indirect_dma semaphore(%arg25 : memref<!tpu.dma_semaphore, #tpu.memory_space<semaphore_mem>>) src(%arg12 : memref<64x128xf32, #tpu.memory_space<vmem>>) dst(%dma_wait3A_439 : memref<10240x128xf32, #tpu.memory_space<vmem_shared>>)
      %dma_wait3A_440 = arith.constant 0 : i32
      %dma_wait3A_441 = tpu.memref_slice %arg19[%dma_wait3A_440] : memref<10240xf32, #tpu.memory_space<vmem_shared>> -> memref<10240xf32, #tpu.memory_space<vmem_shared>>
      tpu.wait_indirect_dma semaphore(%arg29 : memref<!tpu.dma_semaphore, #tpu.memory_space<semaphore_mem>>) src(%arg17 : memref<64xf32, #tpu.memory_space<vmem>>) dst(%dma_wait3A_441 : memref<10240xf32, #tpu.memory_space<vmem_shared>>)
      %dma_start3A_442 = arith.constant 1 : i32
      %dma_start3A_443 = arith.constant 0 : i32
      %dma_start3A_444 = tpu.memref_slice %arg7[%dma_start3A_442, %dma_start3A_443] : memref<8x64xi32, #tpu.memory_space<vmem>> -> memref<1x64xi32, #tpu.memory_space<vmem>>
      %dma_start3A_445 = tpu.memref_squeeze %dma_start3A_444 : memref<1x64xi32, #tpu.memory_space<vmem>> -> memref<64xi32, #tpu.memory_space<vmem>>
      %dma_start3A_446 = arith.constant 0 : i32
      %dma_start3A_447 = arith.constant 0 : i32
      %dma_start3A_448 = tpu.memref_slice %arg2[%dma_start3A_446, %dma_start3A_447] : memref<10000x128xf32, #tpu.memory_space<hbm>> -> memref<10000x128xf32, #tpu.memory_space<hbm>>
      tpu.enqueue_indirect_dma source(%dma_start3A_448 : memref<10000x128xf32, #tpu.memory_space<hbm>>) target(%arg12 : memref<64x128xf32, #tpu.memory_space<vmem>>) offsets(%dma_start3A_445 : memref<64xi32, #tpu.memory_space<vmem>>) semaphore(%arg21 : memref<!tpu.dma_semaphore, #tpu.memory_space<semaphore_mem>>)
      %dma_wait3A_449 = arith.constant 0 : i32
      %dma_wait3A_450 = arith.constant 0 : i32
      %dma_wait3A_451 = tpu.memref_slice %arg2[%dma_wait3A_449, %dma_wait3A_450] : memref<10000x128xf32, #tpu.memory_space<hbm>> -> memref<10000x128xf32, #tpu.memory_space<hbm>>
      tpu.wait_indirect_dma semaphore(%arg23 : memref<!tpu.dma_semaphore, #tpu.memory_space<semaphore_mem>>) src(%dma_wait3A_451 : memref<10000x128xf32, #tpu.memory_space<hbm>>) dst(%arg14 : memref<64x128xf32, #tpu.memory_space<vmem>>)
      %dma_start3A_452 = arith.constant 7 : i32
      %dma_start3A_453 = arith.constant 0 : i32
      %dma_start3A_454 = tpu.memref_slice %arg10[%dma_start3A_452, %dma_start3A_453] : memref<8x64xi32, #tpu.memory_space<vmem>> -> memref<1x64xi32, #tpu.memory_space<vmem>>
      %dma_start3A_455 = tpu.memref_squeeze %dma_start3A_454 : memref<1x64xi32, #tpu.memory_space<vmem>> -> memref<64xi32, #tpu.memory_space<vmem>>
      %dma_start3A_456 = arith.constant 0 : i32
      %dma_start3A_457 = arith.constant 0 : i32
      %dma_start3A_458 = tpu.memref_slice %arg18[%dma_start3A_456, %dma_start3A_457] : memref<10240x128xf32, #tpu.memory_space<vmem_shared>> -> memref<10240x128xf32, #tpu.memory_space<vmem_shared>>
      tpu.enqueue_indirect_dma source(%arg14 : memref<64x128xf32, #tpu.memory_space<vmem>>) target(%dma_start3A_458 : memref<10240x128xf32, #tpu.memory_space<vmem_shared>>) offsets(%dma_start3A_455 : memref<64xi32, #tpu.memory_space<vmem>>) semaphore(%arg27 : memref<!tpu.dma_semaphore, #tpu.memory_space<semaphore_mem>>) {add = true}
      %dma_start3A_459 = arith.constant 7 : i32
      %dma_start3A_460 = arith.constant 0 : i32
      %dma_start3A_461 = tpu.memref_slice %arg10[%dma_start3A_459, %dma_start3A_460] : memref<8x64xi32, #tpu.memory_space<vmem>> -> memref<1x64xi32, #tpu.memory_space<vmem>>
      %dma_start3A_462 = tpu.memref_squeeze %dma_start3A_461 : memref<1x64xi32, #tpu.memory_space<vmem>> -> memref<64xi32, #tpu.memory_space<vmem>>
      %dma_start3A_463 = arith.constant 0 : i32
      %dma_start3A_464 = tpu.memref_slice %arg19[%dma_start3A_463] : memref<10240xf32, #tpu.memory_space<vmem_shared>> -> memref<10240xf32, #tpu.memory_space<vmem_shared>>
      tpu.enqueue_indirect_dma source(%arg17 : memref<64xf32, #tpu.memory_space<vmem>>) target(%dma_start3A_464 : memref<10240xf32, #tpu.memory_space<vmem_shared>>) offsets(%dma_start3A_462 : memref<64xi32, #tpu.memory_space<vmem>>) semaphore(%arg31 : memref<!tpu.dma_semaphore, #tpu.memory_space<semaphore_mem>>) {add = true}
      %dma_wait3A_465 = arith.constant 0 : i32
      %dma_wait3A_466 = arith.constant 0 : i32
      %dma_wait3A_467 = tpu.memref_slice %arg18[%dma_wait3A_465, %dma_wait3A_466] : memref<10240x128xf32, #tpu.memory_space<vmem_shared>> -> memref<10240x128xf32, #tpu.memory_space<vmem_shared>>
      tpu.wait_indirect_dma semaphore(%arg26 : memref<!tpu.dma_semaphore, #tpu.memory_space<semaphore_mem>>) src(%arg13 : memref<64x128xf32, #tpu.memory_space<vmem>>) dst(%dma_wait3A_467 : memref<10240x128xf32, #tpu.memory_space<vmem_shared>>)
      %dma_wait3A_468 = arith.constant 0 : i32
      %dma_wait3A_469 = tpu.memref_slice %arg19[%dma_wait3A_468] : memref<10240xf32, #tpu.memory_space<vmem_shared>> -> memref<10240xf32, #tpu.memory_space<vmem_shared>>
      tpu.wait_indirect_dma semaphore(%arg30 : memref<!tpu.dma_semaphore, #tpu.memory_space<semaphore_mem>>) src(%arg17 : memref<64xf32, #tpu.memory_space<vmem>>) dst(%dma_wait3A_469 : memref<10240xf32, #tpu.memory_space<vmem_shared>>)
      %dma_start3A_470 = arith.constant 2 : i32
      %dma_start3A_471 = arith.constant 0 : i32
      %dma_start3A_472 = tpu.memref_slice %arg7[%dma_start3A_470, %dma_start3A_471] : memref<8x64xi32, #tpu.memory_space<vmem>> -> memref<1x64xi32, #tpu.memory_space<vmem>>
      %dma_start3A_473 = tpu.memref_squeeze %dma_start3A_472 : memref<1x64xi32, #tpu.memory_space<vmem>> -> memref<64xi32, #tpu.memory_space<vmem>>
      %dma_start3A_474 = arith.constant 0 : i32
      %dma_start3A_475 = arith.constant 0 : i32
      %dma_start3A_476 = tpu.memref_slice %arg2[%dma_start3A_474, %dma_start3A_475] : memref<10000x128xf32, #tpu.memory_space<hbm>> -> memref<10000x128xf32, #tpu.memory_space<hbm>>
      tpu.enqueue_indirect_dma source(%dma_start3A_476 : memref<10000x128xf32, #tpu.memory_space<hbm>>) target(%arg13 : memref<64x128xf32, #tpu.memory_space<vmem>>) offsets(%dma_start3A_473 : memref<64xi32, #tpu.memory_space<vmem>>) semaphore(%arg22 : memref<!tpu.dma_semaphore, #tpu.memory_space<semaphore_mem>>)
      %dma_wait3A_477 = arith.constant 0 : i32
      %dma_wait3A_478 = arith.constant 0 : i32
      %dma_wait3A_479 = tpu.memref_slice %arg2[%dma_wait3A_477, %dma_wait3A_478] : memref<10000x128xf32, #tpu.memory_space<hbm>> -> memref<10000x128xf32, #tpu.memory_space<hbm>>
      tpu.wait_indirect_dma semaphore(%arg20 : memref<!tpu.dma_semaphore, #tpu.memory_space<semaphore_mem>>) src(%dma_wait3A_479 : memref<10000x128xf32, #tpu.memory_space<hbm>>) dst(%arg11 : memref<64x128xf32, #tpu.memory_space<vmem>>)
      %dma_start3A_480 = arith.constant 0 : i32
      %dma_start3A_481 = arith.constant 0 : i32
      %dma_start3A_482 = tpu.memref_slice %arg9[%dma_start3A_480, %dma_start3A_481] : memref<8x64xi32, #tpu.memory_space<vmem>> -> memref<1x64xi32, #tpu.memory_space<vmem>>
      %dma_start3A_483 = tpu.memref_squeeze %dma_start3A_482 : memref<1x64xi32, #tpu.memory_space<vmem>> -> memref<64xi32, #tpu.memory_space<vmem>>
      %dma_start3A_484 = arith.constant 0 : i32
      %dma_start3A_485 = arith.constant 0 : i32
      %dma_start3A_486 = tpu.memref_slice %arg18[%dma_start3A_484, %dma_start3A_485] : memref<10240x128xf32, #tpu.memory_space<vmem_shared>> -> memref<10240x128xf32, #tpu.memory_space<vmem_shared>>
      tpu.enqueue_indirect_dma source(%arg11 : memref<64x128xf32, #tpu.memory_space<vmem>>) target(%dma_start3A_486 : memref<10240x128xf32, #tpu.memory_space<vmem_shared>>) offsets(%dma_start3A_483 : memref<64xi32, #tpu.memory_space<vmem>>) semaphore(%arg24 : memref<!tpu.dma_semaphore, #tpu.memory_space<semaphore_mem>>) {add = true}
      %dma_start3A_487 = arith.constant 0 : i32
      %dma_start3A_488 = arith.constant 0 : i32
      %dma_start3A_489 = tpu.memref_slice %arg9[%dma_start3A_487, %dma_start3A_488] : memref<8x64xi32, #tpu.memory_space<vmem>> -> memref<1x64xi32, #tpu.memory_space<vmem>>
      %dma_start3A_490 = tpu.memref_squeeze %dma_start3A_489 : memref<1x64xi32, #tpu.memory_space<vmem>> -> memref<64xi32, #tpu.memory_space<vmem>>
      %dma_start3A_491 = arith.constant 0 : i32
      %dma_start3A_492 = tpu.memref_slice %arg19[%dma_start3A_491] : memref<10240xf32, #tpu.memory_space<vmem_shared>> -> memref<10240xf32, #tpu.memory_space<vmem_shared>>
      tpu.enqueue_indirect_dma source(%arg17 : memref<64xf32, #tpu.memory_space<vmem>>) target(%dma_start3A_492 : memref<10240xf32, #tpu.memory_space<vmem_shared>>) offsets(%dma_start3A_490 : memref<64xi32, #tpu.memory_space<vmem>>) semaphore(%arg28 : memref<!tpu.dma_semaphore, #tpu.memory_space<semaphore_mem>>) {add = true}
      %dma_wait3A_493 = arith.constant 0 : i32
      %dma_wait3A_494 = arith.constant 0 : i32
      %dma_wait3A_495 = tpu.memref_slice %arg18[%dma_wait3A_493, %dma_wait3A_494] : memref<10240x128xf32, #tpu.memory_space<vmem_shared>> -> memref<10240x128xf32, #tpu.memory_space<vmem_shared>>
      tpu.wait_indirect_dma semaphore(%arg27 : memref<!tpu.dma_semaphore, #tpu.memory_space<semaphore_mem>>) src(%arg14 : memref<64x128xf32, #tpu.memory_space<vmem>>) dst(%dma_wait3A_495 : memref<10240x128xf32, #tpu.memory_space<vmem_shared>>)
      %dma_wait3A_496 = arith.constant 0 : i32
      %dma_wait3A_497 = tpu.memref_slice %arg19[%dma_wait3A_496] : memref<10240xf32, #tpu.memory_space<vmem_shared>> -> memref<10240xf32, #tpu.memory_space<vmem_shared>>
      tpu.wait_indirect_dma semaphore(%arg31 : memref<!tpu.dma_semaphore, #tpu.memory_space<semaphore_mem>>) src(%arg17 : memref<64xf32, #tpu.memory_space<vmem>>) dst(%dma_wait3A_497 : memref<10240xf32, #tpu.memory_space<vmem_shared>>)
      %dma_start3A_498 = arith.constant 3 : i32
      %dma_start3A_499 = arith.constant 0 : i32
      %dma_start3A_500 = tpu.memref_slice %arg7[%dma_start3A_498, %dma_start3A_499] : memref<8x64xi32, #tpu.memory_space<vmem>> -> memref<1x64xi32, #tpu.memory_space<vmem>>
      %dma_start3A_501 = tpu.memref_squeeze %dma_start3A_500 : memref<1x64xi32, #tpu.memory_space<vmem>> -> memref<64xi32, #tpu.memory_space<vmem>>
      %dma_start3A_502 = arith.constant 0 : i32
      %dma_start3A_503 = arith.constant 0 : i32
      %dma_start3A_504 = tpu.memref_slice %arg2[%dma_start3A_502, %dma_start3A_503] : memref<10000x128xf32, #tpu.memory_space<hbm>> -> memref<10000x128xf32, #tpu.memory_space<hbm>>
      tpu.enqueue_indirect_dma source(%dma_start3A_504 : memref<10000x128xf32, #tpu.memory_space<hbm>>) target(%arg14 : memref<64x128xf32, #tpu.memory_space<vmem>>) offsets(%dma_start3A_501 : memref<64xi32, #tpu.memory_space<vmem>>) semaphore(%arg23 : memref<!tpu.dma_semaphore, #tpu.memory_space<semaphore_mem>>)
      %dma_wait3A_505 = arith.constant 0 : i32
      %dma_wait3A_506 = arith.constant 0 : i32
      %dma_wait3A_507 = tpu.memref_slice %arg2[%dma_wait3A_505, %dma_wait3A_506] : memref<10000x128xf32, #tpu.memory_space<hbm>> -> memref<10000x128xf32, #tpu.memory_space<hbm>>
      tpu.wait_indirect_dma semaphore(%arg21 : memref<!tpu.dma_semaphore, #tpu.memory_space<semaphore_mem>>) src(%dma_wait3A_507 : memref<10000x128xf32, #tpu.memory_space<hbm>>) dst(%arg12 : memref<64x128xf32, #tpu.memory_space<vmem>>)
      %dma_start3A_508 = arith.constant 1 : i32
      %dma_start3A_509 = arith.constant 0 : i32
      %dma_start3A_510 = tpu.memref_slice %arg9[%dma_start3A_508, %dma_start3A_509] : memref<8x64xi32, #tpu.memory_space<vmem>> -> memref<1x64xi32, #tpu.memory_space<vmem>>
      %dma_start3A_511 = tpu.memref_squeeze %dma_start3A_510 : memref<1x64xi32, #tpu.memory_space<vmem>> -> memref<64xi32, #tpu.memory_space<vmem>>
      %dma_start3A_512 = arith.constant 0 : i32
      %dma_start3A_513 = arith.constant 0 : i32
      %dma_start3A_514 = tpu.memref_slice %arg18[%dma_start3A_512, %dma_start3A_513] : memref<10240x128xf32, #tpu.memory_space<vmem_shared>> -> memref<10240x128xf32, #tpu.memory_space<vmem_shared>>
      tpu.enqueue_indirect_dma source(%arg12 : memref<64x128xf32, #tpu.memory_space<vmem>>) target(%dma_start3A_514 : memref<10240x128xf32, #tpu.memory_space<vmem_shared>>) offsets(%dma_start3A_511 : memref<64xi32, #tpu.memory_space<vmem>>) semaphore(%arg25 : memref<!tpu.dma_semaphore, #tpu.memory_space<semaphore_mem>>) {add = true}
      %dma_start3A_515 = arith.constant 1 : i32
      %dma_start3A_516 = arith.constant 0 : i32
      %dma_start3A_517 = tpu.memref_slice %arg9[%dma_start3A_515, %dma_start3A_516] : memref<8x64xi32, #tpu.memory_space<vmem>> -> memref<1x64xi32, #tpu.memory_space<vmem>>
      %dma_start3A_518 = tpu.memref_squeeze %dma_start3A_517 : memref<1x64xi32, #tpu.memory_space<vmem>> -> memref<64xi32, #tpu.memory_space<vmem>>
      %dma_start3A_519 = arith.constant 0 : i32
      %dma_start3A_520 = tpu.memref_slice %arg19[%dma_start3A_519] : memref<10240xf32, #tpu.memory_space<vmem_shared>> -> memref<10240xf32, #tpu.memory_space<vmem_shared>>
      tpu.enqueue_indirect_dma source(%arg17 : memref<64xf32, #tpu.memory_space<vmem>>) target(%dma_start3A_520 : memref<10240xf32, #tpu.memory_space<vmem_shared>>) offsets(%dma_start3A_518 : memref<64xi32, #tpu.memory_space<vmem>>) semaphore(%arg29 : memref<!tpu.dma_semaphore, #tpu.memory_space<semaphore_mem>>) {add = true}
      %add3A_521 = arith.constant 1 : i32
      %add3A_522 = arith.addi %add3A_397, %add3A_521 : i32
      %mul3A_523 = arith.constant 8 : i32
      %mul3A_524 = arith.muli %add3A_522, %mul3A_523 : i32
      %add3A_525 = arith.addi %mul3A_2, %mul3A_524 : i32
      %dma_start3A_526 = arith.constant 0 : i32
      %dma_start3A_527 = tpu.memref_slice %arg3[%add3A_525, %dma_start3A_526] : memref<5128x64xi32, #tpu.memory_space<hbm>> -> memref<8x64xi32, #tpu.memory_space<hbm>>
      %dma_start3A_528 = arith.constant 0 : i32
      %dma_start3A_529 = tpu.memref_slice %arg3[%add3A_525, %dma_start3A_528] : memref<5128x64xi32, #tpu.memory_space<hbm>> -> memref<8x64xi32, #tpu.memory_space<hbm>>
      tpu.enqueue_dma source(%dma_start3A_529 : memref<8x64xi32, #tpu.memory_space<hbm>>) target(%arg8 : memref<8x64xi32, #tpu.memory_space<vmem>>) target_semaphore(%arg33 : memref<!tpu.dma_semaphore, #tpu.memory_space<semaphore_mem>>)
      %dma_start3A_530 = arith.constant 0 : i32
      %dma_start3A_531 = tpu.memref_slice %arg4[%add3A_525, %dma_start3A_530] : memref<5128x64xi32, #tpu.memory_space<hbm>> -> memref<8x64xi32, #tpu.memory_space<hbm>>
      %dma_start3A_532 = arith.constant 0 : i32
      %dma_start3A_533 = tpu.memref_slice %arg4[%add3A_525, %dma_start3A_532] : memref<5128x64xi32, #tpu.memory_space<hbm>> -> memref<8x64xi32, #tpu.memory_space<hbm>>
      tpu.enqueue_dma source(%dma_start3A_533 : memref<8x64xi32, #tpu.memory_space<hbm>>) target(%arg10 : memref<8x64xi32, #tpu.memory_space<vmem>>) target_semaphore(%arg33 : memref<!tpu.dma_semaphore, #tpu.memory_space<semaphore_mem>>)
      %dma_wait3A_534 = arith.constant 0 : i32
      %dma_wait3A_535 = arith.constant 0 : i32
      %dma_wait3A_536 = tpu.memref_slice %arg18[%dma_wait3A_534, %dma_wait3A_535] : memref<10240x128xf32, #tpu.memory_space<vmem_shared>> -> memref<10240x128xf32, #tpu.memory_space<vmem_shared>>
      tpu.wait_indirect_dma semaphore(%arg24 : memref<!tpu.dma_semaphore, #tpu.memory_space<semaphore_mem>>) src(%arg11 : memref<64x128xf32, #tpu.memory_space<vmem>>) dst(%dma_wait3A_536 : memref<10240x128xf32, #tpu.memory_space<vmem_shared>>)
      %dma_wait3A_537 = arith.constant 0 : i32
      %dma_wait3A_538 = tpu.memref_slice %arg19[%dma_wait3A_537] : memref<10240xf32, #tpu.memory_space<vmem_shared>> -> memref<10240xf32, #tpu.memory_space<vmem_shared>>
      tpu.wait_indirect_dma semaphore(%arg28 : memref<!tpu.dma_semaphore, #tpu.memory_space<semaphore_mem>>) src(%arg17 : memref<64xf32, #tpu.memory_space<vmem>>) dst(%dma_wait3A_538 : memref<10240xf32, #tpu.memory_space<vmem_shared>>)
      %dma_start3A_539 = arith.constant 4 : i32
      %dma_start3A_540 = arith.constant 0 : i32
      %dma_start3A_541 = tpu.memref_slice %arg7[%dma_start3A_539, %dma_start3A_540] : memref<8x64xi32, #tpu.memory_space<vmem>> -> memref<1x64xi32, #tpu.memory_space<vmem>>
      %dma_start3A_542 = tpu.memref_squeeze %dma_start3A_541 : memref<1x64xi32, #tpu.memory_space<vmem>> -> memref<64xi32, #tpu.memory_space<vmem>>
      %dma_start3A_543 = arith.constant 0 : i32
      %dma_start3A_544 = arith.constant 0 : i32
      %dma_start3A_545 = tpu.memref_slice %arg2[%dma_start3A_543, %dma_start3A_544] : memref<10000x128xf32, #tpu.memory_space<hbm>> -> memref<10000x128xf32, #tpu.memory_space<hbm>>
      tpu.enqueue_indirect_dma source(%dma_start3A_545 : memref<10000x128xf32, #tpu.memory_space<hbm>>) target(%arg11 : memref<64x128xf32, #tpu.memory_space<vmem>>) offsets(%dma_start3A_542 : memref<64xi32, #tpu.memory_space<vmem>>) semaphore(%arg20 : memref<!tpu.dma_semaphore, #tpu.memory_space<semaphore_mem>>)
      %dma_wait3A_546 = arith.constant 0 : i32
      %dma_wait3A_547 = arith.constant 0 : i32
      %dma_wait3A_548 = tpu.memref_slice %arg2[%dma_wait3A_546, %dma_wait3A_547] : memref<10000x128xf32, #tpu.memory_space<hbm>> -> memref<10000x128xf32, #tpu.memory_space<hbm>>
      tpu.wait_indirect_dma semaphore(%arg22 : memref<!tpu.dma_semaphore, #tpu.memory_space<semaphore_mem>>) src(%dma_wait3A_548 : memref<10000x128xf32, #tpu.memory_space<hbm>>) dst(%arg13 : memref<64x128xf32, #tpu.memory_space<vmem>>)
      %dma_start3A_549 = arith.constant 2 : i32
      %dma_start3A_550 = arith.constant 0 : i32
      %dma_start3A_551 = tpu.memref_slice %arg9[%dma_start3A_549, %dma_start3A_550] : memref<8x64xi32, #tpu.memory_space<vmem>> -> memref<1x64xi32, #tpu.memory_space<vmem>>
      %dma_start3A_552 = tpu.memref_squeeze %dma_start3A_551 : memref<1x64xi32, #tpu.memory_space<vmem>> -> memref<64xi32, #tpu.memory_space<vmem>>
      %dma_start3A_553 = arith.constant 0 : i32
      %dma_start3A_554 = arith.constant 0 : i32
      %dma_start3A_555 = tpu.memref_slice %arg18[%dma_start3A_553, %dma_start3A_554] : memref<10240x128xf32, #tpu.memory_space<vmem_shared>> -> memref<10240x128xf32, #tpu.memory_space<vmem_shared>>
      tpu.enqueue_indirect_dma source(%arg13 : memref<64x128xf32, #tpu.memory_space<vmem>>) target(%dma_start3A_555 : memref<10240x128xf32, #tpu.memory_space<vmem_shared>>) offsets(%dma_start3A_552 : memref<64xi32, #tpu.memory_space<vmem>>) semaphore(%arg26 : memref<!tpu.dma_semaphore, #tpu.memory_space<semaphore_mem>>) {add = true}
      %dma_start3A_556 = arith.constant 2 : i32
      %dma_start3A_557 = arith.constant 0 : i32
      %dma_start3A_558 = tpu.memref_slice %arg9[%dma_start3A_556, %dma_start3A_557] : memref<8x64xi32, #tpu.memory_space<vmem>> -> memref<1x64xi32, #tpu.memory_space<vmem>>
      %dma_start3A_559 = tpu.memref_squeeze %dma_start3A_558 : memref<1x64xi32, #tpu.memory_space<vmem>> -> memref<64xi32, #tpu.memory_space<vmem>>
      %dma_start3A_560 = arith.constant 0 : i32
      %dma_start3A_561 = tpu.memref_slice %arg19[%dma_start3A_560] : memref<10240xf32, #tpu.memory_space<vmem_shared>> -> memref<10240xf32, #tpu.memory_space<vmem_shared>>
      tpu.enqueue_indirect_dma source(%arg17 : memref<64xf32, #tpu.memory_space<vmem>>) target(%dma_start3A_561 : memref<10240xf32, #tpu.memory_space<vmem_shared>>) offsets(%dma_start3A_559 : memref<64xi32, #tpu.memory_space<vmem>>) semaphore(%arg30 : memref<!tpu.dma_semaphore, #tpu.memory_space<semaphore_mem>>) {add = true}
      %dma_wait3A_562 = arith.constant 0 : i32
      %dma_wait3A_563 = arith.constant 0 : i32
      %dma_wait3A_564 = tpu.memref_slice %arg18[%dma_wait3A_562, %dma_wait3A_563] : memref<10240x128xf32, #tpu.memory_space<vmem_shared>> -> memref<10240x128xf32, #tpu.memory_space<vmem_shared>>
      tpu.wait_indirect_dma semaphore(%arg25 : memref<!tpu.dma_semaphore, #tpu.memory_space<semaphore_mem>>) src(%arg12 : memref<64x128xf32, #tpu.memory_space<vmem>>) dst(%dma_wait3A_564 : memref<10240x128xf32, #tpu.memory_space<vmem_shared>>)
      %dma_wait3A_565 = arith.constant 0 : i32
      %dma_wait3A_566 = tpu.memref_slice %arg19[%dma_wait3A_565] : memref<10240xf32, #tpu.memory_space<vmem_shared>> -> memref<10240xf32, #tpu.memory_space<vmem_shared>>
      tpu.wait_indirect_dma semaphore(%arg29 : memref<!tpu.dma_semaphore, #tpu.memory_space<semaphore_mem>>) src(%arg17 : memref<64xf32, #tpu.memory_space<vmem>>) dst(%dma_wait3A_566 : memref<10240xf32, #tpu.memory_space<vmem_shared>>)
      %dma_start3A_567 = arith.constant 5 : i32
      %dma_start3A_568 = arith.constant 0 : i32
      %dma_start3A_569 = tpu.memref_slice %arg7[%dma_start3A_567, %dma_start3A_568] : memref<8x64xi32, #tpu.memory_space<vmem>> -> memref<1x64xi32, #tpu.memory_space<vmem>>
      %dma_start3A_570 = tpu.memref_squeeze %dma_start3A_569 : memref<1x64xi32, #tpu.memory_space<vmem>> -> memref<64xi32, #tpu.memory_space<vmem>>
      %dma_start3A_571 = arith.constant 0 : i32
      %dma_start3A_572 = arith.constant 0 : i32
      %dma_start3A_573 = tpu.memref_slice %arg2[%dma_start3A_571, %dma_start3A_572] : memref<10000x128xf32, #tpu.memory_space<hbm>> -> memref<10000x128xf32, #tpu.memory_space<hbm>>
      tpu.enqueue_indirect_dma source(%dma_start3A_573 : memref<10000x128xf32, #tpu.memory_space<hbm>>) target(%arg12 : memref<64x128xf32, #tpu.memory_space<vmem>>) offsets(%dma_start3A_570 : memref<64xi32, #tpu.memory_space<vmem>>) semaphore(%arg21 : memref<!tpu.dma_semaphore, #tpu.memory_space<semaphore_mem>>)
      %dma_wait3A_574 = arith.constant 0 : i32
      %dma_wait3A_575 = arith.constant 0 : i32
      %dma_wait3A_576 = tpu.memref_slice %arg2[%dma_wait3A_574, %dma_wait3A_575] : memref<10000x128xf32, #tpu.memory_space<hbm>> -> memref<10000x128xf32, #tpu.memory_space<hbm>>
      tpu.wait_indirect_dma semaphore(%arg23 : memref<!tpu.dma_semaphore, #tpu.memory_space<semaphore_mem>>) src(%dma_wait3A_576 : memref<10000x128xf32, #tpu.memory_space<hbm>>) dst(%arg14 : memref<64x128xf32, #tpu.memory_space<vmem>>)
      %dma_start3A_577 = arith.constant 3 : i32
      %dma_start3A_578 = arith.constant 0 : i32
      %dma_start3A_579 = tpu.memref_slice %arg9[%dma_start3A_577, %dma_start3A_578] : memref<8x64xi32, #tpu.memory_space<vmem>> -> memref<1x64xi32, #tpu.memory_space<vmem>>
      %dma_start3A_580 = tpu.memref_squeeze %dma_start3A_579 : memref<1x64xi32, #tpu.memory_space<vmem>> -> memref<64xi32, #tpu.memory_space<vmem>>
      %dma_start3A_581 = arith.constant 0 : i32
      %dma_start3A_582 = arith.constant 0 : i32
      %dma_start3A_583 = tpu.memref_slice %arg18[%dma_start3A_581, %dma_start3A_582] : memref<10240x128xf32, #tpu.memory_space<vmem_shared>> -> memref<10240x128xf32, #tpu.memory_space<vmem_shared>>
      tpu.enqueue_indirect_dma source(%arg14 : memref<64x128xf32, #tpu.memory_space<vmem>>) target(%dma_start3A_583 : memref<10240x128xf32, #tpu.memory_space<vmem_shared>>) offsets(%dma_start3A_580 : memref<64xi32, #tpu.memory_space<vmem>>) semaphore(%arg27 : memref<!tpu.dma_semaphore, #tpu.memory_space<semaphore_mem>>) {add = true}
      %dma_start3A_584 = arith.constant 3 : i32
      %dma_start3A_585 = arith.constant 0 : i32
      %dma_start3A_586 = tpu.memref_slice %arg9[%dma_start3A_584, %dma_start3A_585] : memref<8x64xi32, #tpu.memory_space<vmem>> -> memref<1x64xi32, #tpu.memory_space<vmem>>
      %dma_start3A_587 = tpu.memref_squeeze %dma_start3A_586 : memref<1x64xi32, #tpu.memory_space<vmem>> -> memref<64xi32, #tpu.memory_space<vmem>>
      %dma_start3A_588 = arith.constant 0 : i32
      %dma_start3A_589 = tpu.memref_slice %arg19[%dma_start3A_588] : memref<10240xf32, #tpu.memory_space<vmem_shared>> -> memref<10240xf32, #tpu.memory_space<vmem_shared>>
      tpu.enqueue_indirect_dma source(%arg17 : memref<64xf32, #tpu.memory_space<vmem>>) target(%dma_start3A_589 : memref<10240xf32, #tpu.memory_space<vmem_shared>>) offsets(%dma_start3A_587 : memref<64xi32, #tpu.memory_space<vmem>>) semaphore(%arg31 : memref<!tpu.dma_semaphore, #tpu.memory_space<semaphore_mem>>) {add = true}
      %dma_wait3A_590 = arith.constant 0 : i32
      %dma_wait3A_591 = arith.constant 0 : i32
      %dma_wait3A_592 = tpu.memref_slice %arg18[%dma_wait3A_590, %dma_wait3A_591] : memref<10240x128xf32, #tpu.memory_space<vmem_shared>> -> memref<10240x128xf32, #tpu.memory_space<vmem_shared>>
      tpu.wait_indirect_dma semaphore(%arg26 : memref<!tpu.dma_semaphore, #tpu.memory_space<semaphore_mem>>) src(%arg13 : memref<64x128xf32, #tpu.memory_space<vmem>>) dst(%dma_wait3A_592 : memref<10240x128xf32, #tpu.memory_space<vmem_shared>>)
      %dma_wait3A_593 = arith.constant 0 : i32
      %dma_wait3A_594 = tpu.memref_slice %arg19[%dma_wait3A_593] : memref<10240xf32, #tpu.memory_space<vmem_shared>> -> memref<10240xf32, #tpu.memory_space<vmem_shared>>
      tpu.wait_indirect_dma semaphore(%arg30 : memref<!tpu.dma_semaphore, #tpu.memory_space<semaphore_mem>>) src(%arg17 : memref<64xf32, #tpu.memory_space<vmem>>) dst(%dma_wait3A_594 : memref<10240xf32, #tpu.memory_space<vmem_shared>>)
      %dma_start3A_595 = arith.constant 6 : i32
      %dma_start3A_596 = arith.constant 0 : i32
      %dma_start3A_597 = tpu.memref_slice %arg7[%dma_start3A_595, %dma_start3A_596] : memref<8x64xi32, #tpu.memory_space<vmem>> -> memref<1x64xi32, #tpu.memory_space<vmem>>
      %dma_start3A_598 = tpu.memref_squeeze %dma_start3A_597 : memref<1x64xi32, #tpu.memory_space<vmem>> -> memref<64xi32, #tpu.memory_space<vmem>>
      %dma_start3A_599 = arith.constant 0 : i32
      %dma_start3A_600 = arith.constant 0 : i32
      %dma_start3A_601 = tpu.memref_slice %arg2[%dma_start3A_599, %dma_start3A_600] : memref<10000x128xf32, #tpu.memory_space<hbm>> -> memref<10000x128xf32, #tpu.memory_space<hbm>>
      tpu.enqueue_indirect_dma source(%dma_start3A_601 : memref<10000x128xf32, #tpu.memory_space<hbm>>) target(%arg13 : memref<64x128xf32, #tpu.memory_space<vmem>>) offsets(%dma_start3A_598 : memref<64xi32, #tpu.memory_space<vmem>>) semaphore(%arg22 : memref<!tpu.dma_semaphore, #tpu.memory_space<semaphore_mem>>)
      %dma_wait3A_602 = arith.constant 0 : i32
      %dma_wait3A_603 = arith.constant 0 : i32
      %dma_wait3A_604 = tpu.memref_slice %arg2[%dma_wait3A_602, %dma_wait3A_603] : memref<10000x128xf32, #tpu.memory_space<hbm>> -> memref<10000x128xf32, #tpu.memory_space<hbm>>
      tpu.wait_indirect_dma semaphore(%arg20 : memref<!tpu.dma_semaphore, #tpu.memory_space<semaphore_mem>>) src(%dma_wait3A_604 : memref<10000x128xf32, #tpu.memory_space<hbm>>) dst(%arg11 : memref<64x128xf32, #tpu.memory_space<vmem>>)
      %dma_start3A_605 = arith.constant 4 : i32
      %dma_start3A_606 = arith.constant 0 : i32
      %dma_start3A_607 = tpu.memref_slice %arg9[%dma_start3A_605, %dma_start3A_606] : memref<8x64xi32, #tpu.memory_space<vmem>> -> memref<1x64xi32, #tpu.memory_space<vmem>>
      %dma_start3A_608 = tpu.memref_squeeze %dma_start3A_607 : memref<1x64xi32, #tpu.memory_space<vmem>> -> memref<64xi32, #tpu.memory_space<vmem>>
      %dma_start3A_609 = arith.constant 0 : i32
      %dma_start3A_610 = arith.constant 0 : i32
      %dma_start3A_611 = tpu.memref_slice %arg18[%dma_start3A_609, %dma_start3A_610] : memref<10240x128xf32, #tpu.memory_space<vmem_shared>> -> memref<10240x128xf32, #tpu.memory_space<vmem_shared>>
      tpu.enqueue_indirect_dma source(%arg11 : memref<64x128xf32, #tpu.memory_space<vmem>>) target(%dma_start3A_611 : memref<10240x128xf32, #tpu.memory_space<vmem_shared>>) offsets(%dma_start3A_608 : memref<64xi32, #tpu.memory_space<vmem>>) semaphore(%arg24 : memref<!tpu.dma_semaphore, #tpu.memory_space<semaphore_mem>>) {add = true}
      %dma_start3A_612 = arith.constant 4 : i32
      %dma_start3A_613 = arith.constant 0 : i32
      %dma_start3A_614 = tpu.memref_slice %arg9[%dma_start3A_612, %dma_start3A_613] : memref<8x64xi32, #tpu.memory_space<vmem>> -> memref<1x64xi32, #tpu.memory_space<vmem>>
      %dma_start3A_615 = tpu.memref_squeeze %dma_start3A_614 : memref<1x64xi32, #tpu.memory_space<vmem>> -> memref<64xi32, #tpu.memory_space<vmem>>
      %dma_start3A_616 = arith.constant 0 : i32
      %dma_start3A_617 = tpu.memref_slice %arg19[%dma_start3A_616] : memref<10240xf32, #tpu.memory_space<vmem_shared>> -> memref<10240xf32, #tpu.memory_space<vmem_shared>>
      tpu.enqueue_indirect_dma source(%arg17 : memref<64xf32, #tpu.memory_space<vmem>>) target(%dma_start3A_617 : memref<10240xf32, #tpu.memory_space<vmem_shared>>) offsets(%dma_start3A_615 : memref<64xi32, #tpu.memory_space<vmem>>) semaphore(%arg28 : memref<!tpu.dma_semaphore, #tpu.memory_space<semaphore_mem>>) {add = true}
      %dma_wait3A_618 = arith.constant 0 : i32
      %dma_wait3A_619 = arith.constant 0 : i32
      %dma_wait3A_620 = tpu.memref_slice %arg18[%dma_wait3A_618, %dma_wait3A_619] : memref<10240x128xf32, #tpu.memory_space<vmem_shared>> -> memref<10240x128xf32, #tpu.memory_space<vmem_shared>>
      tpu.wait_indirect_dma semaphore(%arg27 : memref<!tpu.dma_semaphore, #tpu.memory_space<semaphore_mem>>) src(%arg14 : memref<64x128xf32, #tpu.memory_space<vmem>>) dst(%dma_wait3A_620 : memref<10240x128xf32, #tpu.memory_space<vmem_shared>>)
      %dma_wait3A_621 = arith.constant 0 : i32
      %dma_wait3A_622 = tpu.memref_slice %arg19[%dma_wait3A_621] : memref<10240xf32, #tpu.memory_space<vmem_shared>> -> memref<10240xf32, #tpu.memory_space<vmem_shared>>
      tpu.wait_indirect_dma semaphore(%arg31 : memref<!tpu.dma_semaphore, #tpu.memory_space<semaphore_mem>>) src(%arg17 : memref<64xf32, #tpu.memory_space<vmem>>) dst(%dma_wait3A_622 : memref<10240xf32, #tpu.memory_space<vmem_shared>>)
      %dma_start3A_623 = arith.constant 7 : i32
      %dma_start3A_624 = arith.constant 0 : i32
      %dma_start3A_625 = tpu.memref_slice %arg7[%dma_start3A_623, %dma_start3A_624] : memref<8x64xi32, #tpu.memory_space<vmem>> -> memref<1x64xi32, #tpu.memory_space<vmem>>
      %dma_start3A_626 = tpu.memref_squeeze %dma_start3A_625 : memref<1x64xi32, #tpu.memory_space<vmem>> -> memref<64xi32, #tpu.memory_space<vmem>>
      %dma_start3A_627 = arith.constant 0 : i32
      %dma_start3A_628 = arith.constant 0 : i32
      %dma_start3A_629 = tpu.memref_slice %arg2[%dma_start3A_627, %dma_start3A_628] : memref<10000x128xf32, #tpu.memory_space<hbm>> -> memref<10000x128xf32, #tpu.memory_space<hbm>>
      tpu.enqueue_indirect_dma source(%dma_start3A_629 : memref<10000x128xf32, #tpu.memory_space<hbm>>) target(%arg14 : memref<64x128xf32, #tpu.memory_space<vmem>>) offsets(%dma_start3A_626 : memref<64xi32, #tpu.memory_space<vmem>>) semaphore(%arg23 : memref<!tpu.dma_semaphore, #tpu.memory_space<semaphore_mem>>)
      %dma_wait3A_630 = arith.constant 0 : i32
      %dma_wait3A_631 = arith.constant 0 : i32
      %dma_wait3A_632 = tpu.memref_slice %arg2[%dma_wait3A_630, %dma_wait3A_631] : memref<10000x128xf32, #tpu.memory_space<hbm>> -> memref<10000x128xf32, #tpu.memory_space<hbm>>
      tpu.wait_indirect_dma semaphore(%arg21 : memref<!tpu.dma_semaphore, #tpu.memory_space<semaphore_mem>>) src(%dma_wait3A_632 : memref<10000x128xf32, #tpu.memory_space<hbm>>) dst(%arg12 : memref<64x128xf32, #tpu.memory_space<vmem>>)
      %dma_start3A_633 = arith.constant 5 : i32
      %dma_start3A_634 = arith.constant 0 : i32
      %dma_start3A_635 = tpu.memref_slice %arg9[%dma_start3A_633, %dma_start3A_634] : memref<8x64xi32, #tpu.memory_space<vmem>> -> memref<1x64xi32, #tpu.memory_space<vmem>>
      %dma_start3A_636 = tpu.memref_squeeze %dma_start3A_635 : memref<1x64xi32, #tpu.memory_space<vmem>> -> memref<64xi32, #tpu.memory_space<vmem>>
      %dma_start3A_637 = arith.constant 0 : i32
      %dma_start3A_638 = arith.constant 0 : i32
      %dma_start3A_639 = tpu.memref_slice %arg18[%dma_start3A_637, %dma_start3A_638] : memref<10240x128xf32, #tpu.memory_space<vmem_shared>> -> memref<10240x128xf32, #tpu.memory_space<vmem_shared>>
      tpu.enqueue_indirect_dma source(%arg12 : memref<64x128xf32, #tpu.memory_space<vmem>>) target(%dma_start3A_639 : memref<10240x128xf32, #tpu.memory_space<vmem_shared>>) offsets(%dma_start3A_636 : memref<64xi32, #tpu.memory_space<vmem>>) semaphore(%arg25 : memref<!tpu.dma_semaphore, #tpu.memory_space<semaphore_mem>>) {add = true}
      %dma_start3A_640 = arith.constant 5 : i32
      %dma_start3A_641 = arith.constant 0 : i32
      %dma_start3A_642 = tpu.memref_slice %arg9[%dma_start3A_640, %dma_start3A_641] : memref<8x64xi32, #tpu.memory_space<vmem>> -> memref<1x64xi32, #tpu.memory_space<vmem>>
      %dma_start3A_643 = tpu.memref_squeeze %dma_start3A_642 : memref<1x64xi32, #tpu.memory_space<vmem>> -> memref<64xi32, #tpu.memory_space<vmem>>
      %dma_start3A_644 = arith.constant 0 : i32
      %dma_start3A_645 = tpu.memref_slice %arg19[%dma_start3A_644] : memref<10240xf32, #tpu.memory_space<vmem_shared>> -> memref<10240xf32, #tpu.memory_space<vmem_shared>>
      tpu.enqueue_indirect_dma source(%arg17 : memref<64xf32, #tpu.memory_space<vmem>>) target(%dma_start3A_645 : memref<10240xf32, #tpu.memory_space<vmem_shared>>) offsets(%dma_start3A_643 : memref<64xi32, #tpu.memory_space<vmem>>) semaphore(%arg29 : memref<!tpu.dma_semaphore, #tpu.memory_space<semaphore_mem>>) {add = true}
      %mul3A_646 = arith.constant 2 : i32
      %mul3A_647 = arith.muli %mul3A_646, %scan3A_393 : i32
      %add3A_648 = arith.constant 1 : i32
      %add3A_649 = arith.addi %mul3A_647, %add3A_648 : i32
      %mul3A_650 = arith.constant 8 : i32
      %mul3A_651 = arith.muli %add3A_649, %mul3A_650 : i32
      %add3A_652 = arith.addi %mul3A_2, %mul3A_651 : i32
      %dma_wait3A_653 = arith.constant 0 : i32
      %dma_wait3A_654 = tpu.memref_slice %arg3[%add3A_652, %dma_wait3A_653] : memref<5128x64xi32, #tpu.memory_space<hbm>> -> memref<8x64xi32, #tpu.memory_space<hbm>>
      %dma_wait3A_655 = arith.constant 0 : i32
      %dma_wait3A_656 = tpu.memref_slice %arg3[%add3A_652, %dma_wait3A_655] : memref<5128x64xi32, #tpu.memory_space<hbm>> -> memref<8x64xi32, #tpu.memory_space<hbm>>
      tpu.wait_dma2 semaphore(%arg33 : memref<!tpu.dma_semaphore, #tpu.memory_space<semaphore_mem>>) src(%dma_wait3A_656 : memref<8x64xi32, #tpu.memory_space<hbm>>) dst(%arg8 : memref<8x64xi32, #tpu.memory_space<vmem>>)
      %dma_wait3A_657 = arith.constant 0 : i32
      %dma_wait3A_658 = tpu.memref_slice %arg4[%add3A_652, %dma_wait3A_657] : memref<5128x64xi32, #tpu.memory_space<hbm>> -> memref<8x64xi32, #tpu.memory_space<hbm>>
      %dma_wait3A_659 = arith.constant 0 : i32
      %dma_wait3A_660 = tpu.memref_slice %arg4[%add3A_652, %dma_wait3A_659] : memref<5128x64xi32, #tpu.memory_space<hbm>> -> memref<8x64xi32, #tpu.memory_space<hbm>>
      tpu.wait_dma2 semaphore(%arg33 : memref<!tpu.dma_semaphore, #tpu.memory_space<semaphore_mem>>) src(%dma_wait3A_660 : memref<8x64xi32, #tpu.memory_space<hbm>>) dst(%arg10 : memref<8x64xi32, #tpu.memory_space<vmem>>)
      %dma_wait3A_661 = arith.constant 0 : i32
      %dma_wait3A_662 = arith.constant 0 : i32
      %dma_wait3A_663 = tpu.memref_slice %arg18[%dma_wait3A_661, %dma_wait3A_662] : memref<10240x128xf32, #tpu.memory_space<vmem_shared>> -> memref<10240x128xf32, #tpu.memory_space<vmem_shared>>
      tpu.wait_indirect_dma semaphore(%arg24 : memref<!tpu.dma_semaphore, #tpu.memory_space<semaphore_mem>>) src(%arg11 : memref<64x128xf32, #tpu.memory_space<vmem>>) dst(%dma_wait3A_663 : memref<10240x128xf32, #tpu.memory_space<vmem_shared>>)
      %dma_wait3A_664 = arith.constant 0 : i32
      %dma_wait3A_665 = tpu.memref_slice %arg19[%dma_wait3A_664] : memref<10240xf32, #tpu.memory_space<vmem_shared>> -> memref<10240xf32, #tpu.memory_space<vmem_shared>>
      tpu.wait_indirect_dma semaphore(%arg28 : memref<!tpu.dma_semaphore, #tpu.memory_space<semaphore_mem>>) src(%arg17 : memref<64xf32, #tpu.memory_space<vmem>>) dst(%dma_wait3A_665 : memref<10240xf32, #tpu.memory_space<vmem_shared>>)
      %dma_start3A_666 = arith.constant 0 : i32
      %dma_start3A_667 = arith.constant 0 : i32
      %dma_start3A_668 = tpu.memref_slice %arg8[%dma_start3A_666, %dma_start3A_667] : memref<8x64xi32, #tpu.memory_space<vmem>> -> memref<1x64xi32, #tpu.memory_space<vmem>>
      %dma_start3A_669 = tpu.memref_squeeze %dma_start3A_668 : memref<1x64xi32, #tpu.memory_space<vmem>> -> memref<64xi32, #tpu.memory_space<vmem>>
      %dma_start3A_670 = arith.constant 0 : i32
      %dma_start3A_671 = arith.constant 0 : i32
      %dma_start3A_672 = tpu.memref_slice %arg2[%dma_start3A_670, %dma_start3A_671] : memref<10000x128xf32, #tpu.memory_space<hbm>> -> memref<10000x128xf32, #tpu.memory_space<hbm>>
      tpu.enqueue_indirect_dma source(%dma_start3A_672 : memref<10000x128xf32, #tpu.memory_space<hbm>>) target(%arg11 : memref<64x128xf32, #tpu.memory_space<vmem>>) offsets(%dma_start3A_669 : memref<64xi32, #tpu.memory_space<vmem>>) semaphore(%arg20 : memref<!tpu.dma_semaphore, #tpu.memory_space<semaphore_mem>>)
      %dma_wait3A_673 = arith.constant 0 : i32
      %dma_wait3A_674 = arith.constant 0 : i32
      %dma_wait3A_675 = tpu.memref_slice %arg2[%dma_wait3A_673, %dma_wait3A_674] : memref<10000x128xf32, #tpu.memory_space<hbm>> -> memref<10000x128xf32, #tpu.memory_space<hbm>>
      tpu.wait_indirect_dma semaphore(%arg22 : memref<!tpu.dma_semaphore, #tpu.memory_space<semaphore_mem>>) src(%dma_wait3A_675 : memref<10000x128xf32, #tpu.memory_space<hbm>>) dst(%arg13 : memref<64x128xf32, #tpu.memory_space<vmem>>)
      %dma_start3A_676 = arith.constant 6 : i32
      %dma_start3A_677 = arith.constant 0 : i32
      %dma_start3A_678 = tpu.memref_slice %arg9[%dma_start3A_676, %dma_start3A_677] : memref<8x64xi32, #tpu.memory_space<vmem>> -> memref<1x64xi32, #tpu.memory_space<vmem>>
      %dma_start3A_679 = tpu.memref_squeeze %dma_start3A_678 : memref<1x64xi32, #tpu.memory_space<vmem>> -> memref<64xi32, #tpu.memory_space<vmem>>
      %dma_start3A_680 = arith.constant 0 : i32
      %dma_start3A_681 = arith.constant 0 : i32
      %dma_start3A_682 = tpu.memref_slice %arg18[%dma_start3A_680, %dma_start3A_681] : memref<10240x128xf32, #tpu.memory_space<vmem_shared>> -> memref<10240x128xf32, #tpu.memory_space<vmem_shared>>
      tpu.enqueue_indirect_dma source(%arg13 : memref<64x128xf32, #tpu.memory_space<vmem>>) target(%dma_start3A_682 : memref<10240x128xf32, #tpu.memory_space<vmem_shared>>) offsets(%dma_start3A_679 : memref<64xi32, #tpu.memory_space<vmem>>) semaphore(%arg26 : memref<!tpu.dma_semaphore, #tpu.memory_space<semaphore_mem>>) {add = true}
      %dma_start3A_683 = arith.constant 6 : i32
      %dma_start3A_684 = arith.constant 0 : i32
      %dma_start3A_685 = tpu.memref_slice %arg9[%dma_start3A_683, %dma_start3A_684] : memref<8x64xi32, #tpu.memory_space<vmem>> -> memref<1x64xi32, #tpu.memory_space<vmem>>
      %dma_start3A_686 = tpu.memref_squeeze %dma_start3A_685 : memref<1x64xi32, #tpu.memory_space<vmem>> -> memref<64xi32, #tpu.memory_space<vmem>>
      %dma_start3A_687 = arith.constant 0 : i32
      %dma_start3A_688 = tpu.memref_slice %arg19[%dma_start3A_687] : memref<10240xf32, #tpu.memory_space<vmem_shared>> -> memref<10240xf32, #tpu.memory_space<vmem_shared>>
      tpu.enqueue_indirect_dma source(%arg17 : memref<64xf32, #tpu.memory_space<vmem>>) target(%dma_start3A_688 : memref<10240xf32, #tpu.memory_space<vmem_shared>>) offsets(%dma_start3A_686 : memref<64xi32, #tpu.memory_space<vmem>>) semaphore(%arg30 : memref<!tpu.dma_semaphore, #tpu.memory_space<semaphore_mem>>) {add = true}
      %dma_wait3A_689 = arith.constant 0 : i32
      %dma_wait3A_690 = arith.constant 0 : i32
      %dma_wait3A_691 = tpu.memref_slice %arg18[%dma_wait3A_689, %dma_wait3A_690] : memref<10240x128xf32, #tpu.memory_space<vmem_shared>> -> memref<10240x128xf32, #tpu.memory_space<vmem_shared>>
      tpu.wait_indirect_dma semaphore(%arg25 : memref<!tpu.dma_semaphore, #tpu.memory_space<semaphore_mem>>) src(%arg12 : memref<64x128xf32, #tpu.memory_space<vmem>>) dst(%dma_wait3A_691 : memref<10240x128xf32, #tpu.memory_space<vmem_shared>>)
      %dma_wait3A_692 = arith.constant 0 : i32
      %dma_wait3A_693 = tpu.memref_slice %arg19[%dma_wait3A_692] : memref<10240xf32, #tpu.memory_space<vmem_shared>> -> memref<10240xf32, #tpu.memory_space<vmem_shared>>
      tpu.wait_indirect_dma semaphore(%arg29 : memref<!tpu.dma_semaphore, #tpu.memory_space<semaphore_mem>>) src(%arg17 : memref<64xf32, #tpu.memory_space<vmem>>) dst(%dma_wait3A_693 : memref<10240xf32, #tpu.memory_space<vmem_shared>>)
      %dma_start3A_694 = arith.constant 1 : i32
      %dma_start3A_695 = arith.constant 0 : i32
      %dma_start3A_696 = tpu.memref_slice %arg8[%dma_start3A_694, %dma_start3A_695] : memref<8x64xi32, #tpu.memory_space<vmem>> -> memref<1x64xi32, #tpu.memory_space<vmem>>
      %dma_start3A_697 = tpu.memref_squeeze %dma_start3A_696 : memref<1x64xi32, #tpu.memory_space<vmem>> -> memref<64xi32, #tpu.memory_space<vmem>>
      %dma_start3A_698 = arith.constant 0 : i32
      %dma_start3A_699 = arith.constant 0 : i32
      %dma_start3A_700 = tpu.memref_slice %arg2[%dma_start3A_698, %dma_start3A_699] : memref<10000x128xf32, #tpu.memory_space<hbm>> -> memref<10000x128xf32, #tpu.memory_space<hbm>>
      tpu.enqueue_indirect_dma source(%dma_start3A_700 : memref<10000x128xf32, #tpu.memory_space<hbm>>) target(%arg12 : memref<64x128xf32, #tpu.memory_space<vmem>>) offsets(%dma_start3A_697 : memref<64xi32, #tpu.memory_space<vmem>>) semaphore(%arg21 : memref<!tpu.dma_semaphore, #tpu.memory_space<semaphore_mem>>)
      %dma_wait3A_701 = arith.constant 0 : i32
      %dma_wait3A_702 = arith.constant 0 : i32
      %dma_wait3A_703 = tpu.memref_slice %arg2[%dma_wait3A_701, %dma_wait3A_702] : memref<10000x128xf32, #tpu.memory_space<hbm>> -> memref<10000x128xf32, #tpu.memory_space<hbm>>
      tpu.wait_indirect_dma semaphore(%arg23 : memref<!tpu.dma_semaphore, #tpu.memory_space<semaphore_mem>>) src(%dma_wait3A_703 : memref<10000x128xf32, #tpu.memory_space<hbm>>) dst(%arg14 : memref<64x128xf32, #tpu.memory_space<vmem>>)
      %dma_start3A_704 = arith.constant 7 : i32
      %dma_start3A_705 = arith.constant 0 : i32
      %dma_start3A_706 = tpu.memref_slice %arg9[%dma_start3A_704, %dma_start3A_705] : memref<8x64xi32, #tpu.memory_space<vmem>> -> memref<1x64xi32, #tpu.memory_space<vmem>>
      %dma_start3A_707 = tpu.memref_squeeze %dma_start3A_706 : memref<1x64xi32, #tpu.memory_space<vmem>> -> memref<64xi32, #tpu.memory_space<vmem>>
      %dma_start3A_708 = arith.constant 0 : i32
      %dma_start3A_709 = arith.constant 0 : i32
      %dma_start3A_710 = tpu.memref_slice %arg18[%dma_start3A_708, %dma_start3A_709] : memref<10240x128xf32, #tpu.memory_space<vmem_shared>> -> memref<10240x128xf32, #tpu.memory_space<vmem_shared>>
      tpu.enqueue_indirect_dma source(%arg14 : memref<64x128xf32, #tpu.memory_space<vmem>>) target(%dma_start3A_710 : memref<10240x128xf32, #tpu.memory_space<vmem_shared>>) offsets(%dma_start3A_707 : memref<64xi32, #tpu.memory_space<vmem>>) semaphore(%arg27 : memref<!tpu.dma_semaphore, #tpu.memory_space<semaphore_mem>>) {add = true}
      %dma_start3A_711 = arith.constant 7 : i32
      %dma_start3A_712 = arith.constant 0 : i32
      %dma_start3A_713 = tpu.memref_slice %arg9[%dma_start3A_711, %dma_start3A_712] : memref<8x64xi32, #tpu.memory_space<vmem>> -> memref<1x64xi32, #tpu.memory_space<vmem>>
      %dma_start3A_714 = tpu.memref_squeeze %dma_start3A_713 : memref<1x64xi32, #tpu.memory_space<vmem>> -> memref<64xi32, #tpu.memory_space<vmem>>
      %dma_start3A_715 = arith.constant 0 : i32
      %dma_start3A_716 = tpu.memref_slice %arg19[%dma_start3A_715] : memref<10240xf32, #tpu.memory_space<vmem_shared>> -> memref<10240xf32, #tpu.memory_space<vmem_shared>>
      tpu.enqueue_indirect_dma source(%arg17 : memref<64xf32, #tpu.memory_space<vmem>>) target(%dma_start3A_716 : memref<10240xf32, #tpu.memory_space<vmem_shared>>) offsets(%dma_start3A_714 : memref<64xi32, #tpu.memory_space<vmem>>) semaphore(%arg31 : memref<!tpu.dma_semaphore, #tpu.memory_space<semaphore_mem>>) {add = true}
      %dma_wait3A_717 = arith.constant 0 : i32
      %dma_wait3A_718 = arith.constant 0 : i32
      %dma_wait3A_719 = tpu.memref_slice %arg18[%dma_wait3A_717, %dma_wait3A_718] : memref<10240x128xf32, #tpu.memory_space<vmem_shared>> -> memref<10240x128xf32, #tpu.memory_space<vmem_shared>>
      tpu.wait_indirect_dma semaphore(%arg26 : memref<!tpu.dma_semaphore, #tpu.memory_space<semaphore_mem>>) src(%arg13 : memref<64x128xf32, #tpu.memory_space<vmem>>) dst(%dma_wait3A_719 : memref<10240x128xf32, #tpu.memory_space<vmem_shared>>)
      %dma_wait3A_720 = arith.constant 0 : i32
      %dma_wait3A_721 = tpu.memref_slice %arg19[%dma_wait3A_720] : memref<10240xf32, #tpu.memory_space<vmem_shared>> -> memref<10240xf32, #tpu.memory_space<vmem_shared>>
      tpu.wait_indirect_dma semaphore(%arg30 : memref<!tpu.dma_semaphore, #tpu.memory_space<semaphore_mem>>) src(%arg17 : memref<64xf32, #tpu.memory_space<vmem>>) dst(%dma_wait3A_721 : memref<10240xf32, #tpu.memory_space<vmem_shared>>)
      %dma_start3A_722 = arith.constant 2 : i32
      %dma_start3A_723 = arith.constant 0 : i32
      %dma_start3A_724 = tpu.memref_slice %arg8[%dma_start3A_722, %dma_start3A_723] : memref<8x64xi32, #tpu.memory_space<vmem>> -> memref<1x64xi32, #tpu.memory_space<vmem>>
      %dma_start3A_725 = tpu.memref_squeeze %dma_start3A_724 : memref<1x64xi32, #tpu.memory_space<vmem>> -> memref<64xi32, #tpu.memory_space<vmem>>
      %dma_start3A_726 = arith.constant 0 : i32
      %dma_start3A_727 = arith.constant 0 : i32
      %dma_start3A_728 = tpu.memref_slice %arg2[%dma_start3A_726, %dma_start3A_727] : memref<10000x128xf32, #tpu.memory_space<hbm>> -> memref<10000x128xf32, #tpu.memory_space<hbm>>
      tpu.enqueue_indirect_dma source(%dma_start3A_728 : memref<10000x128xf32, #tpu.memory_space<hbm>>) target(%arg13 : memref<64x128xf32, #tpu.memory_space<vmem>>) offsets(%dma_start3A_725 : memref<64xi32, #tpu.memory_space<vmem>>) semaphore(%arg22 : memref<!tpu.dma_semaphore, #tpu.memory_space<semaphore_mem>>)
      %dma_wait3A_729 = arith.constant 0 : i32
      %dma_wait3A_730 = arith.constant 0 : i32
      %dma_wait3A_731 = tpu.memref_slice %arg2[%dma_wait3A_729, %dma_wait3A_730] : memref<10000x128xf32, #tpu.memory_space<hbm>> -> memref<10000x128xf32, #tpu.memory_space<hbm>>
      tpu.wait_indirect_dma semaphore(%arg20 : memref<!tpu.dma_semaphore, #tpu.memory_space<semaphore_mem>>) src(%dma_wait3A_731 : memref<10000x128xf32, #tpu.memory_space<hbm>>) dst(%arg11 : memref<64x128xf32, #tpu.memory_space<vmem>>)
      %dma_start3A_732 = arith.constant 0 : i32
      %dma_start3A_733 = arith.constant 0 : i32
      %dma_start3A_734 = tpu.memref_slice %arg10[%dma_start3A_732, %dma_start3A_733] : memref<8x64xi32, #tpu.memory_space<vmem>> -> memref<1x64xi32, #tpu.memory_space<vmem>>
      %dma_start3A_735 = tpu.memref_squeeze %dma_start3A_734 : memref<1x64xi32, #tpu.memory_space<vmem>> -> memref<64xi32, #tpu.memory_space<vmem>>
      %dma_start3A_736 = arith.constant 0 : i32
      %dma_start3A_737 = arith.constant 0 : i32
      %dma_start3A_738 = tpu.memref_slice %arg18[%dma_start3A_736, %dma_start3A_737] : memref<10240x128xf32, #tpu.memory_space<vmem_shared>> -> memref<10240x128xf32, #tpu.memory_space<vmem_shared>>
      tpu.enqueue_indirect_dma source(%arg11 : memref<64x128xf32, #tpu.memory_space<vmem>>) target(%dma_start3A_738 : memref<10240x128xf32, #tpu.memory_space<vmem_shared>>) offsets(%dma_start3A_735 : memref<64xi32, #tpu.memory_space<vmem>>) semaphore(%arg24 : memref<!tpu.dma_semaphore, #tpu.memory_space<semaphore_mem>>) {add = true}
      %dma_start3A_739 = arith.constant 0 : i32
      %dma_start3A_740 = arith.constant 0 : i32
      %dma_start3A_741 = tpu.memref_slice %arg10[%dma_start3A_739, %dma_start3A_740] : memref<8x64xi32, #tpu.memory_space<vmem>> -> memref<1x64xi32, #tpu.memory_space<vmem>>
      %dma_start3A_742 = tpu.memref_squeeze %dma_start3A_741 : memref<1x64xi32, #tpu.memory_space<vmem>> -> memref<64xi32, #tpu.memory_space<vmem>>
      %dma_start3A_743 = arith.constant 0 : i32
      %dma_start3A_744 = tpu.memref_slice %arg19[%dma_start3A_743] : memref<10240xf32, #tpu.memory_space<vmem_shared>> -> memref<10240xf32, #tpu.memory_space<vmem_shared>>
      tpu.enqueue_indirect_dma source(%arg17 : memref<64xf32, #tpu.memory_space<vmem>>) target(%dma_start3A_744 : memref<10240xf32, #tpu.memory_space<vmem_shared>>) offsets(%dma_start3A_742 : memref<64xi32, #tpu.memory_space<vmem>>) semaphore(%arg28 : memref<!tpu.dma_semaphore, #tpu.memory_space<semaphore_mem>>) {add = true}
      %dma_wait3A_745 = arith.constant 0 : i32
      %dma_wait3A_746 = arith.constant 0 : i32
      %dma_wait3A_747 = tpu.memref_slice %arg18[%dma_wait3A_745, %dma_wait3A_746] : memref<10240x128xf32, #tpu.memory_space<vmem_shared>> -> memref<10240x128xf32, #tpu.memory_space<vmem_shared>>
      tpu.wait_indirect_dma semaphore(%arg27 : memref<!tpu.dma_semaphore, #tpu.memory_space<semaphore_mem>>) src(%arg14 : memref<64x128xf32, #tpu.memory_space<vmem>>) dst(%dma_wait3A_747 : memref<10240x128xf32, #tpu.memory_space<vmem_shared>>)
      %dma_wait3A_748 = arith.constant 0 : i32
      %dma_wait3A_749 = tpu.memref_slice %arg19[%dma_wait3A_748] : memref<10240xf32, #tpu.memory_space<vmem_shared>> -> memref<10240xf32, #tpu.memory_space<vmem_shared>>
      tpu.wait_indirect_dma semaphore(%arg31 : memref<!tpu.dma_semaphore, #tpu.memory_space<semaphore_mem>>) src(%arg17 : memref<64xf32, #tpu.memory_space<vmem>>) dst(%dma_wait3A_749 : memref<10240xf32, #tpu.memory_space<vmem_shared>>)
      %dma_start3A_750 = arith.constant 3 : i32
      %dma_start3A_751 = arith.constant 0 : i32
      %dma_start3A_752 = tpu.memref_slice %arg8[%dma_start3A_750, %dma_start3A_751] : memref<8x64xi32, #tpu.memory_space<vmem>> -> memref<1x64xi32, #tpu.memory_space<vmem>>
      %dma_start3A_753 = tpu.memref_squeeze %dma_start3A_752 : memref<1x64xi32, #tpu.memory_space<vmem>> -> memref<64xi32, #tpu.memory_space<vmem>>
      %dma_start3A_754 = arith.constant 0 : i32
      %dma_start3A_755 = arith.constant 0 : i32
      %dma_start3A_756 = tpu.memref_slice %arg2[%dma_start3A_754, %dma_start3A_755] : memref<10000x128xf32, #tpu.memory_space<hbm>> -> memref<10000x128xf32, #tpu.memory_space<hbm>>
      tpu.enqueue_indirect_dma source(%dma_start3A_756 : memref<10000x128xf32, #tpu.memory_space<hbm>>) target(%arg14 : memref<64x128xf32, #tpu.memory_space<vmem>>) offsets(%dma_start3A_753 : memref<64xi32, #tpu.memory_space<vmem>>) semaphore(%arg23 : memref<!tpu.dma_semaphore, #tpu.memory_space<semaphore_mem>>)
      %dma_wait3A_757 = arith.constant 0 : i32
      %dma_wait3A_758 = arith.constant 0 : i32
      %dma_wait3A_759 = tpu.memref_slice %arg2[%dma_wait3A_757, %dma_wait3A_758] : memref<10000x128xf32, #tpu.memory_space<hbm>> -> memref<10000x128xf32, #tpu.memory_space<hbm>>
      tpu.wait_indirect_dma semaphore(%arg21 : memref<!tpu.dma_semaphore, #tpu.memory_space<semaphore_mem>>) src(%dma_wait3A_759 : memref<10000x128xf32, #tpu.memory_space<hbm>>) dst(%arg12 : memref<64x128xf32, #tpu.memory_space<vmem>>)
      %dma_start3A_760 = arith.constant 1 : i32
      %dma_start3A_761 = arith.constant 0 : i32
      %dma_start3A_762 = tpu.memref_slice %arg10[%dma_start3A_760, %dma_start3A_761] : memref<8x64xi32, #tpu.memory_space<vmem>> -> memref<1x64xi32, #tpu.memory_space<vmem>>
      %dma_start3A_763 = tpu.memref_squeeze %dma_start3A_762 : memref<1x64xi32, #tpu.memory_space<vmem>> -> memref<64xi32, #tpu.memory_space<vmem>>
      %dma_start3A_764 = arith.constant 0 : i32
      %dma_start3A_765 = arith.constant 0 : i32
      %dma_start3A_766 = tpu.memref_slice %arg18[%dma_start3A_764, %dma_start3A_765] : memref<10240x128xf32, #tpu.memory_space<vmem_shared>> -> memref<10240x128xf32, #tpu.memory_space<vmem_shared>>
      tpu.enqueue_indirect_dma source(%arg12 : memref<64x128xf32, #tpu.memory_space<vmem>>) target(%dma_start3A_766 : memref<10240x128xf32, #tpu.memory_space<vmem_shared>>) offsets(%dma_start3A_763 : memref<64xi32, #tpu.memory_space<vmem>>) semaphore(%arg25 : memref<!tpu.dma_semaphore, #tpu.memory_space<semaphore_mem>>) {add = true}
      %dma_start3A_767 = arith.constant 1 : i32
      %dma_start3A_768 = arith.constant 0 : i32
      %dma_start3A_769 = tpu.memref_slice %arg10[%dma_start3A_767, %dma_start3A_768] : memref<8x64xi32, #tpu.memory_space<vmem>> -> memref<1x64xi32, #tpu.memory_space<vmem>>
      %dma_start3A_770 = tpu.memref_squeeze %dma_start3A_769 : memref<1x64xi32, #tpu.memory_space<vmem>> -> memref<64xi32, #tpu.memory_space<vmem>>
      %dma_start3A_771 = arith.constant 0 : i32
      %dma_start3A_772 = tpu.memref_slice %arg19[%dma_start3A_771] : memref<10240xf32, #tpu.memory_space<vmem_shared>> -> memref<10240xf32, #tpu.memory_space<vmem_shared>>
      tpu.enqueue_indirect_dma source(%arg17 : memref<64xf32, #tpu.memory_space<vmem>>) target(%dma_start3A_772 : memref<10240xf32, #tpu.memory_space<vmem_shared>>) offsets(%dma_start3A_770 : memref<64xi32, #tpu.memory_space<vmem>>) semaphore(%arg29 : memref<!tpu.dma_semaphore, #tpu.memory_space<semaphore_mem>>) {add = true}
      %add3A_773 = arith.constant 1 : i32
      %add3A_774 = arith.addi %add3A_649, %add3A_773 : i32
      %mul3A_775 = arith.constant 8 : i32
      %mul3A_776 = arith.muli %add3A_774, %mul3A_775 : i32
      %add3A_777 = arith.addi %mul3A_2, %mul3A_776 : i32
      %dma_start3A_778 = arith.constant 0 : i32
      %dma_start3A_779 = tpu.memref_slice %arg3[%add3A_777, %dma_start3A_778] : memref<5128x64xi32, #tpu.memory_space<hbm>> -> memref<8x64xi32, #tpu.memory_space<hbm>>
      %dma_start3A_780 = arith.constant 0 : i32
      %dma_start3A_781 = tpu.memref_slice %arg3[%add3A_777, %dma_start3A_780] : memref<5128x64xi32, #tpu.memory_space<hbm>> -> memref<8x64xi32, #tpu.memory_space<hbm>>
      tpu.enqueue_dma source(%dma_start3A_781 : memref<8x64xi32, #tpu.memory_space<hbm>>) target(%arg7 : memref<8x64xi32, #tpu.memory_space<vmem>>) target_semaphore(%arg32 : memref<!tpu.dma_semaphore, #tpu.memory_space<semaphore_mem>>)
      %dma_start3A_782 = arith.constant 0 : i32
      %dma_start3A_783 = tpu.memref_slice %arg4[%add3A_777, %dma_start3A_782] : memref<5128x64xi32, #tpu.memory_space<hbm>> -> memref<8x64xi32, #tpu.memory_space<hbm>>
      %dma_start3A_784 = arith.constant 0 : i32
      %dma_start3A_785 = tpu.memref_slice %arg4[%add3A_777, %dma_start3A_784] : memref<5128x64xi32, #tpu.memory_space<hbm>> -> memref<8x64xi32, #tpu.memory_space<hbm>>
      tpu.enqueue_dma source(%dma_start3A_785 : memref<8x64xi32, #tpu.memory_space<hbm>>) target(%arg9 : memref<8x64xi32, #tpu.memory_space<vmem>>) target_semaphore(%arg32 : memref<!tpu.dma_semaphore, #tpu.memory_space<semaphore_mem>>)
      %dma_wait3A_786 = arith.constant 0 : i32
      %dma_wait3A_787 = arith.constant 0 : i32
      %dma_wait3A_788 = tpu.memref_slice %arg18[%dma_wait3A_786, %dma_wait3A_787] : memref<10240x128xf32, #tpu.memory_space<vmem_shared>> -> memref<10240x128xf32, #tpu.memory_space<vmem_shared>>
      tpu.wait_indirect_dma semaphore(%arg24 : memref<!tpu.dma_semaphore, #tpu.memory_space<semaphore_mem>>) src(%arg11 : memref<64x128xf32, #tpu.memory_space<vmem>>) dst(%dma_wait3A_788 : memref<10240x128xf32, #tpu.memory_space<vmem_shared>>)
      %dma_wait3A_789 = arith.constant 0 : i32
      %dma_wait3A_790 = tpu.memref_slice %arg19[%dma_wait3A_789] : memref<10240xf32, #tpu.memory_space<vmem_shared>> -> memref<10240xf32, #tpu.memory_space<vmem_shared>>
      tpu.wait_indirect_dma semaphore(%arg28 : memref<!tpu.dma_semaphore, #tpu.memory_space<semaphore_mem>>) src(%arg17 : memref<64xf32, #tpu.memory_space<vmem>>) dst(%dma_wait3A_790 : memref<10240xf32, #tpu.memory_space<vmem_shared>>)
      %dma_start3A_791 = arith.constant 4 : i32
      %dma_start3A_792 = arith.constant 0 : i32
      %dma_start3A_793 = tpu.memref_slice %arg8[%dma_start3A_791, %dma_start3A_792] : memref<8x64xi32, #tpu.memory_space<vmem>> -> memref<1x64xi32, #tpu.memory_space<vmem>>
      %dma_start3A_794 = tpu.memref_squeeze %dma_start3A_793 : memref<1x64xi32, #tpu.memory_space<vmem>> -> memref<64xi32, #tpu.memory_space<vmem>>
      %dma_start3A_795 = arith.constant 0 : i32
      %dma_start3A_796 = arith.constant 0 : i32
      %dma_start3A_797 = tpu.memref_slice %arg2[%dma_start3A_795, %dma_start3A_796] : memref<10000x128xf32, #tpu.memory_space<hbm>> -> memref<10000x128xf32, #tpu.memory_space<hbm>>
      tpu.enqueue_indirect_dma source(%dma_start3A_797 : memref<10000x128xf32, #tpu.memory_space<hbm>>) target(%arg11 : memref<64x128xf32, #tpu.memory_space<vmem>>) offsets(%dma_start3A_794 : memref<64xi32, #tpu.memory_space<vmem>>) semaphore(%arg20 : memref<!tpu.dma_semaphore, #tpu.memory_space<semaphore_mem>>)
      %dma_wait3A_798 = arith.constant 0 : i32
      %dma_wait3A_799 = arith.constant 0 : i32
      %dma_wait3A_800 = tpu.memref_slice %arg2[%dma_wait3A_798, %dma_wait3A_799] : memref<10000x128xf32, #tpu.memory_space<hbm>> -> memref<10000x128xf32, #tpu.memory_space<hbm>>
      tpu.wait_indirect_dma semaphore(%arg22 : memref<!tpu.dma_semaphore, #tpu.memory_space<semaphore_mem>>) src(%dma_wait3A_800 : memref<10000x128xf32, #tpu.memory_space<hbm>>) dst(%arg13 : memref<64x128xf32, #tpu.memory_space<vmem>>)
      %dma_start3A_801 = arith.constant 2 : i32
      %dma_start3A_802 = arith.constant 0 : i32
      %dma_start3A_803 = tpu.memref_slice %arg10[%dma_start3A_801, %dma_start3A_802] : memref<8x64xi32, #tpu.memory_space<vmem>> -> memref<1x64xi32, #tpu.memory_space<vmem>>
      %dma_start3A_804 = tpu.memref_squeeze %dma_start3A_803 : memref<1x64xi32, #tpu.memory_space<vmem>> -> memref<64xi32, #tpu.memory_space<vmem>>
      %dma_start3A_805 = arith.constant 0 : i32
      %dma_start3A_806 = arith.constant 0 : i32
      %dma_start3A_807 = tpu.memref_slice %arg18[%dma_start3A_805, %dma_start3A_806] : memref<10240x128xf32, #tpu.memory_space<vmem_shared>> -> memref<10240x128xf32, #tpu.memory_space<vmem_shared>>
      tpu.enqueue_indirect_dma source(%arg13 : memref<64x128xf32, #tpu.memory_space<vmem>>) target(%dma_start3A_807 : memref<10240x128xf32, #tpu.memory_space<vmem_shared>>) offsets(%dma_start3A_804 : memref<64xi32, #tpu.memory_space<vmem>>) semaphore(%arg26 : memref<!tpu.dma_semaphore, #tpu.memory_space<semaphore_mem>>) {add = true}
      %dma_start3A_808 = arith.constant 2 : i32
      %dma_start3A_809 = arith.constant 0 : i32
      %dma_start3A_810 = tpu.memref_slice %arg10[%dma_start3A_808, %dma_start3A_809] : memref<8x64xi32, #tpu.memory_space<vmem>> -> memref<1x64xi32, #tpu.memory_space<vmem>>
      %dma_start3A_811 = tpu.memref_squeeze %dma_start3A_810 : memref<1x64xi32, #tpu.memory_space<vmem>> -> memref<64xi32, #tpu.memory_space<vmem>>
      %dma_start3A_812 = arith.constant 0 : i32
      %dma_start3A_813 = tpu.memref_slice %arg19[%dma_start3A_812] : memref<10240xf32, #tpu.memory_space<vmem_shared>> -> memref<10240xf32, #tpu.memory_space<vmem_shared>>
      tpu.enqueue_indirect_dma source(%arg17 : memref<64xf32, #tpu.memory_space<vmem>>) target(%dma_start3A_813 : memref<10240xf32, #tpu.memory_space<vmem_shared>>) offsets(%dma_start3A_811 : memref<64xi32, #tpu.memory_space<vmem>>) semaphore(%arg30 : memref<!tpu.dma_semaphore, #tpu.memory_space<semaphore_mem>>) {add = true}
      %dma_wait3A_814 = arith.constant 0 : i32
      %dma_wait3A_815 = arith.constant 0 : i32
      %dma_wait3A_816 = tpu.memref_slice %arg18[%dma_wait3A_814, %dma_wait3A_815] : memref<10240x128xf32, #tpu.memory_space<vmem_shared>> -> memref<10240x128xf32, #tpu.memory_space<vmem_shared>>
      tpu.wait_indirect_dma semaphore(%arg25 : memref<!tpu.dma_semaphore, #tpu.memory_space<semaphore_mem>>) src(%arg12 : memref<64x128xf32, #tpu.memory_space<vmem>>) dst(%dma_wait3A_816 : memref<10240x128xf32, #tpu.memory_space<vmem_shared>>)
      %dma_wait3A_817 = arith.constant 0 : i32
      %dma_wait3A_818 = tpu.memref_slice %arg19[%dma_wait3A_817] : memref<10240xf32, #tpu.memory_space<vmem_shared>> -> memref<10240xf32, #tpu.memory_space<vmem_shared>>
      tpu.wait_indirect_dma semaphore(%arg29 : memref<!tpu.dma_semaphore, #tpu.memory_space<semaphore_mem>>) src(%arg17 : memref<64xf32, #tpu.memory_space<vmem>>) dst(%dma_wait3A_818 : memref<10240xf32, #tpu.memory_space<vmem_shared>>)
      %dma_start3A_819 = arith.constant 5 : i32
      %dma_start3A_820 = arith.constant 0 : i32
      %dma_start3A_821 = tpu.memref_slice %arg8[%dma_start3A_819, %dma_start3A_820] : memref<8x64xi32, #tpu.memory_space<vmem>> -> memref<1x64xi32, #tpu.memory_space<vmem>>
      %dma_start3A_822 = tpu.memref_squeeze %dma_start3A_821 : memref<1x64xi32, #tpu.memory_space<vmem>> -> memref<64xi32, #tpu.memory_space<vmem>>
      %dma_start3A_823 = arith.constant 0 : i32
      %dma_start3A_824 = arith.constant 0 : i32
      %dma_start3A_825 = tpu.memref_slice %arg2[%dma_start3A_823, %dma_start3A_824] : memref<10000x128xf32, #tpu.memory_space<hbm>> -> memref<10000x128xf32, #tpu.memory_space<hbm>>
      tpu.enqueue_indirect_dma source(%dma_start3A_825 : memref<10000x128xf32, #tpu.memory_space<hbm>>) target(%arg12 : memref<64x128xf32, #tpu.memory_space<vmem>>) offsets(%dma_start3A_822 : memref<64xi32, #tpu.memory_space<vmem>>) semaphore(%arg21 : memref<!tpu.dma_semaphore, #tpu.memory_space<semaphore_mem>>)
      %dma_wait3A_826 = arith.constant 0 : i32
      %dma_wait3A_827 = arith.constant 0 : i32
      %dma_wait3A_828 = tpu.memref_slice %arg2[%dma_wait3A_826, %dma_wait3A_827] : memref<10000x128xf32, #tpu.memory_space<hbm>> -> memref<10000x128xf32, #tpu.memory_space<hbm>>
      tpu.wait_indirect_dma semaphore(%arg23 : memref<!tpu.dma_semaphore, #tpu.memory_space<semaphore_mem>>) src(%dma_wait3A_828 : memref<10000x128xf32, #tpu.memory_space<hbm>>) dst(%arg14 : memref<64x128xf32, #tpu.memory_space<vmem>>)
      %dma_start3A_829 = arith.constant 3 : i32
      %dma_start3A_830 = arith.constant 0 : i32
      %dma_start3A_831 = tpu.memref_slice %arg10[%dma_start3A_829, %dma_start3A_830] : memref<8x64xi32, #tpu.memory_space<vmem>> -> memref<1x64xi32, #tpu.memory_space<vmem>>
      %dma_start3A_832 = tpu.memref_squeeze %dma_start3A_831 : memref<1x64xi32, #tpu.memory_space<vmem>> -> memref<64xi32, #tpu.memory_space<vmem>>
      %dma_start3A_833 = arith.constant 0 : i32
      %dma_start3A_834 = arith.constant 0 : i32
      %dma_start3A_835 = tpu.memref_slice %arg18[%dma_start3A_833, %dma_start3A_834] : memref<10240x128xf32, #tpu.memory_space<vmem_shared>> -> memref<10240x128xf32, #tpu.memory_space<vmem_shared>>
      tpu.enqueue_indirect_dma source(%arg14 : memref<64x128xf32, #tpu.memory_space<vmem>>) target(%dma_start3A_835 : memref<10240x128xf32, #tpu.memory_space<vmem_shared>>) offsets(%dma_start3A_832 : memref<64xi32, #tpu.memory_space<vmem>>) semaphore(%arg27 : memref<!tpu.dma_semaphore, #tpu.memory_space<semaphore_mem>>) {add = true}
      %dma_start3A_836 = arith.constant 3 : i32
      %dma_start3A_837 = arith.constant 0 : i32
      %dma_start3A_838 = tpu.memref_slice %arg10[%dma_start3A_836, %dma_start3A_837] : memref<8x64xi32, #tpu.memory_space<vmem>> -> memref<1x64xi32, #tpu.memory_space<vmem>>
      %dma_start3A_839 = tpu.memref_squeeze %dma_start3A_838 : memref<1x64xi32, #tpu.memory_space<vmem>> -> memref<64xi32, #tpu.memory_space<vmem>>
      %dma_start3A_840 = arith.constant 0 : i32
      %dma_start3A_841 = tpu.memref_slice %arg19[%dma_start3A_840] : memref<10240xf32, #tpu.memory_space<vmem_shared>> -> memref<10240xf32, #tpu.memory_space<vmem_shared>>
      tpu.enqueue_indirect_dma source(%arg17 : memref<64xf32, #tpu.memory_space<vmem>>) target(%dma_start3A_841 : memref<10240xf32, #tpu.memory_space<vmem_shared>>) offsets(%dma_start3A_839 : memref<64xi32, #tpu.memory_space<vmem>>) semaphore(%arg31 : memref<!tpu.dma_semaphore, #tpu.memory_space<semaphore_mem>>) {add = true}
      %dma_wait3A_842 = arith.constant 0 : i32
      %dma_wait3A_843 = arith.constant 0 : i32
      %dma_wait3A_844 = tpu.memref_slice %arg18[%dma_wait3A_842, %dma_wait3A_843] : memref<10240x128xf32, #tpu.memory_space<vmem_shared>> -> memref<10240x128xf32, #tpu.memory_space<vmem_shared>>
      tpu.wait_indirect_dma semaphore(%arg26 : memref<!tpu.dma_semaphore, #tpu.memory_space<semaphore_mem>>) src(%arg13 : memref<64x128xf32, #tpu.memory_space<vmem>>) dst(%dma_wait3A_844 : memref<10240x128xf32, #tpu.memory_space<vmem_shared>>)
      %dma_wait3A_845 = arith.constant 0 : i32
      %dma_wait3A_846 = tpu.memref_slice %arg19[%dma_wait3A_845] : memref<10240xf32, #tpu.memory_space<vmem_shared>> -> memref<10240xf32, #tpu.memory_space<vmem_shared>>
      tpu.wait_indirect_dma semaphore(%arg30 : memref<!tpu.dma_semaphore, #tpu.memory_space<semaphore_mem>>) src(%arg17 : memref<64xf32, #tpu.memory_space<vmem>>) dst(%dma_wait3A_846 : memref<10240xf32, #tpu.memory_space<vmem_shared>>)
      %dma_start3A_847 = arith.constant 6 : i32
      %dma_start3A_848 = arith.constant 0 : i32
      %dma_start3A_849 = tpu.memref_slice %arg8[%dma_start3A_847, %dma_start3A_848] : memref<8x64xi32, #tpu.memory_space<vmem>> -> memref<1x64xi32, #tpu.memory_space<vmem>>
      %dma_start3A_850 = tpu.memref_squeeze %dma_start3A_849 : memref<1x64xi32, #tpu.memory_space<vmem>> -> memref<64xi32, #tpu.memory_space<vmem>>
      %dma_start3A_851 = arith.constant 0 : i32
      %dma_start3A_852 = arith.constant 0 : i32
      %dma_start3A_853 = tpu.memref_slice %arg2[%dma_start3A_851, %dma_start3A_852] : memref<10000x128xf32, #tpu.memory_space<hbm>> -> memref<10000x128xf32, #tpu.memory_space<hbm>>
      tpu.enqueue_indirect_dma source(%dma_start3A_853 : memref<10000x128xf32, #tpu.memory_space<hbm>>) target(%arg13 : memref<64x128xf32, #tpu.memory_space<vmem>>) offsets(%dma_start3A_850 : memref<64xi32, #tpu.memory_space<vmem>>) semaphore(%arg22 : memref<!tpu.dma_semaphore, #tpu.memory_space<semaphore_mem>>)
      %dma_wait3A_854 = arith.constant 0 : i32
      %dma_wait3A_855 = arith.constant 0 : i32
      %dma_wait3A_856 = tpu.memref_slice %arg2[%dma_wait3A_854, %dma_wait3A_855] : memref<10000x128xf32, #tpu.memory_space<hbm>> -> memref<10000x128xf32, #tpu.memory_space<hbm>>
      tpu.wait_indirect_dma semaphore(%arg20 : memref<!tpu.dma_semaphore, #tpu.memory_space<semaphore_mem>>) src(%dma_wait3A_856 : memref<10000x128xf32, #tpu.memory_space<hbm>>) dst(%arg11 : memref<64x128xf32, #tpu.memory_space<vmem>>)
      %dma_start3A_857 = arith.constant 4 : i32
      %dma_start3A_858 = arith.constant 0 : i32
      %dma_start3A_859 = tpu.memref_slice %arg10[%dma_start3A_857, %dma_start3A_858] : memref<8x64xi32, #tpu.memory_space<vmem>> -> memref<1x64xi32, #tpu.memory_space<vmem>>
      %dma_start3A_860 = tpu.memref_squeeze %dma_start3A_859 : memref<1x64xi32, #tpu.memory_space<vmem>> -> memref<64xi32, #tpu.memory_space<vmem>>
      %dma_start3A_861 = arith.constant 0 : i32
      %dma_start3A_862 = arith.constant 0 : i32
      %dma_start3A_863 = tpu.memref_slice %arg18[%dma_start3A_861, %dma_start3A_862] : memref<10240x128xf32, #tpu.memory_space<vmem_shared>> -> memref<10240x128xf32, #tpu.memory_space<vmem_shared>>
      tpu.enqueue_indirect_dma source(%arg11 : memref<64x128xf32, #tpu.memory_space<vmem>>) target(%dma_start3A_863 : memref<10240x128xf32, #tpu.memory_space<vmem_shared>>) offsets(%dma_start3A_860 : memref<64xi32, #tpu.memory_space<vmem>>) semaphore(%arg24 : memref<!tpu.dma_semaphore, #tpu.memory_space<semaphore_mem>>) {add = true}
      %dma_start3A_864 = arith.constant 4 : i32
      %dma_start3A_865 = arith.constant 0 : i32
      %dma_start3A_866 = tpu.memref_slice %arg10[%dma_start3A_864, %dma_start3A_865] : memref<8x64xi32, #tpu.memory_space<vmem>> -> memref<1x64xi32, #tpu.memory_space<vmem>>
      %dma_start3A_867 = tpu.memref_squeeze %dma_start3A_866 : memref<1x64xi32, #tpu.memory_space<vmem>> -> memref<64xi32, #tpu.memory_space<vmem>>
      %dma_start3A_868 = arith.constant 0 : i32
      %dma_start3A_869 = tpu.memref_slice %arg19[%dma_start3A_868] : memref<10240xf32, #tpu.memory_space<vmem_shared>> -> memref<10240xf32, #tpu.memory_space<vmem_shared>>
      tpu.enqueue_indirect_dma source(%arg17 : memref<64xf32, #tpu.memory_space<vmem>>) target(%dma_start3A_869 : memref<10240xf32, #tpu.memory_space<vmem_shared>>) offsets(%dma_start3A_867 : memref<64xi32, #tpu.memory_space<vmem>>) semaphore(%arg28 : memref<!tpu.dma_semaphore, #tpu.memory_space<semaphore_mem>>) {add = true}
      %dma_wait3A_870 = arith.constant 0 : i32
      %dma_wait3A_871 = arith.constant 0 : i32
      %dma_wait3A_872 = tpu.memref_slice %arg18[%dma_wait3A_870, %dma_wait3A_871] : memref<10240x128xf32, #tpu.memory_space<vmem_shared>> -> memref<10240x128xf32, #tpu.memory_space<vmem_shared>>
      tpu.wait_indirect_dma semaphore(%arg27 : memref<!tpu.dma_semaphore, #tpu.memory_space<semaphore_mem>>) src(%arg14 : memref<64x128xf32, #tpu.memory_space<vmem>>) dst(%dma_wait3A_872 : memref<10240x128xf32, #tpu.memory_space<vmem_shared>>)
      %dma_wait3A_873 = arith.constant 0 : i32
      %dma_wait3A_874 = tpu.memref_slice %arg19[%dma_wait3A_873] : memref<10240xf32, #tpu.memory_space<vmem_shared>> -> memref<10240xf32, #tpu.memory_space<vmem_shared>>
      tpu.wait_indirect_dma semaphore(%arg31 : memref<!tpu.dma_semaphore, #tpu.memory_space<semaphore_mem>>) src(%arg17 : memref<64xf32, #tpu.memory_space<vmem>>) dst(%dma_wait3A_874 : memref<10240xf32, #tpu.memory_space<vmem_shared>>)
      %dma_start3A_875 = arith.constant 7 : i32
      %dma_start3A_876 = arith.constant 0 : i32
      %dma_start3A_877 = tpu.memref_slice %arg8[%dma_start3A_875, %dma_start3A_876] : memref<8x64xi32, #tpu.memory_space<vmem>> -> memref<1x64xi32, #tpu.memory_space<vmem>>
      %dma_start3A_878 = tpu.memref_squeeze %dma_start3A_877 : memref<1x64xi32, #tpu.memory_space<vmem>> -> memref<64xi32, #tpu.memory_space<vmem>>
      %dma_start3A_879 = arith.constant 0 : i32
      %dma_start3A_880 = arith.constant 0 : i32
      %dma_start3A_881 = tpu.memref_slice %arg2[%dma_start3A_879, %dma_start3A_880] : memref<10000x128xf32, #tpu.memory_space<hbm>> -> memref<10000x128xf32, #tpu.memory_space<hbm>>
      tpu.enqueue_indirect_dma source(%dma_start3A_881 : memref<10000x128xf32, #tpu.memory_space<hbm>>) target(%arg14 : memref<64x128xf32, #tpu.memory_space<vmem>>) offsets(%dma_start3A_878 : memref<64xi32, #tpu.memory_space<vmem>>) semaphore(%arg23 : memref<!tpu.dma_semaphore, #tpu.memory_space<semaphore_mem>>)
      %dma_wait3A_882 = arith.constant 0 : i32
      %dma_wait3A_883 = arith.constant 0 : i32
      %dma_wait3A_884 = tpu.memref_slice %arg2[%dma_wait3A_882, %dma_wait3A_883] : memref<10000x128xf32, #tpu.memory_space<hbm>> -> memref<10000x128xf32, #tpu.memory_space<hbm>>
      tpu.wait_indirect_dma semaphore(%arg21 : memref<!tpu.dma_semaphore, #tpu.memory_space<semaphore_mem>>) src(%dma_wait3A_884 : memref<10000x128xf32, #tpu.memory_space<hbm>>) dst(%arg12 : memref<64x128xf32, #tpu.memory_space<vmem>>)
      %dma_start3A_885 = arith.constant 5 : i32
      %dma_start3A_886 = arith.constant 0 : i32
      %dma_start3A_887 = tpu.memref_slice %arg10[%dma_start3A_885, %dma_start3A_886] : memref<8x64xi32, #tpu.memory_space<vmem>> -> memref<1x64xi32, #tpu.memory_space<vmem>>
      %dma_start3A_888 = tpu.memref_squeeze %dma_start3A_887 : memref<1x64xi32, #tpu.memory_space<vmem>> -> memref<64xi32, #tpu.memory_space<vmem>>
      %dma_start3A_889 = arith.constant 0 : i32
      %dma_start3A_890 = arith.constant 0 : i32
      %dma_start3A_891 = tpu.memref_slice %arg18[%dma_start3A_889, %dma_start3A_890] : memref<10240x128xf32, #tpu.memory_space<vmem_shared>> -> memref<10240x128xf32, #tpu.memory_space<vmem_shared>>
      tpu.enqueue_indirect_dma source(%arg12 : memref<64x128xf32, #tpu.memory_space<vmem>>) target(%dma_start3A_891 : memref<10240x128xf32, #tpu.memory_space<vmem_shared>>) offsets(%dma_start3A_888 : memref<64xi32, #tpu.memory_space<vmem>>) semaphore(%arg25 : memref<!tpu.dma_semaphore, #tpu.memory_space<semaphore_mem>>) {add = true}
      %dma_start3A_892 = arith.constant 5 : i32
      %dma_start3A_893 = arith.constant 0 : i32
      %dma_start3A_894 = tpu.memref_slice %arg10[%dma_start3A_892, %dma_start3A_893] : memref<8x64xi32, #tpu.memory_space<vmem>> -> memref<1x64xi32, #tpu.memory_space<vmem>>
      %dma_start3A_895 = tpu.memref_squeeze %dma_start3A_894 : memref<1x64xi32, #tpu.memory_space<vmem>> -> memref<64xi32, #tpu.memory_space<vmem>>
      %dma_start3A_896 = arith.constant 0 : i32
      %dma_start3A_897 = tpu.memref_slice %arg19[%dma_start3A_896] : memref<10240xf32, #tpu.memory_space<vmem_shared>> -> memref<10240xf32, #tpu.memory_space<vmem_shared>>
      tpu.enqueue_indirect_dma source(%arg17 : memref<64xf32, #tpu.memory_space<vmem>>) target(%dma_start3A_897 : memref<10240xf32, #tpu.memory_space<vmem_shared>>) offsets(%dma_start3A_895 : memref<64xi32, #tpu.memory_space<vmem>>) semaphore(%arg29 : memref<!tpu.dma_semaphore, #tpu.memory_space<semaphore_mem>>) {add = true}
    }
    %scan3A_310 = arith.constant 10 : i32
    %dma_wait3A = arith.constant 0 : i32
    %dma_wait3A_311 = arith.constant 0 : i32
    %dma_wait3A_312 = tpu.memref_slice %arg2[%dma_wait3A, %dma_wait3A_311] : memref<10000x128xf32, #tpu.memory_space<hbm>> -> memref<10000x128xf32, #tpu.memory_space<hbm>>
    tpu.wait_indirect_dma semaphore(%arg22 : memref<!tpu.dma_semaphore, #tpu.memory_space<semaphore_mem>>) src(%dma_wait3A_312 : memref<10000x128xf32, #tpu.memory_space<hbm>>) dst(%arg13 : memref<64x128xf32, #tpu.memory_space<vmem>>)
    %dma_start3A_313 = arith.constant 6 : i32
    %dma_start3A_314 = arith.constant 0 : i32
    %dma_start3A_315 = tpu.memref_slice %arg10[%dma_start3A_313, %dma_start3A_314] : memref<8x64xi32, #tpu.memory_space<vmem>> -> memref<1x64xi32, #tpu.memory_space<vmem>>
    %dma_start3A_316 = tpu.memref_squeeze %dma_start3A_315 : memref<1x64xi32, #tpu.memory_space<vmem>> -> memref<64xi32, #tpu.memory_space<vmem>>
    %dma_start3A_317 = arith.constant 0 : i32
    %dma_start3A_318 = arith.constant 0 : i32
    %dma_start3A_319 = tpu.memref_slice %arg18[%dma_start3A_317, %dma_start3A_318] : memref<10240x128xf32, #tpu.memory_space<vmem_shared>> -> memref<10240x128xf32, #tpu.memory_space<vmem_shared>>
    tpu.enqueue_indirect_dma source(%arg13 : memref<64x128xf32, #tpu.memory_space<vmem>>) target(%dma_start3A_319 : memref<10240x128xf32, #tpu.memory_space<vmem_shared>>) offsets(%dma_start3A_316 : memref<64xi32, #tpu.memory_space<vmem>>) semaphore(%arg26 : memref<!tpu.dma_semaphore, #tpu.memory_space<semaphore_mem>>) {add = true}
    %dma_start3A_320 = arith.constant 6 : i32
    %dma_start3A_321 = arith.constant 0 : i32
    %dma_start3A_322 = tpu.memref_slice %arg10[%dma_start3A_320, %dma_start3A_321] : memref<8x64xi32, #tpu.memory_space<vmem>> -> memref<1x64xi32, #tpu.memory_space<vmem>>
    %dma_start3A_323 = tpu.memref_squeeze %dma_start3A_322 : memref<1x64xi32, #tpu.memory_space<vmem>> -> memref<64xi32, #tpu.memory_space<vmem>>
    %dma_start3A_324 = arith.constant 0 : i32
    %dma_start3A_325 = tpu.memref_slice %arg19[%dma_start3A_324] : memref<10240xf32, #tpu.memory_space<vmem_shared>> -> memref<10240xf32, #tpu.memory_space<vmem_shared>>
    tpu.enqueue_indirect_dma source(%arg17 : memref<64xf32, #tpu.memory_space<vmem>>) target(%dma_start3A_325 : memref<10240xf32, #tpu.memory_space<vmem_shared>>) offsets(%dma_start3A_323 : memref<64xi32, #tpu.memory_space<vmem>>) semaphore(%arg30 : memref<!tpu.dma_semaphore, #tpu.memory_space<semaphore_mem>>) {add = true}
    %dma_wait3A_326 = arith.constant 0 : i32
    %dma_wait3A_327 = arith.constant 0 : i32
    %dma_wait3A_328 = tpu.memref_slice %arg2[%dma_wait3A_326, %dma_wait3A_327] : memref<10000x128xf32, #tpu.memory_space<hbm>> -> memref<10000x128xf32, #tpu.memory_space<hbm>>
    tpu.wait_indirect_dma semaphore(%arg23 : memref<!tpu.dma_semaphore, #tpu.memory_space<semaphore_mem>>) src(%dma_wait3A_328 : memref<10000x128xf32, #tpu.memory_space<hbm>>) dst(%arg14 : memref<64x128xf32, #tpu.memory_space<vmem>>)
    %dma_start3A_329 = arith.constant 7 : i32
    %dma_start3A_330 = arith.constant 0 : i32
    %dma_start3A_331 = tpu.memref_slice %arg10[%dma_start3A_329, %dma_start3A_330] : memref<8x64xi32, #tpu.memory_space<vmem>> -> memref<1x64xi32, #tpu.memory_space<vmem>>
    %dma_start3A_332 = tpu.memref_squeeze %dma_start3A_331 : memref<1x64xi32, #tpu.memory_space<vmem>> -> memref<64xi32, #tpu.memory_space<vmem>>
    %dma_start3A_333 = arith.constant 0 : i32
    %dma_start3A_334 = arith.constant 0 : i32
    %dma_start3A_335 = tpu.memref_slice %arg18[%dma_start3A_333, %dma_start3A_334] : memref<10240x128xf32, #tpu.memory_space<vmem_shared>> -> memref<10240x128xf32, #tpu.memory_space<vmem_shared>>
    tpu.enqueue_indirect_dma source(%arg14 : memref<64x128xf32, #tpu.memory_space<vmem>>) target(%dma_start3A_335 : memref<10240x128xf32, #tpu.memory_space<vmem_shared>>) offsets(%dma_start3A_332 : memref<64xi32, #tpu.memory_space<vmem>>) semaphore(%arg27 : memref<!tpu.dma_semaphore, #tpu.memory_space<semaphore_mem>>) {add = true}
    %dma_start3A_336 = arith.constant 7 : i32
    %dma_start3A_337 = arith.constant 0 : i32
    %dma_start3A_338 = tpu.memref_slice %arg10[%dma_start3A_336, %dma_start3A_337] : memref<8x64xi32, #tpu.memory_space<vmem>> -> memref<1x64xi32, #tpu.memory_space<vmem>>
    %dma_start3A_339 = tpu.memref_squeeze %dma_start3A_338 : memref<1x64xi32, #tpu.memory_space<vmem>> -> memref<64xi32, #tpu.memory_space<vmem>>
    %dma_start3A_340 = arith.constant 0 : i32
    %dma_start3A_341 = tpu.memref_slice %arg19[%dma_start3A_340] : memref<10240xf32, #tpu.memory_space<vmem_shared>> -> memref<10240xf32, #tpu.memory_space<vmem_shared>>
    tpu.enqueue_indirect_dma source(%arg17 : memref<64xf32, #tpu.memory_space<vmem>>) target(%dma_start3A_341 : memref<10240xf32, #tpu.memory_space<vmem_shared>>) offsets(%dma_start3A_339 : memref<64xi32, #tpu.memory_space<vmem>>) semaphore(%arg31 : memref<!tpu.dma_semaphore, #tpu.memory_space<semaphore_mem>>) {add = true}
    %dma_wait3A_342 = arith.constant 0 : i32
    %dma_wait3A_343 = arith.constant 0 : i32
    %dma_wait3A_344 = tpu.memref_slice %arg18[%dma_wait3A_342, %dma_wait3A_343] : memref<10240x128xf32, #tpu.memory_space<vmem_shared>> -> memref<10240x128xf32, #tpu.memory_space<vmem_shared>>
    tpu.wait_indirect_dma semaphore(%arg24 : memref<!tpu.dma_semaphore, #tpu.memory_space<semaphore_mem>>) src(%arg11 : memref<64x128xf32, #tpu.memory_space<vmem>>) dst(%dma_wait3A_344 : memref<10240x128xf32, #tpu.memory_space<vmem_shared>>)
    %dma_wait3A_345 = arith.constant 0 : i32
    %dma_wait3A_346 = tpu.memref_slice %arg19[%dma_wait3A_345] : memref<10240xf32, #tpu.memory_space<vmem_shared>> -> memref<10240xf32, #tpu.memory_space<vmem_shared>>
    tpu.wait_indirect_dma semaphore(%arg28 : memref<!tpu.dma_semaphore, #tpu.memory_space<semaphore_mem>>) src(%arg17 : memref<64xf32, #tpu.memory_space<vmem>>) dst(%dma_wait3A_346 : memref<10240xf32, #tpu.memory_space<vmem_shared>>)
    %dma_wait3A_347 = arith.constant 0 : i32
    %dma_wait3A_348 = arith.constant 0 : i32
    %dma_wait3A_349 = tpu.memref_slice %arg18[%dma_wait3A_347, %dma_wait3A_348] : memref<10240x128xf32, #tpu.memory_space<vmem_shared>> -> memref<10240x128xf32, #tpu.memory_space<vmem_shared>>
    tpu.wait_indirect_dma semaphore(%arg25 : memref<!tpu.dma_semaphore, #tpu.memory_space<semaphore_mem>>) src(%arg12 : memref<64x128xf32, #tpu.memory_space<vmem>>) dst(%dma_wait3A_349 : memref<10240x128xf32, #tpu.memory_space<vmem_shared>>)
    %dma_wait3A_350 = arith.constant 0 : i32
    %dma_wait3A_351 = tpu.memref_slice %arg19[%dma_wait3A_350] : memref<10240xf32, #tpu.memory_space<vmem_shared>> -> memref<10240xf32, #tpu.memory_space<vmem_shared>>
    tpu.wait_indirect_dma semaphore(%arg29 : memref<!tpu.dma_semaphore, #tpu.memory_space<semaphore_mem>>) src(%arg17 : memref<64xf32, #tpu.memory_space<vmem>>) dst(%dma_wait3A_351 : memref<10240xf32, #tpu.memory_space<vmem_shared>>)
    %dma_wait3A_352 = arith.constant 0 : i32
    %dma_wait3A_353 = arith.constant 0 : i32
    %dma_wait3A_354 = tpu.memref_slice %arg18[%dma_wait3A_352, %dma_wait3A_353] : memref<10240x128xf32, #tpu.memory_space<vmem_shared>> -> memref<10240x128xf32, #tpu.memory_space<vmem_shared>>
    tpu.wait_indirect_dma semaphore(%arg26 : memref<!tpu.dma_semaphore, #tpu.memory_space<semaphore_mem>>) src(%arg13 : memref<64x128xf32, #tpu.memory_space<vmem>>) dst(%dma_wait3A_354 : memref<10240x128xf32, #tpu.memory_space<vmem_shared>>)
    %dma_wait3A_355 = arith.constant 0 : i32
    %dma_wait3A_356 = tpu.memref_slice %arg19[%dma_wait3A_355] : memref<10240xf32, #tpu.memory_space<vmem_shared>> -> memref<10240xf32, #tpu.memory_space<vmem_shared>>
    tpu.wait_indirect_dma semaphore(%arg30 : memref<!tpu.dma_semaphore, #tpu.memory_space<semaphore_mem>>) src(%arg17 : memref<64xf32, #tpu.memory_space<vmem>>) dst(%dma_wait3A_356 : memref<10240xf32, #tpu.memory_space<vmem_shared>>)
    %dma_wait3A_357 = arith.constant 0 : i32
    %dma_wait3A_358 = arith.constant 0 : i32
    %dma_wait3A_359 = tpu.memref_slice %arg18[%dma_wait3A_357, %dma_wait3A_358] : memref<10240x128xf32, #tpu.memory_space<vmem_shared>> -> memref<10240x128xf32, #tpu.memory_space<vmem_shared>>
    tpu.wait_indirect_dma semaphore(%arg27 : memref<!tpu.dma_semaphore, #tpu.memory_space<semaphore_mem>>) src(%arg14 : memref<64x128xf32, #tpu.memory_space<vmem>>) dst(%dma_wait3A_359 : memref<10240x128xf32, #tpu.memory_space<vmem_shared>>)
    %dma_wait3A_360 = arith.constant 0 : i32
    %dma_wait3A_361 = tpu.memref_slice %arg19[%dma_wait3A_360] : memref<10240xf32, #tpu.memory_space<vmem_shared>> -> memref<10240xf32, #tpu.memory_space<vmem_shared>>
    tpu.wait_indirect_dma semaphore(%arg31 : memref<!tpu.dma_semaphore, #tpu.memory_space<semaphore_mem>>) src(%arg17 : memref<64xf32, #tpu.memory_space<vmem>>) dst(%dma_wait3A_361 : memref<10240xf32, #tpu.memory_space<vmem_shared>>)
    %add3A_362 = arith.constant 160 : i32
    %add3A_363 = arith.addi %mul3A_2, %add3A_362 : i32
    %dma_wait3A_364 = arith.constant 0 : i32
    %dma_wait3A_365 = tpu.memref_slice %arg3[%add3A_363, %dma_wait3A_364] : memref<5128x64xi32, #tpu.memory_space<hbm>> -> memref<8x64xi32, #tpu.memory_space<hbm>>
    %dma_wait3A_366 = arith.constant 0 : i32
    %dma_wait3A_367 = tpu.memref_slice %arg3[%add3A_363, %dma_wait3A_366] : memref<5128x64xi32, #tpu.memory_space<hbm>> -> memref<8x64xi32, #tpu.memory_space<hbm>>
    tpu.wait_dma2 semaphore(%arg32 : memref<!tpu.dma_semaphore, #tpu.memory_space<semaphore_mem>>) src(%dma_wait3A_367 : memref<8x64xi32, #tpu.memory_space<hbm>>) dst(%arg7 : memref<8x64xi32, #tpu.memory_space<vmem>>)
    %dma_wait3A_368 = arith.constant 0 : i32
    %dma_wait3A_369 = tpu.memref_slice %arg4[%add3A_363, %dma_wait3A_368] : memref<5128x64xi32, #tpu.memory_space<hbm>> -> memref<8x64xi32, #tpu.memory_space<hbm>>
    %dma_wait3A_370 = arith.constant 0 : i32
    %dma_wait3A_371 = tpu.memref_slice %arg4[%add3A_363, %dma_wait3A_370] : memref<5128x64xi32, #tpu.memory_space<hbm>> -> memref<8x64xi32, #tpu.memory_space<hbm>>
    tpu.wait_dma2 semaphore(%arg32 : memref<!tpu.dma_semaphore, #tpu.memory_space<semaphore_mem>>) src(%dma_wait3A_371 : memref<8x64xi32, #tpu.memory_space<hbm>>) dst(%arg9 : memref<8x64xi32, #tpu.memory_space<vmem>>)
    %barrier3A_372 = arith.constant 0 : index
    tpu.barrier barrier_id(%barrier3A_372)
    %add3A_373 = arith.constant 0 : i32
    %add3A_374 = arith.addi %mul3A_176, %add3A_373 : i32
    %add3A_375 = arith.constant 0 : i32
    %add3A_376 = arith.addi %mul3A_176, %add3A_375 : i32
    "tpu.region"() ({
      %run_scoped3A_393 = tpu.sem_alloc : memref<!tpu.dma_semaphore, #tpu.memory_space<semaphore_mem>>
      %dma_start3A_394 = arith.constant 0 : i32
      %dma_start3A_395 = tpu.memref_slice %arg5[%arg0, %add3A_376, %dma_start3A_394] : memref<2x10240x128xf32, #tpu.memory_space<hbm>> -> memref<1x128x128xf32, #tpu.memory_space<hbm>>
      %dma_start3A_396 = tpu.memref_squeeze %dma_start3A_395 : memref<1x128x128xf32, #tpu.memory_space<hbm>> -> memref<128x128xf32, #tpu.memory_space<hbm>>
      %dma_start3A_397 = arith.constant 0 : i32
      %dma_start3A_398 = tpu.memref_slice %arg18[%add3A_374, %dma_start3A_397] : memref<10240x128xf32, #tpu.memory_space<vmem_shared>> -> memref<128x128xf32, #tpu.memory_space<vmem_shared>>
      tpu.enqueue_dma source(%dma_start3A_398 : memref<128x128xf32, #tpu.memory_space<vmem_shared>>) target(%dma_start3A_396 : memref<128x128xf32, #tpu.memory_space<hbm>>) target_semaphore(%run_scoped3A_393 : memref<!tpu.dma_semaphore, #tpu.memory_space<semaphore_mem>>)
      %dma_wait3A_399 = arith.constant 0 : i32
      %dma_wait3A_400 = tpu.memref_slice %arg5[%arg0, %add3A_376, %dma_wait3A_399] : memref<2x10240x128xf32, #tpu.memory_space<hbm>> -> memref<1x128x128xf32, #tpu.memory_space<hbm>>
      %dma_wait3A_401 = tpu.memref_squeeze %dma_wait3A_400 : memref<1x128x128xf32, #tpu.memory_space<hbm>> -> memref<128x128xf32, #tpu.memory_space<hbm>>
      %dma_wait3A_402 = arith.constant 0 : i32
      %dma_wait3A_403 = tpu.memref_slice %arg18[%add3A_374, %dma_wait3A_402] : memref<10240x128xf32, #tpu.memory_space<vmem_shared>> -> memref<128x128xf32, #tpu.memory_space<vmem_shared>>
      tpu.wait_dma2 semaphore(%run_scoped3A_393 : memref<!tpu.dma_semaphore, #tpu.memory_space<semaphore_mem>>) src(%dma_wait3A_403 : memref<128x128xf32, #tpu.memory_space<vmem_shared>>) dst(%dma_wait3A_401 : memref<128x128xf32, #tpu.memory_space<hbm>>)
      tpu.yield
    }) : () -> ()
    %add3A_377 = arith.constant 128 : i32
    %add3A_378 = arith.addi %mul3A_176, %add3A_377 : i32
    %add3A_379 = arith.constant 128 : i32
    %add3A_380 = arith.addi %mul3A_176, %add3A_379 : i32
    "tpu.region"() ({
      %run_scoped3A_393 = tpu.sem_alloc : memref<!tpu.dma_semaphore, #tpu.memory_space<semaphore_mem>>
      %dma_start3A_394 = arith.constant 0 : i32
      %dma_start3A_395 = tpu.memref_slice %arg5[%arg0, %add3A_380, %dma_start3A_394] : memref<2x10240x128xf32, #tpu.memory_space<hbm>> -> memref<1x128x128xf32, #tpu.memory_space<hbm>>
      %dma_start3A_396 = tpu.memref_squeeze %dma_start3A_395 : memref<1x128x128xf32, #tpu.memory_space<hbm>> -> memref<128x128xf32, #tpu.memory_space<hbm>>
      %dma_start3A_397 = arith.constant 0 : i32
      %dma_start3A_398 = tpu.memref_slice %arg18[%add3A_378, %dma_start3A_397] : memref<10240x128xf32, #tpu.memory_space<vmem_shared>> -> memref<128x128xf32, #tpu.memory_space<vmem_shared>>
      tpu.enqueue_dma source(%dma_start3A_398 : memref<128x128xf32, #tpu.memory_space<vmem_shared>>) target(%dma_start3A_396 : memref<128x128xf32, #tpu.memory_space<hbm>>) target_semaphore(%run_scoped3A_393 : memref<!tpu.dma_semaphore, #tpu.memory_space<semaphore_mem>>)
      %dma_wait3A_399 = arith.constant 0 : i32
      %dma_wait3A_400 = tpu.memref_slice %arg5[%arg0, %add3A_380, %dma_wait3A_399] : memref<2x10240x128xf32, #tpu.memory_space<hbm>> -> memref<1x128x128xf32, #tpu.memory_space<hbm>>
      %dma_wait3A_401 = tpu.memref_squeeze %dma_wait3A_400 : memref<1x128x128xf32, #tpu.memory_space<hbm>> -> memref<128x128xf32, #tpu.memory_space<hbm>>
      %dma_wait3A_402 = arith.constant 0 : i32
      %dma_wait3A_403 = tpu.memref_slice %arg18[%add3A_378, %dma_wait3A_402] : memref<10240x128xf32, #tpu.memory_space<vmem_shared>> -> memref<128x128xf32, #tpu.memory_space<vmem_shared>>
      tpu.wait_dma2 semaphore(%run_scoped3A_393 : memref<!tpu.dma_semaphore, #tpu.memory_space<semaphore_mem>>) src(%dma_wait3A_403 : memref<128x128xf32, #tpu.memory_space<vmem_shared>>) dst(%dma_wait3A_401 : memref<128x128xf32, #tpu.memory_space<hbm>>)
      tpu.yield
    }) : () -> ()
    %add3A_381 = arith.constant 256 : i32
    %add3A_382 = arith.addi %mul3A_176, %add3A_381 : i32
    %add3A_383 = arith.constant 256 : i32
    %add3A_384 = arith.addi %mul3A_176, %add3A_383 : i32
    "tpu.region"() ({
      %run_scoped3A_393 = tpu.sem_alloc : memref<!tpu.dma_semaphore, #tpu.memory_space<semaphore_mem>>
      %dma_start3A_394 = arith.constant 0 : i32
      %dma_start3A_395 = tpu.memref_slice %arg5[%arg0, %add3A_384, %dma_start3A_394] : memref<2x10240x128xf32, #tpu.memory_space<hbm>> -> memref<1x128x128xf32, #tpu.memory_space<hbm>>
      %dma_start3A_396 = tpu.memref_squeeze %dma_start3A_395 : memref<1x128x128xf32, #tpu.memory_space<hbm>> -> memref<128x128xf32, #tpu.memory_space<hbm>>
      %dma_start3A_397 = arith.constant 0 : i32
      %dma_start3A_398 = tpu.memref_slice %arg18[%add3A_382, %dma_start3A_397] : memref<10240x128xf32, #tpu.memory_space<vmem_shared>> -> memref<128x128xf32, #tpu.memory_space<vmem_shared>>
      tpu.enqueue_dma source(%dma_start3A_398 : memref<128x128xf32, #tpu.memory_space<vmem_shared>>) target(%dma_start3A_396 : memref<128x128xf32, #tpu.memory_space<hbm>>) target_semaphore(%run_scoped3A_393 : memref<!tpu.dma_semaphore, #tpu.memory_space<semaphore_mem>>)
      %dma_wait3A_399 = arith.constant 0 : i32
      %dma_wait3A_400 = tpu.memref_slice %arg5[%arg0, %add3A_384, %dma_wait3A_399] : memref<2x10240x128xf32, #tpu.memory_space<hbm>> -> memref<1x128x128xf32, #tpu.memory_space<hbm>>
      %dma_wait3A_401 = tpu.memref_squeeze %dma_wait3A_400 : memref<1x128x128xf32, #tpu.memory_space<hbm>> -> memref<128x128xf32, #tpu.memory_space<hbm>>
      %dma_wait3A_402 = arith.constant 0 : i32
      %dma_wait3A_403 = tpu.memref_slice %arg18[%add3A_382, %dma_wait3A_402] : memref<10240x128xf32, #tpu.memory_space<vmem_shared>> -> memref<128x128xf32, #tpu.memory_space<vmem_shared>>
      tpu.wait_dma2 semaphore(%run_scoped3A_393 : memref<!tpu.dma_semaphore, #tpu.memory_space<semaphore_mem>>) src(%dma_wait3A_403 : memref<128x128xf32, #tpu.memory_space<vmem_shared>>) dst(%dma_wait3A_401 : memref<128x128xf32, #tpu.memory_space<hbm>>)
      tpu.yield
    }) : () -> ()
    %add3A_385 = arith.constant 384 : i32
    %add3A_386 = arith.addi %mul3A_176, %add3A_385 : i32
    %add3A_387 = arith.constant 384 : i32
    %add3A_388 = arith.addi %mul3A_176, %add3A_387 : i32
    "tpu.region"() ({
      %run_scoped3A_393 = tpu.sem_alloc : memref<!tpu.dma_semaphore, #tpu.memory_space<semaphore_mem>>
      %dma_start3A_394 = arith.constant 0 : i32
      %dma_start3A_395 = tpu.memref_slice %arg5[%arg0, %add3A_388, %dma_start3A_394] : memref<2x10240x128xf32, #tpu.memory_space<hbm>> -> memref<1x128x128xf32, #tpu.memory_space<hbm>>
      %dma_start3A_396 = tpu.memref_squeeze %dma_start3A_395 : memref<1x128x128xf32, #tpu.memory_space<hbm>> -> memref<128x128xf32, #tpu.memory_space<hbm>>
      %dma_start3A_397 = arith.constant 0 : i32
      %dma_start3A_398 = tpu.memref_slice %arg18[%add3A_386, %dma_start3A_397] : memref<10240x128xf32, #tpu.memory_space<vmem_shared>> -> memref<128x128xf32, #tpu.memory_space<vmem_shared>>
      tpu.enqueue_dma source(%dma_start3A_398 : memref<128x128xf32, #tpu.memory_space<vmem_shared>>) target(%dma_start3A_396 : memref<128x128xf32, #tpu.memory_space<hbm>>) target_semaphore(%run_scoped3A_393 : memref<!tpu.dma_semaphore, #tpu.memory_space<semaphore_mem>>)
      %dma_wait3A_399 = arith.constant 0 : i32
      %dma_wait3A_400 = tpu.memref_slice %arg5[%arg0, %add3A_388, %dma_wait3A_399] : memref<2x10240x128xf32, #tpu.memory_space<hbm>> -> memref<1x128x128xf32, #tpu.memory_space<hbm>>
      %dma_wait3A_401 = tpu.memref_squeeze %dma_wait3A_400 : memref<1x128x128xf32, #tpu.memory_space<hbm>> -> memref<128x128xf32, #tpu.memory_space<hbm>>
      %dma_wait3A_402 = arith.constant 0 : i32
      %dma_wait3A_403 = tpu.memref_slice %arg18[%add3A_386, %dma_wait3A_402] : memref<10240x128xf32, #tpu.memory_space<vmem_shared>> -> memref<128x128xf32, #tpu.memory_space<vmem_shared>>
      tpu.wait_dma2 semaphore(%run_scoped3A_393 : memref<!tpu.dma_semaphore, #tpu.memory_space<semaphore_mem>>) src(%dma_wait3A_403 : memref<128x128xf32, #tpu.memory_space<vmem_shared>>) dst(%dma_wait3A_401 : memref<128x128xf32, #tpu.memory_space<hbm>>)
      tpu.yield
    }) : () -> ()
    %add3A_389 = arith.constant 512 : i32
    %add3A_390 = arith.addi %mul3A_176, %add3A_389 : i32
    %add3A_391 = arith.constant 512 : i32
    %add3A_392 = arith.addi %mul3A_176, %add3A_391 : i32
    "tpu.region"() ({
      %run_scoped3A_393 = tpu.sem_alloc : memref<!tpu.dma_semaphore, #tpu.memory_space<semaphore_mem>>
      %dma_start3A_394 = arith.constant 0 : i32
      %dma_start3A_395 = tpu.memref_slice %arg5[%arg0, %add3A_392, %dma_start3A_394] : memref<2x10240x128xf32, #tpu.memory_space<hbm>> -> memref<1x128x128xf32, #tpu.memory_space<hbm>>
      %dma_start3A_396 = tpu.memref_squeeze %dma_start3A_395 : memref<1x128x128xf32, #tpu.memory_space<hbm>> -> memref<128x128xf32, #tpu.memory_space<hbm>>
      %dma_start3A_397 = arith.constant 0 : i32
      %dma_start3A_398 = tpu.memref_slice %arg18[%add3A_390, %dma_start3A_397] : memref<10240x128xf32, #tpu.memory_space<vmem_shared>> -> memref<128x128xf32, #tpu.memory_space<vmem_shared>>
      tpu.enqueue_dma source(%dma_start3A_398 : memref<128x128xf32, #tpu.memory_space<vmem_shared>>) target(%dma_start3A_396 : memref<128x128xf32, #tpu.memory_space<hbm>>) target_semaphore(%run_scoped3A_393 : memref<!tpu.dma_semaphore, #tpu.memory_space<semaphore_mem>>)
      %dma_wait3A_399 = arith.constant 0 : i32
      %dma_wait3A_400 = tpu.memref_slice %arg5[%arg0, %add3A_392, %dma_wait3A_399] : memref<2x10240x128xf32, #tpu.memory_space<hbm>> -> memref<1x128x128xf32, #tpu.memory_space<hbm>>
      %dma_wait3A_401 = tpu.memref_squeeze %dma_wait3A_400 : memref<1x128x128xf32, #tpu.memory_space<hbm>> -> memref<128x128xf32, #tpu.memory_space<hbm>>
      %dma_wait3A_402 = arith.constant 0 : i32
      %dma_wait3A_403 = tpu.memref_slice %arg18[%add3A_390, %dma_wait3A_402] : memref<10240x128xf32, #tpu.memory_space<vmem_shared>> -> memref<128x128xf32, #tpu.memory_space<vmem_shared>>
      tpu.wait_dma2 semaphore(%run_scoped3A_393 : memref<!tpu.dma_semaphore, #tpu.memory_space<semaphore_mem>>) src(%dma_wait3A_403 : memref<128x128xf32, #tpu.memory_space<vmem_shared>>) dst(%dma_wait3A_401 : memref<128x128xf32, #tpu.memory_space<hbm>>)
      tpu.yield
    }) : () -> ()
    "tpu.region"() ({
      %run_scoped3A_393 = tpu.sem_alloc : memref<!tpu.dma_semaphore, #tpu.memory_space<semaphore_mem>>
      %dma_start3A_394 = tpu.memref_slice %arg6[%arg0, %mul3A_176] : memref<2x10240xf32, #tpu.memory_space<hbm>> -> memref<1x640xf32, #tpu.memory_space<hbm>>
      %dma_start3A_395 = tpu.memref_squeeze %dma_start3A_394 : memref<1x640xf32, #tpu.memory_space<hbm>> -> memref<640xf32, #tpu.memory_space<hbm>>
      %dma_start3A_396 = tpu.memref_slice %arg19[%mul3A_176] : memref<10240xf32, #tpu.memory_space<vmem_shared>> -> memref<640xf32, #tpu.memory_space<vmem_shared>>
      tpu.enqueue_dma source(%dma_start3A_396 : memref<640xf32, #tpu.memory_space<vmem_shared>>) target(%dma_start3A_395 : memref<640xf32, #tpu.memory_space<hbm>>) target_semaphore(%run_scoped3A_393 : memref<!tpu.dma_semaphore, #tpu.memory_space<semaphore_mem>>)
      %dma_wait3A_397 = tpu.memref_slice %arg6[%arg0, %mul3A_176] : memref<2x10240xf32, #tpu.memory_space<hbm>> -> memref<1x640xf32, #tpu.memory_space<hbm>>
      %dma_wait3A_398 = tpu.memref_squeeze %dma_wait3A_397 : memref<1x640xf32, #tpu.memory_space<hbm>> -> memref<640xf32, #tpu.memory_space<hbm>>
      %dma_wait3A_399 = tpu.memref_slice %arg19[%mul3A_176] : memref<10240xf32, #tpu.memory_space<vmem_shared>> -> memref<640xf32, #tpu.memory_space<vmem_shared>>
      tpu.wait_dma2 semaphore(%run_scoped3A_393 : memref<!tpu.dma_semaphore, #tpu.memory_space<semaphore_mem>>) src(%dma_wait3A_399 : memref<640xf32, #tpu.memory_space<vmem_shared>>) dst(%dma_wait3A_398 : memref<640xf32, #tpu.memory_space<hbm>>)
      tpu.yield
    }) : () -> ()
    return
  }
}

#map = affine_map<(d0, d1) -> (0, 0)>
#map1 = affine_map<(d0, d1) -> (0, 0, 0)>
module attributes {stable_mosaic.version = 14 : i64} {
  func.func @sage_sc_agg_cnt0(%arg0: i32, %arg1: i32, %arg2: memref<10000x128xf32, #tpu.memory_space<hbm>>, %arg3: memref<5128x64xi32, #tpu.memory_space<hbm>>, %arg4: memref<5128x64xi32, #tpu.memory_space<hbm>>, %arg5: memref<2x10240x128xf32, #tpu.memory_space<hbm>>, %arg6: memref<8x64xi32, #tpu.memory_space<vmem>>, %arg7: memref<8x64xi32, #tpu.memory_space<vmem>>, %arg8: memref<8x64xi32, #tpu.memory_space<vmem>>, %arg9: memref<8x64xi32, #tpu.memory_space<vmem>>, %arg10: memref<64x128xf32, #tpu.memory_space<vmem>>, %arg11: memref<64x128xf32, #tpu.memory_space<vmem>>, %arg12: memref<64x128xf32, #tpu.memory_space<vmem>>, %arg13: memref<64x128xf32, #tpu.memory_space<vmem>>, %arg14: memref<64xi32, #tpu.memory_space<vmem>>, %arg15: memref<64xi32, #tpu.memory_space<vmem>>, %arg16: memref<10240x128xf32, #tpu.memory_space<vmem_shared>>, %arg17: memref<!tpu.dma_semaphore, #tpu.memory_space<semaphore_mem>>, %arg18: memref<!tpu.dma_semaphore, #tpu.memory_space<semaphore_mem>>, %arg19: memref<!tpu.dma_semaphore, #tpu.memory_space<semaphore_mem>>, %arg20: memref<!tpu.dma_semaphore, #tpu.memory_space<semaphore_mem>>, %arg21: memref<!tpu.dma_semaphore, #tpu.memory_space<semaphore_mem>>, %arg22: memref<!tpu.dma_semaphore, #tpu.memory_space<semaphore_mem>>, %arg23: memref<!tpu.dma_semaphore, #tpu.memory_space<semaphore_mem>>, %arg24: memref<!tpu.dma_semaphore, #tpu.memory_space<semaphore_mem>>, %arg25: memref<!tpu.dma_semaphore, #tpu.memory_space<semaphore_mem>>, %arg26: memref<!tpu.dma_semaphore, #tpu.memory_space<semaphore_mem>>) attributes {dimension_semantics = [#tpu.dimension_semantics<core_parallel>, #tpu.dimension_semantics<subcore_parallel>], iteration_bounds = array<i64: 2, 16>, scalar_prefetch = 0 : i64, scratch_operands = 21 : i64, tpu.core_type = #tpu.core_type<sc_vector_subcore>, window_params = [{transform_indices = #map}, {transform_indices = #map}, {transform_indices = #map}, {transform_indices = #map1}]} {
    %mul3A = arith.constant 2 : i32
    %mul3A_0 = arith.muli %arg1, %mul3A : i32
    %add3A = arith.addi %mul3A_0, %arg0 : i32
    %mul3A_1 = arith.constant 160 : i32
    %mul3A_2 = arith.muli %add3A, %mul3A_1 : i32
    %broadcast_in_dim3A = arith.constant 0.000000e+00 : f32
    %broadcast_in_dim3A_3 = vector.broadcast %broadcast_in_dim3A : f32 to vector<16xf32>
    %iota3A = tpu.iota {dimensions = array<i32: 0>} : vector<16xi32>
    %mul3A_4 = arith.constant 64 : i32
    %mul3A_5 = arith.muli %arg1, %mul3A_4 : i32
    %add3A_6 = arith.constant 0 : i32
    %add3A_7 = arith.addi %mul3A_5, %add3A_6 : i32
    %jit3A = arith.constant 224 : i32
    %eq3A = arith.constant 0 : i32
    %eq3A_8 = arith.cmpi eq, %jit3A, %eq3A : i32
    %jit3A_9 = arith.constant 1 : i32
    %select_n3A = arith.select %eq3A_8, %jit3A_9, %jit3A : i32
    %rem3A = arith.remsi %add3A_7, %select_n3A : i32
    %ne3A = arith.constant 0 : i32
    %ne3A_10 = arith.cmpi ne, %rem3A, %ne3A : i32
    %lt3A = arith.constant 0 : i32
    %lt3A_11 = arith.cmpi slt, %rem3A, %lt3A : i32
    %lt3A_12 = arith.constant 0 : i32
    %lt3A_13 = arith.cmpi slt, %select_n3A, %lt3A_12 : i32
    %ne3A_14 = arith.xori %lt3A_11, %lt3A_13 : i1
    %and3A = arith.andi %ne3A_14, %ne3A_10 : i1
    %add3A_15 = arith.addi %rem3A, %select_n3A : i32
    %select_n3A_16 = arith.select %and3A, %add3A_15, %rem3A : i32
    %add3A_17 = arith.constant 10000 : i32
    %add3A_18 = arith.addi %add3A_17, %select_n3A_16 : i32
    %add3A_19 = vector.broadcast %add3A_18 : i32 to vector<16xi32>
    %add3A_20 = arith.addi %iota3A, %add3A_19 : vector<16xi32>
    %swap3A = arith.constant 0 : index
    %swap3A_21 = tpu.vector_load %arg14[%swap3A] {strides = array<i32>} : memref<64xi32, #tpu.memory_space<vmem>>, vector<16xi32>,
    %swap3A_22 = vector.shape_cast %swap3A_21 : vector<16xi32> to vector<16xi32>
    %swap3A_23 = vector.shape_cast %add3A_20 : vector<16xi32> to vector<16xi32>
    tpu.vector_store %arg14[%swap3A], %swap3A_23 {strides = array<i32>} : memref<64xi32, #tpu.memory_space<vmem>>, vector<16xi32>,
    %mul3A_24 = arith.constant 64 : i32
    %mul3A_25 = arith.muli %arg1, %mul3A_24 : i32
    %add3A_26 = vector.broadcast %mul3A_25 : i32 to vector<16xi32>
    %add3A_27 = arith.addi %iota3A, %add3A_26 : vector<16xi32>
    %add3A_28 = arith.constant 0 : i32
    %add3A_29 = vector.broadcast %add3A_28 : i32 to vector<16xi32>
    %add3A_30 = arith.addi %add3A_27, %add3A_29 : vector<16xi32>
    %swap3A_31 = arith.constant 0 : index
    %swap3A_32 = tpu.vector_load %arg15[%swap3A_31] {strides = array<i32>} : memref<64xi32, #tpu.memory_space<vmem>>, vector<16xi32>,
    %swap3A_33 = vector.shape_cast %swap3A_32 : vector<16xi32> to vector<16xi32>
    %swap3A_34 = vector.shape_cast %add3A_30 : vector<16xi32> to vector<16xi32>
    tpu.vector_store %arg15[%swap3A_31], %swap3A_34 {strides = array<i32>} : memref<64xi32, #tpu.memory_space<vmem>>, vector<16xi32>,
    %mul3A_35 = arith.constant 64 : i32
    %mul3A_36 = arith.muli %arg1, %mul3A_35 : i32
    %add3A_37 = arith.constant 16 : i32
    %add3A_38 = arith.addi %mul3A_36, %add3A_37 : i32
    %jit3A_39 = arith.constant 224 : i32
    %eq3A_40 = arith.constant 0 : i32
    %eq3A_41 = arith.cmpi eq, %jit3A_39, %eq3A_40 : i32
    %jit3A_42 = arith.constant 1 : i32
    %select_n3A_43 = arith.select %eq3A_41, %jit3A_42, %jit3A_39 : i32
    %rem3A_44 = arith.remsi %add3A_38, %select_n3A_43 : i32
    %ne3A_45 = arith.constant 0 : i32
    %ne3A_46 = arith.cmpi ne, %rem3A_44, %ne3A_45 : i32
    %lt3A_47 = arith.constant 0 : i32
    %lt3A_48 = arith.cmpi slt, %rem3A_44, %lt3A_47 : i32
    %lt3A_49 = arith.constant 0 : i32
    %lt3A_50 = arith.cmpi slt, %select_n3A_43, %lt3A_49 : i32
    %ne3A_51 = arith.xori %lt3A_48, %lt3A_50 : i1
    %and3A_52 = arith.andi %ne3A_51, %ne3A_46 : i1
    %add3A_53 = arith.addi %rem3A_44, %select_n3A_43 : i32
    %select_n3A_54 = arith.select %and3A_52, %add3A_53, %rem3A_44 : i32
    %add3A_55 = arith.constant 10000 : i32
    %add3A_56 = arith.addi %add3A_55, %select_n3A_54 : i32
    %add3A_57 = vector.broadcast %add3A_56 : i32 to vector<16xi32>
    %add3A_58 = arith.addi %iota3A, %add3A_57 : vector<16xi32>
    %swap3A_59 = arith.constant 16 : index
    %swap3A_60 = tpu.vector_load %arg14[%swap3A_59] {strides = array<i32>} : memref<64xi32, #tpu.memory_space<vmem>>, vector<16xi32>,
    %swap3A_61 = vector.shape_cast %swap3A_60 : vector<16xi32> to vector<16xi32>
    %swap3A_62 = vector.shape_cast %add3A_58 : vector<16xi32> to vector<16xi32>
    tpu.vector_store %arg14[%swap3A_59], %swap3A_62 {strides = array<i32>} : memref<64xi32, #tpu.memory_space<vmem>>, vector<16xi32>,
    %mul3A_63 = arith.constant 64 : i32
    %mul3A_64 = arith.muli %arg1, %mul3A_63 : i32
    %add3A_65 = vector.broadcast %mul3A_64 : i32 to vector<16xi32>
    %add3A_66 = arith.addi %iota3A, %add3A_65 : vector<16xi32>
    %add3A_67 = arith.constant 16 : i32
    %add3A_68 = vector.broadcast %add3A_67 : i32 to vector<16xi32>
    %add3A_69 = arith.addi %add3A_66, %add3A_68 : vector<16xi32>
    %swap3A_70 = arith.constant 16 : index
    %swap3A_71 = tpu.vector_load %arg15[%swap3A_70] {strides = array<i32>} : memref<64xi32, #tpu.memory_space<vmem>>, vector<16xi32>,
    %swap3A_72 = vector.shape_cast %swap3A_71 : vector<16xi32> to vector<16xi32>
    %swap3A_73 = vector.shape_cast %add3A_69 : vector<16xi32> to vector<16xi32>
    tpu.vector_store %arg15[%swap3A_70], %swap3A_73 {strides = array<i32>} : memref<64xi32, #tpu.memory_space<vmem>>, vector<16xi32>,
    %mul3A_74 = arith.constant 64 : i32
    %mul3A_75 = arith.muli %arg1, %mul3A_74 : i32
    %add3A_76 = arith.constant 32 : i32
    %add3A_77 = arith.addi %mul3A_75, %add3A_76 : i32
    %jit3A_78 = arith.constant 224 : i32
    %eq3A_79 = arith.constant 0 : i32
    %eq3A_80 = arith.cmpi eq, %jit3A_78, %eq3A_79 : i32
    %jit3A_81 = arith.constant 1 : i32
    %select_n3A_82 = arith.select %eq3A_80, %jit3A_81, %jit3A_78 : i32
    %rem3A_83 = arith.remsi %add3A_77, %select_n3A_82 : i32
    %ne3A_84 = arith.constant 0 : i32
    %ne3A_85 = arith.cmpi ne, %rem3A_83, %ne3A_84 : i32
    %lt3A_86 = arith.constant 0 : i32
    %lt3A_87 = arith.cmpi slt, %rem3A_83, %lt3A_86 : i32
    %lt3A_88 = arith.constant 0 : i32
    %lt3A_89 = arith.cmpi slt, %select_n3A_82, %lt3A_88 : i32
    %ne3A_90 = arith.xori %lt3A_87, %lt3A_89 : i1
    %and3A_91 = arith.andi %ne3A_90, %ne3A_85 : i1
    %add3A_92 = arith.addi %rem3A_83, %select_n3A_82 : i32
    %select_n3A_93 = arith.select %and3A_91, %add3A_92, %rem3A_83 : i32
    %add3A_94 = arith.constant 10000 : i32
    %add3A_95 = arith.addi %add3A_94, %select_n3A_93 : i32
    %add3A_96 = vector.broadcast %add3A_95 : i32 to vector<16xi32>
    %add3A_97 = arith.addi %iota3A, %add3A_96 : vector<16xi32>
    %swap3A_98 = arith.constant 32 : index
    %swap3A_99 = tpu.vector_load %arg14[%swap3A_98] {strides = array<i32>} : memref<64xi32, #tpu.memory_space<vmem>>, vector<16xi32>,
    %swap3A_100 = vector.shape_cast %swap3A_99 : vector<16xi32> to vector<16xi32>
    %swap3A_101 = vector.shape_cast %add3A_97 : vector<16xi32> to vector<16xi32>
    tpu.vector_store %arg14[%swap3A_98], %swap3A_101 {strides = array<i32>} : memref<64xi32, #tpu.memory_space<vmem>>, vector<16xi32>,
    %mul3A_102 = arith.constant 64 : i32
    %mul3A_103 = arith.muli %arg1, %mul3A_102 : i32
    %add3A_104 = vector.broadcast %mul3A_103 : i32 to vector<16xi32>
    %add3A_105 = arith.addi %iota3A, %add3A_104 : vector<16xi32>
    %add3A_106 = arith.constant 32 : i32
    %add3A_107 = vector.broadcast %add3A_106 : i32 to vector<16xi32>
    %add3A_108 = arith.addi %add3A_105, %add3A_107 : vector<16xi32>
    %swap3A_109 = arith.constant 32 : index
    %swap3A_110 = tpu.vector_load %arg15[%swap3A_109] {strides = array<i32>} : memref<64xi32, #tpu.memory_space<vmem>>, vector<16xi32>,
    %swap3A_111 = vector.shape_cast %swap3A_110 : vector<16xi32> to vector<16xi32>
    %swap3A_112 = vector.shape_cast %add3A_108 : vector<16xi32> to vector<16xi32>
    tpu.vector_store %arg15[%swap3A_109], %swap3A_112 {strides = array<i32>} : memref<64xi32, #tpu.memory_space<vmem>>, vector<16xi32>,
    %mul3A_113 = arith.constant 64 : i32
    %mul3A_114 = arith.muli %arg1, %mul3A_113 : i32
    %add3A_115 = arith.constant 48 : i32
    %add3A_116 = arith.addi %mul3A_114, %add3A_115 : i32
    %jit3A_117 = arith.constant 224 : i32
    %eq3A_118 = arith.constant 0 : i32
    %eq3A_119 = arith.cmpi eq, %jit3A_117, %eq3A_118 : i32
    %jit3A_120 = arith.constant 1 : i32
    %select_n3A_121 = arith.select %eq3A_119, %jit3A_120, %jit3A_117 : i32
    %rem3A_122 = arith.remsi %add3A_116, %select_n3A_121 : i32
    %ne3A_123 = arith.constant 0 : i32
    %ne3A_124 = arith.cmpi ne, %rem3A_122, %ne3A_123 : i32
    %lt3A_125 = arith.constant 0 : i32
    %lt3A_126 = arith.cmpi slt, %rem3A_122, %lt3A_125 : i32
    %lt3A_127 = arith.constant 0 : i32
    %lt3A_128 = arith.cmpi slt, %select_n3A_121, %lt3A_127 : i32
    %ne3A_129 = arith.xori %lt3A_126, %lt3A_128 : i1
    %and3A_130 = arith.andi %ne3A_129, %ne3A_124 : i1
    %add3A_131 = arith.addi %rem3A_122, %select_n3A_121 : i32
    %select_n3A_132 = arith.select %and3A_130, %add3A_131, %rem3A_122 : i32
    %add3A_133 = arith.constant 10000 : i32
    %add3A_134 = arith.addi %add3A_133, %select_n3A_132 : i32
    %add3A_135 = vector.broadcast %add3A_134 : i32 to vector<16xi32>
    %add3A_136 = arith.addi %iota3A, %add3A_135 : vector<16xi32>
    %swap3A_137 = arith.constant 48 : index
    %swap3A_138 = tpu.vector_load %arg14[%swap3A_137] {strides = array<i32>} : memref<64xi32, #tpu.memory_space<vmem>>, vector<16xi32>,
    %swap3A_139 = vector.shape_cast %swap3A_138 : vector<16xi32> to vector<16xi32>
    %swap3A_140 = vector.shape_cast %add3A_136 : vector<16xi32> to vector<16xi32>
    tpu.vector_store %arg14[%swap3A_137], %swap3A_140 {strides = array<i32>} : memref<64xi32, #tpu.memory_space<vmem>>, vector<16xi32>,
    %mul3A_141 = arith.constant 64 : i32
    %mul3A_142 = arith.muli %arg1, %mul3A_141 : i32
    %add3A_143 = vector.broadcast %mul3A_142 : i32 to vector<16xi32>
    %add3A_144 = arith.addi %iota3A, %add3A_143 : vector<16xi32>
    %add3A_145 = arith.constant 48 : i32
    %add3A_146 = vector.broadcast %add3A_145 : i32 to vector<16xi32>
    %add3A_147 = arith.addi %add3A_144, %add3A_146 : vector<16xi32>
    %swap3A_148 = arith.constant 48 : index
    %swap3A_149 = tpu.vector_load %arg15[%swap3A_148] {strides = array<i32>} : memref<64xi32, #tpu.memory_space<vmem>>, vector<16xi32>,
    %swap3A_150 = vector.shape_cast %swap3A_149 : vector<16xi32> to vector<16xi32>
    %swap3A_151 = vector.shape_cast %add3A_147 : vector<16xi32> to vector<16xi32>
    tpu.vector_store %arg15[%swap3A_148], %swap3A_151 {strides = array<i32>} : memref<64xi32, #tpu.memory_space<vmem>>, vector<16xi32>,
    %scan3A = arith.constant 0 : i32
    %scan3A_152 = arith.constant 0 : i32
    %scan3A_153 = arith.constant 64 : i32
    %scan3A_154 = arith.addi %scan3A_152, %scan3A_153 : i32
    %scan3A_155 = arith.constant 1 : i32
    scf.for %scan3A_337 = %scan3A_152 to %scan3A_154 step %scan3A_155  : i32 {
      %swap3A_338 = arith.index_cast %scan3A_337 : i32 to index
      %swap3A_339 = arith.constant 0 : index
      %swap3A_340 = tpu.vector_load %arg10[%swap3A_338, %swap3A_339] {strides = array<i32>} : memref<64x128xf32, #tpu.memory_space<vmem>>, vector<1x16xf32>,
      %swap3A_341 = vector.shape_cast %swap3A_340 : vector<1x16xf32> to vector<16xf32>
      %swap3A_342 = vector.shape_cast %broadcast_in_dim3A_3 : vector<16xf32> to vector<1x16xf32>
      tpu.vector_store %arg10[%swap3A_338, %swap3A_339], %swap3A_342 {strides = array<i32>} : memref<64x128xf32, #tpu.memory_space<vmem>>, vector<1x16xf32>,
      %swap3A_343 = arith.index_cast %scan3A_337 : i32 to index
      %swap3A_344 = arith.constant 16 : index
      %swap3A_345 = tpu.vector_load %arg10[%swap3A_343, %swap3A_344] {strides = array<i32>} : memref<64x128xf32, #tpu.memory_space<vmem>>, vector<1x16xf32>,
      %swap3A_346 = vector.shape_cast %swap3A_345 : vector<1x16xf32> to vector<16xf32>
      %swap3A_347 = vector.shape_cast %broadcast_in_dim3A_3 : vector<16xf32> to vector<1x16xf32>
      tpu.vector_store %arg10[%swap3A_343, %swap3A_344], %swap3A_347 {strides = array<i32>} : memref<64x128xf32, #tpu.memory_space<vmem>>, vector<1x16xf32>,
      %swap3A_348 = arith.index_cast %scan3A_337 : i32 to index
      %swap3A_349 = arith.constant 32 : index
      %swap3A_350 = tpu.vector_load %arg10[%swap3A_348, %swap3A_349] {strides = array<i32>} : memref<64x128xf32, #tpu.memory_space<vmem>>, vector<1x16xf32>,
      %swap3A_351 = vector.shape_cast %swap3A_350 : vector<1x16xf32> to vector<16xf32>
      %swap3A_352 = vector.shape_cast %broadcast_in_dim3A_3 : vector<16xf32> to vector<1x16xf32>
      tpu.vector_store %arg10[%swap3A_348, %swap3A_349], %swap3A_352 {strides = array<i32>} : memref<64x128xf32, #tpu.memory_space<vmem>>, vector<1x16xf32>,
      %swap3A_353 = arith.index_cast %scan3A_337 : i32 to index
      %swap3A_354 = arith.constant 48 : index
      %swap3A_355 = tpu.vector_load %arg10[%swap3A_353, %swap3A_354] {strides = array<i32>} : memref<64x128xf32, #tpu.memory_space<vmem>>, vector<1x16xf32>,
      %swap3A_356 = vector.shape_cast %swap3A_355 : vector<1x16xf32> to vector<16xf32>
      %swap3A_357 = vector.shape_cast %broadcast_in_dim3A_3 : vector<16xf32> to vector<1x16xf32>
      tpu.vector_store %arg10[%swap3A_353, %swap3A_354], %swap3A_357 {strides = array<i32>} : memref<64x128xf32, #tpu.memory_space<vmem>>, vector<1x16xf32>,
      %swap3A_358 = arith.index_cast %scan3A_337 : i32 to index
      %swap3A_359 = arith.constant 64 : index
      %swap3A_360 = tpu.vector_load %arg10[%swap3A_358, %swap3A_359] {strides = array<i32>} : memref<64x128xf32, #tpu.memory_space<vmem>>, vector<1x16xf32>,
      %swap3A_361 = vector.shape_cast %swap3A_360 : vector<1x16xf32> to vector<16xf32>
      %swap3A_362 = vector.shape_cast %broadcast_in_dim3A_3 : vector<16xf32> to vector<1x16xf32>
      tpu.vector_store %arg10[%swap3A_358, %swap3A_359], %swap3A_362 {strides = array<i32>} : memref<64x128xf32, #tpu.memory_space<vmem>>, vector<1x16xf32>,
      %swap3A_363 = arith.index_cast %scan3A_337 : i32 to index
      %swap3A_364 = arith.constant 80 : index
      %swap3A_365 = tpu.vector_load %arg10[%swap3A_363, %swap3A_364] {strides = array<i32>} : memref<64x128xf32, #tpu.memory_space<vmem>>, vector<1x16xf32>,
      %swap3A_366 = vector.shape_cast %swap3A_365 : vector<1x16xf32> to vector<16xf32>
      %swap3A_367 = vector.shape_cast %broadcast_in_dim3A_3 : vector<16xf32> to vector<1x16xf32>
      tpu.vector_store %arg10[%swap3A_363, %swap3A_364], %swap3A_367 {strides = array<i32>} : memref<64x128xf32, #tpu.memory_space<vmem>>, vector<1x16xf32>,
      %swap3A_368 = arith.index_cast %scan3A_337 : i32 to index
      %swap3A_369 = arith.constant 96 : index
      %swap3A_370 = tpu.vector_load %arg10[%swap3A_368, %swap3A_369] {strides = array<i32>} : memref<64x128xf32, #tpu.memory_space<vmem>>, vector<1x16xf32>,
      %swap3A_371 = vector.shape_cast %swap3A_370 : vector<1x16xf32> to vector<16xf32>
      %swap3A_372 = vector.shape_cast %broadcast_in_dim3A_3 : vector<16xf32> to vector<1x16xf32>
      tpu.vector_store %arg10[%swap3A_368, %swap3A_369], %swap3A_372 {strides = array<i32>} : memref<64x128xf32, #tpu.memory_space<vmem>>, vector<1x16xf32>,
      %swap3A_373 = arith.index_cast %scan3A_337 : i32 to index
      %swap3A_374 = arith.constant 112 : index
      %swap3A_375 = tpu.vector_load %arg10[%swap3A_373, %swap3A_374] {strides = array<i32>} : memref<64x128xf32, #tpu.memory_space<vmem>>, vector<1x16xf32>,
      %swap3A_376 = vector.shape_cast %swap3A_375 : vector<1x16xf32> to vector<16xf32>
      %swap3A_377 = vector.shape_cast %broadcast_in_dim3A_3 : vector<16xf32> to vector<1x16xf32>
      tpu.vector_store %arg10[%swap3A_373, %swap3A_374], %swap3A_377 {strides = array<i32>} : memref<64x128xf32, #tpu.memory_space<vmem>>, vector<1x16xf32>,
    }
    %scan3A_156 = arith.constant 64 : i32
    %mul3A_157 = arith.constant 640 : i32
    %mul3A_158 = arith.muli %arg1, %mul3A_157 : i32
    %add3A_159 = arith.constant 0 : i32
    %add3A_160 = arith.addi %mul3A_158, %add3A_159 : i32
    "tpu.region"() ({
      %run_scoped3A = tpu.sem_alloc : memref<!tpu.dma_semaphore, #tpu.memory_space<semaphore_mem>>
      %dma_start3A_337 = arith.constant 0 : i32
      %dma_start3A_338 = tpu.memref_slice %arg16[%add3A_160, %dma_start3A_337] : memref<10240x128xf32, #tpu.memory_space<vmem_shared>> -> memref<64x128xf32, #tpu.memory_space<vmem_shared>>
      %dma_start3A_339 = arith.constant 0 : i32
      %dma_start3A_340 = tpu.memref_slice %arg16[%add3A_160, %dma_start3A_339] : memref<10240x128xf32, #tpu.memory_space<vmem_shared>> -> memref<64x128xf32, #tpu.memory_space<vmem_shared>>
      tpu.enqueue_dma source(%arg10 : memref<64x128xf32, #tpu.memory_space<vmem>>) target(%dma_start3A_340 : memref<64x128xf32, #tpu.memory_space<vmem_shared>>) target_semaphore(%run_scoped3A : memref<!tpu.dma_semaphore, #tpu.memory_space<semaphore_mem>>)
      %dma_wait3A_341 = arith.constant 0 : i32
      %dma_wait3A_342 = tpu.memref_slice %arg16[%add3A_160, %dma_wait3A_341] : memref<10240x128xf32, #tpu.memory_space<vmem_shared>> -> memref<64x128xf32, #tpu.memory_space<vmem_shared>>
      %dma_wait3A_343 = arith.constant 0 : i32
      %dma_wait3A_344 = tpu.memref_slice %arg16[%add3A_160, %dma_wait3A_343] : memref<10240x128xf32, #tpu.memory_space<vmem_shared>> -> memref<64x128xf32, #tpu.memory_space<vmem_shared>>
      tpu.wait_dma2 semaphore(%run_scoped3A : memref<!tpu.dma_semaphore, #tpu.memory_space<semaphore_mem>>) src(%arg10 : memref<64x128xf32, #tpu.memory_space<vmem>>) dst(%dma_wait3A_344 : memref<64x128xf32, #tpu.memory_space<vmem_shared>>)
      tpu.yield
    }) : () -> ()
    %add3A_161 = arith.constant 64 : i32
    %add3A_162 = arith.addi %mul3A_158, %add3A_161 : i32
    "tpu.region"() ({
      %run_scoped3A = tpu.sem_alloc : memref<!tpu.dma_semaphore, #tpu.memory_space<semaphore_mem>>
      %dma_start3A_337 = arith.constant 0 : i32
      %dma_start3A_338 = tpu.memref_slice %arg16[%add3A_162, %dma_start3A_337] : memref<10240x128xf32, #tpu.memory_space<vmem_shared>> -> memref<64x128xf32, #tpu.memory_space<vmem_shared>>
      %dma_start3A_339 = arith.constant 0 : i32
      %dma_start3A_340 = tpu.memref_slice %arg16[%add3A_162, %dma_start3A_339] : memref<10240x128xf32, #tpu.memory_space<vmem_shared>> -> memref<64x128xf32, #tpu.memory_space<vmem_shared>>
      tpu.enqueue_dma source(%arg10 : memref<64x128xf32, #tpu.memory_space<vmem>>) target(%dma_start3A_340 : memref<64x128xf32, #tpu.memory_space<vmem_shared>>) target_semaphore(%run_scoped3A : memref<!tpu.dma_semaphore, #tpu.memory_space<semaphore_mem>>)
      %dma_wait3A_341 = arith.constant 0 : i32
      %dma_wait3A_342 = tpu.memref_slice %arg16[%add3A_162, %dma_wait3A_341] : memref<10240x128xf32, #tpu.memory_space<vmem_shared>> -> memref<64x128xf32, #tpu.memory_space<vmem_shared>>
      %dma_wait3A_343 = arith.constant 0 : i32
      %dma_wait3A_344 = tpu.memref_slice %arg16[%add3A_162, %dma_wait3A_343] : memref<10240x128xf32, #tpu.memory_space<vmem_shared>> -> memref<64x128xf32, #tpu.memory_space<vmem_shared>>
      tpu.wait_dma2 semaphore(%run_scoped3A : memref<!tpu.dma_semaphore, #tpu.memory_space<semaphore_mem>>) src(%arg10 : memref<64x128xf32, #tpu.memory_space<vmem>>) dst(%dma_wait3A_344 : memref<64x128xf32, #tpu.memory_space<vmem_shared>>)
      tpu.yield
    }) : () -> ()
    %add3A_163 = arith.constant 128 : i32
    %add3A_164 = arith.addi %mul3A_158, %add3A_163 : i32
    "tpu.region"() ({
      %run_scoped3A = tpu.sem_alloc : memref<!tpu.dma_semaphore, #tpu.memory_space<semaphore_mem>>
      %dma_start3A_337 = arith.constant 0 : i32
      %dma_start3A_338 = tpu.memref_slice %arg16[%add3A_164, %dma_start3A_337] : memref<10240x128xf32, #tpu.memory_space<vmem_shared>> -> memref<64x128xf32, #tpu.memory_space<vmem_shared>>
      %dma_start3A_339 = arith.constant 0 : i32
      %dma_start3A_340 = tpu.memref_slice %arg16[%add3A_164, %dma_start3A_339] : memref<10240x128xf32, #tpu.memory_space<vmem_shared>> -> memref<64x128xf32, #tpu.memory_space<vmem_shared>>
      tpu.enqueue_dma source(%arg10 : memref<64x128xf32, #tpu.memory_space<vmem>>) target(%dma_start3A_340 : memref<64x128xf32, #tpu.memory_space<vmem_shared>>) target_semaphore(%run_scoped3A : memref<!tpu.dma_semaphore, #tpu.memory_space<semaphore_mem>>)
      %dma_wait3A_341 = arith.constant 0 : i32
      %dma_wait3A_342 = tpu.memref_slice %arg16[%add3A_164, %dma_wait3A_341] : memref<10240x128xf32, #tpu.memory_space<vmem_shared>> -> memref<64x128xf32, #tpu.memory_space<vmem_shared>>
      %dma_wait3A_343 = arith.constant 0 : i32
      %dma_wait3A_344 = tpu.memref_slice %arg16[%add3A_164, %dma_wait3A_343] : memref<10240x128xf32, #tpu.memory_space<vmem_shared>> -> memref<64x128xf32, #tpu.memory_space<vmem_shared>>
      tpu.wait_dma2 semaphore(%run_scoped3A : memref<!tpu.dma_semaphore, #tpu.memory_space<semaphore_mem>>) src(%arg10 : memref<64x128xf32, #tpu.memory_space<vmem>>) dst(%dma_wait3A_344 : memref<64x128xf32, #tpu.memory_space<vmem_shared>>)
      tpu.yield
    }) : () -> ()
    %add3A_165 = arith.constant 192 : i32
    %add3A_166 = arith.addi %mul3A_158, %add3A_165 : i32
    "tpu.region"() ({
      %run_scoped3A = tpu.sem_alloc : memref<!tpu.dma_semaphore, #tpu.memory_space<semaphore_mem>>
      %dma_start3A_337 = arith.constant 0 : i32
      %dma_start3A_338 = tpu.memref_slice %arg16[%add3A_166, %dma_start3A_337] : memref<10240x128xf32, #tpu.memory_space<vmem_shared>> -> memref<64x128xf32, #tpu.memory_space<vmem_shared>>
      %dma_start3A_339 = arith.constant 0 : i32
      %dma_start3A_340 = tpu.memref_slice %arg16[%add3A_166, %dma_start3A_339] : memref<10240x128xf32, #tpu.memory_space<vmem_shared>> -> memref<64x128xf32, #tpu.memory_space<vmem_shared>>
      tpu.enqueue_dma source(%arg10 : memref<64x128xf32, #tpu.memory_space<vmem>>) target(%dma_start3A_340 : memref<64x128xf32, #tpu.memory_space<vmem_shared>>) target_semaphore(%run_scoped3A : memref<!tpu.dma_semaphore, #tpu.memory_space<semaphore_mem>>)
      %dma_wait3A_341 = arith.constant 0 : i32
      %dma_wait3A_342 = tpu.memref_slice %arg16[%add3A_166, %dma_wait3A_341] : memref<10240x128xf32, #tpu.memory_space<vmem_shared>> -> memref<64x128xf32, #tpu.memory_space<vmem_shared>>
      %dma_wait3A_343 = arith.constant 0 : i32
      %dma_wait3A_344 = tpu.memref_slice %arg16[%add3A_166, %dma_wait3A_343] : memref<10240x128xf32, #tpu.memory_space<vmem_shared>> -> memref<64x128xf32, #tpu.memory_space<vmem_shared>>
      tpu.wait_dma2 semaphore(%run_scoped3A : memref<!tpu.dma_semaphore, #tpu.memory_space<semaphore_mem>>) src(%arg10 : memref<64x128xf32, #tpu.memory_space<vmem>>) dst(%dma_wait3A_344 : memref<64x128xf32, #tpu.memory_space<vmem_shared>>)
      tpu.yield
    }) : () -> ()
    %add3A_167 = arith.constant 256 : i32
    %add3A_168 = arith.addi %mul3A_158, %add3A_167 : i32
    "tpu.region"() ({
      %run_scoped3A = tpu.sem_alloc : memref<!tpu.dma_semaphore, #tpu.memory_space<semaphore_mem>>
      %dma_start3A_337 = arith.constant 0 : i32
      %dma_start3A_338 = tpu.memref_slice %arg16[%add3A_168, %dma_start3A_337] : memref<10240x128xf32, #tpu.memory_space<vmem_shared>> -> memref<64x128xf32, #tpu.memory_space<vmem_shared>>
      %dma_start3A_339 = arith.constant 0 : i32
      %dma_start3A_340 = tpu.memref_slice %arg16[%add3A_168, %dma_start3A_339] : memref<10240x128xf32, #tpu.memory_space<vmem_shared>> -> memref<64x128xf32, #tpu.memory_space<vmem_shared>>
      tpu.enqueue_dma source(%arg10 : memref<64x128xf32, #tpu.memory_space<vmem>>) target(%dma_start3A_340 : memref<64x128xf32, #tpu.memory_space<vmem_shared>>) target_semaphore(%run_scoped3A : memref<!tpu.dma_semaphore, #tpu.memory_space<semaphore_mem>>)
      %dma_wait3A_341 = arith.constant 0 : i32
      %dma_wait3A_342 = tpu.memref_slice %arg16[%add3A_168, %dma_wait3A_341] : memref<10240x128xf32, #tpu.memory_space<vmem_shared>> -> memref<64x128xf32, #tpu.memory_space<vmem_shared>>
      %dma_wait3A_343 = arith.constant 0 : i32
      %dma_wait3A_344 = tpu.memref_slice %arg16[%add3A_168, %dma_wait3A_343] : memref<10240x128xf32, #tpu.memory_space<vmem_shared>> -> memref<64x128xf32, #tpu.memory_space<vmem_shared>>
      tpu.wait_dma2 semaphore(%run_scoped3A : memref<!tpu.dma_semaphore, #tpu.memory_space<semaphore_mem>>) src(%arg10 : memref<64x128xf32, #tpu.memory_space<vmem>>) dst(%dma_wait3A_344 : memref<64x128xf32, #tpu.memory_space<vmem_shared>>)
      tpu.yield
    }) : () -> ()
    %add3A_169 = arith.constant 320 : i32
    %add3A_170 = arith.addi %mul3A_158, %add3A_169 : i32
    "tpu.region"() ({
      %run_scoped3A = tpu.sem_alloc : memref<!tpu.dma_semaphore, #tpu.memory_space<semaphore_mem>>
      %dma_start3A_337 = arith.constant 0 : i32
      %dma_start3A_338 = tpu.memref_slice %arg16[%add3A_170, %dma_start3A_337] : memref<10240x128xf32, #tpu.memory_space<vmem_shared>> -> memref<64x128xf32, #tpu.memory_space<vmem_shared>>
      %dma_start3A_339 = arith.constant 0 : i32
      %dma_start3A_340 = tpu.memref_slice %arg16[%add3A_170, %dma_start3A_339] : memref<10240x128xf32, #tpu.memory_space<vmem_shared>> -> memref<64x128xf32, #tpu.memory_space<vmem_shared>>
      tpu.enqueue_dma source(%arg10 : memref<64x128xf32, #tpu.memory_space<vmem>>) target(%dma_start3A_340 : memref<64x128xf32, #tpu.memory_space<vmem_shared>>) target_semaphore(%run_scoped3A : memref<!tpu.dma_semaphore, #tpu.memory_space<semaphore_mem>>)
      %dma_wait3A_341 = arith.constant 0 : i32
      %dma_wait3A_342 = tpu.memref_slice %arg16[%add3A_170, %dma_wait3A_341] : memref<10240x128xf32, #tpu.memory_space<vmem_shared>> -> memref<64x128xf32, #tpu.memory_space<vmem_shared>>
      %dma_wait3A_343 = arith.constant 0 : i32
      %dma_wait3A_344 = tpu.memref_slice %arg16[%add3A_170, %dma_wait3A_343] : memref<10240x128xf32, #tpu.memory_space<vmem_shared>> -> memref<64x128xf32, #tpu.memory_space<vmem_shared>>
      tpu.wait_dma2 semaphore(%run_scoped3A : memref<!tpu.dma_semaphore, #tpu.memory_space<semaphore_mem>>) src(%arg10 : memref<64x128xf32, #tpu.memory_space<vmem>>) dst(%dma_wait3A_344 : memref<64x128xf32, #tpu.memory_space<vmem_shared>>)
      tpu.yield
    }) : () -> ()
    %add3A_171 = arith.constant 384 : i32
    %add3A_172 = arith.addi %mul3A_158, %add3A_171 : i32
    "tpu.region"() ({
      %run_scoped3A = tpu.sem_alloc : memref<!tpu.dma_semaphore, #tpu.memory_space<semaphore_mem>>
      %dma_start3A_337 = arith.constant 0 : i32
      %dma_start3A_338 = tpu.memref_slice %arg16[%add3A_172, %dma_start3A_337] : memref<10240x128xf32, #tpu.memory_space<vmem_shared>> -> memref<64x128xf32, #tpu.memory_space<vmem_shared>>
      %dma_start3A_339 = arith.constant 0 : i32
      %dma_start3A_340 = tpu.memref_slice %arg16[%add3A_172, %dma_start3A_339] : memref<10240x128xf32, #tpu.memory_space<vmem_shared>> -> memref<64x128xf32, #tpu.memory_space<vmem_shared>>
      tpu.enqueue_dma source(%arg10 : memref<64x128xf32, #tpu.memory_space<vmem>>) target(%dma_start3A_340 : memref<64x128xf32, #tpu.memory_space<vmem_shared>>) target_semaphore(%run_scoped3A : memref<!tpu.dma_semaphore, #tpu.memory_space<semaphore_mem>>)
      %dma_wait3A_341 = arith.constant 0 : i32
      %dma_wait3A_342 = tpu.memref_slice %arg16[%add3A_172, %dma_wait3A_341] : memref<10240x128xf32, #tpu.memory_space<vmem_shared>> -> memref<64x128xf32, #tpu.memory_space<vmem_shared>>
      %dma_wait3A_343 = arith.constant 0 : i32
      %dma_wait3A_344 = tpu.memref_slice %arg16[%add3A_172, %dma_wait3A_343] : memref<10240x128xf32, #tpu.memory_space<vmem_shared>> -> memref<64x128xf32, #tpu.memory_space<vmem_shared>>
      tpu.wait_dma2 semaphore(%run_scoped3A : memref<!tpu.dma_semaphore, #tpu.memory_space<semaphore_mem>>) src(%arg10 : memref<64x128xf32, #tpu.memory_space<vmem>>) dst(%dma_wait3A_344 : memref<64x128xf32, #tpu.memory_space<vmem_shared>>)
      tpu.yield
    }) : () -> ()
    %add3A_173 = arith.constant 448 : i32
    %add3A_174 = arith.addi %mul3A_158, %add3A_173 : i32
    "tpu.region"() ({
      %run_scoped3A = tpu.sem_alloc : memref<!tpu.dma_semaphore, #tpu.memory_space<semaphore_mem>>
      %dma_start3A_337 = arith.constant 0 : i32
      %dma_start3A_338 = tpu.memref_slice %arg16[%add3A_174, %dma_start3A_337] : memref<10240x128xf32, #tpu.memory_space<vmem_shared>> -> memref<64x128xf32, #tpu.memory_space<vmem_shared>>
      %dma_start3A_339 = arith.constant 0 : i32
      %dma_start3A_340 = tpu.memref_slice %arg16[%add3A_174, %dma_start3A_339] : memref<10240x128xf32, #tpu.memory_space<vmem_shared>> -> memref<64x128xf32, #tpu.memory_space<vmem_shared>>
      tpu.enqueue_dma source(%arg10 : memref<64x128xf32, #tpu.memory_space<vmem>>) target(%dma_start3A_340 : memref<64x128xf32, #tpu.memory_space<vmem_shared>>) target_semaphore(%run_scoped3A : memref<!tpu.dma_semaphore, #tpu.memory_space<semaphore_mem>>)
      %dma_wait3A_341 = arith.constant 0 : i32
      %dma_wait3A_342 = tpu.memref_slice %arg16[%add3A_174, %dma_wait3A_341] : memref<10240x128xf32, #tpu.memory_space<vmem_shared>> -> memref<64x128xf32, #tpu.memory_space<vmem_shared>>
      %dma_wait3A_343 = arith.constant 0 : i32
      %dma_wait3A_344 = tpu.memref_slice %arg16[%add3A_174, %dma_wait3A_343] : memref<10240x128xf32, #tpu.memory_space<vmem_shared>> -> memref<64x128xf32, #tpu.memory_space<vmem_shared>>
      tpu.wait_dma2 semaphore(%run_scoped3A : memref<!tpu.dma_semaphore, #tpu.memory_space<semaphore_mem>>) src(%arg10 : memref<64x128xf32, #tpu.memory_space<vmem>>) dst(%dma_wait3A_344 : memref<64x128xf32, #tpu.memory_space<vmem_shared>>)
      tpu.yield
    }) : () -> ()
    %add3A_175 = arith.constant 512 : i32
    %add3A_176 = arith.addi %mul3A_158, %add3A_175 : i32
    "tpu.region"() ({
      %run_scoped3A = tpu.sem_alloc : memref<!tpu.dma_semaphore, #tpu.memory_space<semaphore_mem>>
      %dma_start3A_337 = arith.constant 0 : i32
      %dma_start3A_338 = tpu.memref_slice %arg16[%add3A_176, %dma_start3A_337] : memref<10240x128xf32, #tpu.memory_space<vmem_shared>> -> memref<64x128xf32, #tpu.memory_space<vmem_shared>>
      %dma_start3A_339 = arith.constant 0 : i32
      %dma_start3A_340 = tpu.memref_slice %arg16[%add3A_176, %dma_start3A_339] : memref<10240x128xf32, #tpu.memory_space<vmem_shared>> -> memref<64x128xf32, #tpu.memory_space<vmem_shared>>
      tpu.enqueue_dma source(%arg10 : memref<64x128xf32, #tpu.memory_space<vmem>>) target(%dma_start3A_340 : memref<64x128xf32, #tpu.memory_space<vmem_shared>>) target_semaphore(%run_scoped3A : memref<!tpu.dma_semaphore, #tpu.memory_space<semaphore_mem>>)
      %dma_wait3A_341 = arith.constant 0 : i32
      %dma_wait3A_342 = tpu.memref_slice %arg16[%add3A_176, %dma_wait3A_341] : memref<10240x128xf32, #tpu.memory_space<vmem_shared>> -> memref<64x128xf32, #tpu.memory_space<vmem_shared>>
      %dma_wait3A_343 = arith.constant 0 : i32
      %dma_wait3A_344 = tpu.memref_slice %arg16[%add3A_176, %dma_wait3A_343] : memref<10240x128xf32, #tpu.memory_space<vmem_shared>> -> memref<64x128xf32, #tpu.memory_space<vmem_shared>>
      tpu.wait_dma2 semaphore(%run_scoped3A : memref<!tpu.dma_semaphore, #tpu.memory_space<semaphore_mem>>) src(%arg10 : memref<64x128xf32, #tpu.memory_space<vmem>>) dst(%dma_wait3A_344 : memref<64x128xf32, #tpu.memory_space<vmem_shared>>)
      tpu.yield
    }) : () -> ()
    %add3A_177 = arith.constant 576 : i32
    %add3A_178 = arith.addi %mul3A_158, %add3A_177 : i32
    "tpu.region"() ({
      %run_scoped3A = tpu.sem_alloc : memref<!tpu.dma_semaphore, #tpu.memory_space<semaphore_mem>>
      %dma_start3A_337 = arith.constant 0 : i32
      %dma_start3A_338 = tpu.memref_slice %arg16[%add3A_178, %dma_start3A_337] : memref<10240x128xf32, #tpu.memory_space<vmem_shared>> -> memref<64x128xf32, #tpu.memory_space<vmem_shared>>
      %dma_start3A_339 = arith.constant 0 : i32
      %dma_start3A_340 = tpu.memref_slice %arg16[%add3A_178, %dma_start3A_339] : memref<10240x128xf32, #tpu.memory_space<vmem_shared>> -> memref<64x128xf32, #tpu.memory_space<vmem_shared>>
      tpu.enqueue_dma source(%arg10 : memref<64x128xf32, #tpu.memory_space<vmem>>) target(%dma_start3A_340 : memref<64x128xf32, #tpu.memory_space<vmem_shared>>) target_semaphore(%run_scoped3A : memref<!tpu.dma_semaphore, #tpu.memory_space<semaphore_mem>>)
      %dma_wait3A_341 = arith.constant 0 : i32
      %dma_wait3A_342 = tpu.memref_slice %arg16[%add3A_178, %dma_wait3A_341] : memref<10240x128xf32, #tpu.memory_space<vmem_shared>> -> memref<64x128xf32, #tpu.memory_space<vmem_shared>>
      %dma_wait3A_343 = arith.constant 0 : i32
      %dma_wait3A_344 = tpu.memref_slice %arg16[%add3A_178, %dma_wait3A_343] : memref<10240x128xf32, #tpu.memory_space<vmem_shared>> -> memref<64x128xf32, #tpu.memory_space<vmem_shared>>
      tpu.wait_dma2 semaphore(%run_scoped3A : memref<!tpu.dma_semaphore, #tpu.memory_space<semaphore_mem>>) src(%arg10 : memref<64x128xf32, #tpu.memory_space<vmem>>) dst(%dma_wait3A_344 : memref<64x128xf32, #tpu.memory_space<vmem_shared>>)
      tpu.yield
    }) : () -> ()
    %barrier3A = arith.constant 0 : index
    tpu.barrier barrier_id(%barrier3A)
    %dma_start3A = arith.constant 0 : i32
    %dma_start3A_179 = tpu.memref_slice %arg3[%mul3A_2, %dma_start3A] : memref<5128x64xi32, #tpu.memory_space<hbm>> -> memref<8x64xi32, #tpu.memory_space<hbm>>
    %dma_start3A_180 = arith.constant 0 : i32
    %dma_start3A_181 = tpu.memref_slice %arg3[%mul3A_2, %dma_start3A_180] : memref<5128x64xi32, #tpu.memory_space<hbm>> -> memref<8x64xi32, #tpu.memory_space<hbm>>
    tpu.enqueue_dma source(%dma_start3A_181 : memref<8x64xi32, #tpu.memory_space<hbm>>) target(%arg6 : memref<8x64xi32, #tpu.memory_space<vmem>>) target_semaphore(%arg25 : memref<!tpu.dma_semaphore, #tpu.memory_space<semaphore_mem>>)
    %dma_start3A_182 = arith.constant 0 : i32
    %dma_start3A_183 = tpu.memref_slice %arg4[%mul3A_2, %dma_start3A_182] : memref<5128x64xi32, #tpu.memory_space<hbm>> -> memref<8x64xi32, #tpu.memory_space<hbm>>
    %dma_start3A_184 = arith.constant 0 : i32
    %dma_start3A_185 = tpu.memref_slice %arg4[%mul3A_2, %dma_start3A_184] : memref<5128x64xi32, #tpu.memory_space<hbm>> -> memref<8x64xi32, #tpu.memory_space<hbm>>
    tpu.enqueue_dma source(%dma_start3A_185 : memref<8x64xi32, #tpu.memory_space<hbm>>) target(%arg8 : memref<8x64xi32, #tpu.memory_space<vmem>>) target_semaphore(%arg25 : memref<!tpu.dma_semaphore, #tpu.memory_space<semaphore_mem>>)
    %get3A = arith.constant 0 : index
    %get3A_186 = tpu.vector_load %arg14[%get3A] {strides = array<i32>} : memref<64xi32, #tpu.memory_space<vmem>>, vector<16xi32>,
    %get3A_187 = vector.shape_cast %get3A_186 : vector<16xi32> to vector<16xi32>
    %swap3A_188 = arith.constant 6 : i32
    %swap3A_189 = arith.index_cast %swap3A_188 : i32 to index
    %swap3A_190 = arith.constant 0 : index
    %swap3A_191 = tpu.vector_load %arg9[%swap3A_189, %swap3A_190] {strides = array<i32>} : memref<8x64xi32, #tpu.memory_space<vmem>>, vector<1x16xi32>,
    %swap3A_192 = vector.shape_cast %swap3A_191 : vector<1x16xi32> to vector<16xi32>
    %swap3A_193 = vector.shape_cast %get3A_187 : vector<16xi32> to vector<1x16xi32>
    tpu.vector_store %arg9[%swap3A_189, %swap3A_190], %swap3A_193 {strides = array<i32>} : memref<8x64xi32, #tpu.memory_space<vmem>>, vector<1x16xi32>,
    %get3A_194 = arith.constant 0 : index
    %get3A_195 = tpu.vector_load %arg14[%get3A_194] {strides = array<i32>} : memref<64xi32, #tpu.memory_space<vmem>>, vector<16xi32>,
    %get3A_196 = vector.shape_cast %get3A_195 : vector<16xi32> to vector<16xi32>
    %swap3A_197 = arith.constant 7 : i32
    %swap3A_198 = arith.index_cast %swap3A_197 : i32 to index
    %swap3A_199 = arith.constant 0 : index
    %swap3A_200 = tpu.vector_load %arg9[%swap3A_198, %swap3A_199] {strides = array<i32>} : memref<8x64xi32, #tpu.memory_space<vmem>>, vector<1x16xi32>,
    %swap3A_201 = vector.shape_cast %swap3A_200 : vector<1x16xi32> to vector<16xi32>
    %swap3A_202 = vector.shape_cast %get3A_196 : vector<16xi32> to vector<1x16xi32>
    tpu.vector_store %arg9[%swap3A_198, %swap3A_199], %swap3A_202 {strides = array<i32>} : memref<8x64xi32, #tpu.memory_space<vmem>>, vector<1x16xi32>,
    %get3A_203 = arith.constant 16 : index
    %get3A_204 = tpu.vector_load %arg14[%get3A_203] {strides = array<i32>} : memref<64xi32, #tpu.memory_space<vmem>>, vector<16xi32>,
    %get3A_205 = vector.shape_cast %get3A_204 : vector<16xi32> to vector<16xi32>
    %swap3A_206 = arith.constant 6 : i32
    %swap3A_207 = arith.index_cast %swap3A_206 : i32 to index
    %swap3A_208 = arith.constant 16 : index
    %swap3A_209 = tpu.vector_load %arg9[%swap3A_207, %swap3A_208] {strides = array<i32>} : memref<8x64xi32, #tpu.memory_space<vmem>>, vector<1x16xi32>,
    %swap3A_210 = vector.shape_cast %swap3A_209 : vector<1x16xi32> to vector<16xi32>
    %swap3A_211 = vector.shape_cast %get3A_205 : vector<16xi32> to vector<1x16xi32>
    tpu.vector_store %arg9[%swap3A_207, %swap3A_208], %swap3A_211 {strides = array<i32>} : memref<8x64xi32, #tpu.memory_space<vmem>>, vector<1x16xi32>,
    %get3A_212 = arith.constant 16 : index
    %get3A_213 = tpu.vector_load %arg14[%get3A_212] {strides = array<i32>} : memref<64xi32, #tpu.memory_space<vmem>>, vector<16xi32>,
    %get3A_214 = vector.shape_cast %get3A_213 : vector<16xi32> to vector<16xi32>
    %swap3A_215 = arith.constant 7 : i32
    %swap3A_216 = arith.index_cast %swap3A_215 : i32 to index
    %swap3A_217 = arith.constant 16 : index
    %swap3A_218 = tpu.vector_load %arg9[%swap3A_216, %swap3A_217] {strides = array<i32>} : memref<8x64xi32, #tpu.memory_space<vmem>>, vector<1x16xi32>,
    %swap3A_219 = vector.shape_cast %swap3A_218 : vector<1x16xi32> to vector<16xi32>
    %swap3A_220 = vector.shape_cast %get3A_214 : vector<16xi32> to vector<1x16xi32>
    tpu.vector_store %arg9[%swap3A_216, %swap3A_217], %swap3A_220 {strides = array<i32>} : memref<8x64xi32, #tpu.memory_space<vmem>>, vector<1x16xi32>,
    %get3A_221 = arith.constant 32 : index
    %get3A_222 = tpu.vector_load %arg14[%get3A_221] {strides = array<i32>} : memref<64xi32, #tpu.memory_space<vmem>>, vector<16xi32>,
    %get3A_223 = vector.shape_cast %get3A_222 : vector<16xi32> to vector<16xi32>
    %swap3A_224 = arith.constant 6 : i32
    %swap3A_225 = arith.index_cast %swap3A_224 : i32 to index
    %swap3A_226 = arith.constant 32 : index
    %swap3A_227 = tpu.vector_load %arg9[%swap3A_225, %swap3A_226] {strides = array<i32>} : memref<8x64xi32, #tpu.memory_space<vmem>>, vector<1x16xi32>,
    %swap3A_228 = vector.shape_cast %swap3A_227 : vector<1x16xi32> to vector<16xi32>
    %swap3A_229 = vector.shape_cast %get3A_223 : vector<16xi32> to vector<1x16xi32>
    tpu.vector_store %arg9[%swap3A_225, %swap3A_226], %swap3A_229 {strides = array<i32>} : memref<8x64xi32, #tpu.memory_space<vmem>>, vector<1x16xi32>,
    %get3A_230 = arith.constant 32 : index
    %get3A_231 = tpu.vector_load %arg14[%get3A_230] {strides = array<i32>} : memref<64xi32, #tpu.memory_space<vmem>>, vector<16xi32>,
    %get3A_232 = vector.shape_cast %get3A_231 : vector<16xi32> to vector<16xi32>
    %swap3A_233 = arith.constant 7 : i32
    %swap3A_234 = arith.index_cast %swap3A_233 : i32 to index
    %swap3A_235 = arith.constant 32 : index
    %swap3A_236 = tpu.vector_load %arg9[%swap3A_234, %swap3A_235] {strides = array<i32>} : memref<8x64xi32, #tpu.memory_space<vmem>>, vector<1x16xi32>,
    %swap3A_237 = vector.shape_cast %swap3A_236 : vector<1x16xi32> to vector<16xi32>
    %swap3A_238 = vector.shape_cast %get3A_232 : vector<16xi32> to vector<1x16xi32>
    tpu.vector_store %arg9[%swap3A_234, %swap3A_235], %swap3A_238 {strides = array<i32>} : memref<8x64xi32, #tpu.memory_space<vmem>>, vector<1x16xi32>,
    %get3A_239 = arith.constant 48 : index
    %get3A_240 = tpu.vector_load %arg14[%get3A_239] {strides = array<i32>} : memref<64xi32, #tpu.memory_space<vmem>>, vector<16xi32>,
    %get3A_241 = vector.shape_cast %get3A_240 : vector<16xi32> to vector<16xi32>
    %swap3A_242 = arith.constant 6 : i32
    %swap3A_243 = arith.index_cast %swap3A_242 : i32 to index
    %swap3A_244 = arith.constant 48 : index
    %swap3A_245 = tpu.vector_load %arg9[%swap3A_243, %swap3A_244] {strides = array<i32>} : memref<8x64xi32, #tpu.memory_space<vmem>>, vector<1x16xi32>,
    %swap3A_246 = vector.shape_cast %swap3A_245 : vector<1x16xi32> to vector<16xi32>
    %swap3A_247 = vector.shape_cast %get3A_241 : vector<16xi32> to vector<1x16xi32>
    tpu.vector_store %arg9[%swap3A_243, %swap3A_244], %swap3A_247 {strides = array<i32>} : memref<8x64xi32, #tpu.memory_space<vmem>>, vector<1x16xi32>,
    %get3A_248 = arith.constant 48 : index
    %get3A_249 = tpu.vector_load %arg14[%get3A_248] {strides = array<i32>} : memref<64xi32, #tpu.memory_space<vmem>>, vector<16xi32>,
    %get3A_250 = vector.shape_cast %get3A_249 : vector<16xi32> to vector<16xi32>
    %swap3A_251 = arith.constant 7 : i32
    %swap3A_252 = arith.index_cast %swap3A_251 : i32 to index
    %swap3A_253 = arith.constant 48 : index
    %swap3A_254 = tpu.vector_load %arg9[%swap3A_252, %swap3A_253] {strides = array<i32>} : memref<8x64xi32, #tpu.memory_space<vmem>>, vector<1x16xi32>,
    %swap3A_255 = vector.shape_cast %swap3A_254 : vector<1x16xi32> to vector<16xi32>
    %swap3A_256 = vector.shape_cast %get3A_250 : vector<16xi32> to vector<1x16xi32>
    tpu.vector_store %arg9[%swap3A_252, %swap3A_253], %swap3A_256 {strides = array<i32>} : memref<8x64xi32, #tpu.memory_space<vmem>>, vector<1x16xi32>,
    %dma_start3A_257 = arith.constant 0 : i32
    %dma_start3A_258 = arith.constant 0 : i32
    %dma_start3A_259 = tpu.memref_slice %arg2[%dma_start3A_257, %dma_start3A_258] : memref<10000x128xf32, #tpu.memory_space<hbm>> -> memref<10000x128xf32, #tpu.memory_space<hbm>>
    tpu.enqueue_indirect_dma source(%dma_start3A_259 : memref<10000x128xf32, #tpu.memory_space<hbm>>) target(%arg12 : memref<64x128xf32, #tpu.memory_space<vmem>>) offsets(%arg15 : memref<64xi32, #tpu.memory_space<vmem>>) semaphore(%arg19 : memref<!tpu.dma_semaphore, #tpu.memory_space<semaphore_mem>>)
    %dma_start3A_260 = arith.constant 0 : i32
    %dma_start3A_261 = arith.constant 0 : i32
    %dma_start3A_262 = tpu.memref_slice %arg2[%dma_start3A_260, %dma_start3A_261] : memref<10000x128xf32, #tpu.memory_space<hbm>> -> memref<10000x128xf32, #tpu.memory_space<hbm>>
    tpu.enqueue_indirect_dma source(%dma_start3A_262 : memref<10000x128xf32, #tpu.memory_space<hbm>>) target(%arg13 : memref<64x128xf32, #tpu.memory_space<vmem>>) offsets(%arg15 : memref<64xi32, #tpu.memory_space<vmem>>) semaphore(%arg20 : memref<!tpu.dma_semaphore, #tpu.memory_space<semaphore_mem>>)
    %dma_start3A_263 = arith.constant 0 : i32
    %dma_start3A_264 = arith.constant 0 : i32
    %dma_start3A_265 = tpu.memref_slice %arg16[%dma_start3A_263, %dma_start3A_264] : memref<10240x128xf32, #tpu.memory_space<vmem_shared>> -> memref<10240x128xf32, #tpu.memory_space<vmem_shared>>
    tpu.enqueue_indirect_dma source(%arg10 : memref<64x128xf32, #tpu.memory_space<vmem>>) target(%dma_start3A_265 : memref<10240x128xf32, #tpu.memory_space<vmem_shared>>) offsets(%arg14 : memref<64xi32, #tpu.memory_space<vmem>>) semaphore(%arg21 : memref<!tpu.dma_semaphore, #tpu.memory_space<semaphore_mem>>) {add = true}
    %dma_start3A_266 = arith.constant 0 : i32
    %dma_start3A_267 = arith.constant 0 : i32
    %dma_start3A_268 = tpu.memref_slice %arg16[%dma_start3A_266, %dma_start3A_267] : memref<10240x128xf32, #tpu.memory_space<vmem_shared>> -> memref<10240x128xf32, #tpu.memory_space<vmem_shared>>
    tpu.enqueue_indirect_dma source(%arg11 : memref<64x128xf32, #tpu.memory_space<vmem>>) target(%dma_start3A_268 : memref<10240x128xf32, #tpu.memory_space<vmem_shared>>) offsets(%arg14 : memref<64xi32, #tpu.memory_space<vmem>>) semaphore(%arg22 : memref<!tpu.dma_semaphore, #tpu.memory_space<semaphore_mem>>) {add = true}
    %scan3A_269 = arith.constant 0 : i32
    %scan3A_270 = arith.constant 0 : i32
    %scan3A_271 = arith.constant 10 : i32
    %scan3A_272 = arith.addi %scan3A_270, %scan3A_271 : i32
    %scan3A_273 = arith.constant 1 : i32
    scf.for %scan3A_337 = %scan3A_270 to %scan3A_272 step %scan3A_273  : i32 {
      %mul3A_338 = arith.constant 2 : i32
      %mul3A_339 = arith.muli %mul3A_338, %scan3A_337 : i32
      %add3A_340 = arith.constant 0 : i32
      %add3A_341 = arith.addi %mul3A_339, %add3A_340 : i32
      %mul3A_342 = arith.constant 8 : i32
      %mul3A_343 = arith.muli %add3A_341, %mul3A_342 : i32
      %add3A_344 = arith.addi %mul3A_2, %mul3A_343 : i32
      %dma_wait3A_345 = arith.constant 0 : i32
      %dma_wait3A_346 = tpu.memref_slice %arg3[%add3A_344, %dma_wait3A_345] : memref<5128x64xi32, #tpu.memory_space<hbm>> -> memref<8x64xi32, #tpu.memory_space<hbm>>
      %dma_wait3A_347 = arith.constant 0 : i32
      %dma_wait3A_348 = tpu.memref_slice %arg3[%add3A_344, %dma_wait3A_347] : memref<5128x64xi32, #tpu.memory_space<hbm>> -> memref<8x64xi32, #tpu.memory_space<hbm>>
      tpu.wait_dma2 semaphore(%arg25 : memref<!tpu.dma_semaphore, #tpu.memory_space<semaphore_mem>>) src(%dma_wait3A_348 : memref<8x64xi32, #tpu.memory_space<hbm>>) dst(%arg6 : memref<8x64xi32, #tpu.memory_space<vmem>>)
      %dma_wait3A_349 = arith.constant 0 : i32
      %dma_wait3A_350 = tpu.memref_slice %arg4[%add3A_344, %dma_wait3A_349] : memref<5128x64xi32, #tpu.memory_space<hbm>> -> memref<8x64xi32, #tpu.memory_space<hbm>>
      %dma_wait3A_351 = arith.constant 0 : i32
      %dma_wait3A_352 = tpu.memref_slice %arg4[%add3A_344, %dma_wait3A_351] : memref<5128x64xi32, #tpu.memory_space<hbm>> -> memref<8x64xi32, #tpu.memory_space<hbm>>
      tpu.wait_dma2 semaphore(%arg25 : memref<!tpu.dma_semaphore, #tpu.memory_space<semaphore_mem>>) src(%dma_wait3A_352 : memref<8x64xi32, #tpu.memory_space<hbm>>) dst(%arg8 : memref<8x64xi32, #tpu.memory_space<vmem>>)
      %dma_wait3A_353 = arith.constant 0 : i32
      %dma_wait3A_354 = arith.constant 0 : i32
      %dma_wait3A_355 = tpu.memref_slice %arg16[%dma_wait3A_353, %dma_wait3A_354] : memref<10240x128xf32, #tpu.memory_space<vmem_shared>> -> memref<10240x128xf32, #tpu.memory_space<vmem_shared>>
      tpu.wait_indirect_dma semaphore(%arg21 : memref<!tpu.dma_semaphore, #tpu.memory_space<semaphore_mem>>) src(%arg10 : memref<64x128xf32, #tpu.memory_space<vmem>>) dst(%dma_wait3A_355 : memref<10240x128xf32, #tpu.memory_space<vmem_shared>>)
      %dma_start3A_356 = arith.constant 0 : i32
      %dma_start3A_357 = arith.constant 0 : i32
      %dma_start3A_358 = tpu.memref_slice %arg6[%dma_start3A_356, %dma_start3A_357] : memref<8x64xi32, #tpu.memory_space<vmem>> -> memref<1x64xi32, #tpu.memory_space<vmem>>
      %dma_start3A_359 = tpu.memref_squeeze %dma_start3A_358 : memref<1x64xi32, #tpu.memory_space<vmem>> -> memref<64xi32, #tpu.memory_space<vmem>>
      %dma_start3A_360 = arith.constant 0 : i32
      %dma_start3A_361 = arith.constant 0 : i32
      %dma_start3A_362 = tpu.memref_slice %arg2[%dma_start3A_360, %dma_start3A_361] : memref<10000x128xf32, #tpu.memory_space<hbm>> -> memref<10000x128xf32, #tpu.memory_space<hbm>>
      tpu.enqueue_indirect_dma source(%dma_start3A_362 : memref<10000x128xf32, #tpu.memory_space<hbm>>) target(%arg10 : memref<64x128xf32, #tpu.memory_space<vmem>>) offsets(%dma_start3A_359 : memref<64xi32, #tpu.memory_space<vmem>>) semaphore(%arg17 : memref<!tpu.dma_semaphore, #tpu.memory_space<semaphore_mem>>)
      %dma_wait3A_363 = arith.constant 0 : i32
      %dma_wait3A_364 = arith.constant 0 : i32
      %dma_wait3A_365 = tpu.memref_slice %arg2[%dma_wait3A_363, %dma_wait3A_364] : memref<10000x128xf32, #tpu.memory_space<hbm>> -> memref<10000x128xf32, #tpu.memory_space<hbm>>
      tpu.wait_indirect_dma semaphore(%arg19 : memref<!tpu.dma_semaphore, #tpu.memory_space<semaphore_mem>>) src(%dma_wait3A_365 : memref<10000x128xf32, #tpu.memory_space<hbm>>) dst(%arg12 : memref<64x128xf32, #tpu.memory_space<vmem>>)
      %dma_start3A_366 = arith.constant 6 : i32
      %dma_start3A_367 = arith.constant 0 : i32
      %dma_start3A_368 = tpu.memref_slice %arg9[%dma_start3A_366, %dma_start3A_367] : memref<8x64xi32, #tpu.memory_space<vmem>> -> memref<1x64xi32, #tpu.memory_space<vmem>>
      %dma_start3A_369 = tpu.memref_squeeze %dma_start3A_368 : memref<1x64xi32, #tpu.memory_space<vmem>> -> memref<64xi32, #tpu.memory_space<vmem>>
      %dma_start3A_370 = arith.constant 0 : i32
      %dma_start3A_371 = arith.constant 0 : i32
      %dma_start3A_372 = tpu.memref_slice %arg16[%dma_start3A_370, %dma_start3A_371] : memref<10240x128xf32, #tpu.memory_space<vmem_shared>> -> memref<10240x128xf32, #tpu.memory_space<vmem_shared>>
      tpu.enqueue_indirect_dma source(%arg12 : memref<64x128xf32, #tpu.memory_space<vmem>>) target(%dma_start3A_372 : memref<10240x128xf32, #tpu.memory_space<vmem_shared>>) offsets(%dma_start3A_369 : memref<64xi32, #tpu.memory_space<vmem>>) semaphore(%arg23 : memref<!tpu.dma_semaphore, #tpu.memory_space<semaphore_mem>>) {add = true}
      %dma_wait3A_373 = arith.constant 0 : i32
      %dma_wait3A_374 = arith.constant 0 : i32
      %dma_wait3A_375 = tpu.memref_slice %arg16[%dma_wait3A_373, %dma_wait3A_374] : memref<10240x128xf32, #tpu.memory_space<vmem_shared>> -> memref<10240x128xf32, #tpu.memory_space<vmem_shared>>
      tpu.wait_indirect_dma semaphore(%arg22 : memref<!tpu.dma_semaphore, #tpu.memory_space<semaphore_mem>>) src(%arg11 : memref<64x128xf32, #tpu.memory_space<vmem>>) dst(%dma_wait3A_375 : memref<10240x128xf32, #tpu.memory_space<vmem_shared>>)
      %dma_start3A_376 = arith.constant 1 : i32
      %dma_start3A_377 = arith.constant 0 : i32
      %dma_start3A_378 = tpu.memref_slice %arg6[%dma_start3A_376, %dma_start3A_377] : memref<8x64xi32, #tpu.memory_space<vmem>> -> memref<1x64xi32, #tpu.memory_space<vmem>>
      %dma_start3A_379 = tpu.memref_squeeze %dma_start3A_378 : memref<1x64xi32, #tpu.memory_space<vmem>> -> memref<64xi32, #tpu.memory_space<vmem>>
      %dma_start3A_380 = arith.constant 0 : i32
      %dma_start3A_381 = arith.constant 0 : i32
      %dma_start3A_382 = tpu.memref_slice %arg2[%dma_start3A_380, %dma_start3A_381] : memref<10000x128xf32, #tpu.memory_space<hbm>> -> memref<10000x128xf32, #tpu.memory_space<hbm>>
      tpu.enqueue_indirect_dma source(%dma_start3A_382 : memref<10000x128xf32, #tpu.memory_space<hbm>>) target(%arg11 : memref<64x128xf32, #tpu.memory_space<vmem>>) offsets(%dma_start3A_379 : memref<64xi32, #tpu.memory_space<vmem>>) semaphore(%arg18 : memref<!tpu.dma_semaphore, #tpu.memory_space<semaphore_mem>>)
      %dma_wait3A_383 = arith.constant 0 : i32
      %dma_wait3A_384 = arith.constant 0 : i32
      %dma_wait3A_385 = tpu.memref_slice %arg2[%dma_wait3A_383, %dma_wait3A_384] : memref<10000x128xf32, #tpu.memory_space<hbm>> -> memref<10000x128xf32, #tpu.memory_space<hbm>>
      tpu.wait_indirect_dma semaphore(%arg20 : memref<!tpu.dma_semaphore, #tpu.memory_space<semaphore_mem>>) src(%dma_wait3A_385 : memref<10000x128xf32, #tpu.memory_space<hbm>>) dst(%arg13 : memref<64x128xf32, #tpu.memory_space<vmem>>)
      %dma_start3A_386 = arith.constant 7 : i32
      %dma_start3A_387 = arith.constant 0 : i32
      %dma_start3A_388 = tpu.memref_slice %arg9[%dma_start3A_386, %dma_start3A_387] : memref<8x64xi32, #tpu.memory_space<vmem>> -> memref<1x64xi32, #tpu.memory_space<vmem>>
      %dma_start3A_389 = tpu.memref_squeeze %dma_start3A_388 : memref<1x64xi32, #tpu.memory_space<vmem>> -> memref<64xi32, #tpu.memory_space<vmem>>
      %dma_start3A_390 = arith.constant 0 : i32
      %dma_start3A_391 = arith.constant 0 : i32
      %dma_start3A_392 = tpu.memref_slice %arg16[%dma_start3A_390, %dma_start3A_391] : memref<10240x128xf32, #tpu.memory_space<vmem_shared>> -> memref<10240x128xf32, #tpu.memory_space<vmem_shared>>
      tpu.enqueue_indirect_dma source(%arg13 : memref<64x128xf32, #tpu.memory_space<vmem>>) target(%dma_start3A_392 : memref<10240x128xf32, #tpu.memory_space<vmem_shared>>) offsets(%dma_start3A_389 : memref<64xi32, #tpu.memory_space<vmem>>) semaphore(%arg24 : memref<!tpu.dma_semaphore, #tpu.memory_space<semaphore_mem>>) {add = true}
      %dma_wait3A_393 = arith.constant 0 : i32
      %dma_wait3A_394 = arith.constant 0 : i32
      %dma_wait3A_395 = tpu.memref_slice %arg16[%dma_wait3A_393, %dma_wait3A_394] : memref<10240x128xf32, #tpu.memory_space<vmem_shared>> -> memref<10240x128xf32, #tpu.memory_space<vmem_shared>>
      tpu.wait_indirect_dma semaphore(%arg23 : memref<!tpu.dma_semaphore, #tpu.memory_space<semaphore_mem>>) src(%arg12 : memref<64x128xf32, #tpu.memory_space<vmem>>) dst(%dma_wait3A_395 : memref<10240x128xf32, #tpu.memory_space<vmem_shared>>)
      %dma_start3A_396 = arith.constant 2 : i32
      %dma_start3A_397 = arith.constant 0 : i32
      %dma_start3A_398 = tpu.memref_slice %arg6[%dma_start3A_396, %dma_start3A_397] : memref<8x64xi32, #tpu.memory_space<vmem>> -> memref<1x64xi32, #tpu.memory_space<vmem>>
      %dma_start3A_399 = tpu.memref_squeeze %dma_start3A_398 : memref<1x64xi32, #tpu.memory_space<vmem>> -> memref<64xi32, #tpu.memory_space<vmem>>
      %dma_start3A_400 = arith.constant 0 : i32
      %dma_start3A_401 = arith.constant 0 : i32
      %dma_start3A_402 = tpu.memref_slice %arg2[%dma_start3A_400, %dma_start3A_401] : memref<10000x128xf32, #tpu.memory_space<hbm>> -> memref<10000x128xf32, #tpu.memory_space<hbm>>
      tpu.enqueue_indirect_dma source(%dma_start3A_402 : memref<10000x128xf32, #tpu.memory_space<hbm>>) target(%arg12 : memref<64x128xf32, #tpu.memory_space<vmem>>) offsets(%dma_start3A_399 : memref<64xi32, #tpu.memory_space<vmem>>) semaphore(%arg19 : memref<!tpu.dma_semaphore, #tpu.memory_space<semaphore_mem>>)
      %dma_wait3A_403 = arith.constant 0 : i32
      %dma_wait3A_404 = arith.constant 0 : i32
      %dma_wait3A_405 = tpu.memref_slice %arg2[%dma_wait3A_403, %dma_wait3A_404] : memref<10000x128xf32, #tpu.memory_space<hbm>> -> memref<10000x128xf32, #tpu.memory_space<hbm>>
      tpu.wait_indirect_dma semaphore(%arg17 : memref<!tpu.dma_semaphore, #tpu.memory_space<semaphore_mem>>) src(%dma_wait3A_405 : memref<10000x128xf32, #tpu.memory_space<hbm>>) dst(%arg10 : memref<64x128xf32, #tpu.memory_space<vmem>>)
      %dma_start3A_406 = arith.constant 0 : i32
      %dma_start3A_407 = arith.constant 0 : i32
      %dma_start3A_408 = tpu.memref_slice %arg8[%dma_start3A_406, %dma_start3A_407] : memref<8x64xi32, #tpu.memory_space<vmem>> -> memref<1x64xi32, #tpu.memory_space<vmem>>
      %dma_start3A_409 = tpu.memref_squeeze %dma_start3A_408 : memref<1x64xi32, #tpu.memory_space<vmem>> -> memref<64xi32, #tpu.memory_space<vmem>>
      %dma_start3A_410 = arith.constant 0 : i32
      %dma_start3A_411 = arith.constant 0 : i32
      %dma_start3A_412 = tpu.memref_slice %arg16[%dma_start3A_410, %dma_start3A_411] : memref<10240x128xf32, #tpu.memory_space<vmem_shared>> -> memref<10240x128xf32, #tpu.memory_space<vmem_shared>>
      tpu.enqueue_indirect_dma source(%arg10 : memref<64x128xf32, #tpu.memory_space<vmem>>) target(%dma_start3A_412 : memref<10240x128xf32, #tpu.memory_space<vmem_shared>>) offsets(%dma_start3A_409 : memref<64xi32, #tpu.memory_space<vmem>>) semaphore(%arg21 : memref<!tpu.dma_semaphore, #tpu.memory_space<semaphore_mem>>) {add = true}
      %dma_wait3A_413 = arith.constant 0 : i32
      %dma_wait3A_414 = arith.constant 0 : i32
      %dma_wait3A_415 = tpu.memref_slice %arg16[%dma_wait3A_413, %dma_wait3A_414] : memref<10240x128xf32, #tpu.memory_space<vmem_shared>> -> memref<10240x128xf32, #tpu.memory_space<vmem_shared>>
      tpu.wait_indirect_dma semaphore(%arg24 : memref<!tpu.dma_semaphore, #tpu.memory_space<semaphore_mem>>) src(%arg13 : memref<64x128xf32, #tpu.memory_space<vmem>>) dst(%dma_wait3A_415 : memref<10240x128xf32, #tpu.memory_space<vmem_shared>>)
      %dma_start3A_416 = arith.constant 3 : i32
      %dma_start3A_417 = arith.constant 0 : i32
      %dma_start3A_418 = tpu.memref_slice %arg6[%dma_start3A_416, %dma_start3A_417] : memref<8x64xi32, #tpu.memory_space<vmem>> -> memref<1x64xi32, #tpu.memory_space<vmem>>
      %dma_start3A_419 = tpu.memref_squeeze %dma_start3A_418 : memref<1x64xi32, #tpu.memory_space<vmem>> -> memref<64xi32, #tpu.memory_space<vmem>>
      %dma_start3A_420 = arith.constant 0 : i32
      %dma_start3A_421 = arith.constant 0 : i32
      %dma_start3A_422 = tpu.memref_slice %arg2[%dma_start3A_420, %dma_start3A_421] : memref<10000x128xf32, #tpu.memory_space<hbm>> -> memref<10000x128xf32, #tpu.memory_space<hbm>>
      tpu.enqueue_indirect_dma source(%dma_start3A_422 : memref<10000x128xf32, #tpu.memory_space<hbm>>) target(%arg13 : memref<64x128xf32, #tpu.memory_space<vmem>>) offsets(%dma_start3A_419 : memref<64xi32, #tpu.memory_space<vmem>>) semaphore(%arg20 : memref<!tpu.dma_semaphore, #tpu.memory_space<semaphore_mem>>)
      %dma_wait3A_423 = arith.constant 0 : i32
      %dma_wait3A_424 = arith.constant 0 : i32
      %dma_wait3A_425 = tpu.memref_slice %arg2[%dma_wait3A_423, %dma_wait3A_424] : memref<10000x128xf32, #tpu.memory_space<hbm>> -> memref<10000x128xf32, #tpu.memory_space<hbm>>
      tpu.wait_indirect_dma semaphore(%arg18 : memref<!tpu.dma_semaphore, #tpu.memory_space<semaphore_mem>>) src(%dma_wait3A_425 : memref<10000x128xf32, #tpu.memory_space<hbm>>) dst(%arg11 : memref<64x128xf32, #tpu.memory_space<vmem>>)
      %dma_start3A_426 = arith.constant 1 : i32
      %dma_start3A_427 = arith.constant 0 : i32
      %dma_start3A_428 = tpu.memref_slice %arg8[%dma_start3A_426, %dma_start3A_427] : memref<8x64xi32, #tpu.memory_space<vmem>> -> memref<1x64xi32, #tpu.memory_space<vmem>>
      %dma_start3A_429 = tpu.memref_squeeze %dma_start3A_428 : memref<1x64xi32, #tpu.memory_space<vmem>> -> memref<64xi32, #tpu.memory_space<vmem>>
      %dma_start3A_430 = arith.constant 0 : i32
      %dma_start3A_431 = arith.constant 0 : i32
      %dma_start3A_432 = tpu.memref_slice %arg16[%dma_start3A_430, %dma_start3A_431] : memref<10240x128xf32, #tpu.memory_space<vmem_shared>> -> memref<10240x128xf32, #tpu.memory_space<vmem_shared>>
      tpu.enqueue_indirect_dma source(%arg11 : memref<64x128xf32, #tpu.memory_space<vmem>>) target(%dma_start3A_432 : memref<10240x128xf32, #tpu.memory_space<vmem_shared>>) offsets(%dma_start3A_429 : memref<64xi32, #tpu.memory_space<vmem>>) semaphore(%arg22 : memref<!tpu.dma_semaphore, #tpu.memory_space<semaphore_mem>>) {add = true}
      %add3A_433 = arith.constant 1 : i32
      %add3A_434 = arith.addi %add3A_341, %add3A_433 : i32
      %mul3A_435 = arith.constant 8 : i32
      %mul3A_436 = arith.muli %add3A_434, %mul3A_435 : i32
      %add3A_437 = arith.addi %mul3A_2, %mul3A_436 : i32
      %dma_start3A_438 = arith.constant 0 : i32
      %dma_start3A_439 = tpu.memref_slice %arg3[%add3A_437, %dma_start3A_438] : memref<5128x64xi32, #tpu.memory_space<hbm>> -> memref<8x64xi32, #tpu.memory_space<hbm>>
      %dma_start3A_440 = arith.constant 0 : i32
      %dma_start3A_441 = tpu.memref_slice %arg3[%add3A_437, %dma_start3A_440] : memref<5128x64xi32, #tpu.memory_space<hbm>> -> memref<8x64xi32, #tpu.memory_space<hbm>>
      tpu.enqueue_dma source(%dma_start3A_441 : memref<8x64xi32, #tpu.memory_space<hbm>>) target(%arg7 : memref<8x64xi32, #tpu.memory_space<vmem>>) target_semaphore(%arg26 : memref<!tpu.dma_semaphore, #tpu.memory_space<semaphore_mem>>)
      %dma_start3A_442 = arith.constant 0 : i32
      %dma_start3A_443 = tpu.memref_slice %arg4[%add3A_437, %dma_start3A_442] : memref<5128x64xi32, #tpu.memory_space<hbm>> -> memref<8x64xi32, #tpu.memory_space<hbm>>
      %dma_start3A_444 = arith.constant 0 : i32
      %dma_start3A_445 = tpu.memref_slice %arg4[%add3A_437, %dma_start3A_444] : memref<5128x64xi32, #tpu.memory_space<hbm>> -> memref<8x64xi32, #tpu.memory_space<hbm>>
      tpu.enqueue_dma source(%dma_start3A_445 : memref<8x64xi32, #tpu.memory_space<hbm>>) target(%arg9 : memref<8x64xi32, #tpu.memory_space<vmem>>) target_semaphore(%arg26 : memref<!tpu.dma_semaphore, #tpu.memory_space<semaphore_mem>>)
      %dma_wait3A_446 = arith.constant 0 : i32
      %dma_wait3A_447 = arith.constant 0 : i32
      %dma_wait3A_448 = tpu.memref_slice %arg16[%dma_wait3A_446, %dma_wait3A_447] : memref<10240x128xf32, #tpu.memory_space<vmem_shared>> -> memref<10240x128xf32, #tpu.memory_space<vmem_shared>>
      tpu.wait_indirect_dma semaphore(%arg21 : memref<!tpu.dma_semaphore, #tpu.memory_space<semaphore_mem>>) src(%arg10 : memref<64x128xf32, #tpu.memory_space<vmem>>) dst(%dma_wait3A_448 : memref<10240x128xf32, #tpu.memory_space<vmem_shared>>)
      %dma_start3A_449 = arith.constant 4 : i32
      %dma_start3A_450 = arith.constant 0 : i32
      %dma_start3A_451 = tpu.memref_slice %arg6[%dma_start3A_449, %dma_start3A_450] : memref<8x64xi32, #tpu.memory_space<vmem>> -> memref<1x64xi32, #tpu.memory_space<vmem>>
      %dma_start3A_452 = tpu.memref_squeeze %dma_start3A_451 : memref<1x64xi32, #tpu.memory_space<vmem>> -> memref<64xi32, #tpu.memory_space<vmem>>
      %dma_start3A_453 = arith.constant 0 : i32
      %dma_start3A_454 = arith.constant 0 : i32
      %dma_start3A_455 = tpu.memref_slice %arg2[%dma_start3A_453, %dma_start3A_454] : memref<10000x128xf32, #tpu.memory_space<hbm>> -> memref<10000x128xf32, #tpu.memory_space<hbm>>
      tpu.enqueue_indirect_dma source(%dma_start3A_455 : memref<10000x128xf32, #tpu.memory_space<hbm>>) target(%arg10 : memref<64x128xf32, #tpu.memory_space<vmem>>) offsets(%dma_start3A_452 : memref<64xi32, #tpu.memory_space<vmem>>) semaphore(%arg17 : memref<!tpu.dma_semaphore, #tpu.memory_space<semaphore_mem>>)
      %dma_wait3A_456 = arith.constant 0 : i32
      %dma_wait3A_457 = arith.constant 0 : i32
      %dma_wait3A_458 = tpu.memref_slice %arg2[%dma_wait3A_456, %dma_wait3A_457] : memref<10000x128xf32, #tpu.memory_space<hbm>> -> memref<10000x128xf32, #tpu.memory_space<hbm>>
      tpu.wait_indirect_dma semaphore(%arg19 : memref<!tpu.dma_semaphore, #tpu.memory_space<semaphore_mem>>) src(%dma_wait3A_458 : memref<10000x128xf32, #tpu.memory_space<hbm>>) dst(%arg12 : memref<64x128xf32, #tpu.memory_space<vmem>>)
      %dma_start3A_459 = arith.constant 2 : i32
      %dma_start3A_460 = arith.constant 0 : i32
      %dma_start3A_461 = tpu.memref_slice %arg8[%dma_start3A_459, %dma_start3A_460] : memref<8x64xi32, #tpu.memory_space<vmem>> -> memref<1x64xi32, #tpu.memory_space<vmem>>
      %dma_start3A_462 = tpu.memref_squeeze %dma_start3A_461 : memref<1x64xi32, #tpu.memory_space<vmem>> -> memref<64xi32, #tpu.memory_space<vmem>>
      %dma_start3A_463 = arith.constant 0 : i32
      %dma_start3A_464 = arith.constant 0 : i32
      %dma_start3A_465 = tpu.memref_slice %arg16[%dma_start3A_463, %dma_start3A_464] : memref<10240x128xf32, #tpu.memory_space<vmem_shared>> -> memref<10240x128xf32, #tpu.memory_space<vmem_shared>>
      tpu.enqueue_indirect_dma source(%arg12 : memref<64x128xf32, #tpu.memory_space<vmem>>) target(%dma_start3A_465 : memref<10240x128xf32, #tpu.memory_space<vmem_shared>>) offsets(%dma_start3A_462 : memref<64xi32, #tpu.memory_space<vmem>>) semaphore(%arg23 : memref<!tpu.dma_semaphore, #tpu.memory_space<semaphore_mem>>) {add = true}
      %dma_wait3A_466 = arith.constant 0 : i32
      %dma_wait3A_467 = arith.constant 0 : i32
      %dma_wait3A_468 = tpu.memref_slice %arg16[%dma_wait3A_466, %dma_wait3A_467] : memref<10240x128xf32, #tpu.memory_space<vmem_shared>> -> memref<10240x128xf32, #tpu.memory_space<vmem_shared>>
      tpu.wait_indirect_dma semaphore(%arg22 : memref<!tpu.dma_semaphore, #tpu.memory_space<semaphore_mem>>) src(%arg11 : memref<64x128xf32, #tpu.memory_space<vmem>>) dst(%dma_wait3A_468 : memref<10240x128xf32, #tpu.memory_space<vmem_shared>>)
      %dma_start3A_469 = arith.constant 5 : i32
      %dma_start3A_470 = arith.constant 0 : i32
      %dma_start3A_471 = tpu.memref_slice %arg6[%dma_start3A_469, %dma_start3A_470] : memref<8x64xi32, #tpu.memory_space<vmem>> -> memref<1x64xi32, #tpu.memory_space<vmem>>
      %dma_start3A_472 = tpu.memref_squeeze %dma_start3A_471 : memref<1x64xi32, #tpu.memory_space<vmem>> -> memref<64xi32, #tpu.memory_space<vmem>>
      %dma_start3A_473 = arith.constant 0 : i32
      %dma_start3A_474 = arith.constant 0 : i32
      %dma_start3A_475 = tpu.memref_slice %arg2[%dma_start3A_473, %dma_start3A_474] : memref<10000x128xf32, #tpu.memory_space<hbm>> -> memref<10000x128xf32, #tpu.memory_space<hbm>>
      tpu.enqueue_indirect_dma source(%dma_start3A_475 : memref<10000x128xf32, #tpu.memory_space<hbm>>) target(%arg11 : memref<64x128xf32, #tpu.memory_space<vmem>>) offsets(%dma_start3A_472 : memref<64xi32, #tpu.memory_space<vmem>>) semaphore(%arg18 : memref<!tpu.dma_semaphore, #tpu.memory_space<semaphore_mem>>)
      %dma_wait3A_476 = arith.constant 0 : i32
      %dma_wait3A_477 = arith.constant 0 : i32
      %dma_wait3A_478 = tpu.memref_slice %arg2[%dma_wait3A_476, %dma_wait3A_477] : memref<10000x128xf32, #tpu.memory_space<hbm>> -> memref<10000x128xf32, #tpu.memory_space<hbm>>
      tpu.wait_indirect_dma semaphore(%arg20 : memref<!tpu.dma_semaphore, #tpu.memory_space<semaphore_mem>>) src(%dma_wait3A_478 : memref<10000x128xf32, #tpu.memory_space<hbm>>) dst(%arg13 : memref<64x128xf32, #tpu.memory_space<vmem>>)
      %dma_start3A_479 = arith.constant 3 : i32
      %dma_start3A_480 = arith.constant 0 : i32
      %dma_start3A_481 = tpu.memref_slice %arg8[%dma_start3A_479, %dma_start3A_480] : memref<8x64xi32, #tpu.memory_space<vmem>> -> memref<1x64xi32, #tpu.memory_space<vmem>>
      %dma_start3A_482 = tpu.memref_squeeze %dma_start3A_481 : memref<1x64xi32, #tpu.memory_space<vmem>> -> memref<64xi32, #tpu.memory_space<vmem>>
      %dma_start3A_483 = arith.constant 0 : i32
      %dma_start3A_484 = arith.constant 0 : i32
      %dma_start3A_485 = tpu.memref_slice %arg16[%dma_start3A_483, %dma_start3A_484] : memref<10240x128xf32, #tpu.memory_space<vmem_shared>> -> memref<10240x128xf32, #tpu.memory_space<vmem_shared>>
      tpu.enqueue_indirect_dma source(%arg13 : memref<64x128xf32, #tpu.memory_space<vmem>>) target(%dma_start3A_485 : memref<10240x128xf32, #tpu.memory_space<vmem_shared>>) offsets(%dma_start3A_482 : memref<64xi32, #tpu.memory_space<vmem>>) semaphore(%arg24 : memref<!tpu.dma_semaphore, #tpu.memory_space<semaphore_mem>>) {add = true}
      %dma_wait3A_486 = arith.constant 0 : i32
      %dma_wait3A_487 = arith.constant 0 : i32
      %dma_wait3A_488 = tpu.memref_slice %arg16[%dma_wait3A_486, %dma_wait3A_487] : memref<10240x128xf32, #tpu.memory_space<vmem_shared>> -> memref<10240x128xf32, #tpu.memory_space<vmem_shared>>
      tpu.wait_indirect_dma semaphore(%arg23 : memref<!tpu.dma_semaphore, #tpu.memory_space<semaphore_mem>>) src(%arg12 : memref<64x128xf32, #tpu.memory_space<vmem>>) dst(%dma_wait3A_488 : memref<10240x128xf32, #tpu.memory_space<vmem_shared>>)
      %dma_start3A_489 = arith.constant 6 : i32
      %dma_start3A_490 = arith.constant 0 : i32
      %dma_start3A_491 = tpu.memref_slice %arg6[%dma_start3A_489, %dma_start3A_490] : memref<8x64xi32, #tpu.memory_space<vmem>> -> memref<1x64xi32, #tpu.memory_space<vmem>>
      %dma_start3A_492 = tpu.memref_squeeze %dma_start3A_491 : memref<1x64xi32, #tpu.memory_space<vmem>> -> memref<64xi32, #tpu.memory_space<vmem>>
      %dma_start3A_493 = arith.constant 0 : i32
      %dma_start3A_494 = arith.constant 0 : i32
      %dma_start3A_495 = tpu.memref_slice %arg2[%dma_start3A_493, %dma_start3A_494] : memref<10000x128xf32, #tpu.memory_space<hbm>> -> memref<10000x128xf32, #tpu.memory_space<hbm>>
      tpu.enqueue_indirect_dma source(%dma_start3A_495 : memref<10000x128xf32, #tpu.memory_space<hbm>>) target(%arg12 : memref<64x128xf32, #tpu.memory_space<vmem>>) offsets(%dma_start3A_492 : memref<64xi32, #tpu.memory_space<vmem>>) semaphore(%arg19 : memref<!tpu.dma_semaphore, #tpu.memory_space<semaphore_mem>>)
      %dma_wait3A_496 = arith.constant 0 : i32
      %dma_wait3A_497 = arith.constant 0 : i32
      %dma_wait3A_498 = tpu.memref_slice %arg2[%dma_wait3A_496, %dma_wait3A_497] : memref<10000x128xf32, #tpu.memory_space<hbm>> -> memref<10000x128xf32, #tpu.memory_space<hbm>>
      tpu.wait_indirect_dma semaphore(%arg17 : memref<!tpu.dma_semaphore, #tpu.memory_space<semaphore_mem>>) src(%dma_wait3A_498 : memref<10000x128xf32, #tpu.memory_space<hbm>>) dst(%arg10 : memref<64x128xf32, #tpu.memory_space<vmem>>)
      %dma_start3A_499 = arith.constant 4 : i32
      %dma_start3A_500 = arith.constant 0 : i32
      %dma_start3A_501 = tpu.memref_slice %arg8[%dma_start3A_499, %dma_start3A_500] : memref<8x64xi32, #tpu.memory_space<vmem>> -> memref<1x64xi32, #tpu.memory_space<vmem>>
      %dma_start3A_502 = tpu.memref_squeeze %dma_start3A_501 : memref<1x64xi32, #tpu.memory_space<vmem>> -> memref<64xi32, #tpu.memory_space<vmem>>
      %dma_start3A_503 = arith.constant 0 : i32
      %dma_start3A_504 = arith.constant 0 : i32
      %dma_start3A_505 = tpu.memref_slice %arg16[%dma_start3A_503, %dma_start3A_504] : memref<10240x128xf32, #tpu.memory_space<vmem_shared>> -> memref<10240x128xf32, #tpu.memory_space<vmem_shared>>
      tpu.enqueue_indirect_dma source(%arg10 : memref<64x128xf32, #tpu.memory_space<vmem>>) target(%dma_start3A_505 : memref<10240x128xf32, #tpu.memory_space<vmem_shared>>) offsets(%dma_start3A_502 : memref<64xi32, #tpu.memory_space<vmem>>) semaphore(%arg21 : memref<!tpu.dma_semaphore, #tpu.memory_space<semaphore_mem>>) {add = true}
      %dma_wait3A_506 = arith.constant 0 : i32
      %dma_wait3A_507 = arith.constant 0 : i32
      %dma_wait3A_508 = tpu.memref_slice %arg16[%dma_wait3A_506, %dma_wait3A_507] : memref<10240x128xf32, #tpu.memory_space<vmem_shared>> -> memref<10240x128xf32, #tpu.memory_space<vmem_shared>>
      tpu.wait_indirect_dma semaphore(%arg24 : memref<!tpu.dma_semaphore, #tpu.memory_space<semaphore_mem>>) src(%arg13 : memref<64x128xf32, #tpu.memory_space<vmem>>) dst(%dma_wait3A_508 : memref<10240x128xf32, #tpu.memory_space<vmem_shared>>)
      %dma_start3A_509 = arith.constant 7 : i32
      %dma_start3A_510 = arith.constant 0 : i32
      %dma_start3A_511 = tpu.memref_slice %arg6[%dma_start3A_509, %dma_start3A_510] : memref<8x64xi32, #tpu.memory_space<vmem>> -> memref<1x64xi32, #tpu.memory_space<vmem>>
      %dma_start3A_512 = tpu.memref_squeeze %dma_start3A_511 : memref<1x64xi32, #tpu.memory_space<vmem>> -> memref<64xi32, #tpu.memory_space<vmem>>
      %dma_start3A_513 = arith.constant 0 : i32
      %dma_start3A_514 = arith.constant 0 : i32
      %dma_start3A_515 = tpu.memref_slice %arg2[%dma_start3A_513, %dma_start3A_514] : memref<10000x128xf32, #tpu.memory_space<hbm>> -> memref<10000x128xf32, #tpu.memory_space<hbm>>
      tpu.enqueue_indirect_dma source(%dma_start3A_515 : memref<10000x128xf32, #tpu.memory_space<hbm>>) target(%arg13 : memref<64x128xf32, #tpu.memory_space<vmem>>) offsets(%dma_start3A_512 : memref<64xi32, #tpu.memory_space<vmem>>) semaphore(%arg20 : memref<!tpu.dma_semaphore, #tpu.memory_space<semaphore_mem>>)
      %dma_wait3A_516 = arith.constant 0 : i32
      %dma_wait3A_517 = arith.constant 0 : i32
      %dma_wait3A_518 = tpu.memref_slice %arg2[%dma_wait3A_516, %dma_wait3A_517] : memref<10000x128xf32, #tpu.memory_space<hbm>> -> memref<10000x128xf32, #tpu.memory_space<hbm>>
      tpu.wait_indirect_dma semaphore(%arg18 : memref<!tpu.dma_semaphore, #tpu.memory_space<semaphore_mem>>) src(%dma_wait3A_518 : memref<10000x128xf32, #tpu.memory_space<hbm>>) dst(%arg11 : memref<64x128xf32, #tpu.memory_space<vmem>>)
      %dma_start3A_519 = arith.constant 5 : i32
      %dma_start3A_520 = arith.constant 0 : i32
      %dma_start3A_521 = tpu.memref_slice %arg8[%dma_start3A_519, %dma_start3A_520] : memref<8x64xi32, #tpu.memory_space<vmem>> -> memref<1x64xi32, #tpu.memory_space<vmem>>
      %dma_start3A_522 = tpu.memref_squeeze %dma_start3A_521 : memref<1x64xi32, #tpu.memory_space<vmem>> -> memref<64xi32, #tpu.memory_space<vmem>>
      %dma_start3A_523 = arith.constant 0 : i32
      %dma_start3A_524 = arith.constant 0 : i32
      %dma_start3A_525 = tpu.memref_slice %arg16[%dma_start3A_523, %dma_start3A_524] : memref<10240x128xf32, #tpu.memory_space<vmem_shared>> -> memref<10240x128xf32, #tpu.memory_space<vmem_shared>>
      tpu.enqueue_indirect_dma source(%arg11 : memref<64x128xf32, #tpu.memory_space<vmem>>) target(%dma_start3A_525 : memref<10240x128xf32, #tpu.memory_space<vmem_shared>>) offsets(%dma_start3A_522 : memref<64xi32, #tpu.memory_space<vmem>>) semaphore(%arg22 : memref<!tpu.dma_semaphore, #tpu.memory_space<semaphore_mem>>) {add = true}
      %mul3A_526 = arith.constant 2 : i32
      %mul3A_527 = arith.muli %mul3A_526, %scan3A_337 : i32
      %add3A_528 = arith.constant 1 : i32
      %add3A_529 = arith.addi %mul3A_527, %add3A_528 : i32
      %mul3A_530 = arith.constant 8 : i32
      %mul3A_531 = arith.muli %add3A_529, %mul3A_530 : i32
      %add3A_532 = arith.addi %mul3A_2, %mul3A_531 : i32
      %dma_wait3A_533 = arith.constant 0 : i32
      %dma_wait3A_534 = tpu.memref_slice %arg3[%add3A_532, %dma_wait3A_533] : memref<5128x64xi32, #tpu.memory_space<hbm>> -> memref<8x64xi32, #tpu.memory_space<hbm>>
      %dma_wait3A_535 = arith.constant 0 : i32
      %dma_wait3A_536 = tpu.memref_slice %arg3[%add3A_532, %dma_wait3A_535] : memref<5128x64xi32, #tpu.memory_space<hbm>> -> memref<8x64xi32, #tpu.memory_space<hbm>>
      tpu.wait_dma2 semaphore(%arg26 : memref<!tpu.dma_semaphore, #tpu.memory_space<semaphore_mem>>) src(%dma_wait3A_536 : memref<8x64xi32, #tpu.memory_space<hbm>>) dst(%arg7 : memref<8x64xi32, #tpu.memory_space<vmem>>)
      %dma_wait3A_537 = arith.constant 0 : i32
      %dma_wait3A_538 = tpu.memref_slice %arg4[%add3A_532, %dma_wait3A_537] : memref<5128x64xi32, #tpu.memory_space<hbm>> -> memref<8x64xi32, #tpu.memory_space<hbm>>
      %dma_wait3A_539 = arith.constant 0 : i32
      %dma_wait3A_540 = tpu.memref_slice %arg4[%add3A_532, %dma_wait3A_539] : memref<5128x64xi32, #tpu.memory_space<hbm>> -> memref<8x64xi32, #tpu.memory_space<hbm>>
      tpu.wait_dma2 semaphore(%arg26 : memref<!tpu.dma_semaphore, #tpu.memory_space<semaphore_mem>>) src(%dma_wait3A_540 : memref<8x64xi32, #tpu.memory_space<hbm>>) dst(%arg9 : memref<8x64xi32, #tpu.memory_space<vmem>>)
      %dma_wait3A_541 = arith.constant 0 : i32
      %dma_wait3A_542 = arith.constant 0 : i32
      %dma_wait3A_543 = tpu.memref_slice %arg16[%dma_wait3A_541, %dma_wait3A_542] : memref<10240x128xf32, #tpu.memory_space<vmem_shared>> -> memref<10240x128xf32, #tpu.memory_space<vmem_shared>>
      tpu.wait_indirect_dma semaphore(%arg21 : memref<!tpu.dma_semaphore, #tpu.memory_space<semaphore_mem>>) src(%arg10 : memref<64x128xf32, #tpu.memory_space<vmem>>) dst(%dma_wait3A_543 : memref<10240x128xf32, #tpu.memory_space<vmem_shared>>)
      %dma_start3A_544 = arith.constant 0 : i32
      %dma_start3A_545 = arith.constant 0 : i32
      %dma_start3A_546 = tpu.memref_slice %arg7[%dma_start3A_544, %dma_start3A_545] : memref<8x64xi32, #tpu.memory_space<vmem>> -> memref<1x64xi32, #tpu.memory_space<vmem>>
      %dma_start3A_547 = tpu.memref_squeeze %dma_start3A_546 : memref<1x64xi32, #tpu.memory_space<vmem>> -> memref<64xi32, #tpu.memory_space<vmem>>
      %dma_start3A_548 = arith.constant 0 : i32
      %dma_start3A_549 = arith.constant 0 : i32
      %dma_start3A_550 = tpu.memref_slice %arg2[%dma_start3A_548, %dma_start3A_549] : memref<10000x128xf32, #tpu.memory_space<hbm>> -> memref<10000x128xf32, #tpu.memory_space<hbm>>
      tpu.enqueue_indirect_dma source(%dma_start3A_550 : memref<10000x128xf32, #tpu.memory_space<hbm>>) target(%arg10 : memref<64x128xf32, #tpu.memory_space<vmem>>) offsets(%dma_start3A_547 : memref<64xi32, #tpu.memory_space<vmem>>) semaphore(%arg17 : memref<!tpu.dma_semaphore, #tpu.memory_space<semaphore_mem>>)
      %dma_wait3A_551 = arith.constant 0 : i32
      %dma_wait3A_552 = arith.constant 0 : i32
      %dma_wait3A_553 = tpu.memref_slice %arg2[%dma_wait3A_551, %dma_wait3A_552] : memref<10000x128xf32, #tpu.memory_space<hbm>> -> memref<10000x128xf32, #tpu.memory_space<hbm>>
      tpu.wait_indirect_dma semaphore(%arg19 : memref<!tpu.dma_semaphore, #tpu.memory_space<semaphore_mem>>) src(%dma_wait3A_553 : memref<10000x128xf32, #tpu.memory_space<hbm>>) dst(%arg12 : memref<64x128xf32, #tpu.memory_space<vmem>>)
      %dma_start3A_554 = arith.constant 6 : i32
      %dma_start3A_555 = arith.constant 0 : i32
      %dma_start3A_556 = tpu.memref_slice %arg8[%dma_start3A_554, %dma_start3A_555] : memref<8x64xi32, #tpu.memory_space<vmem>> -> memref<1x64xi32, #tpu.memory_space<vmem>>
      %dma_start3A_557 = tpu.memref_squeeze %dma_start3A_556 : memref<1x64xi32, #tpu.memory_space<vmem>> -> memref<64xi32, #tpu.memory_space<vmem>>
      %dma_start3A_558 = arith.constant 0 : i32
      %dma_start3A_559 = arith.constant 0 : i32
      %dma_start3A_560 = tpu.memref_slice %arg16[%dma_start3A_558, %dma_start3A_559] : memref<10240x128xf32, #tpu.memory_space<vmem_shared>> -> memref<10240x128xf32, #tpu.memory_space<vmem_shared>>
      tpu.enqueue_indirect_dma source(%arg12 : memref<64x128xf32, #tpu.memory_space<vmem>>) target(%dma_start3A_560 : memref<10240x128xf32, #tpu.memory_space<vmem_shared>>) offsets(%dma_start3A_557 : memref<64xi32, #tpu.memory_space<vmem>>) semaphore(%arg23 : memref<!tpu.dma_semaphore, #tpu.memory_space<semaphore_mem>>) {add = true}
      %dma_wait3A_561 = arith.constant 0 : i32
      %dma_wait3A_562 = arith.constant 0 : i32
      %dma_wait3A_563 = tpu.memref_slice %arg16[%dma_wait3A_561, %dma_wait3A_562] : memref<10240x128xf32, #tpu.memory_space<vmem_shared>> -> memref<10240x128xf32, #tpu.memory_space<vmem_shared>>
      tpu.wait_indirect_dma semaphore(%arg22 : memref<!tpu.dma_semaphore, #tpu.memory_space<semaphore_mem>>) src(%arg11 : memref<64x128xf32, #tpu.memory_space<vmem>>) dst(%dma_wait3A_563 : memref<10240x128xf32, #tpu.memory_space<vmem_shared>>)
      %dma_start3A_564 = arith.constant 1 : i32
      %dma_start3A_565 = arith.constant 0 : i32
      %dma_start3A_566 = tpu.memref_slice %arg7[%dma_start3A_564, %dma_start3A_565] : memref<8x64xi32, #tpu.memory_space<vmem>> -> memref<1x64xi32, #tpu.memory_space<vmem>>
      %dma_start3A_567 = tpu.memref_squeeze %dma_start3A_566 : memref<1x64xi32, #tpu.memory_space<vmem>> -> memref<64xi32, #tpu.memory_space<vmem>>
      %dma_start3A_568 = arith.constant 0 : i32
      %dma_start3A_569 = arith.constant 0 : i32
      %dma_start3A_570 = tpu.memref_slice %arg2[%dma_start3A_568, %dma_start3A_569] : memref<10000x128xf32, #tpu.memory_space<hbm>> -> memref<10000x128xf32, #tpu.memory_space<hbm>>
      tpu.enqueue_indirect_dma source(%dma_start3A_570 : memref<10000x128xf32, #tpu.memory_space<hbm>>) target(%arg11 : memref<64x128xf32, #tpu.memory_space<vmem>>) offsets(%dma_start3A_567 : memref<64xi32, #tpu.memory_space<vmem>>) semaphore(%arg18 : memref<!tpu.dma_semaphore, #tpu.memory_space<semaphore_mem>>)
      %dma_wait3A_571 = arith.constant 0 : i32
      %dma_wait3A_572 = arith.constant 0 : i32
      %dma_wait3A_573 = tpu.memref_slice %arg2[%dma_wait3A_571, %dma_wait3A_572] : memref<10000x128xf32, #tpu.memory_space<hbm>> -> memref<10000x128xf32, #tpu.memory_space<hbm>>
      tpu.wait_indirect_dma semaphore(%arg20 : memref<!tpu.dma_semaphore, #tpu.memory_space<semaphore_mem>>) src(%dma_wait3A_573 : memref<10000x128xf32, #tpu.memory_space<hbm>>) dst(%arg13 : memref<64x128xf32, #tpu.memory_space<vmem>>)
      %dma_start3A_574 = arith.constant 7 : i32
      %dma_start3A_575 = arith.constant 0 : i32
      %dma_start3A_576 = tpu.memref_slice %arg8[%dma_start3A_574, %dma_start3A_575] : memref<8x64xi32, #tpu.memory_space<vmem>> -> memref<1x64xi32, #tpu.memory_space<vmem>>
      %dma_start3A_577 = tpu.memref_squeeze %dma_start3A_576 : memref<1x64xi32, #tpu.memory_space<vmem>> -> memref<64xi32, #tpu.memory_space<vmem>>
      %dma_start3A_578 = arith.constant 0 : i32
      %dma_start3A_579 = arith.constant 0 : i32
      %dma_start3A_580 = tpu.memref_slice %arg16[%dma_start3A_578, %dma_start3A_579] : memref<10240x128xf32, #tpu.memory_space<vmem_shared>> -> memref<10240x128xf32, #tpu.memory_space<vmem_shared>>
      tpu.enqueue_indirect_dma source(%arg13 : memref<64x128xf32, #tpu.memory_space<vmem>>) target(%dma_start3A_580 : memref<10240x128xf32, #tpu.memory_space<vmem_shared>>) offsets(%dma_start3A_577 : memref<64xi32, #tpu.memory_space<vmem>>) semaphore(%arg24 : memref<!tpu.dma_semaphore, #tpu.memory_space<semaphore_mem>>) {add = true}
      %dma_wait3A_581 = arith.constant 0 : i32
      %dma_wait3A_582 = arith.constant 0 : i32
      %dma_wait3A_583 = tpu.memref_slice %arg16[%dma_wait3A_581, %dma_wait3A_582] : memref<10240x128xf32, #tpu.memory_space<vmem_shared>> -> memref<10240x128xf32, #tpu.memory_space<vmem_shared>>
      tpu.wait_indirect_dma semaphore(%arg23 : memref<!tpu.dma_semaphore, #tpu.memory_space<semaphore_mem>>) src(%arg12 : memref<64x128xf32, #tpu.memory_space<vmem>>) dst(%dma_wait3A_583 : memref<10240x128xf32, #tpu.memory_space<vmem_shared>>)
      %dma_start3A_584 = arith.constant 2 : i32
      %dma_start3A_585 = arith.constant 0 : i32
      %dma_start3A_586 = tpu.memref_slice %arg7[%dma_start3A_584, %dma_start3A_585] : memref<8x64xi32, #tpu.memory_space<vmem>> -> memref<1x64xi32, #tpu.memory_space<vmem>>
      %dma_start3A_587 = tpu.memref_squeeze %dma_start3A_586 : memref<1x64xi32, #tpu.memory_space<vmem>> -> memref<64xi32, #tpu.memory_space<vmem>>
      %dma_start3A_588 = arith.constant 0 : i32
      %dma_start3A_589 = arith.constant 0 : i32
      %dma_start3A_590 = tpu.memref_slice %arg2[%dma_start3A_588, %dma_start3A_589] : memref<10000x128xf32, #tpu.memory_space<hbm>> -> memref<10000x128xf32, #tpu.memory_space<hbm>>
      tpu.enqueue_indirect_dma source(%dma_start3A_590 : memref<10000x128xf32, #tpu.memory_space<hbm>>) target(%arg12 : memref<64x128xf32, #tpu.memory_space<vmem>>) offsets(%dma_start3A_587 : memref<64xi32, #tpu.memory_space<vmem>>) semaphore(%arg19 : memref<!tpu.dma_semaphore, #tpu.memory_space<semaphore_mem>>)
      %dma_wait3A_591 = arith.constant 0 : i32
      %dma_wait3A_592 = arith.constant 0 : i32
      %dma_wait3A_593 = tpu.memref_slice %arg2[%dma_wait3A_591, %dma_wait3A_592] : memref<10000x128xf32, #tpu.memory_space<hbm>> -> memref<10000x128xf32, #tpu.memory_space<hbm>>
      tpu.wait_indirect_dma semaphore(%arg17 : memref<!tpu.dma_semaphore, #tpu.memory_space<semaphore_mem>>) src(%dma_wait3A_593 : memref<10000x128xf32, #tpu.memory_space<hbm>>) dst(%arg10 : memref<64x128xf32, #tpu.memory_space<vmem>>)
      %dma_start3A_594 = arith.constant 0 : i32
      %dma_start3A_595 = arith.constant 0 : i32
      %dma_start3A_596 = tpu.memref_slice %arg9[%dma_start3A_594, %dma_start3A_595] : memref<8x64xi32, #tpu.memory_space<vmem>> -> memref<1x64xi32, #tpu.memory_space<vmem>>
      %dma_start3A_597 = tpu.memref_squeeze %dma_start3A_596 : memref<1x64xi32, #tpu.memory_space<vmem>> -> memref<64xi32, #tpu.memory_space<vmem>>
      %dma_start3A_598 = arith.constant 0 : i32
      %dma_start3A_599 = arith.constant 0 : i32
      %dma_start3A_600 = tpu.memref_slice %arg16[%dma_start3A_598, %dma_start3A_599] : memref<10240x128xf32, #tpu.memory_space<vmem_shared>> -> memref<10240x128xf32, #tpu.memory_space<vmem_shared>>
      tpu.enqueue_indirect_dma source(%arg10 : memref<64x128xf32, #tpu.memory_space<vmem>>) target(%dma_start3A_600 : memref<10240x128xf32, #tpu.memory_space<vmem_shared>>) offsets(%dma_start3A_597 : memref<64xi32, #tpu.memory_space<vmem>>) semaphore(%arg21 : memref<!tpu.dma_semaphore, #tpu.memory_space<semaphore_mem>>) {add = true}
      %dma_wait3A_601 = arith.constant 0 : i32
      %dma_wait3A_602 = arith.constant 0 : i32
      %dma_wait3A_603 = tpu.memref_slice %arg16[%dma_wait3A_601, %dma_wait3A_602] : memref<10240x128xf32, #tpu.memory_space<vmem_shared>> -> memref<10240x128xf32, #tpu.memory_space<vmem_shared>>
      tpu.wait_indirect_dma semaphore(%arg24 : memref<!tpu.dma_semaphore, #tpu.memory_space<semaphore_mem>>) src(%arg13 : memref<64x128xf32, #tpu.memory_space<vmem>>) dst(%dma_wait3A_603 : memref<10240x128xf32, #tpu.memory_space<vmem_shared>>)
      %dma_start3A_604 = arith.constant 3 : i32
      %dma_start3A_605 = arith.constant 0 : i32
      %dma_start3A_606 = tpu.memref_slice %arg7[%dma_start3A_604, %dma_start3A_605] : memref<8x64xi32, #tpu.memory_space<vmem>> -> memref<1x64xi32, #tpu.memory_space<vmem>>
      %dma_start3A_607 = tpu.memref_squeeze %dma_start3A_606 : memref<1x64xi32, #tpu.memory_space<vmem>> -> memref<64xi32, #tpu.memory_space<vmem>>
      %dma_start3A_608 = arith.constant 0 : i32
      %dma_start3A_609 = arith.constant 0 : i32
      %dma_start3A_610 = tpu.memref_slice %arg2[%dma_start3A_608, %dma_start3A_609] : memref<10000x128xf32, #tpu.memory_space<hbm>> -> memref<10000x128xf32, #tpu.memory_space<hbm>>
      tpu.enqueue_indirect_dma source(%dma_start3A_610 : memref<10000x128xf32, #tpu.memory_space<hbm>>) target(%arg13 : memref<64x128xf32, #tpu.memory_space<vmem>>) offsets(%dma_start3A_607 : memref<64xi32, #tpu.memory_space<vmem>>) semaphore(%arg20 : memref<!tpu.dma_semaphore, #tpu.memory_space<semaphore_mem>>)
      %dma_wait3A_611 = arith.constant 0 : i32
      %dma_wait3A_612 = arith.constant 0 : i32
      %dma_wait3A_613 = tpu.memref_slice %arg2[%dma_wait3A_611, %dma_wait3A_612] : memref<10000x128xf32, #tpu.memory_space<hbm>> -> memref<10000x128xf32, #tpu.memory_space<hbm>>
      tpu.wait_indirect_dma semaphore(%arg18 : memref<!tpu.dma_semaphore, #tpu.memory_space<semaphore_mem>>) src(%dma_wait3A_613 : memref<10000x128xf32, #tpu.memory_space<hbm>>) dst(%arg11 : memref<64x128xf32, #tpu.memory_space<vmem>>)
      %dma_start3A_614 = arith.constant 1 : i32
      %dma_start3A_615 = arith.constant 0 : i32
      %dma_start3A_616 = tpu.memref_slice %arg9[%dma_start3A_614, %dma_start3A_615] : memref<8x64xi32, #tpu.memory_space<vmem>> -> memref<1x64xi32, #tpu.memory_space<vmem>>
      %dma_start3A_617 = tpu.memref_squeeze %dma_start3A_616 : memref<1x64xi32, #tpu.memory_space<vmem>> -> memref<64xi32, #tpu.memory_space<vmem>>
      %dma_start3A_618 = arith.constant 0 : i32
      %dma_start3A_619 = arith.constant 0 : i32
      %dma_start3A_620 = tpu.memref_slice %arg16[%dma_start3A_618, %dma_start3A_619] : memref<10240x128xf32, #tpu.memory_space<vmem_shared>> -> memref<10240x128xf32, #tpu.memory_space<vmem_shared>>
      tpu.enqueue_indirect_dma source(%arg11 : memref<64x128xf32, #tpu.memory_space<vmem>>) target(%dma_start3A_620 : memref<10240x128xf32, #tpu.memory_space<vmem_shared>>) offsets(%dma_start3A_617 : memref<64xi32, #tpu.memory_space<vmem>>) semaphore(%arg22 : memref<!tpu.dma_semaphore, #tpu.memory_space<semaphore_mem>>) {add = true}
      %add3A_621 = arith.constant 1 : i32
      %add3A_622 = arith.addi %add3A_529, %add3A_621 : i32
      %mul3A_623 = arith.constant 8 : i32
      %mul3A_624 = arith.muli %add3A_622, %mul3A_623 : i32
      %add3A_625 = arith.addi %mul3A_2, %mul3A_624 : i32
      %dma_start3A_626 = arith.constant 0 : i32
      %dma_start3A_627 = tpu.memref_slice %arg3[%add3A_625, %dma_start3A_626] : memref<5128x64xi32, #tpu.memory_space<hbm>> -> memref<8x64xi32, #tpu.memory_space<hbm>>
      %dma_start3A_628 = arith.constant 0 : i32
      %dma_start3A_629 = tpu.memref_slice %arg3[%add3A_625, %dma_start3A_628] : memref<5128x64xi32, #tpu.memory_space<hbm>> -> memref<8x64xi32, #tpu.memory_space<hbm>>
      tpu.enqueue_dma source(%dma_start3A_629 : memref<8x64xi32, #tpu.memory_space<hbm>>) target(%arg6 : memref<8x64xi32, #tpu.memory_space<vmem>>) target_semaphore(%arg25 : memref<!tpu.dma_semaphore, #tpu.memory_space<semaphore_mem>>)
      %dma_start3A_630 = arith.constant 0 : i32
      %dma_start3A_631 = tpu.memref_slice %arg4[%add3A_625, %dma_start3A_630] : memref<5128x64xi32, #tpu.memory_space<hbm>> -> memref<8x64xi32, #tpu.memory_space<hbm>>
      %dma_start3A_632 = arith.constant 0 : i32
      %dma_start3A_633 = tpu.memref_slice %arg4[%add3A_625, %dma_start3A_632] : memref<5128x64xi32, #tpu.memory_space<hbm>> -> memref<8x64xi32, #tpu.memory_space<hbm>>
      tpu.enqueue_dma source(%dma_start3A_633 : memref<8x64xi32, #tpu.memory_space<hbm>>) target(%arg8 : memref<8x64xi32, #tpu.memory_space<vmem>>) target_semaphore(%arg25 : memref<!tpu.dma_semaphore, #tpu.memory_space<semaphore_mem>>)
      %dma_wait3A_634 = arith.constant 0 : i32
      %dma_wait3A_635 = arith.constant 0 : i32
      %dma_wait3A_636 = tpu.memref_slice %arg16[%dma_wait3A_634, %dma_wait3A_635] : memref<10240x128xf32, #tpu.memory_space<vmem_shared>> -> memref<10240x128xf32, #tpu.memory_space<vmem_shared>>
      tpu.wait_indirect_dma semaphore(%arg21 : memref<!tpu.dma_semaphore, #tpu.memory_space<semaphore_mem>>) src(%arg10 : memref<64x128xf32, #tpu.memory_space<vmem>>) dst(%dma_wait3A_636 : memref<10240x128xf32, #tpu.memory_space<vmem_shared>>)
      %dma_start3A_637 = arith.constant 4 : i32
      %dma_start3A_638 = arith.constant 0 : i32
      %dma_start3A_639 = tpu.memref_slice %arg7[%dma_start3A_637, %dma_start3A_638] : memref<8x64xi32, #tpu.memory_space<vmem>> -> memref<1x64xi32, #tpu.memory_space<vmem>>
      %dma_start3A_640 = tpu.memref_squeeze %dma_start3A_639 : memref<1x64xi32, #tpu.memory_space<vmem>> -> memref<64xi32, #tpu.memory_space<vmem>>
      %dma_start3A_641 = arith.constant 0 : i32
      %dma_start3A_642 = arith.constant 0 : i32
      %dma_start3A_643 = tpu.memref_slice %arg2[%dma_start3A_641, %dma_start3A_642] : memref<10000x128xf32, #tpu.memory_space<hbm>> -> memref<10000x128xf32, #tpu.memory_space<hbm>>
      tpu.enqueue_indirect_dma source(%dma_start3A_643 : memref<10000x128xf32, #tpu.memory_space<hbm>>) target(%arg10 : memref<64x128xf32, #tpu.memory_space<vmem>>) offsets(%dma_start3A_640 : memref<64xi32, #tpu.memory_space<vmem>>) semaphore(%arg17 : memref<!tpu.dma_semaphore, #tpu.memory_space<semaphore_mem>>)
      %dma_wait3A_644 = arith.constant 0 : i32
      %dma_wait3A_645 = arith.constant 0 : i32
      %dma_wait3A_646 = tpu.memref_slice %arg2[%dma_wait3A_644, %dma_wait3A_645] : memref<10000x128xf32, #tpu.memory_space<hbm>> -> memref<10000x128xf32, #tpu.memory_space<hbm>>
      tpu.wait_indirect_dma semaphore(%arg19 : memref<!tpu.dma_semaphore, #tpu.memory_space<semaphore_mem>>) src(%dma_wait3A_646 : memref<10000x128xf32, #tpu.memory_space<hbm>>) dst(%arg12 : memref<64x128xf32, #tpu.memory_space<vmem>>)
      %dma_start3A_647 = arith.constant 2 : i32
      %dma_start3A_648 = arith.constant 0 : i32
      %dma_start3A_649 = tpu.memref_slice %arg9[%dma_start3A_647, %dma_start3A_648] : memref<8x64xi32, #tpu.memory_space<vmem>> -> memref<1x64xi32, #tpu.memory_space<vmem>>
      %dma_start3A_650 = tpu.memref_squeeze %dma_start3A_649 : memref<1x64xi32, #tpu.memory_space<vmem>> -> memref<64xi32, #tpu.memory_space<vmem>>
      %dma_start3A_651 = arith.constant 0 : i32
      %dma_start3A_652 = arith.constant 0 : i32
      %dma_start3A_653 = tpu.memref_slice %arg16[%dma_start3A_651, %dma_start3A_652] : memref<10240x128xf32, #tpu.memory_space<vmem_shared>> -> memref<10240x128xf32, #tpu.memory_space<vmem_shared>>
      tpu.enqueue_indirect_dma source(%arg12 : memref<64x128xf32, #tpu.memory_space<vmem>>) target(%dma_start3A_653 : memref<10240x128xf32, #tpu.memory_space<vmem_shared>>) offsets(%dma_start3A_650 : memref<64xi32, #tpu.memory_space<vmem>>) semaphore(%arg23 : memref<!tpu.dma_semaphore, #tpu.memory_space<semaphore_mem>>) {add = true}
      %dma_wait3A_654 = arith.constant 0 : i32
      %dma_wait3A_655 = arith.constant 0 : i32
      %dma_wait3A_656 = tpu.memref_slice %arg16[%dma_wait3A_654, %dma_wait3A_655] : memref<10240x128xf32, #tpu.memory_space<vmem_shared>> -> memref<10240x128xf32, #tpu.memory_space<vmem_shared>>
      tpu.wait_indirect_dma semaphore(%arg22 : memref<!tpu.dma_semaphore, #tpu.memory_space<semaphore_mem>>) src(%arg11 : memref<64x128xf32, #tpu.memory_space<vmem>>) dst(%dma_wait3A_656 : memref<10240x128xf32, #tpu.memory_space<vmem_shared>>)
      %dma_start3A_657 = arith.constant 5 : i32
      %dma_start3A_658 = arith.constant 0 : i32
      %dma_start3A_659 = tpu.memref_slice %arg7[%dma_start3A_657, %dma_start3A_658] : memref<8x64xi32, #tpu.memory_space<vmem>> -> memref<1x64xi32, #tpu.memory_space<vmem>>
      %dma_start3A_660 = tpu.memref_squeeze %dma_start3A_659 : memref<1x64xi32, #tpu.memory_space<vmem>> -> memref<64xi32, #tpu.memory_space<vmem>>
      %dma_start3A_661 = arith.constant 0 : i32
      %dma_start3A_662 = arith.constant 0 : i32
      %dma_start3A_663 = tpu.memref_slice %arg2[%dma_start3A_661, %dma_start3A_662] : memref<10000x128xf32, #tpu.memory_space<hbm>> -> memref<10000x128xf32, #tpu.memory_space<hbm>>
      tpu.enqueue_indirect_dma source(%dma_start3A_663 : memref<10000x128xf32, #tpu.memory_space<hbm>>) target(%arg11 : memref<64x128xf32, #tpu.memory_space<vmem>>) offsets(%dma_start3A_660 : memref<64xi32, #tpu.memory_space<vmem>>) semaphore(%arg18 : memref<!tpu.dma_semaphore, #tpu.memory_space<semaphore_mem>>)
      %dma_wait3A_664 = arith.constant 0 : i32
      %dma_wait3A_665 = arith.constant 0 : i32
      %dma_wait3A_666 = tpu.memref_slice %arg2[%dma_wait3A_664, %dma_wait3A_665] : memref<10000x128xf32, #tpu.memory_space<hbm>> -> memref<10000x128xf32, #tpu.memory_space<hbm>>
      tpu.wait_indirect_dma semaphore(%arg20 : memref<!tpu.dma_semaphore, #tpu.memory_space<semaphore_mem>>) src(%dma_wait3A_666 : memref<10000x128xf32, #tpu.memory_space<hbm>>) dst(%arg13 : memref<64x128xf32, #tpu.memory_space<vmem>>)
      %dma_start3A_667 = arith.constant 3 : i32
      %dma_start3A_668 = arith.constant 0 : i32
      %dma_start3A_669 = tpu.memref_slice %arg9[%dma_start3A_667, %dma_start3A_668] : memref<8x64xi32, #tpu.memory_space<vmem>> -> memref<1x64xi32, #tpu.memory_space<vmem>>
      %dma_start3A_670 = tpu.memref_squeeze %dma_start3A_669 : memref<1x64xi32, #tpu.memory_space<vmem>> -> memref<64xi32, #tpu.memory_space<vmem>>
      %dma_start3A_671 = arith.constant 0 : i32
      %dma_start3A_672 = arith.constant 0 : i32
      %dma_start3A_673 = tpu.memref_slice %arg16[%dma_start3A_671, %dma_start3A_672] : memref<10240x128xf32, #tpu.memory_space<vmem_shared>> -> memref<10240x128xf32, #tpu.memory_space<vmem_shared>>
      tpu.enqueue_indirect_dma source(%arg13 : memref<64x128xf32, #tpu.memory_space<vmem>>) target(%dma_start3A_673 : memref<10240x128xf32, #tpu.memory_space<vmem_shared>>) offsets(%dma_start3A_670 : memref<64xi32, #tpu.memory_space<vmem>>) semaphore(%arg24 : memref<!tpu.dma_semaphore, #tpu.memory_space<semaphore_mem>>) {add = true}
      %dma_wait3A_674 = arith.constant 0 : i32
      %dma_wait3A_675 = arith.constant 0 : i32
      %dma_wait3A_676 = tpu.memref_slice %arg16[%dma_wait3A_674, %dma_wait3A_675] : memref<10240x128xf32, #tpu.memory_space<vmem_shared>> -> memref<10240x128xf32, #tpu.memory_space<vmem_shared>>
      tpu.wait_indirect_dma semaphore(%arg23 : memref<!tpu.dma_semaphore, #tpu.memory_space<semaphore_mem>>) src(%arg12 : memref<64x128xf32, #tpu.memory_space<vmem>>) dst(%dma_wait3A_676 : memref<10240x128xf32, #tpu.memory_space<vmem_shared>>)
      %dma_start3A_677 = arith.constant 6 : i32
      %dma_start3A_678 = arith.constant 0 : i32
      %dma_start3A_679 = tpu.memref_slice %arg7[%dma_start3A_677, %dma_start3A_678] : memref<8x64xi32, #tpu.memory_space<vmem>> -> memref<1x64xi32, #tpu.memory_space<vmem>>
      %dma_start3A_680 = tpu.memref_squeeze %dma_start3A_679 : memref<1x64xi32, #tpu.memory_space<vmem>> -> memref<64xi32, #tpu.memory_space<vmem>>
      %dma_start3A_681 = arith.constant 0 : i32
      %dma_start3A_682 = arith.constant 0 : i32
      %dma_start3A_683 = tpu.memref_slice %arg2[%dma_start3A_681, %dma_start3A_682] : memref<10000x128xf32, #tpu.memory_space<hbm>> -> memref<10000x128xf32, #tpu.memory_space<hbm>>
      tpu.enqueue_indirect_dma source(%dma_start3A_683 : memref<10000x128xf32, #tpu.memory_space<hbm>>) target(%arg12 : memref<64x128xf32, #tpu.memory_space<vmem>>) offsets(%dma_start3A_680 : memref<64xi32, #tpu.memory_space<vmem>>) semaphore(%arg19 : memref<!tpu.dma_semaphore, #tpu.memory_space<semaphore_mem>>)
      %dma_wait3A_684 = arith.constant 0 : i32
      %dma_wait3A_685 = arith.constant 0 : i32
      %dma_wait3A_686 = tpu.memref_slice %arg2[%dma_wait3A_684, %dma_wait3A_685] : memref<10000x128xf32, #tpu.memory_space<hbm>> -> memref<10000x128xf32, #tpu.memory_space<hbm>>
      tpu.wait_indirect_dma semaphore(%arg17 : memref<!tpu.dma_semaphore, #tpu.memory_space<semaphore_mem>>) src(%dma_wait3A_686 : memref<10000x128xf32, #tpu.memory_space<hbm>>) dst(%arg10 : memref<64x128xf32, #tpu.memory_space<vmem>>)
      %dma_start3A_687 = arith.constant 4 : i32
      %dma_start3A_688 = arith.constant 0 : i32
      %dma_start3A_689 = tpu.memref_slice %arg9[%dma_start3A_687, %dma_start3A_688] : memref<8x64xi32, #tpu.memory_space<vmem>> -> memref<1x64xi32, #tpu.memory_space<vmem>>
      %dma_start3A_690 = tpu.memref_squeeze %dma_start3A_689 : memref<1x64xi32, #tpu.memory_space<vmem>> -> memref<64xi32, #tpu.memory_space<vmem>>
      %dma_start3A_691 = arith.constant 0 : i32
      %dma_start3A_692 = arith.constant 0 : i32
      %dma_start3A_693 = tpu.memref_slice %arg16[%dma_start3A_691, %dma_start3A_692] : memref<10240x128xf32, #tpu.memory_space<vmem_shared>> -> memref<10240x128xf32, #tpu.memory_space<vmem_shared>>
      tpu.enqueue_indirect_dma source(%arg10 : memref<64x128xf32, #tpu.memory_space<vmem>>) target(%dma_start3A_693 : memref<10240x128xf32, #tpu.memory_space<vmem_shared>>) offsets(%dma_start3A_690 : memref<64xi32, #tpu.memory_space<vmem>>) semaphore(%arg21 : memref<!tpu.dma_semaphore, #tpu.memory_space<semaphore_mem>>) {add = true}
      %dma_wait3A_694 = arith.constant 0 : i32
      %dma_wait3A_695 = arith.constant 0 : i32
      %dma_wait3A_696 = tpu.memref_slice %arg16[%dma_wait3A_694, %dma_wait3A_695] : memref<10240x128xf32, #tpu.memory_space<vmem_shared>> -> memref<10240x128xf32, #tpu.memory_space<vmem_shared>>
      tpu.wait_indirect_dma semaphore(%arg24 : memref<!tpu.dma_semaphore, #tpu.memory_space<semaphore_mem>>) src(%arg13 : memref<64x128xf32, #tpu.memory_space<vmem>>) dst(%dma_wait3A_696 : memref<10240x128xf32, #tpu.memory_space<vmem_shared>>)
      %dma_start3A_697 = arith.constant 7 : i32
      %dma_start3A_698 = arith.constant 0 : i32
      %dma_start3A_699 = tpu.memref_slice %arg7[%dma_start3A_697, %dma_start3A_698] : memref<8x64xi32, #tpu.memory_space<vmem>> -> memref<1x64xi32, #tpu.memory_space<vmem>>
      %dma_start3A_700 = tpu.memref_squeeze %dma_start3A_699 : memref<1x64xi32, #tpu.memory_space<vmem>> -> memref<64xi32, #tpu.memory_space<vmem>>
      %dma_start3A_701 = arith.constant 0 : i32
      %dma_start3A_702 = arith.constant 0 : i32
      %dma_start3A_703 = tpu.memref_slice %arg2[%dma_start3A_701, %dma_start3A_702] : memref<10000x128xf32, #tpu.memory_space<hbm>> -> memref<10000x128xf32, #tpu.memory_space<hbm>>
      tpu.enqueue_indirect_dma source(%dma_start3A_703 : memref<10000x128xf32, #tpu.memory_space<hbm>>) target(%arg13 : memref<64x128xf32, #tpu.memory_space<vmem>>) offsets(%dma_start3A_700 : memref<64xi32, #tpu.memory_space<vmem>>) semaphore(%arg20 : memref<!tpu.dma_semaphore, #tpu.memory_space<semaphore_mem>>)
      %dma_wait3A_704 = arith.constant 0 : i32
      %dma_wait3A_705 = arith.constant 0 : i32
      %dma_wait3A_706 = tpu.memref_slice %arg2[%dma_wait3A_704, %dma_wait3A_705] : memref<10000x128xf32, #tpu.memory_space<hbm>> -> memref<10000x128xf32, #tpu.memory_space<hbm>>
      tpu.wait_indirect_dma semaphore(%arg18 : memref<!tpu.dma_semaphore, #tpu.memory_space<semaphore_mem>>) src(%dma_wait3A_706 : memref<10000x128xf32, #tpu.memory_space<hbm>>) dst(%arg11 : memref<64x128xf32, #tpu.memory_space<vmem>>)
      %dma_start3A_707 = arith.constant 5 : i32
      %dma_start3A_708 = arith.constant 0 : i32
      %dma_start3A_709 = tpu.memref_slice %arg9[%dma_start3A_707, %dma_start3A_708] : memref<8x64xi32, #tpu.memory_space<vmem>> -> memref<1x64xi32, #tpu.memory_space<vmem>>
      %dma_start3A_710 = tpu.memref_squeeze %dma_start3A_709 : memref<1x64xi32, #tpu.memory_space<vmem>> -> memref<64xi32, #tpu.memory_space<vmem>>
      %dma_start3A_711 = arith.constant 0 : i32
      %dma_start3A_712 = arith.constant 0 : i32
      %dma_start3A_713 = tpu.memref_slice %arg16[%dma_start3A_711, %dma_start3A_712] : memref<10240x128xf32, #tpu.memory_space<vmem_shared>> -> memref<10240x128xf32, #tpu.memory_space<vmem_shared>>
      tpu.enqueue_indirect_dma source(%arg11 : memref<64x128xf32, #tpu.memory_space<vmem>>) target(%dma_start3A_713 : memref<10240x128xf32, #tpu.memory_space<vmem_shared>>) offsets(%dma_start3A_710 : memref<64xi32, #tpu.memory_space<vmem>>) semaphore(%arg22 : memref<!tpu.dma_semaphore, #tpu.memory_space<semaphore_mem>>) {add = true}
    }
    %scan3A_274 = arith.constant 10 : i32
    %dma_wait3A = arith.constant 0 : i32
    %dma_wait3A_275 = arith.constant 0 : i32
    %dma_wait3A_276 = tpu.memref_slice %arg2[%dma_wait3A, %dma_wait3A_275] : memref<10000x128xf32, #tpu.memory_space<hbm>> -> memref<10000x128xf32, #tpu.memory_space<hbm>>
    tpu.wait_indirect_dma semaphore(%arg19 : memref<!tpu.dma_semaphore, #tpu.memory_space<semaphore_mem>>) src(%dma_wait3A_276 : memref<10000x128xf32, #tpu.memory_space<hbm>>) dst(%arg12 : memref<64x128xf32, #tpu.memory_space<vmem>>)
    %dma_start3A_277 = arith.constant 6 : i32
    %dma_start3A_278 = arith.constant 0 : i32
    %dma_start3A_279 = tpu.memref_slice %arg9[%dma_start3A_277, %dma_start3A_278] : memref<8x64xi32, #tpu.memory_space<vmem>> -> memref<1x64xi32, #tpu.memory_space<vmem>>
    %dma_start3A_280 = tpu.memref_squeeze %dma_start3A_279 : memref<1x64xi32, #tpu.memory_space<vmem>> -> memref<64xi32, #tpu.memory_space<vmem>>
    %dma_start3A_281 = arith.constant 0 : i32
    %dma_start3A_282 = arith.constant 0 : i32
    %dma_start3A_283 = tpu.memref_slice %arg16[%dma_start3A_281, %dma_start3A_282] : memref<10240x128xf32, #tpu.memory_space<vmem_shared>> -> memref<10240x128xf32, #tpu.memory_space<vmem_shared>>
    tpu.enqueue_indirect_dma source(%arg12 : memref<64x128xf32, #tpu.memory_space<vmem>>) target(%dma_start3A_283 : memref<10240x128xf32, #tpu.memory_space<vmem_shared>>) offsets(%dma_start3A_280 : memref<64xi32, #tpu.memory_space<vmem>>) semaphore(%arg23 : memref<!tpu.dma_semaphore, #tpu.memory_space<semaphore_mem>>) {add = true}
    %dma_wait3A_284 = arith.constant 0 : i32
    %dma_wait3A_285 = arith.constant 0 : i32
    %dma_wait3A_286 = tpu.memref_slice %arg2[%dma_wait3A_284, %dma_wait3A_285] : memref<10000x128xf32, #tpu.memory_space<hbm>> -> memref<10000x128xf32, #tpu.memory_space<hbm>>
    tpu.wait_indirect_dma semaphore(%arg20 : memref<!tpu.dma_semaphore, #tpu.memory_space<semaphore_mem>>) src(%dma_wait3A_286 : memref<10000x128xf32, #tpu.memory_space<hbm>>) dst(%arg13 : memref<64x128xf32, #tpu.memory_space<vmem>>)
    %dma_start3A_287 = arith.constant 7 : i32
    %dma_start3A_288 = arith.constant 0 : i32
    %dma_start3A_289 = tpu.memref_slice %arg9[%dma_start3A_287, %dma_start3A_288] : memref<8x64xi32, #tpu.memory_space<vmem>> -> memref<1x64xi32, #tpu.memory_space<vmem>>
    %dma_start3A_290 = tpu.memref_squeeze %dma_start3A_289 : memref<1x64xi32, #tpu.memory_space<vmem>> -> memref<64xi32, #tpu.memory_space<vmem>>
    %dma_start3A_291 = arith.constant 0 : i32
    %dma_start3A_292 = arith.constant 0 : i32
    %dma_start3A_293 = tpu.memref_slice %arg16[%dma_start3A_291, %dma_start3A_292] : memref<10240x128xf32, #tpu.memory_space<vmem_shared>> -> memref<10240x128xf32, #tpu.memory_space<vmem_shared>>
    tpu.enqueue_indirect_dma source(%arg13 : memref<64x128xf32, #tpu.memory_space<vmem>>) target(%dma_start3A_293 : memref<10240x128xf32, #tpu.memory_space<vmem_shared>>) offsets(%dma_start3A_290 : memref<64xi32, #tpu.memory_space<vmem>>) semaphore(%arg24 : memref<!tpu.dma_semaphore, #tpu.memory_space<semaphore_mem>>) {add = true}
    %dma_wait3A_294 = arith.constant 0 : i32
    %dma_wait3A_295 = arith.constant 0 : i32
    %dma_wait3A_296 = tpu.memref_slice %arg16[%dma_wait3A_294, %dma_wait3A_295] : memref<10240x128xf32, #tpu.memory_space<vmem_shared>> -> memref<10240x128xf32, #tpu.memory_space<vmem_shared>>
    tpu.wait_indirect_dma semaphore(%arg21 : memref<!tpu.dma_semaphore, #tpu.memory_space<semaphore_mem>>) src(%arg10 : memref<64x128xf32, #tpu.memory_space<vmem>>) dst(%dma_wait3A_296 : memref<10240x128xf32, #tpu.memory_space<vmem_shared>>)
    %dma_wait3A_297 = arith.constant 0 : i32
    %dma_wait3A_298 = arith.constant 0 : i32
    %dma_wait3A_299 = tpu.memref_slice %arg16[%dma_wait3A_297, %dma_wait3A_298] : memref<10240x128xf32, #tpu.memory_space<vmem_shared>> -> memref<10240x128xf32, #tpu.memory_space<vmem_shared>>
    tpu.wait_indirect_dma semaphore(%arg22 : memref<!tpu.dma_semaphore, #tpu.memory_space<semaphore_mem>>) src(%arg11 : memref<64x128xf32, #tpu.memory_space<vmem>>) dst(%dma_wait3A_299 : memref<10240x128xf32, #tpu.memory_space<vmem_shared>>)
    %dma_wait3A_300 = arith.constant 0 : i32
    %dma_wait3A_301 = arith.constant 0 : i32
    %dma_wait3A_302 = tpu.memref_slice %arg16[%dma_wait3A_300, %dma_wait3A_301] : memref<10240x128xf32, #tpu.memory_space<vmem_shared>> -> memref<10240x128xf32, #tpu.memory_space<vmem_shared>>
    tpu.wait_indirect_dma semaphore(%arg23 : memref<!tpu.dma_semaphore, #tpu.memory_space<semaphore_mem>>) src(%arg12 : memref<64x128xf32, #tpu.memory_space<vmem>>) dst(%dma_wait3A_302 : memref<10240x128xf32, #tpu.memory_space<vmem_shared>>)
    %dma_wait3A_303 = arith.constant 0 : i32
    %dma_wait3A_304 = arith.constant 0 : i32
    %dma_wait3A_305 = tpu.memref_slice %arg16[%dma_wait3A_303, %dma_wait3A_304] : memref<10240x128xf32, #tpu.memory_space<vmem_shared>> -> memref<10240x128xf32, #tpu.memory_space<vmem_shared>>
    tpu.wait_indirect_dma semaphore(%arg24 : memref<!tpu.dma_semaphore, #tpu.memory_space<semaphore_mem>>) src(%arg13 : memref<64x128xf32, #tpu.memory_space<vmem>>) dst(%dma_wait3A_305 : memref<10240x128xf32, #tpu.memory_space<vmem_shared>>)
    %add3A_306 = arith.constant 160 : i32
    %add3A_307 = arith.addi %mul3A_2, %add3A_306 : i32
    %dma_wait3A_308 = arith.constant 0 : i32
    %dma_wait3A_309 = tpu.memref_slice %arg3[%add3A_307, %dma_wait3A_308] : memref<5128x64xi32, #tpu.memory_space<hbm>> -> memref<8x64xi32, #tpu.memory_space<hbm>>
    %dma_wait3A_310 = arith.constant 0 : i32
    %dma_wait3A_311 = tpu.memref_slice %arg3[%add3A_307, %dma_wait3A_310] : memref<5128x64xi32, #tpu.memory_space<hbm>> -> memref<8x64xi32, #tpu.memory_space<hbm>>
    tpu.wait_dma2 semaphore(%arg25 : memref<!tpu.dma_semaphore, #tpu.memory_space<semaphore_mem>>) src(%dma_wait3A_311 : memref<8x64xi32, #tpu.memory_space<hbm>>) dst(%arg6 : memref<8x64xi32, #tpu.memory_space<vmem>>)
    %dma_wait3A_312 = arith.constant 0 : i32
    %dma_wait3A_313 = tpu.memref_slice %arg4[%add3A_307, %dma_wait3A_312] : memref<5128x64xi32, #tpu.memory_space<hbm>> -> memref<8x64xi32, #tpu.memory_space<hbm>>
    %dma_wait3A_314 = arith.constant 0 : i32
    %dma_wait3A_315 = tpu.memref_slice %arg4[%add3A_307, %dma_wait3A_314] : memref<5128x64xi32, #tpu.memory_space<hbm>> -> memref<8x64xi32, #tpu.memory_space<hbm>>
    tpu.wait_dma2 semaphore(%arg25 : memref<!tpu.dma_semaphore, #tpu.memory_space<semaphore_mem>>) src(%dma_wait3A_315 : memref<8x64xi32, #tpu.memory_space<hbm>>) dst(%arg8 : memref<8x64xi32, #tpu.memory_space<vmem>>)
    %barrier3A_316 = arith.constant 0 : index
    tpu.barrier barrier_id(%barrier3A_316)
    %add3A_317 = arith.constant 0 : i32
    %add3A_318 = arith.addi %mul3A_158, %add3A_317 : i32
    %add3A_319 = arith.constant 0 : i32
    %add3A_320 = arith.addi %mul3A_158, %add3A_319 : i32
    "tpu.region"() ({
      %run_scoped3A = tpu.sem_alloc : memref<!tpu.dma_semaphore, #tpu.memory_space<semaphore_mem>>
      %dma_start3A_337 = arith.constant 0 : i32
      %dma_start3A_338 = tpu.memref_slice %arg5[%arg0, %add3A_320, %dma_start3A_337] : memref<2x10240x128xf32, #tpu.memory_space<hbm>> -> memref<1x128x128xf32, #tpu.memory_space<hbm>>
      %dma_start3A_339 = tpu.memref_squeeze %dma_start3A_338 : memref<1x128x128xf32, #tpu.memory_space<hbm>> -> memref<128x128xf32, #tpu.memory_space<hbm>>
      %dma_start3A_340 = arith.constant 0 : i32
      %dma_start3A_341 = tpu.memref_slice %arg16[%add3A_318, %dma_start3A_340] : memref<10240x128xf32, #tpu.memory_space<vmem_shared>> -> memref<128x128xf32, #tpu.memory_space<vmem_shared>>
      tpu.enqueue_dma source(%dma_start3A_341 : memref<128x128xf32, #tpu.memory_space<vmem_shared>>) target(%dma_start3A_339 : memref<128x128xf32, #tpu.memory_space<hbm>>) target_semaphore(%run_scoped3A : memref<!tpu.dma_semaphore, #tpu.memory_space<semaphore_mem>>)
      %dma_wait3A_342 = arith.constant 0 : i32
      %dma_wait3A_343 = tpu.memref_slice %arg5[%arg0, %add3A_320, %dma_wait3A_342] : memref<2x10240x128xf32, #tpu.memory_space<hbm>> -> memref<1x128x128xf32, #tpu.memory_space<hbm>>
      %dma_wait3A_344 = tpu.memref_squeeze %dma_wait3A_343 : memref<1x128x128xf32, #tpu.memory_space<hbm>> -> memref<128x128xf32, #tpu.memory_space<hbm>>
      %dma_wait3A_345 = arith.constant 0 : i32
      %dma_wait3A_346 = tpu.memref_slice %arg16[%add3A_318, %dma_wait3A_345] : memref<10240x128xf32, #tpu.memory_space<vmem_shared>> -> memref<128x128xf32, #tpu.memory_space<vmem_shared>>
      tpu.wait_dma2 semaphore(%run_scoped3A : memref<!tpu.dma_semaphore, #tpu.memory_space<semaphore_mem>>) src(%dma_wait3A_346 : memref<128x128xf32, #tpu.memory_space<vmem_shared>>) dst(%dma_wait3A_344 : memref<128x128xf32, #tpu.memory_space<hbm>>)
      tpu.yield
    }) : () -> ()
    %add3A_321 = arith.constant 128 : i32
    %add3A_322 = arith.addi %mul3A_158, %add3A_321 : i32
    %add3A_323 = arith.constant 128 : i32
    %add3A_324 = arith.addi %mul3A_158, %add3A_323 : i32
    "tpu.region"() ({
      %run_scoped3A = tpu.sem_alloc : memref<!tpu.dma_semaphore, #tpu.memory_space<semaphore_mem>>
      %dma_start3A_337 = arith.constant 0 : i32
      %dma_start3A_338 = tpu.memref_slice %arg5[%arg0, %add3A_324, %dma_start3A_337] : memref<2x10240x128xf32, #tpu.memory_space<hbm>> -> memref<1x128x128xf32, #tpu.memory_space<hbm>>
      %dma_start3A_339 = tpu.memref_squeeze %dma_start3A_338 : memref<1x128x128xf32, #tpu.memory_space<hbm>> -> memref<128x128xf32, #tpu.memory_space<hbm>>
      %dma_start3A_340 = arith.constant 0 : i32
      %dma_start3A_341 = tpu.memref_slice %arg16[%add3A_322, %dma_start3A_340] : memref<10240x128xf32, #tpu.memory_space<vmem_shared>> -> memref<128x128xf32, #tpu.memory_space<vmem_shared>>
      tpu.enqueue_dma source(%dma_start3A_341 : memref<128x128xf32, #tpu.memory_space<vmem_shared>>) target(%dma_start3A_339 : memref<128x128xf32, #tpu.memory_space<hbm>>) target_semaphore(%run_scoped3A : memref<!tpu.dma_semaphore, #tpu.memory_space<semaphore_mem>>)
      %dma_wait3A_342 = arith.constant 0 : i32
      %dma_wait3A_343 = tpu.memref_slice %arg5[%arg0, %add3A_324, %dma_wait3A_342] : memref<2x10240x128xf32, #tpu.memory_space<hbm>> -> memref<1x128x128xf32, #tpu.memory_space<hbm>>
      %dma_wait3A_344 = tpu.memref_squeeze %dma_wait3A_343 : memref<1x128x128xf32, #tpu.memory_space<hbm>> -> memref<128x128xf32, #tpu.memory_space<hbm>>
      %dma_wait3A_345 = arith.constant 0 : i32
      %dma_wait3A_346 = tpu.memref_slice %arg16[%add3A_322, %dma_wait3A_345] : memref<10240x128xf32, #tpu.memory_space<vmem_shared>> -> memref<128x128xf32, #tpu.memory_space<vmem_shared>>
      tpu.wait_dma2 semaphore(%run_scoped3A : memref<!tpu.dma_semaphore, #tpu.memory_space<semaphore_mem>>) src(%dma_wait3A_346 : memref<128x128xf32, #tpu.memory_space<vmem_shared>>) dst(%dma_wait3A_344 : memref<128x128xf32, #tpu.memory_space<hbm>>)
      tpu.yield
    }) : () -> ()
    %add3A_325 = arith.constant 256 : i32
    %add3A_326 = arith.addi %mul3A_158, %add3A_325 : i32
    %add3A_327 = arith.constant 256 : i32
    %add3A_328 = arith.addi %mul3A_158, %add3A_327 : i32
    "tpu.region"() ({
      %run_scoped3A = tpu.sem_alloc : memref<!tpu.dma_semaphore, #tpu.memory_space<semaphore_mem>>
      %dma_start3A_337 = arith.constant 0 : i32
      %dma_start3A_338 = tpu.memref_slice %arg5[%arg0, %add3A_328, %dma_start3A_337] : memref<2x10240x128xf32, #tpu.memory_space<hbm>> -> memref<1x128x128xf32, #tpu.memory_space<hbm>>
      %dma_start3A_339 = tpu.memref_squeeze %dma_start3A_338 : memref<1x128x128xf32, #tpu.memory_space<hbm>> -> memref<128x128xf32, #tpu.memory_space<hbm>>
      %dma_start3A_340 = arith.constant 0 : i32
      %dma_start3A_341 = tpu.memref_slice %arg16[%add3A_326, %dma_start3A_340] : memref<10240x128xf32, #tpu.memory_space<vmem_shared>> -> memref<128x128xf32, #tpu.memory_space<vmem_shared>>
      tpu.enqueue_dma source(%dma_start3A_341 : memref<128x128xf32, #tpu.memory_space<vmem_shared>>) target(%dma_start3A_339 : memref<128x128xf32, #tpu.memory_space<hbm>>) target_semaphore(%run_scoped3A : memref<!tpu.dma_semaphore, #tpu.memory_space<semaphore_mem>>)
      %dma_wait3A_342 = arith.constant 0 : i32
      %dma_wait3A_343 = tpu.memref_slice %arg5[%arg0, %add3A_328, %dma_wait3A_342] : memref<2x10240x128xf32, #tpu.memory_space<hbm>> -> memref<1x128x128xf32, #tpu.memory_space<hbm>>
      %dma_wait3A_344 = tpu.memref_squeeze %dma_wait3A_343 : memref<1x128x128xf32, #tpu.memory_space<hbm>> -> memref<128x128xf32, #tpu.memory_space<hbm>>
      %dma_wait3A_345 = arith.constant 0 : i32
      %dma_wait3A_346 = tpu.memref_slice %arg16[%add3A_326, %dma_wait3A_345] : memref<10240x128xf32, #tpu.memory_space<vmem_shared>> -> memref<128x128xf32, #tpu.memory_space<vmem_shared>>
      tpu.wait_dma2 semaphore(%run_scoped3A : memref<!tpu.dma_semaphore, #tpu.memory_space<semaphore_mem>>) src(%dma_wait3A_346 : memref<128x128xf32, #tpu.memory_space<vmem_shared>>) dst(%dma_wait3A_344 : memref<128x128xf32, #tpu.memory_space<hbm>>)
      tpu.yield
    }) : () -> ()
    %add3A_329 = arith.constant 384 : i32
    %add3A_330 = arith.addi %mul3A_158, %add3A_329 : i32
    %add3A_331 = arith.constant 384 : i32
    %add3A_332 = arith.addi %mul3A_158, %add3A_331 : i32
    "tpu.region"() ({
      %run_scoped3A = tpu.sem_alloc : memref<!tpu.dma_semaphore, #tpu.memory_space<semaphore_mem>>
      %dma_start3A_337 = arith.constant 0 : i32
      %dma_start3A_338 = tpu.memref_slice %arg5[%arg0, %add3A_332, %dma_start3A_337] : memref<2x10240x128xf32, #tpu.memory_space<hbm>> -> memref<1x128x128xf32, #tpu.memory_space<hbm>>
      %dma_start3A_339 = tpu.memref_squeeze %dma_start3A_338 : memref<1x128x128xf32, #tpu.memory_space<hbm>> -> memref<128x128xf32, #tpu.memory_space<hbm>>
      %dma_start3A_340 = arith.constant 0 : i32
      %dma_start3A_341 = tpu.memref_slice %arg16[%add3A_330, %dma_start3A_340] : memref<10240x128xf32, #tpu.memory_space<vmem_shared>> -> memref<128x128xf32, #tpu.memory_space<vmem_shared>>
      tpu.enqueue_dma source(%dma_start3A_341 : memref<128x128xf32, #tpu.memory_space<vmem_shared>>) target(%dma_start3A_339 : memref<128x128xf32, #tpu.memory_space<hbm>>) target_semaphore(%run_scoped3A : memref<!tpu.dma_semaphore, #tpu.memory_space<semaphore_mem>>)
      %dma_wait3A_342 = arith.constant 0 : i32
      %dma_wait3A_343 = tpu.memref_slice %arg5[%arg0, %add3A_332, %dma_wait3A_342] : memref<2x10240x128xf32, #tpu.memory_space<hbm>> -> memref<1x128x128xf32, #tpu.memory_space<hbm>>
      %dma_wait3A_344 = tpu.memref_squeeze %dma_wait3A_343 : memref<1x128x128xf32, #tpu.memory_space<hbm>> -> memref<128x128xf32, #tpu.memory_space<hbm>>
      %dma_wait3A_345 = arith.constant 0 : i32
      %dma_wait3A_346 = tpu.memref_slice %arg16[%add3A_330, %dma_wait3A_345] : memref<10240x128xf32, #tpu.memory_space<vmem_shared>> -> memref<128x128xf32, #tpu.memory_space<vmem_shared>>
      tpu.wait_dma2 semaphore(%run_scoped3A : memref<!tpu.dma_semaphore, #tpu.memory_space<semaphore_mem>>) src(%dma_wait3A_346 : memref<128x128xf32, #tpu.memory_space<vmem_shared>>) dst(%dma_wait3A_344 : memref<128x128xf32, #tpu.memory_space<hbm>>)
      tpu.yield
    }) : () -> ()
    %add3A_333 = arith.constant 512 : i32
    %add3A_334 = arith.addi %mul3A_158, %add3A_333 : i32
    %add3A_335 = arith.constant 512 : i32
    %add3A_336 = arith.addi %mul3A_158, %add3A_335 : i32
    "tpu.region"() ({
      %run_scoped3A = tpu.sem_alloc : memref<!tpu.dma_semaphore, #tpu.memory_space<semaphore_mem>>
      %dma_start3A_337 = arith.constant 0 : i32
      %dma_start3A_338 = tpu.memref_slice %arg5[%arg0, %add3A_336, %dma_start3A_337] : memref<2x10240x128xf32, #tpu.memory_space<hbm>> -> memref<1x128x128xf32, #tpu.memory_space<hbm>>
      %dma_start3A_339 = tpu.memref_squeeze %dma_start3A_338 : memref<1x128x128xf32, #tpu.memory_space<hbm>> -> memref<128x128xf32, #tpu.memory_space<hbm>>
      %dma_start3A_340 = arith.constant 0 : i32
      %dma_start3A_341 = tpu.memref_slice %arg16[%add3A_334, %dma_start3A_340] : memref<10240x128xf32, #tpu.memory_space<vmem_shared>> -> memref<128x128xf32, #tpu.memory_space<vmem_shared>>
      tpu.enqueue_dma source(%dma_start3A_341 : memref<128x128xf32, #tpu.memory_space<vmem_shared>>) target(%dma_start3A_339 : memref<128x128xf32, #tpu.memory_space<hbm>>) target_semaphore(%run_scoped3A : memref<!tpu.dma_semaphore, #tpu.memory_space<semaphore_mem>>)
      %dma_wait3A_342 = arith.constant 0 : i32
      %dma_wait3A_343 = tpu.memref_slice %arg5[%arg0, %add3A_336, %dma_wait3A_342] : memref<2x10240x128xf32, #tpu.memory_space<hbm>> -> memref<1x128x128xf32, #tpu.memory_space<hbm>>
      %dma_wait3A_344 = tpu.memref_squeeze %dma_wait3A_343 : memref<1x128x128xf32, #tpu.memory_space<hbm>> -> memref<128x128xf32, #tpu.memory_space<hbm>>
      %dma_wait3A_345 = arith.constant 0 : i32
      %dma_wait3A_346 = tpu.memref_slice %arg16[%add3A_334, %dma_wait3A_345] : memref<10240x128xf32, #tpu.memory_space<vmem_shared>> -> memref<128x128xf32, #tpu.memory_space<vmem_shared>>
      tpu.wait_dma2 semaphore(%run_scoped3A : memref<!tpu.dma_semaphore, #tpu.memory_space<semaphore_mem>>) src(%dma_wait3A_346 : memref<128x128xf32, #tpu.memory_space<vmem_shared>>) dst(%dma_wait3A_344 : memref<128x128xf32, #tpu.memory_space<hbm>>)
      tpu.yield
    }) : () -> ()
    return
  }
}

module attributes {stable_mosaic.version = 14 : i64} {
  func.func @sage_combine_relu1(%arg0: i32, %arg1: memref<2000x128xf32, #tpu.memory_space<vmem>>, %arg2: memref<2000x128xf32, #tpu.memory_space<vmem>>, %arg3: memref<2000x1xf32, #tpu.memory_space<vmem>>, %arg4: memref<2000x1xf32, #tpu.memory_space<vmem>>, %arg5: memref<2000x128xf32, #tpu.memory_space<vmem>>, %arg6: memref<128x128xf32, #tpu.memory_space<vmem>>, %arg7: memref<128x128xf32, #tpu.memory_space<vmem>>, %arg8: memref<1x128xf32, #tpu.memory_space<vmem>>, %arg9: memref<2000x128xf32, #tpu.memory_space<vmem>>) attributes {dimension_semantics = [#tpu.dimension_semantics<arbitrary>], iteration_bounds = array<i64: 5>, scalar_prefetch = 0 : i64, scratch_operands = 0 : i64, tpu.core_type = #tpu.core_type<tc>, window_params = [{transform_indices = @transform_0, window_bounds = array<i64: 2000, 128>}, {transform_indices = @transform_1, window_bounds = array<i64: 2000, 128>}, {transform_indices = @transform_2, window_bounds = array<i64: 2000, 1>}, {transform_indices = @transform_3, window_bounds = array<i64: 2000, 1>}, {transform_indices = @transform_4, window_bounds = array<i64: 2000, 128>}, {pipeline_mode = #tpu.pipeline_mode<synchronous>, transform_indices = @transform_5, window_bounds = array<i64: 128, 128>}, {pipeline_mode = #tpu.pipeline_mode<synchronous>, transform_indices = @transform_6, window_bounds = array<i64: 128, 128>}, {pipeline_mode = #tpu.pipeline_mode<synchronous>, transform_indices = @transform_7, window_bounds = array<i64: 1, 128>}, {transform_indices = @transform_8, window_bounds = array<i64: 2000, 128>}]} {
    %get3A = arith.constant 0 : index
    %get3A_0 = arith.constant 0 : index
    %get3A_1 = vector.load %arg3[%get3A, %get3A_0] : memref<2000x1xf32, #tpu.memory_space<vmem>>, vector<2000x1xf32>
    %get3A_2 = arith.constant 0 : index
    %get3A_3 = arith.constant 0 : index
    %get3A_4 = vector.load %arg4[%get3A_2, %get3A_3] : memref<2000x1xf32, #tpu.memory_space<vmem>>, vector<2000x1xf32>
    %add3A = arith.addf %get3A_1, %get3A_4 : vector<2000x1xf32>
    %max3A = arith.constant 1.000000e+00 : f32
    %max3A_5 = vector.broadcast %max3A : f32 to vector<2000x1xf32>
    %max3A_6 = arith.maximumf %add3A, %max3A_5 : vector<2000x1xf32>
    %div3A = arith.constant 1.000000e+00 : f32
    %div3A_7 = vector.broadcast %div3A : f32 to vector<2000x1xf32>
    %div3A_8 = arith.divf %div3A_7, %max3A_6 : vector<2000x1xf32>
    %get3A_9 = arith.constant 0 : index
    %get3A_10 = arith.constant 0 : index
    %get3A_11 = vector.load %arg1[%get3A_9, %get3A_10] : memref<2000x128xf32, #tpu.memory_space<vmem>>, vector<2000x128xf32>
    %get3A_12 = arith.constant 0 : index
    %get3A_13 = arith.constant 0 : index
    %get3A_14 = vector.load %arg2[%get3A_12, %get3A_13] : memref<2000x128xf32, #tpu.memory_space<vmem>>, vector<2000x128xf32>
    %add3A_15 = arith.addf %get3A_11, %get3A_14 : vector<2000x128xf32>
    %mul3A = vector.broadcast %div3A_8 : vector<2000x1xf32> to vector<2000x128xf32>
    %mul3A_16 = arith.mulf %add3A_15, %mul3A : vector<2000x128xf32>
    %get3A_17 = arith.constant 0 : index
    %get3A_18 = arith.constant 0 : index
    %get3A_19 = vector.load %arg6[%get3A_17, %get3A_18] : memref<128x128xf32, #tpu.memory_space<vmem>>, vector<128x128xf32>
    %dot_general3A = arith.constant dense<0.000000e+00> : vector<2000x128xf32>
    %dot_general3A_20 = tpu.matmul %mul3A_16, %get3A_19, %dot_general3A {dimension_numbers = #tpu.dot_dimension_numbers<[1], [0], [0], [1], [0, 0, 1, 1], [], []>, transpose_lhs_hint = false} : vector<2000x128xf32>, vector<128x128xf32>, vector<2000x128xf32> -> vector<2000x128xf32>
    %get3A_21 = arith.constant 0 : index
    %get3A_22 = arith.constant 0 : index
    %get3A_23 = vector.load %arg5[%get3A_21, %get3A_22] : memref<2000x128xf32, #tpu.memory_space<vmem>>, vector<2000x128xf32>
    %get3A_24 = arith.constant 0 : index
    %get3A_25 = arith.constant 0 : index
    %get3A_26 = vector.load %arg7[%get3A_24, %get3A_25] : memref<128x128xf32, #tpu.memory_space<vmem>>, vector<128x128xf32>
    %dot_general3A_27 = arith.constant dense<0.000000e+00> : vector<2000x128xf32>
    %dot_general3A_28 = tpu.matmul %get3A_23, %get3A_26, %dot_general3A_27 {dimension_numbers = #tpu.dot_dimension_numbers<[1], [0], [0], [1], [0, 0, 1, 1], [], []>, transpose_lhs_hint = false} : vector<2000x128xf32>, vector<128x128xf32>, vector<2000x128xf32> -> vector<2000x128xf32>
    %add3A_29 = arith.addf %dot_general3A_20, %dot_general3A_28 : vector<2000x128xf32>
    %get3A_30 = arith.constant 0 : index
    %get3A_31 = arith.constant 0 : index
    %get3A_32 = vector.load %arg8[%get3A_30, %get3A_31] : memref<1x128xf32, #tpu.memory_space<vmem>>, vector<1x128xf32>
    %add3A_33 = vector.broadcast %get3A_32 : vector<1x128xf32> to vector<2000x128xf32>
    %add3A_34 = arith.addf %add3A_29, %add3A_33 : vector<2000x128xf32>
    %max3A_35 = arith.constant 0.000000e+00 : f32
    %max3A_36 = vector.broadcast %max3A_35 : f32 to vector<2000x128xf32>
    %max3A_37 = arith.maximumf %add3A_34, %max3A_36 : vector<2000x128xf32>
    %swap3A = arith.constant 0 : index
    %swap3A_38 = arith.constant 0 : index
    %swap3A_39 = vector.load %arg9[%swap3A, %swap3A_38] : memref<2000x128xf32, #tpu.memory_space<vmem>>, vector<2000x128xf32>
    tpu.vector_store %arg9[%swap3A, %swap3A_38], %max3A_37 {strides = array<i32>} : memref<2000x128xf32, #tpu.memory_space<vmem>>, vector<2000x128xf32>,
    return
  }
  func.func @transform_0(%arg0: i32) -> (i32, i32) {
    %c0_i32 = arith.constant 0 : i32
    %c0_i32_0 = arith.constant 0 : i32
    return %arg0, %c0_i32 : i32, i32
  }
  func.func @transform_1(%arg0: i32) -> (i32, i32) {
    %c0_i32 = arith.constant 0 : i32
    %c0_i32_0 = arith.constant 0 : i32
    return %arg0, %c0_i32 : i32, i32
  }
  func.func @transform_2(%arg0: i32) -> (i32, i32) {
    %c0_i32 = arith.constant 0 : i32
    %c0_i32_0 = arith.constant 0 : i32
    return %arg0, %c0_i32 : i32, i32
  }
  func.func @transform_3(%arg0: i32) -> (i32, i32) {
    %c0_i32 = arith.constant 0 : i32
    %c0_i32_0 = arith.constant 0 : i32
    return %arg0, %c0_i32 : i32, i32
  }
  func.func @transform_4(%arg0: i32) -> (i32, i32) {
    %c0_i32 = arith.constant 0 : i32
    %c0_i32_0 = arith.constant 0 : i32
    return %arg0, %c0_i32 : i32, i32
  }
  func.func @transform_5(%arg0: i32) -> (i32, i32) {
    %c0_i32 = arith.constant 0 : i32
    %c0_i32_0 = arith.constant 0 : i32
    %c0_i32_1 = arith.constant 0 : i32
    return %c0_i32, %c0_i32_0 : i32, i32
  }
  func.func @transform_6(%arg0: i32) -> (i32, i32) {
    %c0_i32 = arith.constant 0 : i32
    %c0_i32_0 = arith.constant 0 : i32
    %c0_i32_1 = arith.constant 0 : i32
    return %c0_i32, %c0_i32_0 : i32, i32
  }
  func.func @transform_7(%arg0: i32) -> (i32, i32) {
    %c0_i32 = arith.constant 0 : i32
    %c0_i32_0 = arith.constant 0 : i32
    %c0_i32_1 = arith.constant 0 : i32
    return %c0_i32, %c0_i32_0 : i32, i32
  }
  func.func @transform_8(%arg0: i32) -> (i32, i32) {
    %c0_i32 = arith.constant 0 : i32
    %c0_i32_0 = arith.constant 0 : i32
    return %arg0, %c0_i32 : i32, i32
  }
}

module attributes {stable_mosaic.version = 14 : i64} {
  func.func @sage_combine_relu0(%arg0: i32, %arg1: memref<2000x128xf32, #tpu.memory_space<vmem>>, %arg2: memref<2000x128xf32, #tpu.memory_space<vmem>>, %arg3: memref<2000x1xf32, #tpu.memory_space<vmem>>, %arg4: memref<2000x1xf32, #tpu.memory_space<vmem>>, %arg5: memref<2000x128xf32, #tpu.memory_space<vmem>>, %arg6: memref<128x128xf32, #tpu.memory_space<vmem>>, %arg7: memref<128x128xf32, #tpu.memory_space<vmem>>, %arg8: memref<1x128xf32, #tpu.memory_space<vmem>>, %arg9: memref<2000x128xf32, #tpu.memory_space<vmem>>) attributes {dimension_semantics = [#tpu.dimension_semantics<arbitrary>], iteration_bounds = array<i64: 5>, scalar_prefetch = 0 : i64, scratch_operands = 0 : i64, tpu.core_type = #tpu.core_type<tc>, window_params = [{transform_indices = @transform_0, window_bounds = array<i64: 2000, 128>}, {transform_indices = @transform_1, window_bounds = array<i64: 2000, 128>}, {transform_indices = @transform_2, window_bounds = array<i64: 2000, 1>}, {transform_indices = @transform_3, window_bounds = array<i64: 2000, 1>}, {transform_indices = @transform_4, window_bounds = array<i64: 2000, 128>}, {pipeline_mode = #tpu.pipeline_mode<synchronous>, transform_indices = @transform_5, window_bounds = array<i64: 128, 128>}, {pipeline_mode = #tpu.pipeline_mode<synchronous>, transform_indices = @transform_6, window_bounds = array<i64: 128, 128>}, {pipeline_mode = #tpu.pipeline_mode<synchronous>, transform_indices = @transform_7, window_bounds = array<i64: 1, 128>}, {transform_indices = @transform_8, window_bounds = array<i64: 2000, 128>}]} {
    %get3A = arith.constant 0 : index
    %get3A_0 = arith.constant 0 : index
    %get3A_1 = vector.load %arg3[%get3A, %get3A_0] : memref<2000x1xf32, #tpu.memory_space<vmem>>, vector<2000x1xf32>
    %get3A_2 = arith.constant 0 : index
    %get3A_3 = arith.constant 0 : index
    %get3A_4 = vector.load %arg4[%get3A_2, %get3A_3] : memref<2000x1xf32, #tpu.memory_space<vmem>>, vector<2000x1xf32>
    %add3A = arith.addf %get3A_1, %get3A_4 : vector<2000x1xf32>
    %max3A = arith.constant 1.000000e+00 : f32
    %max3A_5 = vector.broadcast %max3A : f32 to vector<2000x1xf32>
    %max3A_6 = arith.maximumf %add3A, %max3A_5 : vector<2000x1xf32>
    %div3A = arith.constant 1.000000e+00 : f32
    %div3A_7 = vector.broadcast %div3A : f32 to vector<2000x1xf32>
    %div3A_8 = arith.divf %div3A_7, %max3A_6 : vector<2000x1xf32>
    %get3A_9 = arith.constant 0 : index
    %get3A_10 = arith.constant 0 : index
    %get3A_11 = vector.load %arg1[%get3A_9, %get3A_10] : memref<2000x128xf32, #tpu.memory_space<vmem>>, vector<2000x128xf32>
    %get3A_12 = arith.constant 0 : index
    %get3A_13 = arith.constant 0 : index
    %get3A_14 = vector.load %arg2[%get3A_12, %get3A_13] : memref<2000x128xf32, #tpu.memory_space<vmem>>, vector<2000x128xf32>
    %add3A_15 = arith.addf %get3A_11, %get3A_14 : vector<2000x128xf32>
    %mul3A = vector.broadcast %div3A_8 : vector<2000x1xf32> to vector<2000x128xf32>
    %mul3A_16 = arith.mulf %add3A_15, %mul3A : vector<2000x128xf32>
    %get3A_17 = arith.constant 0 : index
    %get3A_18 = arith.constant 0 : index
    %get3A_19 = vector.load %arg6[%get3A_17, %get3A_18] : memref<128x128xf32, #tpu.memory_space<vmem>>, vector<128x128xf32>
    %dot_general3A = arith.constant dense<0.000000e+00> : vector<2000x128xf32>
    %dot_general3A_20 = tpu.matmul %mul3A_16, %get3A_19, %dot_general3A {dimension_numbers = #tpu.dot_dimension_numbers<[1], [0], [0], [1], [0, 0, 1, 1], [], []>, transpose_lhs_hint = false} : vector<2000x128xf32>, vector<128x128xf32>, vector<2000x128xf32> -> vector<2000x128xf32>
    %get3A_21 = arith.constant 0 : index
    %get3A_22 = arith.constant 0 : index
    %get3A_23 = vector.load %arg5[%get3A_21, %get3A_22] : memref<2000x128xf32, #tpu.memory_space<vmem>>, vector<2000x128xf32>
    %get3A_24 = arith.constant 0 : index
    %get3A_25 = arith.constant 0 : index
    %get3A_26 = vector.load %arg7[%get3A_24, %get3A_25] : memref<128x128xf32, #tpu.memory_space<vmem>>, vector<128x128xf32>
    %dot_general3A_27 = arith.constant dense<0.000000e+00> : vector<2000x128xf32>
    %dot_general3A_28 = tpu.matmul %get3A_23, %get3A_26, %dot_general3A_27 {dimension_numbers = #tpu.dot_dimension_numbers<[1], [0], [0], [1], [0, 0, 1, 1], [], []>, transpose_lhs_hint = false} : vector<2000x128xf32>, vector<128x128xf32>, vector<2000x128xf32> -> vector<2000x128xf32>
    %add3A_29 = arith.addf %dot_general3A_20, %dot_general3A_28 : vector<2000x128xf32>
    %get3A_30 = arith.constant 0 : index
    %get3A_31 = arith.constant 0 : index
    %get3A_32 = vector.load %arg8[%get3A_30, %get3A_31] : memref<1x128xf32, #tpu.memory_space<vmem>>, vector<1x128xf32>
    %add3A_33 = vector.broadcast %get3A_32 : vector<1x128xf32> to vector<2000x128xf32>
    %add3A_34 = arith.addf %add3A_29, %add3A_33 : vector<2000x128xf32>
    %swap3A = arith.constant 0 : index
    %swap3A_35 = arith.constant 0 : index
    %swap3A_36 = vector.load %arg9[%swap3A, %swap3A_35] : memref<2000x128xf32, #tpu.memory_space<vmem>>, vector<2000x128xf32>
    tpu.vector_store %arg9[%swap3A, %swap3A_35], %add3A_34 {strides = array<i32>} : memref<2000x128xf32, #tpu.memory_space<vmem>>, vector<2000x128xf32>,
    return
  }
  func.func @transform_0(%arg0: i32) -> (i32, i32) {
    %c0_i32 = arith.constant 0 : i32
    %c0_i32_0 = arith.constant 0 : i32
    return %arg0, %c0_i32 : i32, i32
  }
  func.func @transform_1(%arg0: i32) -> (i32, i32) {
    %c0_i32 = arith.constant 0 : i32
    %c0_i32_0 = arith.constant 0 : i32
    return %arg0, %c0_i32 : i32, i32
  }
  func.func @transform_2(%arg0: i32) -> (i32, i32) {
    %c0_i32 = arith.constant 0 : i32
    %c0_i32_0 = arith.constant 0 : i32
    return %arg0, %c0_i32 : i32, i32
  }
  func.func @transform_3(%arg0: i32) -> (i32, i32) {
    %c0_i32 = arith.constant 0 : i32
    %c0_i32_0 = arith.constant 0 : i32
    return %arg0, %c0_i32 : i32, i32
  }
  func.func @transform_4(%arg0: i32) -> (i32, i32) {
    %c0_i32 = arith.constant 0 : i32
    %c0_i32_0 = arith.constant 0 : i32
    return %arg0, %c0_i32 : i32, i32
  }
  func.func @transform_5(%arg0: i32) -> (i32, i32) {
    %c0_i32 = arith.constant 0 : i32
    %c0_i32_0 = arith.constant 0 : i32
    %c0_i32_1 = arith.constant 0 : i32
    return %c0_i32, %c0_i32_0 : i32, i32
  }
  func.func @transform_6(%arg0: i32) -> (i32, i32) {
    %c0_i32 = arith.constant 0 : i32
    %c0_i32_0 = arith.constant 0 : i32
    %c0_i32_1 = arith.constant 0 : i32
    return %c0_i32, %c0_i32_0 : i32, i32
  }
  func.func @transform_7(%arg0: i32) -> (i32, i32) {
    %c0_i32 = arith.constant 0 : i32
    %c0_i32_0 = arith.constant 0 : i32
    %c0_i32_1 = arith.constant 0 : i32
    return %c0_i32, %c0_i32_0 : i32, i32
  }
  func.func @transform_8(%arg0: i32) -> (i32, i32) {
    %c0_i32 = arith.constant 0 : i32
    %c0_i32_0 = arith.constant 0 : i32
    return %arg0, %c0_i32 : i32, i32
  }
}

</mosaic_0001>

<sc_bundles>
// kernel: sage_sc_agg_cnt0.3.cloned.1.call-start
scs
__scs_entry_jumppad:
0x0: {  	(pc) =	sbr.rel $0x88, $3  }
0x1: {  	(tag) =	ssettag $0x0;
	lr =	simm.s32 $0x1  }
0x2: {  	[smem:$0x3F99] =	sst lr;
	_ =	strace $0xD0000000  }
0x3: {  	_ = 	snop  }
0x4: {  	_ = 	snop  }
0x5: {  	_ = 	snop  }
0x6: {  	_ = 	snop  }
0x7: {  	_ = 	snop  }
__scs_overlays_trampoline_lowered:
0x8: {  	[smem:$0x3FA8] =	sst s0  }
0x9: {  	[smem:$0x3FA9] =	sst s1  }
0xa: {  	[smem:$0x3FAA] =	sst s2  }
0xb: {  	[smem:$0x3FAB] =	sst s3  }
0xc: {  	[smem:$0x3FAC] =	sst s4  }
0xd: {  	[smem:$0x3FAD] =	sst s5  }
0xe: {  	[smem:$0x3FAE] =	sst s6  }
0xf: {  	[smem:$0x3FAF] =	sst s7  }
0x10: {  	[smem:$0x3FB0] =	sst s8  }
0x11: {  	[smem:$0x3FB1] =	sst s9;
	s0 =	simm.s32 @!p0 $0x0  }
0x12: {  	s1 =	sld [smem:$0x3F97];
	s0 =	simm.s32 @p0 $0x1  }
0x13: {  	[smem:$0x3FB2] =	sst s0;
	s0 =	simm.s32 @!p1 $0x0  }
0x14: {  	s2 =	sld [smem:$0x3F96];
	s0 =	simm.s32 @p1 $0x1  }
0x15: {  	[smem:$0x3FB3] =	sst s0;
	s0 =	simm.s32 @!p2 $0x0  }
0x16: {  	s3 =	sld [smem:$0x3FDB];
	s0 =	simm.s32 @p2 $0x1  }
0x17: {  	s4 =	simm.s32 $0x1BF5;
	[smem:$0x3FB5] =	sst s0  }
0x18: {  	s0 =	sld [smem:$0x3F98];
	_ =	swait.ge [sflag:s4], $0x0  }
0x19: {  	s7 =	sld [smem:$0x3F99]  }
0x1a: {  	s8 =	sadd.s32 $0xFFFFE003, lr  }
0x1b: {  	s9 =	sadd.s32 $0xFFFFFEF7, lr;
	s5 =	simm.s32 $0xFFFFFFFF;
	p2 =	slt.u32 s8, $0xFFFFF086  }
0x1c: {  	p1 =	slt.u32 s9, $0xF7A;
	s5 =	simm.s32 @!p2 $0x0  }
0x1d: {  	s5 =	simm.s32 @p1 $0x1;
	p0 =	seq.s32 s7, s2  }
0x1e: {  	s7 =	smul.u32 @!p0 $0xF7A, s2;
	p2 =	seq.s32 @!p0 s5, $0x0  }
0x1f: {  	s9 =	smul.u32 $0xF7A, s1;
	s8 =	simm.s32 @!p0 $0x1BF5;
	p2 =	por !p2, p0  }
0x20: {  	[sflag:s8] =	ssyncset.s32 @!p0 $0xFFFFF086;
	s6 =	sadd.s32 @!p0 s3, s7;
	s7 =	simm.s32 @!p0 $0x108  }
0x21: {  	s3 =	sadd.s32 s3, s9;
	s6 =	sadd.s32 @!p0 $0x88, s6;
	s7 =	simm.s32 @p2 $0x1082  }
0x22: {  	[simem:s7], [sflag:s8] =	dma.local @!p0 [hbm:s6], $0xF7A  }
0x23: {  	s9 =	sor.u32 $0xD0000000, s2;
	s6 =	simm.s32 $0x108;
	_ =	swait.ge @!p0 [sflag:s8], $0x0  }
0x24: {  	s3 =	sadd.s32 $0x88, s3;
	s6 =	simm.s32 @!p1 $0x1082;
	[sflag:s4] =	ssyncset.s32 $0xFFFFF086  }
0x25: {  	[simem:s6], [sflag:s4] =	dma.local [hbm:s3], $0xF7A  }
0x26: {  	[smem:$0x3F99] =	sst s1;
	(tag) =	ssettag s2;
	_ =	strace s9  }
0x27: {  	s1 =	sld [smem:$0x3FA9]  }
0x28: {  	s2 =	sld [smem:$0x3FAA]  }
0x29: {  	s4 =	sld [smem:$0x3FAC]  }
0x2a: {  	p0 =	seq.s32 s5, $0x0;
	s5 =	sld [smem:$0x3FAD]  }
0x2b: {  	s6 =	sld [smem:$0x3FAE]  }
0x2c: {  	s7 =	sld [smem:$0x3FAF]  }
0x2d: {  	s3 =	simm.s32 $0x108;
	s8 =	sld [smem:$0x3FB0]  }
0x2e: {  	s3 =	simm.s32 @!p0 $0x1082;
	s9 =	sld [smem:$0x3FB1]  }
0x2f: {  	lr =	sadd.s32 s0, s3;
	s0 =	sld [smem:$0x3FA8]  }
0x30: {  	s3 =	sld [smem:$0x3FAB]  }
0x31: {  	[smem:$0x3FB4] =	sst s10  }
0x32: {  	s10 =	sld [smem:$0x3FB2];
	_ =	sdelay $0x3  }
0x33: {  	p0 =	seq.s32 s10, $0x1;
	s10 =	sld [smem:$0x3FB4];
	_ =	sdelay $0x3  }
0x34: {  	[smem:$0x3FB4] =	sst s10  }
0x35: {  	s10 =	sld [smem:$0x3FB3];
	_ =	sdelay $0x3  }
0x36: {  	p1 =	seq.s32 s10, $0x1;
	s10 =	sld [smem:$0x3FB4];
	_ =	sdelay $0x3  }
0x37: {  	[smem:$0x3FB4] =	sst s10  }
0x38: {  	s10 =	sld [smem:$0x3FB5]  }
0x39: {  	_ = 	snop;
	(pc) =	sbr.ind lr, $3  }
0x3a: {  	_ = 	snop  }
0x3b: {  	_ = 	snop  }
0x3c: {  	p2 =	seq.s32 s10, $0x1;
	s10 =	sld [smem:$0x3FB4]  }
0x3d: {  	_ =	shalt  }
0x3e: {  	_ =	shalt  }
0x3f: {  	_ =	shalt  }
0x40: {  	_ =	shalt  }
0x41: {  	_ =	shalt  }
0x42: {  	_ =	shalt  }
0x43: {  	_ =	shalt  }
0x44: {  	_ =	shalt  }
0x45: {  	_ =	shalt  }
0x46: {  	_ =	shalt  }
0x47: {  	_ =	shalt  }
0x48: {  	_ =	shalt  }
0x49: {  	_ =	shalt  }
0x4a: {  	_ =	shalt  }
0x4b: {  	_ =	shalt  }
0x4c: {  	_ =	shalt  }
0x4d: {  	_ =	shalt  }
0x4e: {  	_ =	shalt  }
0x4f: {  	_ =	shalt  }
0x50: {  	_ =	shalt  }
0x51: {  	_ =	shalt  }
0x52: {  	_ =	shalt  }
0x53: {  	_ =	shalt  }
0x54: {  	_ =	shalt  }
0x55: {  	_ =	shalt  }
0x56: {  	_ =	shalt  }
0x57: {  	_ =	shalt  }
0x58: {  	_ =	shalt  }
0x59: {  	_ =	shalt  }
0x5a: {  	_ =	shalt  }
0x5b: {  	_ =	shalt  }
0x5c: {  	_ =	shalt  }
0x5d: {  	_ =	shalt  }
0x5e: {  	_ =	shalt  }
0x5f: {  	_ =	shalt  }
0x60: {  	_ =	shalt  }
0x61: {  	_ =	shalt  }
0x62: {  	_ =	shalt  }
0x63: {  	_ =	shalt  }
0x64: {  	_ =	shalt  }
0x65: {  	_ =	shalt  }
0x66: {  	_ =	shalt  }
0x67: {  	_ =	shalt  }
0x68: {  	_ =	shalt  }
0x69: {  	_ =	shalt  }
0x6a: {  	_ =	shalt  }
0x6b: {  	_ =	shalt  }
0x6c: {  	_ =	shalt  }
0x6d: {  	_ =	shalt  }
0x6e: {  	_ =	shalt  }
0x6f: {  	_ =	shalt  }
0x70: {  	_ =	shalt  }
0x71: {  	_ =	shalt  }
0x72: {  	_ =	shalt  }
0x73: {  	_ =	shalt  }
0x74: {  	_ =	shalt  }
0x75: {  	_ =	shalt  }
0x76: {  	_ =	shalt  }
0x77: {  	_ =	shalt  }
0x78: {  	_ =	shalt  }
0x79: {  	_ =	shalt  }
0x7a: {  	_ =	shalt  }
0x7b: {  	_ =	shalt  }
0x7c: {  	_ =	shalt  }
0x7d: {  	_ =	shalt  }
0x7e: {  	_ =	shalt  }
0x7f: {  	_ =	shalt  }
0x80: {  	_ =	shalt  }
0x81: {  	_ =	shalt  }
0x82: {  	_ =	shalt  }
0x83: {  	_ =	shalt  }
0x84: {  	_ =	shalt  }
0x85: {  	_ =	shalt  }
0x86: {  	_ =	shalt  }
0x87: {  	_ =	shalt  }
.Lfunc_end0:
.L_simem_size_0:
called_computation.1_lowered:
.L_overlay_start_0:
0x88: {  	s2 =	sld [smem:$0x3FD9]  }
0x89: {  	s3 =	sld [smem:$0x3FFE];
	_ =	sdelay $0x1  }
0x8a: {  	s1 =	srdreg.scid  }
0x8b: {  	s0 =	sand.u32 $0x1, s1  }
0x8c: {  	s17 =	sshll.u32 s0, $0xA;
	s2 =	sadd.s32 s3, s2  }
0x8d: {  	s2 =	sadd.s32 s2, s17  }
0x8e: {  	[smem:$0x3FC0] =	sst s2  }
0x8f: {  	_ = 	snop  }
0x90: {  	s2 =	sld [smem:$0x3FD0];
	(tm) =	ssettm $0x1  }
0x91: {  	s18 =	sld [smem:$0x3FFB];
	_ =	sdelay $0x3  }
0x92: {  	_ =	strace s18  }
0x93: {  	s3 =	sld [smem:$0x3FFC];
	_ =	sdelay $0x3  }
0x94: {  	_ =	strace s3  }
0x95: {  	s3 =	sld [smem:$0x3FFD];
	_ =	sdelay $0x3  }
0x96: {  	_ =	strace s3  }
0x97: {  	_ =	strace $0x8FFFFFFF  }
0x98: {  	s19 =	sld [smem:$0x3FDB];
	_ =	sdelay $0x1  }
0x99: {  	s4 =	simm.s32 $_scs_section_size  }
0x9a: {  	s5 =	simm.s32 $_size__tile_overlayer_lowered;
	s6 =	simm.s32 $_tile_overlayer_lowered  }
0x9b: {  	s22 =	simm.s32 $0x1BFF;
	s21 =	sshll.u32 s6, $0x1;
	s3 =	sadd.s32 s4, s19  }
0x9c: {  	s7 =	simm.s32 $0x0;
	s20 =	sshll.u32 s5, $0x1;
	s5 =	sadd.s32 s21, s3  }
0x9d: {  	[timem:s7], [sflag:s22] =	dma.local [hbm:s5], s20  }
0x9e: {  	_ =	swait.ge [sflag:s22], s20  }
0x9f: {  	s4 =	ssub.s32 $0x0, s20;
	[sflag:s22] =	ssyncset.done $0x0  }
0xa0: {  	[sflag:s22] =	ssyncadd.s32 s4;
	_ =	sdelay $0x1  }
0xa1: {  	s23 =	simm.s32 $0x1B8B  }
0xa2: {  	_ =	swait.ge [sflag:s23], $0x1  }
0xa3: {  	[sflag:s23] =	ssyncset.done $0x0  }
0xa4: {  	s25 =	simm.s32 $0x1B8E;
	s24 =	sld [smem:$0x3FFE];
	[sflag:s23] =	ssyncadd.s32 $0xFFFFFFFF  }
0xa5: {  	s26 =	simm.s32 $execute0_lowered;
	[smem:$0x3FD2] =	sst s25  }
0xa6: {  	s5 =	sshll.u32 s26, $0x1;
	_ =	strace $0x80000049;
	[dreg:$0x1] =	wrdreg $0xFFFFFFFF  }
0xa7: {  	s28 =	simm.s32 $_size_execute0_lowered;
	s3 =	sadd.s32 s3, s5;
	[dreg:$0x0] =	wrdreg $0x0  }
0xa8: {  	s5 =	sshll.u32 s28, $0x1;
	[dreg:$0x2] =	wrdreg s3  }
0xa9: {  	[dreg:$0x3] =	wrdreg s5  }
0xaa: {  	[dreg:$0x4] =	wrdreg $0xC0  }
0xab: {  	_ =	task [dreg:s7], $0x5FFFF  }
0xac: {  	[dreg:$0x1] =	wrdreg $0xFFFFFFFF  }
0xad: {  	[dreg:$0x0] =	wrdreg $0x60  }
0xae: {  	[dreg:$0x2] =	wrdreg s2  }
0xaf: {  	[dreg:$0x3] =	wrdreg s24  }
0xb0: {  	[dreg:$0x4] =	wrdreg $0x91000  }
0xb1: {  	[dreg:$0x5] =	wrdreg $0x9  }
0xb2: {  	_ =	task.clear_ibuf [dreg:s7], $0x6FFFF;
	_ =	strace $0x90000049  }
0xb3: {  	s29 =	simm.s32 $0x9;
	_ =	strace $0x8000004B  }
0xb4: {  	_ =	swait.ge [sflag:s29], $0x1  }
0xb5: {  	[sflag:s29] =	ssyncadd.s32 $0xFFFFFFFF  }
0xb6: {  	_ =	strace $0x9000004B  }
0xb7: {  	_ =	sfence  }
0xb8: {  	s30 =	sld [smem:$0x0];
	_ =	sdelay $0x2  }
0xb9: {  	s31 =	sshll.u32 s1, $0xD;
	s1 =	sshrl.u32 s1, $0x2  }
0xba: {  	s3 =	sand.u32 $0x4000, s31;
	s1 =	sadd.s32 s1, s30  }
0xbb: {  	s0 =	sor.u32 s3, s0;
	s1 =	sshll.u32 s1, $0x11  }
0xbc: {  	s0 =	sor.u32 s1, s0  }
0xbd: {  	s0 =	sadd.s32 $0x8F2B, s0  }
0xbe: {  	[sflag:s0] =	ssyncadd.remote.s32 $0x1  }
0xbf: {  	_ =	sfence.sel $0xFFFF  }
0xc0: {  	[dreg:$0x0] =	wrdreg $0xFFFFFFFF;
	(pc) =	sbr.abs _section_cstart, $3  }
0xc1: {  	[dreg:$0x1] =	wrdreg $0xFFFFFFFF  }
0xc2: {  	_ =	task.clear_ibuf [dreg:s7], $0x2FFFF;
	_ =	strace $0x9FFFFFFF  }
0xc3: {  	(tm) =	ssettm $0x7FFFFFFF  }
tec
execute0_lowered:
.L_overlay_start_1:
0x0: {  	(tag) =	ssettag $0x1  }
0x1: {  	s1 =	rddreg [dreg:$0x0]  }
0x2: {  	s0 =	rddreg [dreg:$0x1];
	s17 =	stileid.u32  }
0x3: {  	s2 =	rddreg [dreg:$0x2];
	s19 =	sshll.u32 s17, $0x6  }
0x4: {  	s4 =	srdreg.scid;
	s5 =	smul.u32 $0x124C0, s17;
	s8 =	sor.u32 $0x10, s19  }
0x5: {  	s12 =	sand.u32 $0x1, s4;
	s13 =	sor.u32 $0x20, s19;
	s21 =	smul.u32 $0x493, s8  }
0x6: {  	s24 =	sshll.u32 s17, $0x1;
	s15 =	sor.u32 $0x30, s19;
	s23 =	smul.u32 $0x493, s13  }
0x7: {  	s3 =	simm.s32 $0x0;
	s16 =	sor.u32 s12, s24;
	s26 =	smul.u32 $0x493, s15  }
0x8: {  	s28 =	simm.s32 $0x40;
	s20 =	sshrl.u32 s5, $0x12;
	s16 =	smul.u32 $0xA00, s16  }
0x9: {  	[smem:$0x7FF] =	sst s3;
	s9 =	sadd.s32 $0x2E00, s0;
	s11 =	smul.u32 $0xE0, s20  }
0xa: {  	s7 =	sadd.s32 $0x17000, s0;
	s22 =	sshrl.u32 s21, $0x12;
	s21 =	smul.u32 $0x50000, s17  }
0xb: {  	s18 =	ssub.s32 $0x2, s12;
	s5 =	sshrl.u32 s23, $0x12;
	s23 =	smul.u32 $0xA00, s12  }
0xc: {  	s6 =	sadd.s32 $0x7B200, s0;
	s10 =	sshrl.u32 s18, $0x1;
	s14 =	smul.u32 $0xE0, s22  }
0xd: {  	_ =	strace $0x8000004A;
	s4 =	ssub.s32 s18, s10;
	s5 =	smul.u32 $0xE0, s5  }
0xe: {  	[dreg:$0x1f] =	wrdreg s19;
	s4 =	smax.u32 s4, $0x1;
	s22 =	smul.u32 $0x1400, s17  }
0xf: {  	s25 =	ssub.s32 s19, s11;
	s17 =	smul.u32 $0x14000, s17;
	[smem:$0x7FA] =	sst s4  }
0x10: {  	s0 =	sor.u32 $0x2710, s25;
	s11 =	sshrl.u32 s21, $0x2;
	s21 =	simm.s32 $0x100  }
0x11: {  	s8 =	ssub.s32 s8, s14;
	s14 =	sshrl.u32 s26, $0x12;
	s18 =	ssub.s32 s13, s5  }
0x12: {  	s24 =	sadd.s32 s22, s9;
	s13 =	simm.s32 $0x80;
	[dreg:$0x7] =	wrdreg s21  }
0x13: {  	s25 =	sadd.s32 s22, s7;
	s22 =	simm.s32 $0x180;
	[dreg:$0x6] =	wrdreg s13  }
0x14: {  	s9 =	sadd.s32 s9, s16;
	s7 =	sadd.s32 s7, s16;
	[dreg:$0x8] =	wrdreg s22  }
0x15: {  	s16 =	simm.s32 $0x300;
	s21 =	simm.s32 $0xA00;
	[smem:$0x7EE] =	sst s9  }
0x16: {  	s8 =	sadd.s32 $0x2710, s8;
	s10 =	smul.u32 $0xE0, s14;
	[smem:$0x7EF] =	sst s7  }
0x17: {  	s20 =	sor.u32 $0x2710, s18;
	s14 =	sadd.s32 $0x4000, s17;
	[dreg:$0xe] =	wrdreg s16  }
0x18: {  	[dreg:$0xf] =	wrdreg s21;
	s22 =	simm.s32 $0x380;
	s21 =	simm.s32 $0xC80  }
0x19: {  	s5 =	sand.u32 $0xFFE0, s8;
	s8 =	sand.u32 $0xFFF0, s20;
	[dreg:$0x10] =	wrdreg s22  }
0x1a: {  	s20 =	sadd.s32 s11, s2;
	s11 =	sadd.s32 s23, s25;
	[dreg:$0x17] =	wrdreg s21  }
0x1b: {  	s30 =	simm.s32 $0x5000;
	s18 =	sadd.s32 s14, s2;
	[dreg:$0x5] =	wrdreg s11  }
0x1c: {  	s31 =	simm.s32 $0x7000;
	s25 =	simm.s32 $0x280;
	[smem:$0x7ED] =	sst s18  }
0x1d: {  	s29 =	simm.s32 $0x8;
	s12 =	smul.u32 $0x140000, s12;
	[dreg:$0xc] =	wrdreg s25  }
0x1e: {  	s4 =	simm.s32 $0x3000;
	s26 =	sadd.s32 $0x2000, s20;
	[smem:$0x7FD] =	sst s20  }
0x1f: {  	s0 =	sand.u32 $0xFFF0, s0;
	s18 =	simm.s32 $0x200;
	[smem:$0x7EC] =	sst s26  }
0x20: {  	s13 =	sadd.s32 $0x10000, s17;
	s25 =	simm.s32 $0xB00;
	[dreg:$0xa] =	wrdreg s18  }
0x21: {  	s10 =	ssub.s32 s15, s10;
	s26 =	simm.s32 $0x980;
	[dreg:$0x12] =	wrdreg s25  }
0x22: {  	s10 =	sadd.s32 $0x2710, s10;
	s25 =	simm.s32 $0x680;
	[dreg:$0xd] =	wrdreg s26  }
0x23: {  	s15 =	sand.u32 $0xFFE0, s10;
	s10 =	sadd.s32 s23, s24;
	[dreg:$0x1a] =	wrdreg s25  }
0x24: {  	v6 =	vlaneseq.u32;
	s7 =	simm.s32 $0x9;
	s23 =	simm.s32 $0x880;
	[dreg:$0x4] =	wrdreg s10  }
0x25: {  	v0 =	vor.u32 s0, v6;
	s0 =	simm.s32 $0x400;
	s24 =	simm.s32 $0x900;
	[dreg:$0x9] =	wrdreg s23  }
0x26: {  	s18 =	sadd.s32 s17, s12;
	s26 =	simm.s32 $0x480;
	[dreg:$0xb] =	wrdreg s24  }
0x27: {  	s9 =	sshrl.u32 s18, $0x3;
	s18 =	simm.s32 $0x580;
	[dreg:$0x13] =	wrdreg s26  }
0x28: {  	s11 =	sadd.s32 $0xC000, s17;
	s25 =	sadd.s32 $0xE000, s20;
	[dreg:$0x16] =	wrdreg s18  }
0x29: {  	v1 =	vor.u32 s5, v6;
	s5 =	simm.s32 $0x0;
	s9 =	sadd.s32 s6, s9;
	[smem:$0x7FB] =	sst s25  }
0x2a: {  	s22 =	sadd.s32 s12, s11;
	s23 =	simm.s32 $0xA80;
	[smem:$0x7F0] =	sst s9  }
0x2b: {  	s24 =	sadd.s32 s12, s14;
	s14 =	simm.s32 $0xB80;
	[dreg:$0x11] =	wrdreg s23  }
0x2c: {  	s10 =	sadd.s32 $0x8000, s17;
	s17 =	simm.s32 $0x500;
	[dreg:$0x14] =	wrdreg s14  }
0x2d: {  	s26 =	sadd.s32 s12, s13;
	s18 =	simm.s32 $0x780;
	[dreg:$0x15] =	wrdreg s17  }
0x2e: {  	s25 =	simm.s32 $0xB;
	s23 =	simm.s32 $0x600;
	[dreg:$0x1e] =	wrdreg s18  }
0x2f: {  	s9 =	sshrl.u32 s24, $0x3;
	s24 =	simm.s32 $0xD00;
	[dreg:$0x18] =	wrdreg s23  }
0x30: {  	s16 =	sadd.s32 s12, s10;
	s12 =	simm.s32 $0xD80;
	[dreg:$0x19] =	wrdreg s24  }
0x31: {  	v3 =	vor.u32 s15, v6;
	s15 =	simm.s32 $0x7;
	s14 =	simm.s32 $0x700;
	[dreg:$0x1b] =	wrdreg s12  }
0x32: {  	s17 =	sadd.s32 $0x6000, s20;
	s21 =	sadd.s32 s10, s2;
	[dreg:$0x1c] =	wrdreg s14  }
0x33: {  	s10 =	simm.s32 $0x3;
	s18 =	simm.s32 $0x2;
	[smem:$0x7F5] =	sst s17  }
0x34: {  	s9 =	sadd.s32 s6, s9;
	[smem:$0x7F6] =	sst s21;
	s23 =	sadd.s32 s11, s2  }
0x35: {  	s24 =	sadd.s32 s13, s2;
	s11 =	simm.s32 $0xF00;
	s12 =	simm.s32 $0x6  }
0x36: {  	s13 =	simm.s32 $0x4;
	s14 =	simm.s32 $0xF80;
	[smem:$0x7F1] =	sst s9  }
0x37: {  	s21 =	simm.s32 $0xC00;
	s9 =	sshrl.u32 s16, $0x3;
	[smem:$0x7F8] =	sst s23  }
0x38: {  	s16 =	simm.s32 $0xE00;
	[smem:$0x7F9] =	sst s24;
	s24 =	simm.s32 $0x1000  }
0x39: {  	s23 =	simm.s32 $0xE80;
	s9 =	sadd.s32 s6, s9;
	[dreg:$0x1d] =	wrdreg s16  }
0x3a: {  	[smem:$0x7F2] =	sst s9;
	s9 =	sshrl.u32 s22, $0x3;
	s22 =	sadd.s32 $0xA000, s20  }
0x3b: {  	s16 =	simm.s32 $0x1;
	s9 =	sadd.s32 s6, s9;
	[smem:$0x7F7] =	sst s22  }
0x3c: {  	v5 =	vor.u32 $0x10, v6;
	v7 =	vor.u32 $0x20, v6;
	v8 =	vor.u32 $0x30, v6;
	[smem:$0x7F3] =	sst s9;
	s9 =	sshrl.u32 s26, $0x3;
	s26 =	sadd.s32 $0x12000, s20  }
0x3d: {  	v4 =	vor.u32 s19, v6;
	v5 =	vor.u32 s19, v5;
	v2 =	vor.u32 s8, v6;
	s22 =	simm.s32 $0xA;
	s6 =	sadd.s32 s6, s9;
	[smem:$0x7FC] =	sst s26  }
0x3e: {  	v6 =	vor.u32 s19, v7;
	v7 =	vor.u32 s19, v8;
	v8 =	vimm.f32 $0.0e+00;
	s26 =	simm.s32 $0x800;
	s9 =	simm.s32 $0x5;
	[smem:$0x7F4] =	sst s6  }
.LBB2_1:
0x3f: {  	[tilespmem:$0x9000] =	vst v0  }
0x40: {  	[tilespmem:$0x9080] =	vst v4  }
0x41: {  	[tilespmem:$0x9010] =	vst v1  }
0x42: {  	[tilespmem:$0x9090] =	vst v5  }
0x43: {  	[tilespmem:$0x9020] =	vst v2  }
0x44: {  	[tilespmem:$0x90A0] =	vst v6  }
0x45: {  	[tilespmem:$0x9030] =	vst v3  }
0x46: {  	[tilespmem:$0x90B0] =	vst v7;
	s6 =	simm.s32 $0x0;
	s8 =	simm.s32 $0x200  }
.LBB2_2:
0x47: {  	p0 =	sne.s32 s8, $0x7E00;
	[tilespmem:s6+$0x1070] =	vst v8  }
0x48: {  	[tilespmem:s6+$0x1000] =	vst v8  }
0x49: {  	[tilespmem:s6+$0x1010] =	vst v8  }
.Ltmp0:
0x4a: {  	[tilespmem:s6+$0x1020] =	vst v8;
	(pc) =	sbr.rel @p0 .LBB2_2-.Ltmp0, $4  }
0x4b: {  	[tilespmem:s6+$0x1030] =	vst v8  }
0x4c: {  	[tilespmem:s6+$0x1040] =	vst v8  }
0x4d: {  	[tilespmem:s6+$0x1050] =	vst v8  }
0x4e: {  	[tilespmem:s6+$0x1060] =	vst v8;
	s6 =	sshra.s32 s8, $0x2;
	s8 =	sadd.s32 $0x200, s8  }
0x4f: {  	[tilespmem:s6+$0x1070] =	vst v8  }
0x50: {  	[tilespmem:s6+$0x1000] =	vst v8  }
0x51: {  	[tilespmem:s6+$0x1010] =	vst v8  }
0x52: {  	[tilespmem:s6+$0x1020] =	vst v8  }
0x53: {  	[tilespmem:s6+$0x1030] =	vst v8  }
0x54: {  	[tilespmem:s6+$0x1040] =	vst v8  }
0x55: {  	[tilespmem:s6+$0x1050] =	vst v8  }
0x56: {  	[tilespmem:s6+$0x1060] =	vst v8  }
0x57: {  	[spmem:s20] =	stream.linear.scatter [tilespmem:s24], [sflag:$0xB], $0x2000, $0x38;
	[tilespmem:$0x1D100] =	vst v63  }
0x58: {  	_ =	swait.ge [sflag:s25], $0x2000  }
0x59: {  	s17 =	sld [smem:$0x7EC]  }
0x5a: {  	[sflag:s25] =	ssyncset.done $0x0  }
0x5b: {  	[sflag:s25] =	ssyncadd.s32 $0xFFFFE000  }
0x5c: {  	[spmem:s17] =	stream.linear.scatter [tilespmem:s24], [sflag:$0xB], $0x2000, $0x38;
	[tilespmem:$0x1D100] =	vst v63  }
0x5d: {  	_ =	swait.ge [sflag:s25], $0x2000  }
0x5e: {  	s19 =	sld [smem:$0x7ED]  }
0x5f: {  	[sflag:s25] =	ssyncset.done $0x0  }
0x60: {  	[sflag:s25] =	ssyncadd.s32 $0xFFFFE000  }
0x61: {  	[spmem:s19] =	stream.linear.scatter [tilespmem:s24], [sflag:$0xB], $0x2000, $0x38;
	[tilespmem:$0x1D100] =	vst v63  }
0x62: {  	_ =	swait.ge [sflag:s25], $0x2000  }
0x63: {  	s20 =	sld [smem:$0x7F5]  }
0x64: {  	[sflag:s25] =	ssyncset.done $0x0  }
0x65: {  	[sflag:s25] =	ssyncadd.s32 $0xFFFFE000  }
0x66: {  	[spmem:s20] =	stream.linear.scatter [tilespmem:s24], [sflag:$0xB], $0x2000, $0x38;
	[tilespmem:$0x1D100] =	vst v63  }
0x67: {  	_ =	swait.ge [sflag:s25], $0x2000  }
0x68: {  	s8 =	sld [smem:$0x7F6]  }
0x69: {  	[sflag:s25] =	ssyncset.done $0x0  }
0x6a: {  	[sflag:s25] =	ssyncadd.s32 $0xFFFFE000  }
0x6b: {  	[spmem:s8] =	stream.linear.scatter [tilespmem:s24], [sflag:$0xB], $0x2000, $0x38;
	[tilespmem:$0x1D100] =	vst v63  }
0x6c: {  	_ =	swait.ge [sflag:s25], $0x2000  }
0x6d: {  	s17 =	sld [smem:$0x7F7]  }
0x6e: {  	[sflag:s25] =	ssyncset.done $0x0  }
0x6f: {  	[sflag:s25] =	ssyncadd.s32 $0xFFFFE000  }
0x70: {  	[spmem:s17] =	stream.linear.scatter [tilespmem:s24], [sflag:$0xB], $0x2000, $0x38;
	[tilespmem:$0x1D100] =	vst v63  }
0x71: {  	_ =	swait.ge [sflag:s25], $0x2000  }
0x72: {  	s19 =	sld [smem:$0x7F8]  }
0x73: {  	[sflag:s25] =	ssyncset.done $0x0  }
0x74: {  	[sflag:s25] =	ssyncadd.s32 $0xFFFFE000  }
0x75: {  	[spmem:s19] =	stream.linear.scatter [tilespmem:s24], [sflag:$0xB], $0x2000, $0x38;
	[tilespmem:$0x1D100] =	vst v63  }
0x76: {  	_ =	swait.ge [sflag:s25], $0x2000  }
0x77: {  	s20 =	sld [smem:$0x7FB]  }
0x78: {  	[sflag:s25] =	ssyncset.done $0x0  }
0x79: {  	[sflag:s25] =	ssyncadd.s32 $0xFFFFE000  }
0x7a: {  	[spmem:s20] =	stream.linear.scatter [tilespmem:s24], [sflag:$0xB], $0x2000, $0x38;
	[tilespmem:$0x1D100] =	vst v63  }
0x7b: {  	_ =	swait.ge [sflag:s25], $0x2000  }
0x7c: {  	s8 =	sld [smem:$0x7F9]  }
0x7d: {  	[sflag:s25] =	ssyncset.done $0x0  }
0x7e: {  	[sflag:s25] =	ssyncadd.s32 $0xFFFFE000  }
0x7f: {  	[spmem:s8] =	stream.linear.scatter [tilespmem:s24], [sflag:$0xB], $0x2000, $0x38;
	[tilespmem:$0x1D100] =	vst v63  }
0x80: {  	_ =	swait.ge [sflag:s25], $0x2000  }
0x81: {  	s17 =	sld [smem:$0x7FC]  }
0x82: {  	[sflag:s25] =	ssyncset.done $0x0  }
0x83: {  	[sflag:s25] =	ssyncadd.s32 $0xFFFFE000  }
0x84: {  	[spmem:s17] =	stream.linear.scatter [tilespmem:s24], [sflag:$0xB], $0x2000, $0x38;
	[tilespmem:$0x1D100] =	vst v63  }
0x85: {  	_ =	swait.ge [sflag:s25], $0x2000  }
0x86: {  	[sflag:s25] =	ssyncset.done $0x0  }
0x87: {  	[sflag:s25] =	ssyncadd.s32 $0xFFFFE000  }
0x88: {  	[bflag:$0x0] =	sbarrier.arrive $0xFFFF  }
0x89: {  	s8 =	sld [smem:$0x7EE];
	_ =	sdelay $0x1  }
0x8a: {  	s19 =	simm.s32 $0x0;
	s20 =	sld [smem:$0x7EF]  }
0x8b: {  	[tilespmem:s19], [sflag:$0x9] =	stream.linear.gather [hbm4b:s8+s19], $0x400, $0x38;
	[tilespmem:$0x1D100] =	vst v63  }
0x8c: {  	_ = 	snop  }
0x8d: {  	[tilespmem:s26], [sflag:$0x9] =	stream.linear.gather [hbm4b:s20+s19], $0x400, $0x38;
	[tilespmem:$0x1D100] =	vst v63  }
0x8e: {  	v9 =	vld [tilespmem:$0x9000];
	_ =	sdelay $0x1  }
0x8f: {  	v10 =	vld [tilespmem:$0x9010];
	_ =	sdelay $0x1  }
0x90: {  	v11 =	vld [tilespmem:$0x9020]  }
0x91: {  	[tilespmem:$0xF00] =	vst v9  }
0x92: {  	[tilespmem:$0xF80] =	vst v9;
	v9 =	vld [tilespmem:$0x9030]  }
0x93: {  	[tilespmem:$0xF10] =	vst v10  }
0x94: {  	[tilespmem:$0xF90] =	vst v10  }
0x95: {  	[tilespmem:$0xF20] =	vst v11  }
0x96: {  	[tilespmem:$0xFA0] =	vst v11  }
0x97: {  	[tilespmem:$0xF30] =	vst v9  }
0x98: {  	s17 =	simm.s32 $0x9080;
	[tilespmem:$0xFB0] =	vst v9  }
0x99: {  	[tilespmem:s30], [sflag:$0x3] =	stream.indirect.gather [hbm4b:s1+s28], $0x80, s17, s28, $0xb8;
	[tilespmem:$0x1D100] =	vst v63  }
0x9a: {  	_ = 	snop  }
0x9b: {  	[tilespmem:s31], [sflag:$0x4] =	stream.indirect.gather [hbm4b:s1+s28], $0x80, s17, s28, $0xb8;
	[tilespmem:$0x1D100] =	vst v63  }
0x9c: {  	s19 =	simm.s32 $0x9000  }
0x9d: {  	[spmem:s2] =	stream.indirect.scatter.add.f32 [tilespmem:s24], [sflag:$0x5], $0x80, s19, s28, $0xb8;
	[tilespmem:$0x1D100] =	vst v63  }
0x9e: {  	_ = 	snop  }
0x9f: {  	[spmem:s2] =	stream.indirect.scatter.add.f32 [tilespmem:s4], [sflag:$0x6], $0x80, s19, s28, $0xb8;
	[tilespmem:$0x1D100] =	vst v63  }
0xa0: {  	_ =	swait.ge [sflag:s7], $0x400  }
0xa1: {  	[sflag:s7] =	ssyncset.done $0x0  }
0xa2: {  	[sflag:s7] =	ssyncadd.s32 $0xFFFFFC00  }
0xa3: {  	_ =	swait.ge [sflag:s7], $0x400  }
0xa4: {  	[sflag:s7] =	ssyncset.done $0x0  }
0xa5: {  	[sflag:s7] =	ssyncadd.s32 $0xFFFFFC00  }
0xa6: {  	_ =	swait.ge [sflag:s9], $0x2000  }
0xa7: {  	[sflag:s9] =	ssyncset.done $0x0  }
0xa8: {  	[sflag:s9] =	ssyncadd.s32 $0xFFFFE000  }
0xa9: {  	[tilespmem:s24], [sflag:$0x1] =	stream.indirect.gather [hbm4b:s1+s28], $0x80, s3, s28, $0xb8;
	[tilespmem:$0x1D100] =	vst v63  }
0xaa: {  	_ =	swait.ge [sflag:s10], $0x2000  }
0xab: {  	[sflag:s10] =	ssyncset.done $0x0  }
0xac: {  	[sflag:s10] =	ssyncadd.s32 $0xFFFFE000  }
0xad: {  	[spmem:s2] =	stream.indirect.scatter.add.f32 [tilespmem:s30], [sflag:$0x7], $0x80, s11, s28, $0xb8;
	[tilespmem:$0x1D100] =	vst v63  }
0xae: {  	_ =	swait.ge [sflag:s12], $0x2000  }
0xaf: {  	[sflag:s12] =	ssyncset.done $0x0  }
0xb0: {  	s20 =	rddreg [dreg:$0x6];
	[sflag:s12] =	ssyncadd.s32 $0xFFFFE000  }
0xb1: {  	[tilespmem:s4], [sflag:$0x2] =	stream.indirect.gather [hbm4b:s1+s28], $0x80, s20, s28, $0xb8;
	[tilespmem:$0x1D100] =	vst v63  }
0xb2: {  	_ =	swait.ge [sflag:s13], $0x2000  }
0xb3: {  	[sflag:s13] =	ssyncset.done $0x0  }
0xb4: {  	[sflag:s13] =	ssyncadd.s32 $0xFFFFE000  }
0xb5: {  	[spmem:s2] =	stream.indirect.scatter.add.f32 [tilespmem:s31], [sflag:$0x8], $0x80, s14, s28, $0xb8;
	[tilespmem:$0x1D100] =	vst v63  }
0xb6: {  	_ =	swait.ge [sflag:s15], $0x2000  }
0xb7: {  	[sflag:s15] =	ssyncset.done $0x0  }
0xb8: {  	s8 =	rddreg [dreg:$0x7];
	[sflag:s15] =	ssyncadd.s32 $0xFFFFE000  }
0xb9: {  	[tilespmem:s30], [sflag:$0x3] =	stream.indirect.gather [hbm4b:s1+s28], $0x80, s8, s28, $0xb8;
	[tilespmem:$0x1D100] =	vst v63  }
0xba: {  	_ =	swait.ge [sflag:s16], $0x2000  }
0xbb: {  	[sflag:s16] =	ssyncset.done $0x0  }
0xbc: {  	[sflag:s16] =	ssyncadd.s32 $0xFFFFE000  }
0xbd: {  	[spmem:s2] =	stream.indirect.scatter.add.f32 [tilespmem:s24], [sflag:$0x5], $0x80, s26, s28, $0xb8;
	[tilespmem:$0x1D100] =	vst v63  }
0xbe: {  	_ =	swait.ge [sflag:s29], $0x2000  }
0xbf: {  	[sflag:s29] =	ssyncset.done $0x0  }
0xc0: {  	s17 =	rddreg [dreg:$0x8];
	[sflag:s29] =	ssyncadd.s32 $0xFFFFE000  }
0xc1: {  	[tilespmem:s31], [sflag:$0x4] =	stream.indirect.gather [hbm4b:s1+s28], $0x80, s17, s28, $0xb8;
	[tilespmem:$0x1D100] =	vst v63  }
0xc2: {  	_ =	swait.ge [sflag:s18], $0x2000  }
0xc3: {  	s19 =	rddreg [dreg:$0x9]  }
0xc4: {  	[sflag:s18] =	ssyncset.done $0x0;
	s20 =	rddreg [dreg:$0x4]  }
0xc5: {  	s17 =	rddreg [dreg:$0x5];
	[sflag:s18] =	ssyncadd.s32 $0xFFFFE000;
	s6 =	sadd.s32 $0x0, s20  }
0xc6: {  	[spmem:s2] =	stream.indirect.scatter.add.f32 [tilespmem:s4], [sflag:$0x6], $0x80, s19, s28, $0xb8;
	[tilespmem:$0x1D100] =	vst v63  }
0xc7: {  	s8 =	sadd.s32 $0x0, s17;
	s19 =	sadd.s32 $0x80, s6  }
0xc8: {  	[tilespmem:s0], [sflag:$0xA] =	stream.linear.gather [hbm4b:s19+s3], $0x400, $0x38;
	[tilespmem:$0x1D100] =	vst v63  }
0xc9: {  	s17 =	sadd.s32 $0x80, s8  }
0xca: {  	[tilespmem:s21], [sflag:$0xA] =	stream.linear.gather [hbm4b:s17+s3], $0x400, $0x38;
	[tilespmem:$0x1D100] =	vst v63  }
0xcb: {  	_ =	swait.ge [sflag:s9], $0x2000  }
0xcc: {  	[sflag:s9] =	ssyncset.done $0x0  }
0xcd: {  	s19 =	rddreg [dreg:$0xa];
	[sflag:s9] =	ssyncadd.s32 $0xFFFFE000  }
0xce: {  	[tilespmem:s24], [sflag:$0x1] =	stream.indirect.gather [hbm4b:s1+s28], $0x80, s19, s28, $0xb8;
	[tilespmem:$0x1D100] =	vst v63  }
0xcf: {  	_ =	swait.ge [sflag:s10], $0x2000  }
0xd0: {  	[sflag:s10] =	ssyncset.done $0x0  }
0xd1: {  	s20 =	rddreg [dreg:$0xb];
	[sflag:s10] =	ssyncadd.s32 $0xFFFFE000  }
0xd2: {  	[spmem:s2] =	stream.indirect.scatter.add.f32 [tilespmem:s30], [sflag:$0x7], $0x80, s20, s28, $0xb8;
	[tilespmem:$0x1D100] =	vst v63  }
0xd3: {  	_ =	swait.ge [sflag:s12], $0x2000  }
0xd4: {  	[sflag:s12] =	ssyncset.done $0x0  }
0xd5: {  	s19 =	rddreg [dreg:$0xc];
	[sflag:s12] =	ssyncadd.s32 $0xFFFFE000  }
0xd6: {  	[tilespmem:s4], [sflag:$0x2] =	stream.indirect.gather [hbm4b:s1+s28], $0x80, s19, s28, $0xb8;
	[tilespmem:$0x1D100] =	vst v63  }
0xd7: {  	_ =	swait.ge [sflag:s13], $0x2000  }
0xd8: {  	[sflag:s13] =	ssyncset.done $0x0  }
0xd9: {  	s20 =	rddreg [dreg:$0xd];
	[sflag:s13] =	ssyncadd.s32 $0xFFFFE000  }
0xda: {  	[spmem:s2] =	stream.indirect.scatter.add.f32 [tilespmem:s31], [sflag:$0x8], $0x80, s20, s28, $0xb8;
	[tilespmem:$0x1D100] =	vst v63  }
0xdb: {  	_ =	swait.ge [sflag:s15], $0x2000  }
0xdc: {  	[sflag:s15] =	ssyncset.done $0x0  }
0xdd: {  	s19 =	rddreg [dreg:$0xe];
	[sflag:s15] =	ssyncadd.s32 $0xFFFFE000  }
0xde: {  	[tilespmem:s30], [sflag:$0x3] =	stream.indirect.gather [hbm4b:s1+s28], $0x80, s19, s28, $0xb8;
	[tilespmem:$0x1D100] =	vst v63  }
0xdf: {  	_ =	swait.ge [sflag:s16], $0x2000  }
0xe0: {  	[sflag:s16] =	ssyncset.done $0x0  }
0xe1: {  	s20 =	rddreg [dreg:$0xf];
	[sflag:s16] =	ssyncadd.s32 $0xFFFFE000  }
0xe2: {  	[spmem:s2] =	stream.indirect.scatter.add.f32 [tilespmem:s24], [sflag:$0x5], $0x80, s20, s28, $0xb8;
	[tilespmem:$0x1D100] =	vst v63  }
0xe3: {  	_ =	swait.ge [sflag:s29], $0x2000  }
0xe4: {  	[sflag:s29] =	ssyncset.done $0x0  }
0xe5: {  	s19 =	rddreg [dreg:$0x10];
	[sflag:s29] =	ssyncadd.s32 $0xFFFFE000  }
0xe6: {  	[tilespmem:s31], [sflag:$0x4] =	stream.indirect.gather [hbm4b:s1+s28], $0x80, s19, s28, $0xb8;
	[tilespmem:$0x1D100] =	vst v63  }
0xe7: {  	_ =	swait.ge [sflag:s18], $0x2000  }
0xe8: {  	[sflag:s18] =	ssyncset.done $0x0  }
0xe9: {  	s20 =	rddreg [dreg:$0x11];
	[sflag:s18] =	ssyncadd.s32 $0xFFFFE000  }
0xea: {  	[spmem:s2] =	stream.indirect.scatter.add.f32 [tilespmem:s4], [sflag:$0x6], $0x80, s20, s28, $0xb8;
	[tilespmem:$0x1D100] =	vst v63  }
0xeb: {  	_ =	swait.ge [sflag:s22], $0x400  }
0xec: {  	[sflag:s22] =	ssyncset.done $0x0  }
0xed: {  	[sflag:s22] =	ssyncadd.s32 $0xFFFFFC00  }
0xee: {  	_ =	swait.ge [sflag:s22], $0x400  }
0xef: {  	[sflag:s22] =	ssyncset.done $0x0  }
0xf0: {  	[sflag:s22] =	ssyncadd.s32 $0xFFFFFC00  }
0xf1: {  	_ =	swait.ge [sflag:s9], $0x2000  }
0xf2: {  	[sflag:s9] =	ssyncset.done $0x0  }
0xf3: {  	[sflag:s9] =	ssyncadd.s32 $0xFFFFE000  }
0xf4: {  	[tilespmem:s24], [sflag:$0x1] =	stream.indirect.gather [hbm4b:s1+s28], $0x80, s0, s28, $0xb8;
	[tilespmem:$0x1D100] =	vst v63  }
0xf5: {  	_ =	swait.ge [sflag:s10], $0x2000  }
0xf6: {  	[sflag:s10] =	ssyncset.done $0x0  }
0xf7: {  	s19 =	rddreg [dreg:$0x12];
	[sflag:s10] =	ssyncadd.s32 $0xFFFFE000  }
0xf8: {  	[spmem:s2] =	stream.indirect.scatter.add.f32 [tilespmem:s30], [sflag:$0x7], $0x80, s19, s28, $0xb8;
	[tilespmem:$0x1D100] =	vst v63  }
0xf9: {  	_ =	swait.ge [sflag:s12], $0x2000  }
0xfa: {  	[sflag:s12] =	ssyncset.done $0x0  }
0xfb: {  	s20 =	rddreg [dreg:$0x13];
	[sflag:s12] =	ssyncadd.s32 $0xFFFFE000  }
0xfc: {  	[tilespmem:s4], [sflag:$0x2] =	stream.indirect.gather [hbm4b:s1+s28], $0x80, s20, s28, $0xb8;
	[tilespmem:$0x1D100] =	vst v63  }
0xfd: {  	_ =	swait.ge [sflag:s13], $0x2000  }
0xfe: {  	[sflag:s13] =	ssyncset.done $0x0  }
0xff: {  	s19 =	rddreg [dreg:$0x14];
	[sflag:s13] =	ssyncadd.s32 $0xFFFFE000  }
0x100: {  	[spmem:s2] =	stream.indirect.scatter.add.f32 [tilespmem:s31], [sflag:$0x8], $0x80, s19, s28, $0xb8;
	[tilespmem:$0x1D100] =	vst v63  }
0x101: {  	_ =	swait.ge [sflag:s15], $0x2000  }
0x102: {  	[sflag:s15] =	ssyncset.done $0x0  }
0x103: {  	s20 =	rddreg [dreg:$0x15];
	[sflag:s15] =	ssyncadd.s32 $0xFFFFE000  }
0x104: {  	[tilespmem:s30], [sflag:$0x3] =	stream.indirect.gather [hbm4b:s1+s28], $0x80, s20, s28, $0xb8;
	[tilespmem:$0x1D100] =	vst v63  }
0x105: {  	_ =	swait.ge [sflag:s16], $0x2000  }
0x106: {  	[sflag:s16] =	ssyncset.done $0x0  }
0x107: {  	[sflag:s16] =	ssyncadd.s32 $0xFFFFE000  }
0x108: {  	[spmem:s2] =	stream.indirect.scatter.add.f32 [tilespmem:s24], [sflag:$0x5], $0x80, s21, s28, $0xb8;
	[tilespmem:$0x1D100] =	vst v63  }
0x109: {  	_ =	swait.ge [sflag:s29], $0x2000  }
0x10a: {  	[sflag:s29] =	ssyncset.done $0x0  }
0x10b: {  	s19 =	rddreg [dreg:$0x16];
	[sflag:s29] =	ssyncadd.s32 $0xFFFFE000  }
0x10c: {  	[tilespmem:s31], [sflag:$0x4] =	stream.indirect.gather [hbm4b:s1+s28], $0x80, s19, s28, $0xb8;
	[tilespmem:$0x1D100] =	vst v63  }
0x10d: {  	_ =	swait.ge [sflag:s18], $0x2000  }
0x10e: {  	[sflag:s18] =	ssyncset.done $0x0  }
0x10f: {  	s20 =	rddreg [dreg:$0x17];
	[sflag:s18] =	ssyncadd.s32 $0xFFFFE000  }
0x110: {  	[spmem:s2] =	stream.indirect.scatter.add.f32 [tilespmem:s4], [sflag:$0x6], $0x80, s20, s28, $0xb8;
	[tilespmem:$0x1D100] =	vst v63  }
0x111: {  	s6 =	sadd.s32 $0x100, s6  }
0x112: {  	[tilespmem:s3], [sflag:$0x9] =	stream.linear.gather [hbm4b:s6+s3], $0x400, $0x38;
	[tilespmem:$0x1D100] =	vst v63  }
0x113: {  	s8 =	sadd.s32 $0x100, s8  }
0x114: {  	[tilespmem:s26], [sflag:$0x9] =	stream.linear.gather [hbm4b:s8+s3], $0x400, $0x38;
	[tilespmem:$0x1D100] =	vst v63  }
0x115: {  	_ =	swait.ge [sflag:s9], $0x2000  }
0x116: {  	[sflag:s9] =	ssyncset.done $0x0  }
0x117: {  	s17 =	rddreg [dreg:$0x18];
	[sflag:s9] =	ssyncadd.s32 $0xFFFFE000  }
0x118: {  	[tilespmem:s24], [sflag:$0x1] =	stream.indirect.gather [hbm4b:s1+s28], $0x80, s17, s28, $0xb8;
	[tilespmem:$0x1D100] =	vst v63  }
0x119: {  	_ =	swait.ge [sflag:s10], $0x2000  }
0x11a: {  	[sflag:s10] =	ssyncset.done $0x0  }
0x11b: {  	s19 =	rddreg [dreg:$0x19];
	[sflag:s10] =	ssyncadd.s32 $0xFFFFE000  }
0x11c: {  	[spmem:s2] =	stream.indirect.scatter.add.f32 [tilespmem:s30], [sflag:$0x7], $0x80, s19, s28, $0xb8;
	[tilespmem:$0x1D100] =	vst v63  }
0x11d: {  	_ =	swait.ge [sflag:s12], $0x2000  }
0x11e: {  	[sflag:s12] =	ssyncset.done $0x0  }
0x11f: {  	s20 =	rddreg [dreg:$0x1a];
	[sflag:s12] =	ssyncadd.s32 $0xFFFFE000  }
0x120: {  	[tilespmem:s4], [sflag:$0x2] =	stream.indirect.gather [hbm4b:s1+s28], $0x80, s20, s28, $0xb8;
	[tilespmem:$0x1D100] =	vst v63  }
0x121: {  	_ =	swait.ge [sflag:s13], $0x2000  }
0x122: {  	[sflag:s13] =	ssyncset.done $0x0  }
0x123: {  	s8 =	rddreg [dreg:$0x1b];
	[sflag:s13] =	ssyncadd.s32 $0xFFFFE000  }
0x124: {  	[spmem:s2] =	stream.indirect.scatter.add.f32 [tilespmem:s31], [sflag:$0x8], $0x80, s8, s28, $0xb8;
	[tilespmem:$0x1D100] =	vst v63  }
0x125: {  	_ =	swait.ge [sflag:s15], $0x2000  }
0x126: {  	[sflag:s15] =	ssyncset.done $0x0  }
0x127: {  	s17 =	rddreg [dreg:$0x1c];
	[sflag:s15] =	ssyncadd.s32 $0xFFFFE000  }
0x128: {  	[tilespmem:s30], [sflag:$0x3] =	stream.indirect.gather [hbm4b:s1+s28], $0x80, s17, s28, $0xb8;
	[tilespmem:$0x1D100] =	vst v63  }
0x129: {  	_ =	swait.ge [sflag:s16], $0x2000  }
0x12a: {  	[sflag:s16] =	ssyncset.done $0x0  }
0x12b: {  	s19 =	rddreg [dreg:$0x1d];
	[sflag:s16] =	ssyncadd.s32 $0xFFFFE000  }
0x12c: {  	[spmem:s2] =	stream.indirect.scatter.add.f32 [tilespmem:s24], [sflag:$0x5], $0x80, s19, s28, $0xb8;
	[tilespmem:$0x1D100] =	vst v63  }
0x12d: {  	_ =	swait.ge [sflag:s29], $0x2000  }
0x12e: {  	[sflag:s29] =	ssyncset.done $0x0  }
0x12f: {  	s20 =	rddreg [dreg:$0x1e];
	[sflag:s29] =	ssyncadd.s32 $0xFFFFE000  }
0x130: {  	[tilespmem:s31], [sflag:$0x4] =	stream.indirect.gather [hbm4b:s1+s28], $0x80, s20, s28, $0xb8;
	[tilespmem:$0x1D100] =	vst v63  }
0x131: {  	_ =	swait.ge [sflag:s18], $0x2000  }
0x132: {  	s8 =	simm.s32 $0x100;
	[sflag:s18] =	ssyncset.done $0x0  }
.LBB2_4:
0x133: {  	[sflag:s18] =	ssyncadd.s32 $0xFFFFE000  }
0x134: {  	[spmem:s2] =	stream.indirect.scatter.add.f32 [tilespmem:s4], [sflag:$0x6], $0x80, s23, s28, $0xb8;
	[tilespmem:$0x1D100] =	vst v63  }
0x135: {  	_ =	swait.ge [sflag:s7], $0x400  }
0x136: {  	[sflag:s7] =	ssyncset.done $0x0  }
0x137: {  	[sflag:s7] =	ssyncadd.s32 $0xFFFFFC00  }
0x138: {  	_ =	swait.ge [sflag:s7], $0x400  }
0x139: {  	[sflag:s7] =	ssyncset.done $0x0  }
0x13a: {  	[sflag:s7] =	ssyncadd.s32 $0xFFFFFC00  }
0x13b: {  	_ =	swait.ge [sflag:s9], $0x2000  }
0x13c: {  	[sflag:s9] =	ssyncset.done $0x0  }
0x13d: {  	[sflag:s9] =	ssyncadd.s32 $0xFFFFE000  }
0x13e: {  	[tilespmem:s24], [sflag:$0x1] =	stream.indirect.gather [hbm4b:s1+s28], $0x80, s3, s28, $0xb8;
	[tilespmem:$0x1D100] =	vst v63  }
0x13f: {  	_ =	swait.ge [sflag:s10], $0x2000  }
0x140: {  	[sflag:s10] =	ssyncset.done $0x0  }
0x141: {  	[sflag:s10] =	ssyncadd.s32 $0xFFFFE000  }
0x142: {  	[spmem:s2] =	stream.indirect.scatter.add.f32 [tilespmem:s30], [sflag:$0x7], $0x80, s11, s28, $0xb8;
	[tilespmem:$0x1D100] =	vst v63  }
0x143: {  	_ =	swait.ge [sflag:s12], $0x2000  }
0x144: {  	[sflag:s12] =	ssyncset.done $0x0  }
0x145: {  	s17 =	rddreg [dreg:$0x6];
	[sflag:s12] =	ssyncadd.s32 $0xFFFFE000  }
0x146: {  	[tilespmem:s4], [sflag:$0x2] =	stream.indirect.gather [hbm4b:s1+s28], $0x80, s17, s28, $0xb8;
	[tilespmem:$0x1D100] =	vst v63  }
0x147: {  	_ =	swait.ge [sflag:s13], $0x2000  }
0x148: {  	[sflag:s13] =	ssyncset.done $0x0  }
0x149: {  	[sflag:s13] =	ssyncadd.s32 $0xFFFFE000  }
0x14a: {  	[spmem:s2] =	stream.indirect.scatter.add.f32 [tilespmem:s31], [sflag:$0x8], $0x80, s14, s28, $0xb8;
	[tilespmem:$0x1D100] =	vst v63  }
0x14b: {  	_ =	swait.ge [sflag:s15], $0x2000  }
0x14c: {  	[sflag:s15] =	ssyncset.done $0x0  }
0x14d: {  	s20 =	rddreg [dreg:$0x7];
	[sflag:s15] =	ssyncadd.s32 $0xFFFFE000  }
0x14e: {  	[tilespmem:s30], [sflag:$0x3] =	stream.indirect.gather [hbm4b:s1+s28], $0x80, s20, s28, $0xb8;
	[tilespmem:$0x1D100] =	vst v63  }
0x14f: {  	_ =	swait.ge [sflag:s16], $0x2000  }
0x150: {  	[sflag:s16] =	ssyncset.done $0x0  }
0x151: {  	[sflag:s16] =	ssyncadd.s32 $0xFFFFE000  }
0x152: {  	[spmem:s2] =	stream.indirect.scatter.add.f32 [tilespmem:s24], [sflag:$0x5], $0x80, s26, s28, $0xb8;
	[tilespmem:$0x1D100] =	vst v63  }
0x153: {  	_ =	swait.ge [sflag:s29], $0x2000  }
0x154: {  	[sflag:s29] =	ssyncset.done $0x0  }
0x155: {  	s19 =	rddreg [dreg:$0x8];
	[sflag:s29] =	ssyncadd.s32 $0xFFFFE000  }
0x156: {  	[tilespmem:s31], [sflag:$0x4] =	stream.indirect.gather [hbm4b:s1+s28], $0x80, s19, s28, $0xb8;
	[tilespmem:$0x1D100] =	vst v63  }
0x157: {  	_ =	swait.ge [sflag:s18], $0x2000  }
0x158: {  	s17 =	rddreg [dreg:$0x9];
	[sflag:s18] =	ssyncset.done $0x0  }
0x159: {  	s6 =	smov.u32 s8;
	s19 =	rddreg [dreg:$0x4];
	[sflag:s18] =	ssyncadd.s32 $0xFFFFE000  }
0x15a: {  	[spmem:s2] =	stream.indirect.scatter.add.f32 [tilespmem:s4], [sflag:$0x6], $0x80, s17, s28, $0xb8;
	[tilespmem:$0x1D100] =	vst v63  }
0x15b: {  	s20 =	rddreg [dreg:$0x5];
	s17 =	sadd.s32 s6, s19  }
0x15c: {  	s6 =	sadd.s32 s6, s20;
	s19 =	sadd.s32 $0x80, s17  }
0x15d: {  	[tilespmem:s0], [sflag:$0xA] =	stream.linear.gather [hbm4b:s19+s3], $0x400, $0x38;
	[tilespmem:$0x1D100] =	vst v63  }
0x15e: {  	s20 =	sadd.s32 $0x80, s6  }
0x15f: {  	[tilespmem:s21], [sflag:$0xA] =	stream.linear.gather [hbm4b:s20+s3], $0x400, $0x38;
	[tilespmem:$0x1D100] =	vst v63  }
0x160: {  	_ =	swait.ge [sflag:s9], $0x2000  }
0x161: {  	[sflag:s9] =	ssyncset.done $0x0  }
0x162: {  	s20 =	rddreg [dreg:$0xa];
	[sflag:s9] =	ssyncadd.s32 $0xFFFFE000  }
0x163: {  	[tilespmem:s24], [sflag:$0x1] =	stream.indirect.gather [hbm4b:s1+s28], $0x80, s20, s28, $0xb8;
	[tilespmem:$0x1D100] =	vst v63  }
0x164: {  	_ =	swait.ge [sflag:s10], $0x2000  }
0x165: {  	[sflag:s10] =	ssyncset.done $0x0  }
0x166: {  	s20 =	rddreg [dreg:$0xb];
	[sflag:s10] =	ssyncadd.s32 $0xFFFFE000  }
0x167: {  	[spmem:s2] =	stream.indirect.scatter.add.f32 [tilespmem:s30], [sflag:$0x7], $0x80, s20, s28, $0xb8;
	[tilespmem:$0x1D100] =	vst v63  }
0x168: {  	_ =	swait.ge [sflag:s12], $0x2000  }
0x169: {  	[sflag:s12] =	ssyncset.done $0x0  }
0x16a: {  	s20 =	rddreg [dreg:$0xc];
	[sflag:s12] =	ssyncadd.s32 $0xFFFFE000  }
0x16b: {  	[tilespmem:s4], [sflag:$0x2] =	stream.indirect.gather [hbm4b:s1+s28], $0x80, s20, s28, $0xb8;
	[tilespmem:$0x1D100] =	vst v63  }
0x16c: {  	_ =	swait.ge [sflag:s13], $0x2000  }
0x16d: {  	[sflag:s13] =	ssyncset.done $0x0  }
0x16e: {  	s20 =	rddreg [dreg:$0xd];
	[sflag:s13] =	ssyncadd.s32 $0xFFFFE000  }
0x16f: {  	[spmem:s2] =	stream.indirect.scatter.add.f32 [tilespmem:s31], [sflag:$0x8], $0x80, s20, s28, $0xb8;
	[tilespmem:$0x1D100] =	vst v63  }
0x170: {  	_ =	swait.ge [sflag:s15], $0x2000  }
0x171: {  	[sflag:s15] =	ssyncset.done $0x0  }
0x172: {  	s20 =	rddreg [dreg:$0xe];
	[sflag:s15] =	ssyncadd.s32 $0xFFFFE000  }
0x173: {  	[tilespmem:s30], [sflag:$0x3] =	stream.indirect.gather [hbm4b:s1+s28], $0x80, s20, s28, $0xb8;
	[tilespmem:$0x1D100] =	vst v63  }
0x174: {  	_ =	swait.ge [sflag:s16], $0x2000  }
0x175: {  	[sflag:s16] =	ssyncset.done $0x0  }
0x176: {  	s20 =	rddreg [dreg:$0xf];
	[sflag:s16] =	ssyncadd.s32 $0xFFFFE000  }
0x177: {  	[spmem:s2] =	stream.indirect.scatter.add.f32 [tilespmem:s24], [sflag:$0x5], $0x80, s20, s28, $0xb8;
	[tilespmem:$0x1D100] =	vst v63  }
0x178: {  	_ =	swait.ge [sflag:s29], $0x2000  }
0x179: {  	[sflag:s29] =	ssyncset.done $0x0  }
0x17a: {  	s20 =	rddreg [dreg:$0x10];
	[sflag:s29] =	ssyncadd.s32 $0xFFFFE000  }
0x17b: {  	[tilespmem:s31], [sflag:$0x4] =	stream.indirect.gather [hbm4b:s1+s28], $0x80, s20, s28, $0xb8;
	[tilespmem:$0x1D100] =	vst v63  }
0x17c: {  	_ =	swait.ge [sflag:s18], $0x2000  }
0x17d: {  	[sflag:s18] =	ssyncset.done $0x0  }
0x17e: {  	s20 =	rddreg [dreg:$0x11];
	[sflag:s18] =	ssyncadd.s32 $0xFFFFE000  }
0x17f: {  	[spmem:s2] =	stream.indirect.scatter.add.f32 [tilespmem:s4], [sflag:$0x6], $0x80, s20, s28, $0xb8;
	[tilespmem:$0x1D100] =	vst v63  }
0x180: {  	_ =	swait.ge [sflag:s22], $0x400  }
0x181: {  	[sflag:s22] =	ssyncset.done $0x0  }
0x182: {  	[sflag:s22] =	ssyncadd.s32 $0xFFFFFC00  }
0x183: {  	_ =	swait.ge [sflag:s22], $0x400  }
0x184: {  	[sflag:s22] =	ssyncset.done $0x0  }
0x185: {  	[sflag:s22] =	ssyncadd.s32 $0xFFFFFC00  }
0x186: {  	_ =	swait.ge [sflag:s9], $0x2000  }
0x187: {  	[sflag:s9] =	ssyncset.done $0x0  }
0x188: {  	[sflag:s9] =	ssyncadd.s32 $0xFFFFE000  }
0x189: {  	[tilespmem:s24], [sflag:$0x1] =	stream.indirect.gather [hbm4b:s1+s28], $0x80, s0, s28, $0xb8;
	[tilespmem:$0x1D100] =	vst v63  }
0x18a: {  	_ =	swait.ge [sflag:s10], $0x2000  }
0x18b: {  	[sflag:s10] =	ssyncset.done $0x0  }
0x18c: {  	s20 =	rddreg [dreg:$0x12];
	[sflag:s10] =	ssyncadd.s32 $0xFFFFE000  }
0x18d: {  	[spmem:s2] =	stream.indirect.scatter.add.f32 [tilespmem:s30], [sflag:$0x7], $0x80, s20, s28, $0xb8;
	[tilespmem:$0x1D100] =	vst v63  }
0x18e: {  	_ =	swait.ge [sflag:s12], $0x2000  }
0x18f: {  	[sflag:s12] =	ssyncset.done $0x0  }
0x190: {  	s20 =	rddreg [dreg:$0x13];
	[sflag:s12] =	ssyncadd.s32 $0xFFFFE000  }
0x191: {  	[tilespmem:s4], [sflag:$0x2] =	stream.indirect.gather [hbm4b:s1+s28], $0x80, s20, s28, $0xb8;
	[tilespmem:$0x1D100] =	vst v63  }
0x192: {  	_ =	swait.ge [sflag:s13], $0x2000  }
0x193: {  	[sflag:s13] =	ssyncset.done $0x0  }
0x194: {  	s20 =	rddreg [dreg:$0x14];
	[sflag:s13] =	ssyncadd.s32 $0xFFFFE000  }
0x195: {  	[spmem:s2] =	stream.indirect.scatter.add.f32 [tilespmem:s31], [sflag:$0x8], $0x80, s20, s28, $0xb8;
	[tilespmem:$0x1D100] =	vst v63  }
0x196: {  	_ =	swait.ge [sflag:s15], $0x2000  }
0x197: {  	[sflag:s15] =	ssyncset.done $0x0  }
0x198: {  	s20 =	rddreg [dreg:$0x15];
	[sflag:s15] =	ssyncadd.s32 $0xFFFFE000  }
0x199: {  	[tilespmem:s30], [sflag:$0x3] =	stream.indirect.gather [hbm4b:s1+s28], $0x80, s20, s28, $0xb8;
	[tilespmem:$0x1D100] =	vst v63  }
0x19a: {  	_ =	swait.ge [sflag:s16], $0x2000  }
0x19b: {  	[sflag:s16] =	ssyncset.done $0x0  }
0x19c: {  	[sflag:s16] =	ssyncadd.s32 $0xFFFFE000  }
0x19d: {  	[spmem:s2] =	stream.indirect.scatter.add.f32 [tilespmem:s24], [sflag:$0x5], $0x80, s21, s28, $0xb8;
	[tilespmem:$0x1D100] =	vst v63  }
0x19e: {  	_ =	swait.ge [sflag:s29], $0x2000  }
0x19f: {  	[sflag:s29] =	ssyncset.done $0x0  }
0x1a0: {  	s20 =	rddreg [dreg:$0x16];
	[sflag:s29] =	ssyncadd.s32 $0xFFFFE000  }
0x1a1: {  	[tilespmem:s31], [sflag:$0x4] =	stream.indirect.gather [hbm4b:s1+s28], $0x80, s20, s28, $0xb8;
	[tilespmem:$0x1D100] =	vst v63  }
0x1a2: {  	_ =	swait.ge [sflag:s18], $0x2000  }
0x1a3: {  	[sflag:s18] =	ssyncset.done $0x0  }
0x1a4: {  	s20 =	rddreg [dreg:$0x17];
	[sflag:s18] =	ssyncadd.s32 $0xFFFFE000  }
0x1a5: {  	[spmem:s2] =	stream.indirect.scatter.add.f32 [tilespmem:s4], [sflag:$0x6], $0x80, s20, s28, $0xb8;
	[tilespmem:$0x1D100] =	vst v63  }
0x1a6: {  	s17 =	sadd.s32 $0x100, s17  }
0x1a7: {  	[tilespmem:s3], [sflag:$0x9] =	stream.linear.gather [hbm4b:s17+s3], $0x400, $0x38;
	[tilespmem:$0x1D100] =	vst v63  }
0x1a8: {  	s6 =	sadd.s32 $0x100, s6  }
0x1a9: {  	[tilespmem:s26], [sflag:$0x9] =	stream.linear.gather [hbm4b:s6+s3], $0x400, $0x38;
	[tilespmem:$0x1D100] =	vst v63  }
0x1aa: {  	_ =	swait.ge [sflag:s9], $0x2000  }
0x1ab: {  	[sflag:s9] =	ssyncset.done $0x0  }
0x1ac: {  	s20 =	rddreg [dreg:$0x18];
	[sflag:s9] =	ssyncadd.s32 $0xFFFFE000  }
0x1ad: {  	[tilespmem:s24], [sflag:$0x1] =	stream.indirect.gather [hbm4b:s1+s28], $0x80, s20, s28, $0xb8;
	[tilespmem:$0x1D100] =	vst v63  }
0x1ae: {  	_ =	swait.ge [sflag:s10], $0x2000  }
0x1af: {  	[sflag:s10] =	ssyncset.done $0x0  }
0x1b0: {  	s17 =	rddreg [dreg:$0x19];
	[sflag:s10] =	ssyncadd.s32 $0xFFFFE000  }
0x1b1: {  	[spmem:s2] =	stream.indirect.scatter.add.f32 [tilespmem:s30], [sflag:$0x7], $0x80, s17, s28, $0xb8;
	[tilespmem:$0x1D100] =	vst v63  }
0x1b2: {  	_ =	swait.ge [sflag:s12], $0x2000  }
0x1b3: {  	[sflag:s12] =	ssyncset.done $0x0  }
0x1b4: {  	s19 =	rddreg [dreg:$0x1a];
	[sflag:s12] =	ssyncadd.s32 $0xFFFFE000  }
0x1b5: {  	[tilespmem:s4], [sflag:$0x2] =	stream.indirect.gather [hbm4b:s1+s28], $0x80, s19, s28, $0xb8;
	[tilespmem:$0x1D100] =	vst v63  }
0x1b6: {  	_ =	swait.ge [sflag:s13], $0x2000  }
0x1b7: {  	[sflag:s13] =	ssyncset.done $0x0  }
0x1b8: {  	s20 =	rddreg [dreg:$0x1b];
	[sflag:s13] =	ssyncadd.s32 $0xFFFFE000  }
0x1b9: {  	[spmem:s2] =	stream.indirect.scatter.add.f32 [tilespmem:s31], [sflag:$0x8], $0x80, s20, s28, $0xb8;
	[tilespmem:$0x1D100] =	vst v63  }
0x1ba: {  	_ =	swait.ge [sflag:s15], $0x2000  }
0x1bb: {  	[sflag:s15] =	ssyncset.done $0x0  }
0x1bc: {  	s17 =	rddreg [dreg:$0x1c];
	[sflag:s15] =	ssyncadd.s32 $0xFFFFE000  }
0x1bd: {  	[tilespmem:s30], [sflag:$0x3] =	stream.indirect.gather [hbm4b:s1+s28], $0x80, s17, s28, $0xb8;
	[tilespmem:$0x1D100] =	vst v63  }
0x1be: {  	_ =	swait.ge [sflag:s16], $0x2000  }
0x1bf: {  	[sflag:s16] =	ssyncset.done $0x0  }
0x1c0: {  	s19 =	rddreg [dreg:$0x1d];
	[sflag:s16] =	ssyncadd.s32 $0xFFFFE000  }
0x1c1: {  	[spmem:s2] =	stream.indirect.scatter.add.f32 [tilespmem:s24], [sflag:$0x5], $0x80, s19, s28, $0xb8;
	[tilespmem:$0x1D100] =	vst v63  }
0x1c2: {  	p0 =	sne.s32 s8, $0x900;
	_ =	swait.ge [sflag:s29], $0x2000  }
.Ltmp1:
0x1c3: {  	[sflag:s29] =	ssyncset.done $0x0;
	(pc) =	sbr.rel @p0 .LBB2_4-.Ltmp1, $4  }
0x1c4: {  	s20 =	rddreg [dreg:$0x1e];
	[sflag:s29] =	ssyncadd.s32 $0xFFFFE000  }
0x1c5: {  	[tilespmem:s31], [sflag:$0x4] =	stream.indirect.gather [hbm4b:s1+s28], $0x80, s20, s28, $0xb8;
	[tilespmem:$0x1D100] =	vst v63  }
0x1c6: {  	_ =	swait.ge [sflag:s18], $0x2000  }
0x1c7: {  	s8 =	sadd.s32 $0x100, s8;
	[sflag:s18] =	ssyncset.done $0x0  }
0x1c8: {  	[sflag:s18] =	ssyncadd.s32 $0xFFFFE000  }
0x1c9: {  	[spmem:s2] =	stream.indirect.scatter.add.f32 [tilespmem:s4], [sflag:$0x6], $0x80, s23, s28, $0xb8;
	[tilespmem:$0x1D100] =	vst v63  }
0x1ca: {  	_ =	swait.ge [sflag:s10], $0x2000  }
0x1cb: {  	[sflag:s10] =	ssyncset.done $0x0  }
0x1cc: {  	[sflag:s10] =	ssyncadd.s32 $0xFFFFE000  }
0x1cd: {  	[spmem:s2] =	stream.indirect.scatter.add.f32 [tilespmem:s30], [sflag:$0x7], $0x80, s11, s28, $0xb8;
	[tilespmem:$0x1D100] =	vst v63  }
0x1ce: {  	_ =	swait.ge [sflag:s13], $0x2000  }
0x1cf: {  	[sflag:s13] =	ssyncset.done $0x0  }
0x1d0: {  	[sflag:s13] =	ssyncadd.s32 $0xFFFFE000  }
0x1d1: {  	[spmem:s2] =	stream.indirect.scatter.add.f32 [tilespmem:s31], [sflag:$0x8], $0x80, s14, s28, $0xb8;
	[tilespmem:$0x1D100] =	vst v63  }
0x1d2: {  	_ =	swait.ge [sflag:s9], $0x2000  }
0x1d3: {  	[sflag:s9] =	ssyncset.done $0x0  }
0x1d4: {  	[sflag:s9] =	ssyncadd.s32 $0xFFFFE000  }
0x1d5: {  	_ =	swait.ge [sflag:s12], $0x2000  }
0x1d6: {  	[sflag:s12] =	ssyncset.done $0x0  }
0x1d7: {  	[sflag:s12] =	ssyncadd.s32 $0xFFFFE000  }
0x1d8: {  	_ =	swait.ge [sflag:s15], $0x2000  }
0x1d9: {  	[sflag:s15] =	ssyncset.done $0x0  }
0x1da: {  	[sflag:s15] =	ssyncadd.s32 $0xFFFFE000  }
0x1db: {  	_ =	swait.ge [sflag:s29], $0x2000  }
0x1dc: {  	[sflag:s29] =	ssyncset.done $0x0  }
0x1dd: {  	[sflag:s29] =	ssyncadd.s32 $0xFFFFE000  }
0x1de: {  	_ =	swait.ge [sflag:s7], $0x400  }
0x1df: {  	[sflag:s7] =	ssyncset.done $0x0  }
0x1e0: {  	[sflag:s7] =	ssyncadd.s32 $0xFFFFFC00  }
0x1e1: {  	_ =	swait.ge [sflag:s7], $0x400  }
0x1e2: {  	[sflag:s7] =	ssyncset.done $0x0  }
0x1e3: {  	[sflag:s7] =	ssyncadd.s32 $0xFFFFFC00  }
0x1e4: {  	[bflag:$0x0] =	sbarrier.arrive $0xFFFF  }
0x1e5: {  	s20 =	sld [smem:$0x7FD]  }
0x1e6: {  	s17 =	sld [smem:$0x7F0]  }
0x1e7: {  	s6 =	rddreg [dreg:$0x1f]  }
0x1e8: {  	s6 =	sor.u32 $0x1C0B, s6;
	s8 =	sshrl.u32 s20, $0x3  }
0x1e9: {  	[hbm:s17], [sflag:s6] =	dma.local [spmem:s8], $0x800  }
0x1ea: {  	_ =	swait.ge [sflag:s25], $0x800  }
0x1eb: {  	s17 =	sld [smem:$0x7ED]  }
0x1ec: {  	s19 =	sld [smem:$0x7F1]  }
0x1ed: {  	[sflag:s25] =	ssyncset.done $0x0  }
0x1ee: {  	[sflag:s25] =	ssyncadd.s32 $0xFFFFF800;
	s8 =	sshrl.u32 s17, $0x3  }
0x1ef: {  	[hbm:s19], [sflag:s6] =	dma.local [spmem:s8], $0x800  }
0x1f0: {  	_ =	swait.ge [sflag:s25], $0x800  }
0x1f1: {  	s17 =	sld [smem:$0x7F6]  }
0x1f2: {  	s19 =	sld [smem:$0x7F2]  }
0x1f3: {  	[sflag:s25] =	ssyncset.done $0x0  }
0x1f4: {  	[sflag:s25] =	ssyncadd.s32 $0xFFFFF800;
	s8 =	sshrl.u32 s17, $0x3  }
0x1f5: {  	[hbm:s19], [sflag:s6] =	dma.local [spmem:s8], $0x800  }
0x1f6: {  	_ =	swait.ge [sflag:s25], $0x800  }
0x1f7: {  	s17 =	sld [smem:$0x7F8]  }
0x1f8: {  	s19 =	sld [smem:$0x7F3]  }
0x1f9: {  	[sflag:s25] =	ssyncset.done $0x0  }
0x1fa: {  	[sflag:s25] =	ssyncadd.s32 $0xFFFFF800;
	s8 =	sshrl.u32 s17, $0x3  }
0x1fb: {  	[hbm:s19], [sflag:s6] =	dma.local [spmem:s8], $0x800  }
0x1fc: {  	_ =	swait.ge [sflag:s25], $0x800  }
0x1fd: {  	s17 =	sld [smem:$0x7F9]  }
0x1fe: {  	s19 =	sld [smem:$0x7F4]  }
0x1ff: {  	[sflag:s25] =	ssyncset.done $0x0  }
0x200: {  	[sflag:s25] =	ssyncadd.s32 $0xFFFFF800;
	s8 =	sshrl.u32 s17, $0x3  }
0x201: {  	[hbm:s19], [sflag:s6] =	dma.local [spmem:s8], $0x800  }
0x202: {  	_ =	swait.ge [sflag:s25], $0x800  }
0x203: {  	s19 =	sld [smem:$0x7FA];
	_ =	sdelay $0x1  }
0x204: {  	s5 =	sadd.s32 $0x1, s5  }
0x205: {  	p0 =	sne.s32 s5, s19  }
.Ltmp2:
0x206: {  	_ = 	snop;
	(pc) =	sbr.rel @p0 .LBB2_1-.Ltmp2, $3  }
0x207: {  	_ =	sdelay $0x1  }
0x208: {  	[sflag:s25] =	ssyncset.done $0x0  }
0x209: {  	[sflag:s25] =	ssyncadd.s32 $0xFFFFF800  }
0x20a: {  	_ =	sfence.sel $0x180000  }
0x20b: {  	[bflag:$0x0] =	sbarrier.arrive $0xFFFF  }
0x20c: {  	_ =	strace $0x9000004A  }
0x20d: {  	s0 =	stileid.u32;
	[bflag:$0x2] =	sbarrier.arrive $0xFFFF  }
0x20e: {  	p0 =	sne.s32 s0, $0x0;
	s0 =	rddreg [dreg:$0x3]  }
0x20f: {  	s0 =	sadd.s32 @!p0 $0x100000, s0  }
0x210: {  	[sflag:s0] =	ssyncadd.tile.s32 @!p0 $0x1;
	_ =	shalt  }
.Lfunc_end2:
_tile_overlayer_lowered:
.L_overlay_start_2:
0x211: {  	(tag) =	ssettag $0x2  }
0x212: {  	s0 =	rddreg [dreg:$0x0];
	s2 =	stileid.u32  }
0x213: {  	s1 =	rddreg [dreg:$0x1];
	p0 =	sne.s32 s2, $0x0  }
0x214: {  	s3 =	rddreg [dreg:$0x2];
	[bflag:$0x3] =	sbarrier.arrive $0xFFFF;
	s2 =	simm.s32 @!p0 $0x1C0B  }
0x215: {  	[timem:s3], [sflag:s2] =	dma.local @!p0 [hbm:s0], s1  }
0x216: {  	s0 =	simm.s32 @!p0 $0xB  }
0x217: {  	_ =	swait.ge @!p0 [sflag:s0], s1  }
0x218: {  	s1 =	ssub.s32 @!p0 $0x0, s1;
	[sflag:s0] =	ssyncset.done @!p0 $0x0  }
0x219: {  	[sflag:s0] =	ssyncadd.s32 @!p0 s1  }
0x21a: {  	[bflag:$0x3] =	sbarrier.arrive $0xFFFF  }
0x21b: {  	_ =	shalt  }

// kernel: sage_sc_agg_cnt1.3.cloned.1.call-start
scs
__scs_entry_jumppad:
0x0: {  	(pc) =	sbr.rel $0x88, $3  }
0x1: {  	(tag) =	ssettag $0x0;
	lr =	simm.s32 $0x1  }
0x2: {  	[smem:$0x3F99] =	sst lr;
	_ =	strace $0xD0000000  }
0x3: {  	_ = 	snop  }
0x4: {  	_ = 	snop  }
0x5: {  	_ = 	snop  }
0x6: {  	_ = 	snop  }
0x7: {  	_ = 	snop  }
__scs_overlays_trampoline_lowered:
0x8: {  	[smem:$0x3FA8] =	sst s0  }
0x9: {  	[smem:$0x3FA9] =	sst s1  }
0xa: {  	[smem:$0x3FAA] =	sst s2  }
0xb: {  	[smem:$0x3FAB] =	sst s3  }
0xc: {  	[smem:$0x3FAC] =	sst s4  }
0xd: {  	[smem:$0x3FAD] =	sst s5  }
0xe: {  	[smem:$0x3FAE] =	sst s6  }
0xf: {  	[smem:$0x3FAF] =	sst s7  }
0x10: {  	[smem:$0x3FB0] =	sst s8  }
0x11: {  	[smem:$0x3FB1] =	sst s9;
	s0 =	simm.s32 @!p0 $0x0  }
0x12: {  	s1 =	sld [smem:$0x3F97];
	s0 =	simm.s32 @p0 $0x1  }
0x13: {  	[smem:$0x3FB2] =	sst s0;
	s0 =	simm.s32 @!p1 $0x0  }
0x14: {  	s2 =	sld [smem:$0x3F96];
	s0 =	simm.s32 @p1 $0x1  }
0x15: {  	[smem:$0x3FB3] =	sst s0;
	s0 =	simm.s32 @!p2 $0x0  }
0x16: {  	s3 =	sld [smem:$0x3FDB];
	s0 =	simm.s32 @p2 $0x1  }
0x17: {  	s4 =	simm.s32 $0x1BF5;
	[smem:$0x3FB5] =	sst s0  }
0x18: {  	s0 =	sld [smem:$0x3F98];
	_ =	swait.ge [sflag:s4], $0x0  }
0x19: {  	s7 =	sld [smem:$0x3F99]  }
0x1a: {  	s8 =	sadd.s32 $0xFFFFE003, lr  }
0x1b: {  	s9 =	sadd.s32 $0xFFFFFEF7, lr;
	s5 =	simm.s32 $0xFFFFFFFF;
	p2 =	slt.u32 s8, $0xFFFFF086  }
0x1c: {  	p1 =	slt.u32 s9, $0xF7A;
	s5 =	simm.s32 @!p2 $0x0  }
0x1d: {  	s5 =	simm.s32 @p1 $0x1;
	p0 =	seq.s32 s7, s2  }
0x1e: {  	s7 =	smul.u32 @!p0 $0xF7A, s2;
	p2 =	seq.s32 @!p0 s5, $0x0  }
0x1f: {  	s9 =	smul.u32 $0xF7A, s1;
	s8 =	simm.s32 @!p0 $0x1BF5;
	p2 =	por !p2, p0  }
0x20: {  	[sflag:s8] =	ssyncset.s32 @!p0 $0xFFFFF086;
	s6 =	sadd.s32 @!p0 s3, s7;
	s7 =	simm.s32 @!p0 $0x108  }
0x21: {  	s3 =	sadd.s32 s3, s9;
	s6 =	sadd.s32 @!p0 $0x88, s6;
	s7 =	simm.s32 @p2 $0x1082  }
0x22: {  	[simem:s7], [sflag:s8] =	dma.local @!p0 [hbm:s6], $0xF7A  }
0x23: {  	s9 =	sor.u32 $0xD0000000, s2;
	s6 =	simm.s32 $0x108;
	_ =	swait.ge @!p0 [sflag:s8], $0x0  }
0x24: {  	s3 =	sadd.s32 $0x88, s3;
	s6 =	simm.s32 @!p1 $0x1082;
	[sflag:s4] =	ssyncset.s32 $0xFFFFF086  }
0x25: {  	[simem:s6], [sflag:s4] =	dma.local [hbm:s3], $0xF7A  }
0x26: {  	[smem:$0x3F99] =	sst s1;
	(tag) =	ssettag s2;
	_ =	strace s9  }
0x27: {  	s1 =	sld [smem:$0x3FA9]  }
0x28: {  	s2 =	sld [smem:$0x3FAA]  }
0x29: {  	s4 =	sld [smem:$0x3FAC]  }
0x2a: {  	p0 =	seq.s32 s5, $0x0;
	s5 =	sld [smem:$0x3FAD]  }
0x2b: {  	s6 =	sld [smem:$0x3FAE]  }
0x2c: {  	s7 =	sld [smem:$0x3FAF]  }
0x2d: {  	s3 =	simm.s32 $0x108;
	s8 =	sld [smem:$0x3FB0]  }
0x2e: {  	s3 =	simm.s32 @!p0 $0x1082;
	s9 =	sld [smem:$0x3FB1]  }
0x2f: {  	lr =	sadd.s32 s0, s3;
	s0 =	sld [smem:$0x3FA8]  }
0x30: {  	s3 =	sld [smem:$0x3FAB]  }
0x31: {  	[smem:$0x3FB4] =	sst s10  }
0x32: {  	s10 =	sld [smem:$0x3FB2];
	_ =	sdelay $0x3  }
0x33: {  	p0 =	seq.s32 s10, $0x1;
	s10 =	sld [smem:$0x3FB4];
	_ =	sdelay $0x3  }
0x34: {  	[smem:$0x3FB4] =	sst s10  }
0x35: {  	s10 =	sld [smem:$0x3FB3];
	_ =	sdelay $0x3  }
0x36: {  	p1 =	seq.s32 s10, $0x1;
	s10 =	sld [smem:$0x3FB4];
	_ =	sdelay $0x3  }
0x37: {  	[smem:$0x3FB4] =	sst s10  }
0x38: {  	s10 =	sld [smem:$0x3FB5]  }
0x39: {  	_ = 	snop;
	(pc) =	sbr.ind lr, $3  }
0x3a: {  	_ = 	snop  }
0x3b: {  	_ = 	snop  }
0x3c: {  	p2 =	seq.s32 s10, $0x1;
	s10 =	sld [smem:$0x3FB4]  }
0x3d: {  	_ =	shalt  }
0x3e: {  	_ =	shalt  }
0x3f: {  	_ =	shalt  }
0x40: {  	_ =	shalt  }
0x41: {  	_ =	shalt  }
0x42: {  	_ =	shalt  }
0x43: {  	_ =	shalt  }
0x44: {  	_ =	shalt  }
0x45: {  	_ =	shalt  }
0x46: {  	_ =	shalt  }
0x47: {  	_ =	shalt  }
0x48: {  	_ =	shalt  }
0x49: {  	_ =	shalt  }
0x4a: {  	_ =	shalt  }
0x4b: {  	_ =	shalt  }
0x4c: {  	_ =	shalt  }
0x4d: {  	_ =	shalt  }
0x4e: {  	_ =	shalt  }
0x4f: {  	_ =	shalt  }
0x50: {  	_ =	shalt  }
0x51: {  	_ =	shalt  }
0x52: {  	_ =	shalt  }
0x53: {  	_ =	shalt  }
0x54: {  	_ =	shalt  }
0x55: {  	_ =	shalt  }
0x56: {  	_ =	shalt  }
0x57: {  	_ =	shalt  }
0x58: {  	_ =	shalt  }
0x59: {  	_ =	shalt  }
0x5a: {  	_ =	shalt  }
0x5b: {  	_ =	shalt  }
0x5c: {  	_ =	shalt  }
0x5d: {  	_ =	shalt  }
0x5e: {  	_ =	shalt  }
0x5f: {  	_ =	shalt  }
0x60: {  	_ =	shalt  }
0x61: {  	_ =	shalt  }
0x62: {  	_ =	shalt  }
0x63: {  	_ =	shalt  }
0x64: {  	_ =	shalt  }
0x65: {  	_ =	shalt  }
0x66: {  	_ =	shalt  }
0x67: {  	_ =	shalt  }
0x68: {  	_ =	shalt  }
0x69: {  	_ =	shalt  }
0x6a: {  	_ =	shalt  }
0x6b: {  	_ =	shalt  }
0x6c: {  	_ =	shalt  }
0x6d: {  	_ =	shalt  }
0x6e: {  	_ =	shalt  }
0x6f: {  	_ =	shalt  }
0x70: {  	_ =	shalt  }
0x71: {  	_ =	shalt  }
0x72: {  	_ =	shalt  }
0x73: {  	_ =	shalt  }
0x74: {  	_ =	shalt  }
0x75: {  	_ =	shalt  }
0x76: {  	_ =	shalt  }
0x77: {  	_ =	shalt  }
0x78: {  	_ =	shalt  }
0x79: {  	_ =	shalt  }
0x7a: {  	_ =	shalt  }
0x7b: {  	_ =	shalt  }
0x7c: {  	_ =	shalt  }
0x7d: {  	_ =	shalt  }
0x7e: {  	_ =	shalt  }
0x7f: {  	_ =	shalt  }
0x80: {  	_ =	shalt  }
0x81: {  	_ =	shalt  }
0x82: {  	_ =	shalt  }
0x83: {  	_ =	shalt  }
0x84: {  	_ =	shalt  }
0x85: {  	_ =	shalt  }
0x86: {  	_ =	shalt  }
0x87: {  	_ =	shalt  }
.Lfunc_end0:
.L_simem_size_0:
called_computation_lowered:
.L_overlay_start_0:
0x88: {  	s2 =	sld [smem:$0x3FD9]  }
0x89: {  	s3 =	sld [smem:$0x3FFE];
	_ =	sdelay $0x1  }
0x8a: {  	s1 =	srdreg.scid  }
0x8b: {  	s0 =	sand.u32 $0x1, s1  }
0x8c: {  	s17 =	sshll.u32 s0, $0xA;
	s2 =	sadd.s32 s3, s2  }
0x8d: {  	s2 =	sadd.s32 s2, s17  }
0x8e: {  	[smem:$0x3FC0] =	sst s2  }
0x8f: {  	_ = 	snop  }
0x90: {  	s2 =	sld [smem:$0x3FC9]  }
0x91: {  	s18 =	sld [smem:$0x3FD0];
	(tm) =	ssettm $0x1  }
0x92: {  	s4 =	sld [smem:$0x3FFB];
	_ =	sdelay $0x3  }
0x93: {  	_ =	strace s4  }
0x94: {  	s4 =	sld [smem:$0x3FFC];
	_ =	sdelay $0x3  }
0x95: {  	_ =	strace s4  }
0x96: {  	s4 =	sld [smem:$0x3FFD];
	_ =	sdelay $0x3  }
0x97: {  	_ =	strace s4  }
0x98: {  	_ =	strace $0x8FFFFFFF  }
0x99: {  	s19 =	sld [smem:$0x3FDB];
	_ =	sdelay $0x1  }
0x9a: {  	s5 =	simm.s32 $_scs_section_size  }
0x9b: {  	s6 =	simm.s32 $_size__tile_overlayer_lowered;
	s7 =	simm.s32 $_tile_overlayer_lowered  }
0x9c: {  	s22 =	simm.s32 $0x1BFF;
	s21 =	sshll.u32 s7, $0x1;
	s4 =	sadd.s32 s5, s19  }
0x9d: {  	s8 =	simm.s32 $0x0;
	s20 =	sshll.u32 s6, $0x1;
	s6 =	sadd.s32 s21, s4  }
0x9e: {  	[timem:s8], [sflag:s22] =	dma.local [hbm:s6], s20  }
0x9f: {  	_ =	swait.ge [sflag:s22], s20  }
0xa0: {  	s5 =	ssub.s32 $0x0, s20;
	[sflag:s22] =	ssyncset.done $0x0  }
0xa1: {  	[sflag:s22] =	ssyncadd.s32 s5;
	_ =	sdelay $0x1  }
0xa2: {  	s23 =	simm.s32 $0x1B8B  }
0xa3: {  	_ =	swait.ge [sflag:s23], $0x1  }
0xa4: {  	[sflag:s23] =	ssyncset.done $0x0  }
0xa5: {  	s25 =	simm.s32 $0x1B8E;
	s24 =	sld [smem:$0x3FFE];
	[sflag:s23] =	ssyncadd.s32 $0xFFFFFFFF  }
0xa6: {  	s26 =	simm.s32 $execute0_lowered;
	[smem:$0x3FD2] =	sst s25  }
0xa7: {  	s6 =	sshll.u32 s26, $0x1;
	_ =	strace $0x80000046;
	[dreg:$0x1] =	wrdreg $0xFFFFFFFF  }
0xa8: {  	s28 =	simm.s32 $_size_execute0_lowered;
	s4 =	sadd.s32 s4, s6;
	[dreg:$0x0] =	wrdreg $0x0  }
0xa9: {  	s6 =	sshll.u32 s28, $0x1;
	[dreg:$0x2] =	wrdreg s4  }
0xaa: {  	[dreg:$0x3] =	wrdreg s6  }
0xab: {  	[dreg:$0x4] =	wrdreg $0xC0  }
0xac: {  	_ =	task [dreg:s8], $0x5FFFF  }
0xad: {  	[dreg:$0x1] =	wrdreg $0xFFFFFFFF  }
0xae: {  	[dreg:$0x0] =	wrdreg $0x60  }
0xaf: {  	[dreg:$0x2] =	wrdreg s2  }
0xb0: {  	[dreg:$0x3] =	wrdreg s24  }
0xb1: {  	[dreg:$0x4] =	wrdreg s18  }
0xb2: {  	[dreg:$0x5] =	wrdreg $0x91800  }
0xb3: {  	[dreg:$0x6] =	wrdreg $0x1D1800  }
0xb4: {  	[dreg:$0x7] =	wrdreg $0x9  }
0xb5: {  	_ =	task.clear_ibuf [dreg:s8], $0x8FFFF;
	_ =	strace $0x90000046  }
0xb6: {  	s29 =	simm.s32 $0x9;
	_ =	strace $0x80000048  }
0xb7: {  	_ =	swait.ge [sflag:s29], $0x1  }
0xb8: {  	[sflag:s29] =	ssyncadd.s32 $0xFFFFFFFF  }
0xb9: {  	_ =	strace $0x90000048  }
0xba: {  	_ =	sfence  }
0xbb: {  	s30 =	sld [smem:$0x0];
	_ =	sdelay $0x2  }
0xbc: {  	s31 =	sshll.u32 s1, $0xD;
	s1 =	sshrl.u32 s1, $0x2  }
0xbd: {  	s3 =	sand.u32 $0x4000, s31;
	s1 =	sadd.s32 s1, s30  }
0xbe: {  	s0 =	sor.u32 s3, s0;
	s1 =	sshll.u32 s1, $0x11  }
0xbf: {  	s0 =	sor.u32 s1, s0  }
0xc0: {  	s0 =	sadd.s32 $0x8F2B, s0  }
0xc1: {  	[sflag:s0] =	ssyncadd.remote.s32 $0x1  }
0xc2: {  	_ =	sfence.sel $0xFFFF  }
0xc3: {  	[dreg:$0x0] =	wrdreg $0xFFFFFFFF;
	(pc) =	sbr.abs _section_cstart, $3  }
0xc4: {  	[dreg:$0x1] =	wrdreg $0xFFFFFFFF  }
0xc5: {  	_ =	task.clear_ibuf [dreg:s8], $0x2FFFF;
	_ =	strace $0x9FFFFFFF  }
0xc6: {  	(tm) =	ssettm $0x7FFFFFFF  }
0xc7: {  	_ =	shalt  }
tec
execute0_lowered:
.L_overlay_start_1:
0x0: {  	(tag) =	ssettag $0x1  }
0x1: {  	s1 =	rddreg [dreg:$0x0]  }
0x2: {  	s2 =	rddreg [dreg:$0x1]  }
0x3: {  	s0 =	rddreg [dreg:$0x2]  }
0x4: {  	s3 =	rddreg [dreg:$0x3]  }
0x5: {  	s4 =	rddreg [dreg:$0x4];
	s23 =	stileid.u32  }
0x6: {  	s5 =	simm.s32 $0x0;
	s12 =	srdreg.scid;
	s29 =	sshll.u32 s23, $0x6  }
0x7: {  	[smem:$0x7FF] =	sst s5;
	s17 =	sadd.s32 $0x2E00, s2;
	s15 =	sand.u32 $0x1, s12  }
0x8: {  	s18 =	sadd.s32 $0x17000, s2;
	s7 =	sor.u32 $0x10, s29;
	s22 =	smul.u32 $0xA00, s15  }
0x9: {  	s16 =	sadd.s32 $0x2B200, s2;
	s8 =	sor.u32 $0x20, s29;
	s6 =	smul.u32 $0x493, s7  }
0xa: {  	s11 =	sor.u32 $0x30, s29;
	s19 =	ssub.s32 $0x2, s15;
	s9 =	smul.u32 $0x493, s8  }
0xb: {  	s21 =	sshll.u32 s23, $0x1;
	s10 =	smul.u32 $0x493, s11;
	s20 =	sshrl.u32 s19, $0x1  }
0xc: {  	s2 =	ssub.s32 s19, s20;
	s19 =	sor.u32 s15, s21;
	s20 =	smul.u32 $0x1400, s23  }
0xd: {  	_ =	strace $0x80000047;
	s21 =	simm.s32 $0x100;
	s19 =	smul.u32 $0xA00, s19  }
0xe: {  	s6 =	sshrl.u32 s6, $0x12;
	[dreg:$0x9] =	wrdreg s21;
	s21 =	smul.u32 $0x14000, s23  }
0xf: {  	s28 =	simm.s32 $0x4;
	s9 =	sshrl.u32 s9, $0x12;
	s13 =	smul.u32 $0xE0, s6  }
0x10: {  	s30 =	simm.s32 $0x7;
	s14 =	sshrl.u32 s10, $0x12;
	s9 =	smul.u32 $0xE0, s9  }
0x11: {  	s31 =	simm.s32 $0xB;
	[dreg:$0x16] =	wrdreg s29;
	s14 =	smul.u32 $0xE0, s14  }
0x12: {  	s2 =	smax.u32 s2, $0x1;
	s6 =	smul.u32 $0x280, s23;
	s24 =	sadd.s32 s20, s17  }
0x13: {  	s20 =	sadd.s32 s20, s18;
	[smem:$0x7F8] =	sst s2;
	s25 =	sadd.s32 s22, s24  }
0x14: {  	s26 =	sadd.s32 s22, s20;
	s20 =	simm.s32 $0x80;
	[dreg:$0x6] =	wrdreg s25  }
0x15: {  	s22 =	simm.s32 $0x180;
	s17 =	sadd.s32 s17, s19;
	[dreg:$0x7] =	wrdreg s26  }
0x16: {  	s24 =	simm.s32 $0x200;
	s18 =	sadd.s32 s18, s19;
	[dreg:$0x8] =	wrdreg s20  }
0x17: {  	s12 =	ssub.s32 s7, s13;
	s10 =	ssub.s32 s8, s9;
	[dreg:$0x17] =	wrdreg s17  }
0x18: {  	s11 =	ssub.s32 s11, s14;
	s7 =	sadd.s32 $0x80, s6;
	[dreg:$0xa] =	wrdreg s22  }
0x19: {  	s8 =	sadd.s32 $0x100, s6;
	s14 =	sadd.s32 $0x180, s6;
	[dreg:$0xb] =	wrdreg s24  }
0x1a: {  	s20 =	smul.u32 $0x140000, s15;
	s25 =	simm.s32 $0x280;
	[dreg:$0x18] =	wrdreg s18  }
0x1b: {  	s26 =	simm.s32 $0x300;
	s18 =	simm.s32 $0x380;
	[dreg:$0xc] =	wrdreg s25  }
0x1c: {  	s15 =	sshll.u32 s15, $0x7;
	s9 =	sshll.u32 s7, $0x7;
	[dreg:$0xd] =	wrdreg s26  }
0x1d: {  	s13 =	sshll.u32 s8, $0x7;
	[dreg:$0xe] =	wrdreg s18;
	s17 =	sshll.u32 s14, $0x7  }
0x1e: {  	s12 =	sadd.s32 $0x2710, s12;
	s19 =	sadd.s32 s21, s20;
	s21 =	simm.s32 $0x480  }
0x1f: {  	s22 =	sadd.s32 s20, s9;
	s25 =	sadd.s32 s20, s13;
	s9 =	sadd.s32 s9, s3  }
0x20: {  	s18 =	sshrl.u32 s19, $0x3;
	[dreg:$0xf] =	wrdreg s21;
	s24 =	sshrl.u32 s22, $0x3  }
0x21: {  	s19 =	sshrl.u32 s25, $0x3;
	[smem:$0x7EF] =	sst s9;
	s18 =	sadd.s32 s16, s18  }
0x22: {  	s22 =	sadd.s32 s20, s17;
	s19 =	sadd.s32 s16, s19;
	[dreg:$0x19] =	wrdreg s18  }
0x23: {  	s26 =	sshrl.u32 s22, $0x3;
	s22 =	simm.s32 $0x500;
	[dreg:$0x1b] =	wrdreg s19  }
0x24: {  	s25 =	smul.u32 $0x124C0, s23;
	s18 =	sadd.s32 s16, s24;
	[dreg:$0x10] =	wrdreg s22  }
0x25: {  	s9 =	simm.s32 $0xD;
	s19 =	sadd.s32 s16, s26;
	[dreg:$0x1a] =	wrdreg s18  }
0x26: {  	s24 =	smul.u32 $0x500, s23;
	s26 =	simm.s32 $0x580;
	[dreg:$0x1c] =	wrdreg s19  }
0x27: {  	s22 =	simm.s32 $0x600;
	s23 =	smul.u32 $0x50000, s23;
	[dreg:$0x11] =	wrdreg s26  }
0x28: {  	s18 =	sadd.s32 $0x200, s6;
	[dreg:$0x12] =	wrdreg s22;
	s26 =	simm.s32 $0x700  }
0x29: {  	s6 =	sadd.s32 s6, s4;
	s21 =	sshll.u32 s18, $0x7;
	s15 =	sor.u32 s15, s24  }
0x2a: {  	s24 =	sshrl.u32 s25, $0x12;
	s25 =	simm.s32 $0x680;
	[dreg:$0x14] =	wrdreg s26  }
0x2b: {  	s26 =	sshrl.u32 s23, $0x2;
	[smem:$0x7F3] =	sst s6;
	s6 =	simm.s32 $0x1  }
0x2c: {  	s20 =	sadd.s32 s20, s21;
	[dreg:$0x13] =	wrdreg s25;
	s15 =	sshrl.u32 s15, $0x3  }
0x2d: {  	s25 =	sadd.s32 $0x2710, s11;
	s11 =	sadd.s32 s17, s3;
	s17 =	sadd.s32 s14, s4  }
0x2e: {  	s14 =	simm.s32 $0x3000;
	s20 =	sshrl.u32 s20, $0x3;
	[smem:$0x7F1] =	sst s11  }
0x2f: {  	s0 =	sadd.s32 s0, s15;
	s15 =	sand.u32 $0xFFE0, s25;
	[smem:$0x7F6] =	sst s17  }
0x30: {  	s11 =	simm.s32 $0x7000;
	s16 =	sadd.s32 s16, s20;
	[dreg:$0x1e] =	wrdreg s0  }
0x31: {  	v7 =	vlaneseq.u32;
	s17 =	simm.s32 $0xC;
	s20 =	simm.s32 $0x780;
	[dreg:$0x1d] =	wrdreg s16  }
0x32: {  	v3 =	vor.u32 s15, v7;
	s15 =	simm.s32 $0x0;
	s16 =	smul.u32 $0xE0, s24;
	[dreg:$0x15] =	wrdreg s20  }
0x33: {  	s20 =	sand.u32 $0xFFE0, s12;
	s24 =	sor.u32 $0x2710, s10;
	s10 =	sadd.s32 s13, s3  }
0x34: {  	s12 =	sadd.s32 s21, s3;
	s13 =	sadd.s32 s7, s4;
	[smem:$0x7F0] =	sst s10  }
0x35: {  	s21 =	sadd.s32 s18, s4;
	s7 =	simm.s32 $0x800;
	[smem:$0x7F2] =	sst s12  }
0x36: {  	s18 =	simm.s32 $0x2;
	s24 =	sand.u32 $0xFFF0, s24;
	[smem:$0x7F4] =	sst s13  }
0x37: {  	[smem:$0x7F7] =	sst s21;
	s10 =	simm.s32 $0x5000;
	s22 =	ssub.s32 s29, s16  }
0x38: {  	s13 =	simm.s32 $0x9100;
	s16 =	sadd.s32 s8, s4;
	s0 =	sor.u32 $0x2710, s22  }
0x39: {  	[smem:$0x7F5] =	sst s16;
	s19 =	sand.u32 $0xFFF0, s0;
	s0 =	sadd.s32 s26, s3  }
0x3a: {  	s21 =	simm.s32 $0x5;
	s22 =	sadd.s32 $0x2000, s0;
	[dreg:$0x1f] =	wrdreg s0  }
0x3b: {  	s12 =	simm.s32 $0xC00;
	s23 =	sadd.s32 $0x6000, s0;
	[smem:$0x7F9] =	sst s22  }
0x3c: {  	s8 =	simm.s32 $0x40;
	s25 =	sadd.s32 $0xA000, s0;
	[smem:$0x7FA] =	sst s23  }
0x3d: {  	v8 =	vimm.f32 $0.0e+00;
	v9 =	vimm.f32 $1.000000000e+00;
	v5 =	vor.u32 $0x10, v7;
	s16 =	simm.s32 $0x8;
	s26 =	sadd.s32 $0xE000, s0;
	[smem:$0x7FB] =	sst s25  }
0x3e: {  	v6 =	vor.u32 $0x20, v7;
	v4 =	vor.u32 s29, v7;
	s0 =	sadd.s32 $0x12000, s0;
	v0 =	vor.u32 s19, v7;
	s19 =	simm.s32 $0xE;
	[smem:$0x7FC] =	sst s26  }
0x3f: {  	v1 =	vor.u32 s20, v7;
	v2 =	vor.u32 s24, v7;
	v7 =	vor.u32 $0x30, v7;
	[smem:$0x7FD] =	sst s0;
	s0 =	simm.s32 $0x1000;
	s22 =	simm.s32 $0x9  }
0x40: {  	v5 =	vor.u32 s29, v5;
	v6 =	vor.u32 s29, v6;
	s23 =	simm.s32 $0x3;
	s25 =	simm.s32 $0x6;
	s26 =	simm.s32 $0xA;
	v7 =	vor.u32 s29, v7  }
.LBB2_1:
0x41: {  	[tilespmem:$0x9000] =	vst v0  }
0x42: {  	[tilespmem:$0x9080] =	vst v4  }
0x43: {  	[tilespmem:$0x9010] =	vst v1  }
0x44: {  	[tilespmem:$0x9090] =	vst v5  }
0x45: {  	[tilespmem:$0x9020] =	vst v2  }
0x46: {  	[tilespmem:$0x90A0] =	vst v6  }
0x47: {  	[tilespmem:$0x9030] =	vst v3  }
0x48: {  	[smem:$0x7EE] =	sst s15;
	[tilespmem:$0x90B0] =	vst v7;
	s2 =	simm.s32 $0x0;
	s24 =	simm.s32 $0x200  }
.LBB2_2:
0x49: {  	p0 =	sne.s32 s24, $0x7E00;
	[tilespmem:s2+$0x1070] =	vst v8  }
0x4a: {  	[tilespmem:s2+$0x1000] =	vst v8  }
0x4b: {  	[tilespmem:s2+$0x1010] =	vst v8  }
.Ltmp0:
0x4c: {  	[tilespmem:s2+$0x1020] =	vst v8;
	(pc) =	sbr.rel @p0 .LBB2_2-.Ltmp0, $4  }
0x4d: {  	[tilespmem:s2+$0x1030] =	vst v8  }
0x4e: {  	[tilespmem:s2+$0x1040] =	vst v8  }
0x4f: {  	[tilespmem:s2+$0x1050] =	vst v8  }
0x50: {  	[tilespmem:s2+$0x1060] =	vst v8;
	s2 =	sshra.s32 s24, $0x2;
	s24 =	sadd.s32 $0x200, s24  }
0x51: {  	[tilespmem:s2+$0x1070] =	vst v8  }
0x52: {  	[tilespmem:s2+$0x1000] =	vst v8  }
0x53: {  	[tilespmem:s2+$0x1010] =	vst v8  }
0x54: {  	[tilespmem:s2+$0x1020] =	vst v8  }
0x55: {  	[tilespmem:s2+$0x1030] =	vst v8  }
0x56: {  	[tilespmem:s2+$0x1040] =	vst v8  }
0x57: {  	[tilespmem:s2+$0x1050] =	vst v8  }
0x58: {  	[tilespmem:s2+$0x1060] =	vst v8  }
0x59: {  	[tilespmem:$0x9100] =	vst v9  }
0x5a: {  	[tilespmem:$0x9110] =	vst v9  }
0x5b: {  	[tilespmem:$0x9120] =	vst v9  }
0x5c: {  	s20 =	rddreg [dreg:$0x1f];
	s15 =	simm.s32 $0xF;
	[tilespmem:$0x9130] =	vst v9  }
0x5d: {  	[spmem:s20] =	stream.linear.scatter [tilespmem:s0], [sflag:$0xF], $0x2000, $0x38;
	[tilespmem:$0x1D400] =	vst v63  }
0x5e: {  	_ =	swait.ge [sflag:s15], $0x2000  }
0x5f: {  	s24 =	sld [smem:$0x7F9]  }
0x60: {  	[sflag:s15] =	ssyncset.done $0x0  }
0x61: {  	[sflag:s15] =	ssyncadd.s32 $0xFFFFE000  }
0x62: {  	[spmem:s24] =	stream.linear.scatter [tilespmem:s0], [sflag:$0xF], $0x2000, $0x38;
	[tilespmem:$0x1D400] =	vst v63  }
0x63: {  	_ =	swait.ge [sflag:s15], $0x2000  }
0x64: {  	s20 =	sld [smem:$0x7EF]  }
0x65: {  	[sflag:s15] =	ssyncset.done $0x0  }
0x66: {  	[sflag:s15] =	ssyncadd.s32 $0xFFFFE000  }
0x67: {  	[spmem:s20] =	stream.linear.scatter [tilespmem:s0], [sflag:$0xF], $0x2000, $0x38;
	[tilespmem:$0x1D400] =	vst v63  }
0x68: {  	_ =	swait.ge [sflag:s15], $0x2000  }
0x69: {  	s24 =	sld [smem:$0x7FA]  }
0x6a: {  	[sflag:s15] =	ssyncset.done $0x0  }
0x6b: {  	[sflag:s15] =	ssyncadd.s32 $0xFFFFE000  }
0x6c: {  	[spmem:s24] =	stream.linear.scatter [tilespmem:s0], [sflag:$0xF], $0x2000, $0x38;
	[tilespmem:$0x1D400] =	vst v63  }
0x6d: {  	_ =	swait.ge [sflag:s15], $0x2000  }
0x6e: {  	s20 =	sld [smem:$0x7F0]  }
0x6f: {  	[sflag:s15] =	ssyncset.done $0x0  }
0x70: {  	[sflag:s15] =	ssyncadd.s32 $0xFFFFE000  }
0x71: {  	[spmem:s20] =	stream.linear.scatter [tilespmem:s0], [sflag:$0xF], $0x2000, $0x38;
	[tilespmem:$0x1D400] =	vst v63  }
0x72: {  	_ =	swait.ge [sflag:s15], $0x2000  }
0x73: {  	s24 =	sld [smem:$0x7FB]  }
0x74: {  	[sflag:s15] =	ssyncset.done $0x0  }
0x75: {  	[sflag:s15] =	ssyncadd.s32 $0xFFFFE000  }
0x76: {  	[spmem:s24] =	stream.linear.scatter [tilespmem:s0], [sflag:$0xF], $0x2000, $0x38;
	[tilespmem:$0x1D400] =	vst v63  }
0x77: {  	_ =	swait.ge [sflag:s15], $0x2000  }
0x78: {  	s20 =	sld [smem:$0x7F1]  }
0x79: {  	[sflag:s15] =	ssyncset.done $0x0  }
0x7a: {  	[sflag:s15] =	ssyncadd.s32 $0xFFFFE000  }
0x7b: {  	[spmem:s20] =	stream.linear.scatter [tilespmem:s0], [sflag:$0xF], $0x2000, $0x38;
	[tilespmem:$0x1D400] =	vst v63  }
0x7c: {  	_ =	swait.ge [sflag:s15], $0x2000  }
0x7d: {  	s24 =	sld [smem:$0x7FC]  }
0x7e: {  	[sflag:s15] =	ssyncset.done $0x0  }
0x7f: {  	[sflag:s15] =	ssyncadd.s32 $0xFFFFE000  }
0x80: {  	[spmem:s24] =	stream.linear.scatter [tilespmem:s0], [sflag:$0xF], $0x2000, $0x38;
	[tilespmem:$0x1D400] =	vst v63  }
0x81: {  	_ =	swait.ge [sflag:s15], $0x2000  }
0x82: {  	s20 =	sld [smem:$0x7F2]  }
0x83: {  	[sflag:s15] =	ssyncset.done $0x0  }
0x84: {  	[sflag:s15] =	ssyncadd.s32 $0xFFFFE000  }
0x85: {  	[spmem:s20] =	stream.linear.scatter [tilespmem:s0], [sflag:$0xF], $0x2000, $0x38;
	[tilespmem:$0x1D400] =	vst v63  }
0x86: {  	_ =	swait.ge [sflag:s15], $0x2000  }
0x87: {  	s24 =	sld [smem:$0x7FD]  }
0x88: {  	[sflag:s15] =	ssyncset.done $0x0  }
0x89: {  	[sflag:s15] =	ssyncadd.s32 $0xFFFFE000  }
0x8a: {  	[spmem:s24] =	stream.linear.scatter [tilespmem:s0], [sflag:$0xF], $0x2000, $0x38;
	[tilespmem:$0x1D400] =	vst v63  }
0x8b: {  	_ =	swait.ge [sflag:s15], $0x2000  }
0x8c: {  	s20 =	sld [smem:$0x7F3]  }
0x8d: {  	[sflag:s15] =	ssyncset.done $0x0  }
0x8e: {  	[sflag:s15] =	ssyncadd.s32 $0xFFFFE000  }
0x8f: {  	[spmem:s20] =	stream.linear.scatter [tilespmem:s0], [sflag:$0xF], $0x80, $0x38;
	[tilespmem:$0x1D400] =	vst v63  }
0x90: {  	_ =	swait.ge [sflag:s15], $0x80  }
0x91: {  	s24 =	sld [smem:$0x7F4]  }
0x92: {  	[sflag:s15] =	ssyncset.done $0x0  }
0x93: {  	[sflag:s15] =	ssyncadd.s32 $0xFFFFFF80  }
0x94: {  	[spmem:s24] =	stream.linear.scatter [tilespmem:s0], [sflag:$0xF], $0x80, $0x38;
	[tilespmem:$0x1D400] =	vst v63  }
0x95: {  	_ =	swait.ge [sflag:s15], $0x80  }
0x96: {  	s20 =	sld [smem:$0x7F5]  }
0x97: {  	[sflag:s15] =	ssyncset.done $0x0  }
0x98: {  	[sflag:s15] =	ssyncadd.s32 $0xFFFFFF80  }
0x99: {  	[spmem:s20] =	stream.linear.scatter [tilespmem:s0], [sflag:$0xF], $0x80, $0x38;
	[tilespmem:$0x1D400] =	vst v63  }
0x9a: {  	_ =	swait.ge [sflag:s15], $0x80  }
0x9b: {  	s24 =	sld [smem:$0x7F6]  }
0x9c: {  	[sflag:s15] =	ssyncset.done $0x0  }
0x9d: {  	[sflag:s15] =	ssyncadd.s32 $0xFFFFFF80  }
0x9e: {  	[spmem:s24] =	stream.linear.scatter [tilespmem:s0], [sflag:$0xF], $0x80, $0x38;
	[tilespmem:$0x1D400] =	vst v63  }
0x9f: {  	_ =	swait.ge [sflag:s15], $0x80  }
0xa0: {  	s20 =	sld [smem:$0x7F7]  }
0xa1: {  	[sflag:s15] =	ssyncset.done $0x0  }
0xa2: {  	[sflag:s15] =	ssyncadd.s32 $0xFFFFFF80  }
0xa3: {  	[spmem:s20] =	stream.linear.scatter [tilespmem:s0], [sflag:$0xF], $0x80, $0x38;
	[tilespmem:$0x1D400] =	vst v63  }
0xa4: {  	_ =	swait.ge [sflag:s15], $0x80  }
0xa5: {  	[sflag:s15] =	ssyncset.done $0x0  }
0xa6: {  	[sflag:s15] =	ssyncadd.s32 $0xFFFFFF80  }
0xa7: {  	[bflag:$0x0] =	sbarrier.arrive $0xFFFF  }
0xa8: {  	s2 =	simm.s32 $0x0;
	s24 =	rddreg [dreg:$0x17]  }
0xa9: {  	[tilespmem:s2], [sflag:$0xD] =	stream.linear.gather [hbm4b:s24+s2], $0x400, $0x38;
	[tilespmem:$0x1D400] =	vst v63  }
0xaa: {  	s20 =	rddreg [dreg:$0x18]  }
0xab: {  	[tilespmem:s7], [sflag:$0xD] =	stream.linear.gather [hbm4b:s20+s2], $0x400, $0x38;
	[tilespmem:$0x1D400] =	vst v63  }
0xac: {  	v10 =	vld [tilespmem:$0x9000];
	_ =	sdelay $0x1  }
0xad: {  	v11 =	vld [tilespmem:$0x9010];
	_ =	sdelay $0x1  }
0xae: {  	v12 =	vld [tilespmem:$0x9020]  }
0xaf: {  	[tilespmem:$0xF00] =	vst v10  }
0xb0: {  	[tilespmem:$0xF80] =	vst v10;
	v10 =	vld [tilespmem:$0x9030]  }
0xb1: {  	[tilespmem:$0xF10] =	vst v11  }
0xb2: {  	[tilespmem:$0xF90] =	vst v11  }
0xb3: {  	[tilespmem:$0xF20] =	vst v12  }
0xb4: {  	[tilespmem:$0xFA0] =	vst v12  }
0xb5: {  	[tilespmem:$0xF30] =	vst v10  }
0xb6: {  	s24 =	simm.s32 $0x9080;
	[tilespmem:$0xFB0] =	vst v10  }
0xb7: {  	[tilespmem:s10], [sflag:$0x3] =	stream.indirect.gather [hbm4b:s1+s8], $0x80, s24, s8, $0xb8;
	[tilespmem:$0x1D400] =	vst v63  }
0xb8: {  	_ = 	snop  }
0xb9: {  	[tilespmem:s11], [sflag:$0x4] =	stream.indirect.gather [hbm4b:s1+s8], $0x80, s24, s8, $0xb8;
	[tilespmem:$0x1D400] =	vst v63  }
0xba: {  	s15 =	simm.s32 $0x9000  }
0xbb: {  	[spmem:s3] =	stream.indirect.scatter.add.f32 [tilespmem:s0], [sflag:$0x5], $0x80, s15, s8, $0xb8;
	[tilespmem:$0x1D400] =	vst v63  }
0xbc: {  	_ = 	snop  }
0xbd: {  	[spmem:s4] =	stream.indirect.scatter.add.f32 [tilespmem:s13], [sflag:$0x9], $0x1, s15, s8, $0xb8;
	[tilespmem:$0x1D400] =	vst v63  }
0xbe: {  	_ = 	snop  }
0xbf: {  	[spmem:s3] =	stream.indirect.scatter.add.f32 [tilespmem:s14], [sflag:$0x6], $0x80, s15, s8, $0xb8;
	[tilespmem:$0x1D400] =	vst v63  }
0xc0: {  	_ = 	snop  }
0xc1: {  	[spmem:s4] =	stream.indirect.scatter.add.f32 [tilespmem:s13], [sflag:$0xA], $0x1, s15, s8, $0xb8;
	[tilespmem:$0x1D400] =	vst v63  }
0xc2: {  	_ =	swait.ge [sflag:s9], $0x400  }
0xc3: {  	[sflag:s9] =	ssyncset.done $0x0  }
0xc4: {  	[sflag:s9] =	ssyncadd.s32 $0xFFFFFC00  }
0xc5: {  	_ =	swait.ge [sflag:s9], $0x400  }
0xc6: {  	[sflag:s9] =	ssyncset.done $0x0  }
0xc7: {  	[sflag:s9] =	ssyncadd.s32 $0xFFFFFC00  }
0xc8: {  	_ =	swait.ge [sflag:s21], $0x2000  }
0xc9: {  	[sflag:s21] =	ssyncset.done $0x0  }
0xca: {  	[sflag:s21] =	ssyncadd.s32 $0xFFFFE000  }
0xcb: {  	_ =	swait.ge [sflag:s22], $0x40  }
0xcc: {  	[sflag:s22] =	ssyncset.done $0x0  }
0xcd: {  	[sflag:s22] =	ssyncadd.s32 $0xFFFFFFC0  }
0xce: {  	[tilespmem:s0], [sflag:$0x1] =	stream.indirect.gather [hbm4b:s1+s8], $0x80, s5, s8, $0xb8;
	[tilespmem:$0x1D400] =	vst v63  }
0xcf: {  	_ =	swait.ge [sflag:s23], $0x2000  }
0xd0: {  	[sflag:s23] =	ssyncset.done $0x0  }
0xd1: {  	s15 =	simm.s32 $0xF00;
	[sflag:s23] =	ssyncadd.s32 $0xFFFFE000  }
0xd2: {  	[spmem:s3] =	stream.indirect.scatter.add.f32 [tilespmem:s10], [sflag:$0x7], $0x80, s15, s8, $0xb8;
	[tilespmem:$0x1D400] =	vst v63  }
0xd3: {  	_ = 	snop  }
0xd4: {  	[spmem:s4] =	stream.indirect.scatter.add.f32 [tilespmem:s13], [sflag:$0xB], $0x1, s15, s8, $0xb8;
	[tilespmem:$0x1D400] =	vst v63  }
0xd5: {  	_ =	swait.ge [sflag:s25], $0x2000  }
0xd6: {  	[sflag:s25] =	ssyncset.done $0x0  }
0xd7: {  	[sflag:s25] =	ssyncadd.s32 $0xFFFFE000  }
0xd8: {  	_ =	swait.ge [sflag:s26], $0x40  }
0xd9: {  	[sflag:s26] =	ssyncset.done $0x0  }
0xda: {  	s20 =	rddreg [dreg:$0x8];
	[sflag:s26] =	ssyncadd.s32 $0xFFFFFFC0  }
0xdb: {  	[tilespmem:s14], [sflag:$0x2] =	stream.indirect.gather [hbm4b:s1+s8], $0x80, s20, s8, $0xb8;
	[tilespmem:$0x1D400] =	vst v63  }
0xdc: {  	_ =	swait.ge [sflag:s28], $0x2000  }
0xdd: {  	[sflag:s28] =	ssyncset.done $0x0  }
0xde: {  	s20 =	simm.s32 $0xF80;
	[sflag:s28] =	ssyncadd.s32 $0xFFFFE000  }
0xdf: {  	[spmem:s3] =	stream.indirect.scatter.add.f32 [tilespmem:s11], [sflag:$0x8], $0x80, s20, s8, $0xb8;
	[tilespmem:$0x1D400] =	vst v63  }
0xe0: {  	_ = 	snop  }
0xe1: {  	[spmem:s4] =	stream.indirect.scatter.add.f32 [tilespmem:s13], [sflag:$0xC], $0x1, s20, s8, $0xb8;
	[tilespmem:$0x1D400] =	vst v63  }
0xe2: {  	_ =	swait.ge [sflag:s30], $0x2000  }
0xe3: {  	[sflag:s30] =	ssyncset.done $0x0  }
0xe4: {  	[sflag:s30] =	ssyncadd.s32 $0xFFFFE000  }
0xe5: {  	_ =	swait.ge [sflag:s31], $0x40  }
0xe6: {  	[sflag:s31] =	ssyncset.done $0x0  }
0xe7: {  	s24 =	rddreg [dreg:$0x9];
	[sflag:s31] =	ssyncadd.s32 $0xFFFFFFC0  }
0xe8: {  	[tilespmem:s10], [sflag:$0x3] =	stream.indirect.gather [hbm4b:s1+s8], $0x80, s24, s8, $0xb8;
	[tilespmem:$0x1D400] =	vst v63  }
0xe9: {  	_ =	swait.ge [sflag:s6], $0x2000  }
0xea: {  	[sflag:s6] =	ssyncset.done $0x0  }
0xeb: {  	[sflag:s6] =	ssyncadd.s32 $0xFFFFE000  }
0xec: {  	[spmem:s3] =	stream.indirect.scatter.add.f32 [tilespmem:s0], [sflag:$0x5], $0x80, s7, s8, $0xb8;
	[tilespmem:$0x1D400] =	vst v63  }
0xed: {  	_ = 	snop  }
0xee: {  	[spmem:s4] =	stream.indirect.scatter.add.f32 [tilespmem:s13], [sflag:$0x9], $0x1, s7, s8, $0xb8;
	[tilespmem:$0x1D400] =	vst v63  }
0xef: {  	_ =	swait.ge [sflag:s16], $0x2000  }
0xf0: {  	[sflag:s16] =	ssyncset.done $0x0  }
0xf1: {  	[sflag:s16] =	ssyncadd.s32 $0xFFFFE000  }
0xf2: {  	_ =	swait.ge [sflag:s17], $0x40  }
0xf3: {  	[sflag:s17] =	ssyncset.done $0x0  }
0xf4: {  	s7 =	rddreg [dreg:$0xa];
	[sflag:s17] =	ssyncadd.s32 $0xFFFFFFC0  }
0xf5: {  	[tilespmem:s11], [sflag:$0x4] =	stream.indirect.gather [hbm4b:s1+s8], $0x80, s7, s8, $0xb8;
	[tilespmem:$0x1D400] =	vst v63  }
0xf6: {  	_ =	swait.ge [sflag:s18], $0x2000  }
0xf7: {  	[sflag:s18] =	ssyncset.done $0x0  }
0xf8: {  	s7 =	simm.s32 $0x880;
	s2 =	rddreg [dreg:$0x6];
	[sflag:s18] =	ssyncadd.s32 $0xFFFFE000  }
0xf9: {  	[spmem:s3] =	stream.indirect.scatter.add.f32 [tilespmem:s14], [sflag:$0x6], $0x80, s7, s8, $0xb8;
	[tilespmem:$0x1D400] =	vst v63  }
0xfa: {  	s24 =	rddreg [dreg:$0x7];
	s2 =	sadd.s32 $0x0, s2  }
0xfb: {  	[spmem:s4] =	stream.indirect.scatter.add.f32 [tilespmem:s13], [sflag:$0xA], $0x1, s7, s8, $0xb8;
	[tilespmem:$0x1D400] =	vst v63  }
0xfc: {  	s24 =	sadd.s32 $0x0, s24;
	s29 =	sadd.s32 $0x80, s2;
	s7 =	simm.s32 $0x400  }
0xfd: {  	[tilespmem:s7], [sflag:$0xE] =	stream.linear.gather [hbm4b:s29+s5], $0x400, $0x38;
	[tilespmem:$0x1D400] =	vst v63  }
0xfe: {  	s29 =	sadd.s32 $0x80, s24  }
0xff: {  	[tilespmem:s12], [sflag:$0xE] =	stream.linear.gather [hbm4b:s29+s5], $0x400, $0x38;
	[tilespmem:$0x1D400] =	vst v63  }
0x100: {  	_ =	swait.ge [sflag:s21], $0x2000  }
0x101: {  	[sflag:s21] =	ssyncset.done $0x0  }
0x102: {  	[sflag:s21] =	ssyncadd.s32 $0xFFFFE000  }
0x103: {  	_ =	swait.ge [sflag:s22], $0x40  }
0x104: {  	[sflag:s22] =	ssyncset.done $0x0  }
0x105: {  	s29 =	rddreg [dreg:$0xb];
	[sflag:s22] =	ssyncadd.s32 $0xFFFFFFC0  }
0x106: {  	[tilespmem:s0], [sflag:$0x1] =	stream.indirect.gather [hbm4b:s1+s8], $0x80, s29, s8, $0xb8;
	[tilespmem:$0x1D400] =	vst v63  }
0x107: {  	_ =	swait.ge [sflag:s23], $0x2000  }
0x108: {  	[sflag:s23] =	ssyncset.done $0x0  }
0x109: {  	s12 =	simm.s32 $0x900;
	[sflag:s23] =	ssyncadd.s32 $0xFFFFE000  }
0x10a: {  	[spmem:s3] =	stream.indirect.scatter.add.f32 [tilespmem:s10], [sflag:$0x7], $0x80, s12, s8, $0xb8;
	[tilespmem:$0x1D400] =	vst v63  }
0x10b: {  	_ = 	snop  }
0x10c: {  	[spmem:s4] =	stream.indirect.scatter.add.f32 [tilespmem:s13], [sflag:$0xB], $0x1, s12, s8, $0xb8;
	[tilespmem:$0x1D400] =	vst v63  }
0x10d: {  	_ =	swait.ge [sflag:s25], $0x2000  }
0x10e: {  	[sflag:s25] =	ssyncset.done $0x0  }
0x10f: {  	[sflag:s25] =	ssyncadd.s32 $0xFFFFE000  }
0x110: {  	_ =	swait.ge [sflag:s26], $0x40  }
0x111: {  	[sflag:s26] =	ssyncset.done $0x0  }
0x112: {  	s29 =	rddreg [dreg:$0xc];
	[sflag:s26] =	ssyncadd.s32 $0xFFFFFFC0  }
0x113: {  	[tilespmem:s14], [sflag:$0x2] =	stream.indirect.gather [hbm4b:s1+s8], $0x80, s29, s8, $0xb8;
	[tilespmem:$0x1D400] =	vst v63  }
0x114: {  	_ =	swait.ge [sflag:s28], $0x2000  }
0x115: {  	[sflag:s28] =	ssyncset.done $0x0  }
0x116: {  	s29 =	simm.s32 $0x980;
	[sflag:s28] =	ssyncadd.s32 $0xFFFFE000  }
0x117: {  	[spmem:s3] =	stream.indirect.scatter.add.f32 [tilespmem:s11], [sflag:$0x8], $0x80, s29, s8, $0xb8;
	[tilespmem:$0x1D400] =	vst v63  }
0x118: {  	_ = 	snop  }
0x119: {  	[spmem:s4] =	stream.indirect.scatter.add.f32 [tilespmem:s13], [sflag:$0xC], $0x1, s29, s8, $0xb8;
	[tilespmem:$0x1D400] =	vst v63  }
0x11a: {  	_ =	swait.ge [sflag:s30], $0x2000  }
0x11b: {  	[sflag:s30] =	ssyncset.done $0x0  }
0x11c: {  	[sflag:s30] =	ssyncadd.s32 $0xFFFFE000  }
0x11d: {  	_ =	swait.ge [sflag:s31], $0x40  }
0x11e: {  	[sflag:s31] =	ssyncset.done $0x0  }
0x11f: {  	s29 =	rddreg [dreg:$0xd];
	[sflag:s31] =	ssyncadd.s32 $0xFFFFFFC0  }
0x120: {  	[tilespmem:s10], [sflag:$0x3] =	stream.indirect.gather [hbm4b:s1+s8], $0x80, s29, s8, $0xb8;
	[tilespmem:$0x1D400] =	vst v63  }
0x121: {  	_ =	swait.ge [sflag:s6], $0x2000  }
0x122: {  	[sflag:s6] =	ssyncset.done $0x0  }
0x123: {  	s29 =	simm.s32 $0xA00;
	[sflag:s6] =	ssyncadd.s32 $0xFFFFE000  }
0x124: {  	[spmem:s3] =	stream.indirect.scatter.add.f32 [tilespmem:s0], [sflag:$0x5], $0x80, s29, s8, $0xb8;
	[tilespmem:$0x1D400] =	vst v63  }
0x125: {  	_ = 	snop  }
0x126: {  	[spmem:s4] =	stream.indirect.scatter.add.f32 [tilespmem:s13], [sflag:$0x9], $0x1, s29, s8, $0xb8;
	[tilespmem:$0x1D400] =	vst v63  }
0x127: {  	_ =	swait.ge [sflag:s16], $0x2000  }
0x128: {  	[sflag:s16] =	ssyncset.done $0x0  }
0x129: {  	[sflag:s16] =	ssyncadd.s32 $0xFFFFE000  }
0x12a: {  	_ =	swait.ge [sflag:s17], $0x40  }
0x12b: {  	[sflag:s17] =	ssyncset.done $0x0  }
0x12c: {  	s29 =	rddreg [dreg:$0xe];
	[sflag:s17] =	ssyncadd.s32 $0xFFFFFFC0  }
0x12d: {  	[tilespmem:s11], [sflag:$0x4] =	stream.indirect.gather [hbm4b:s1+s8], $0x80, s29, s8, $0xb8;
	[tilespmem:$0x1D400] =	vst v63  }
0x12e: {  	_ =	swait.ge [sflag:s18], $0x2000  }
0x12f: {  	[sflag:s18] =	ssyncset.done $0x0  }
0x130: {  	s29 =	simm.s32 $0xA80;
	[sflag:s18] =	ssyncadd.s32 $0xFFFFE000  }
0x131: {  	[spmem:s3] =	stream.indirect.scatter.add.f32 [tilespmem:s14], [sflag:$0x6], $0x80, s29, s8, $0xb8;
	[tilespmem:$0x1D400] =	vst v63  }
0x132: {  	_ = 	snop  }
0x133: {  	[spmem:s4] =	stream.indirect.scatter.add.f32 [tilespmem:s13], [sflag:$0xA], $0x1, s29, s8, $0xb8;
	[tilespmem:$0x1D400] =	vst v63  }
0x134: {  	_ =	swait.ge [sflag:s19], $0x400  }
0x135: {  	[sflag:s19] =	ssyncset.done $0x0  }
0x136: {  	[sflag:s19] =	ssyncadd.s32 $0xFFFFFC00  }
0x137: {  	_ =	swait.ge [sflag:s19], $0x400  }
0x138: {  	[sflag:s19] =	ssyncset.done $0x0  }
0x139: {  	[sflag:s19] =	ssyncadd.s32 $0xFFFFFC00  }
0x13a: {  	_ =	swait.ge [sflag:s21], $0x2000  }
0x13b: {  	[sflag:s21] =	ssyncset.done $0x0  }
0x13c: {  	[sflag:s21] =	ssyncadd.s32 $0xFFFFE000  }
0x13d: {  	_ =	swait.ge [sflag:s22], $0x40  }
0x13e: {  	[sflag:s22] =	ssyncset.done $0x0  }
0x13f: {  	s29 =	simm.s32 $0x400;
	[sflag:s22] =	ssyncadd.s32 $0xFFFFFFC0  }
0x140: {  	[tilespmem:s0], [sflag:$0x1] =	stream.indirect.gather [hbm4b:s1+s8], $0x80, s29, s8, $0xb8;
	[tilespmem:$0x1D400] =	vst v63  }
0x141: {  	_ =	swait.ge [sflag:s23], $0x2000  }
0x142: {  	[sflag:s23] =	ssyncset.done $0x0  }
0x143: {  	s29 =	simm.s32 $0xB00;
	[sflag:s23] =	ssyncadd.s32 $0xFFFFE000  }
0x144: {  	[spmem:s3] =	stream.indirect.scatter.add.f32 [tilespmem:s10], [sflag:$0x7], $0x80, s29, s8, $0xb8;
	[tilespmem:$0x1D400] =	vst v63  }
0x145: {  	_ = 	snop  }
0x146: {  	[spmem:s4] =	stream.indirect.scatter.add.f32 [tilespmem:s13], [sflag:$0xB], $0x1, s29, s8, $0xb8;
	[tilespmem:$0x1D400] =	vst v63  }
0x147: {  	_ =	swait.ge [sflag:s25], $0x2000  }
0x148: {  	[sflag:s25] =	ssyncset.done $0x0  }
0x149: {  	[sflag:s25] =	ssyncadd.s32 $0xFFFFE000  }
0x14a: {  	_ =	swait.ge [sflag:s26], $0x40  }
0x14b: {  	[sflag:s26] =	ssyncset.done $0x0  }
0x14c: {  	s29 =	rddreg [dreg:$0xf];
	[sflag:s26] =	ssyncadd.s32 $0xFFFFFFC0  }
0x14d: {  	[tilespmem:s14], [sflag:$0x2] =	stream.indirect.gather [hbm4b:s1+s8], $0x80, s29, s8, $0xb8;
	[tilespmem:$0x1D400] =	vst v63  }
0x14e: {  	_ =	swait.ge [sflag:s28], $0x2000  }
0x14f: {  	[sflag:s28] =	ssyncset.done $0x0  }
0x150: {  	s29 =	simm.s32 $0xB80;
	[sflag:s28] =	ssyncadd.s32 $0xFFFFE000  }
0x151: {  	[spmem:s3] =	stream.indirect.scatter.add.f32 [tilespmem:s11], [sflag:$0x8], $0x80, s29, s8, $0xb8;
	[tilespmem:$0x1D400] =	vst v63  }
0x152: {  	_ = 	snop  }
0x153: {  	[spmem:s4] =	stream.indirect.scatter.add.f32 [tilespmem:s13], [sflag:$0xC], $0x1, s29, s8, $0xb8;
	[tilespmem:$0x1D400] =	vst v63  }
0x154: {  	_ =	swait.ge [sflag:s30], $0x2000  }
0x155: {  	[sflag:s30] =	ssyncset.done $0x0  }
0x156: {  	[sflag:s30] =	ssyncadd.s32 $0xFFFFE000  }
0x157: {  	_ =	swait.ge [sflag:s31], $0x40  }
0x158: {  	[sflag:s31] =	ssyncset.done $0x0  }
0x159: {  	s29 =	rddreg [dreg:$0x10];
	[sflag:s31] =	ssyncadd.s32 $0xFFFFFFC0  }
0x15a: {  	[tilespmem:s10], [sflag:$0x3] =	stream.indirect.gather [hbm4b:s1+s8], $0x80, s29, s8, $0xb8;
	[tilespmem:$0x1D400] =	vst v63  }
0x15b: {  	_ =	swait.ge [sflag:s6], $0x2000  }
0x15c: {  	[sflag:s6] =	ssyncset.done $0x0  }
0x15d: {  	s12 =	simm.s32 $0xC00;
	[sflag:s6] =	ssyncadd.s32 $0xFFFFE000  }
0x15e: {  	[spmem:s3] =	stream.indirect.scatter.add.f32 [tilespmem:s0], [sflag:$0x5], $0x80, s12, s8, $0xb8;
	[tilespmem:$0x1D400] =	vst v63  }
0x15f: {  	_ = 	snop  }
0x160: {  	[spmem:s4] =	stream.indirect.scatter.add.f32 [tilespmem:s13], [sflag:$0x9], $0x1, s12, s8, $0xb8;
	[tilespmem:$0x1D400] =	vst v63  }
0x161: {  	_ =	swait.ge [sflag:s16], $0x2000  }
0x162: {  	[sflag:s16] =	ssyncset.done $0x0  }
0x163: {  	[sflag:s16] =	ssyncadd.s32 $0xFFFFE000  }
0x164: {  	_ =	swait.ge [sflag:s17], $0x40  }
0x165: {  	[sflag:s17] =	ssyncset.done $0x0  }
0x166: {  	s29 =	rddreg [dreg:$0x11];
	[sflag:s17] =	ssyncadd.s32 $0xFFFFFFC0  }
0x167: {  	[tilespmem:s11], [sflag:$0x4] =	stream.indirect.gather [hbm4b:s1+s8], $0x80, s29, s8, $0xb8;
	[tilespmem:$0x1D400] =	vst v63  }
0x168: {  	_ =	swait.ge [sflag:s18], $0x2000  }
0x169: {  	[sflag:s18] =	ssyncset.done $0x0  }
0x16a: {  	s29 =	simm.s32 $0xC80;
	[sflag:s18] =	ssyncadd.s32 $0xFFFFE000  }
0x16b: {  	[spmem:s3] =	stream.indirect.scatter.add.f32 [tilespmem:s14], [sflag:$0x6], $0x80, s29, s8, $0xb8;
	[tilespmem:$0x1D400] =	vst v63  }
0x16c: {  	_ = 	snop  }
0x16d: {  	[spmem:s4] =	stream.indirect.scatter.add.f32 [tilespmem:s13], [sflag:$0xA], $0x1, s29, s8, $0xb8;
	[tilespmem:$0x1D400] =	vst v63  }
0x16e: {  	s2 =	sadd.s32 $0x100, s2  }
0x16f: {  	[tilespmem:s5], [sflag:$0xD] =	stream.linear.gather [hbm4b:s2+s5], $0x400, $0x38;
	[tilespmem:$0x1D400] =	vst v63  }
0x170: {  	s7 =	simm.s32 $0x800;
	s24 =	sadd.s32 $0x100, s24  }
0x171: {  	[tilespmem:s7], [sflag:$0xD] =	stream.linear.gather [hbm4b:s24+s5], $0x400, $0x38;
	[tilespmem:$0x1D400] =	vst v63  }
0x172: {  	_ =	swait.ge [sflag:s21], $0x2000  }
0x173: {  	[sflag:s21] =	ssyncset.done $0x0  }
0x174: {  	[sflag:s21] =	ssyncadd.s32 $0xFFFFE000  }
0x175: {  	_ =	swait.ge [sflag:s22], $0x40  }
0x176: {  	[sflag:s22] =	ssyncset.done $0x0  }
0x177: {  	s24 =	rddreg [dreg:$0x12];
	[sflag:s22] =	ssyncadd.s32 $0xFFFFFFC0  }
0x178: {  	[tilespmem:s0], [sflag:$0x1] =	stream.indirect.gather [hbm4b:s1+s8], $0x80, s24, s8, $0xb8;
	[tilespmem:$0x1D400] =	vst v63  }
0x179: {  	_ =	swait.ge [sflag:s23], $0x2000  }
0x17a: {  	[sflag:s23] =	ssyncset.done $0x0  }
0x17b: {  	s24 =	simm.s32 $0xD00;
	[sflag:s23] =	ssyncadd.s32 $0xFFFFE000  }
0x17c: {  	[spmem:s3] =	stream.indirect.scatter.add.f32 [tilespmem:s10], [sflag:$0x7], $0x80, s24, s8, $0xb8;
	[tilespmem:$0x1D400] =	vst v63  }
0x17d: {  	_ = 	snop  }
0x17e: {  	[spmem:s4] =	stream.indirect.scatter.add.f32 [tilespmem:s13], [sflag:$0xB], $0x1, s24, s8, $0xb8;
	[tilespmem:$0x1D400] =	vst v63  }
0x17f: {  	_ =	swait.ge [sflag:s25], $0x2000  }
0x180: {  	[sflag:s25] =	ssyncset.done $0x0  }
0x181: {  	[sflag:s25] =	ssyncadd.s32 $0xFFFFE000  }
0x182: {  	_ =	swait.ge [sflag:s26], $0x40  }
0x183: {  	[sflag:s26] =	ssyncset.done $0x0  }
0x184: {  	s24 =	rddreg [dreg:$0x13];
	[sflag:s26] =	ssyncadd.s32 $0xFFFFFFC0  }
0x185: {  	[tilespmem:s14], [sflag:$0x2] =	stream.indirect.gather [hbm4b:s1+s8], $0x80, s24, s8, $0xb8;
	[tilespmem:$0x1D400] =	vst v63  }
0x186: {  	_ =	swait.ge [sflag:s28], $0x2000  }
0x187: {  	[sflag:s28] =	ssyncset.done $0x0  }
0x188: {  	s24 =	simm.s32 $0xD80;
	[sflag:s28] =	ssyncadd.s32 $0xFFFFE000  }
0x189: {  	[spmem:s3] =	stream.indirect.scatter.add.f32 [tilespmem:s11], [sflag:$0x8], $0x80, s24, s8, $0xb8;
	[tilespmem:$0x1D400] =	vst v63  }
0x18a: {  	_ = 	snop  }
0x18b: {  	[spmem:s4] =	stream.indirect.scatter.add.f32 [tilespmem:s13], [sflag:$0xC], $0x1, s24, s8, $0xb8;
	[tilespmem:$0x1D400] =	vst v63  }
0x18c: {  	_ =	swait.ge [sflag:s30], $0x2000  }
0x18d: {  	[sflag:s30] =	ssyncset.done $0x0  }
0x18e: {  	[sflag:s30] =	ssyncadd.s32 $0xFFFFE000  }
0x18f: {  	_ =	swait.ge [sflag:s31], $0x40  }
0x190: {  	[sflag:s31] =	ssyncset.done $0x0  }
0x191: {  	s24 =	rddreg [dreg:$0x14];
	[sflag:s31] =	ssyncadd.s32 $0xFFFFFFC0  }
0x192: {  	[tilespmem:s10], [sflag:$0x3] =	stream.indirect.gather [hbm4b:s1+s8], $0x80, s24, s8, $0xb8;
	[tilespmem:$0x1D400] =	vst v63  }
0x193: {  	_ =	swait.ge [sflag:s6], $0x2000  }
0x194: {  	[sflag:s6] =	ssyncset.done $0x0  }
0x195: {  	s24 =	simm.s32 $0xE00;
	[sflag:s6] =	ssyncadd.s32 $0xFFFFE000  }
0x196: {  	[spmem:s3] =	stream.indirect.scatter.add.f32 [tilespmem:s0], [sflag:$0x5], $0x80, s24, s8, $0xb8;
	[tilespmem:$0x1D400] =	vst v63  }
0x197: {  	_ = 	snop  }
0x198: {  	[spmem:s4] =	stream.indirect.scatter.add.f32 [tilespmem:s13], [sflag:$0x9], $0x1, s24, s8, $0xb8;
	[tilespmem:$0x1D400] =	vst v63  }
0x199: {  	_ =	swait.ge [sflag:s16], $0x2000  }
0x19a: {  	[sflag:s16] =	ssyncset.done $0x0  }
0x19b: {  	[sflag:s16] =	ssyncadd.s32 $0xFFFFE000  }
0x19c: {  	_ =	swait.ge [sflag:s17], $0x40  }
0x19d: {  	[sflag:s17] =	ssyncset.done $0x0  }
0x19e: {  	s24 =	rddreg [dreg:$0x15];
	[sflag:s17] =	ssyncadd.s32 $0xFFFFFFC0  }
0x19f: {  	[tilespmem:s11], [sflag:$0x4] =	stream.indirect.gather [hbm4b:s1+s8], $0x80, s24, s8, $0xb8;
	[tilespmem:$0x1D400] =	vst v63  }
0x1a0: {  	_ =	swait.ge [sflag:s18], $0x2000  }
0x1a1: {  	[sflag:s18] =	ssyncset.done $0x0  }
0x1a2: {  	s29 =	simm.s32 $0xE80;
	s2 =	simm.s32 $0x100;
	[sflag:s18] =	ssyncadd.s32 $0xFFFFE000  }
0x1a3: {  	[spmem:s3] =	stream.indirect.scatter.add.f32 [tilespmem:s14], [sflag:$0x6], $0x80, s29, s8, $0xb8;
	[tilespmem:$0x1D400] =	vst v63  }
.LBB2_4:
0x1a4: {  	[spmem:s4] =	stream.indirect.scatter.add.f32 [tilespmem:s13], [sflag:$0xA], $0x1, s29, s8, $0xb8;
	[tilespmem:$0x1D400] =	vst v63  }
0x1a5: {  	_ =	swait.ge [sflag:s9], $0x400  }
0x1a6: {  	[sflag:s9] =	ssyncset.done $0x0  }
0x1a7: {  	[sflag:s9] =	ssyncadd.s32 $0xFFFFFC00  }
0x1a8: {  	_ =	swait.ge [sflag:s9], $0x400  }
0x1a9: {  	[sflag:s9] =	ssyncset.done $0x0  }
0x1aa: {  	[sflag:s9] =	ssyncadd.s32 $0xFFFFFC00  }
0x1ab: {  	_ =	swait.ge [sflag:s21], $0x2000  }
0x1ac: {  	[sflag:s21] =	ssyncset.done $0x0  }
0x1ad: {  	[sflag:s21] =	ssyncadd.s32 $0xFFFFE000  }
0x1ae: {  	_ =	swait.ge [sflag:s22], $0x40  }
0x1af: {  	[sflag:s22] =	ssyncset.done $0x0  }
0x1b0: {  	[sflag:s22] =	ssyncadd.s32 $0xFFFFFFC0  }
0x1b1: {  	[tilespmem:s0], [sflag:$0x1] =	stream.indirect.gather [hbm4b:s1+s8], $0x80, s5, s8, $0xb8;
	[tilespmem:$0x1D400] =	vst v63  }
0x1b2: {  	_ =	swait.ge [sflag:s23], $0x2000  }
0x1b3: {  	[sflag:s23] =	ssyncset.done $0x0  }
0x1b4: {  	[sflag:s23] =	ssyncadd.s32 $0xFFFFE000  }
0x1b5: {  	[spmem:s3] =	stream.indirect.scatter.add.f32 [tilespmem:s10], [sflag:$0x7], $0x80, s15, s8, $0xb8;
	[tilespmem:$0x1D400] =	vst v63  }
0x1b6: {  	_ = 	snop  }
0x1b7: {  	[spmem:s4] =	stream.indirect.scatter.add.f32 [tilespmem:s13], [sflag:$0xB], $0x1, s15, s8, $0xb8;
	[tilespmem:$0x1D400] =	vst v63  }
0x1b8: {  	_ =	swait.ge [sflag:s25], $0x2000  }
0x1b9: {  	[sflag:s25] =	ssyncset.done $0x0  }
0x1ba: {  	[sflag:s25] =	ssyncadd.s32 $0xFFFFE000  }
0x1bb: {  	_ =	swait.ge [sflag:s26], $0x40  }
0x1bc: {  	[sflag:s26] =	ssyncset.done $0x0  }
0x1bd: {  	s29 =	rddreg [dreg:$0x8];
	[sflag:s26] =	ssyncadd.s32 $0xFFFFFFC0  }
0x1be: {  	[tilespmem:s14], [sflag:$0x2] =	stream.indirect.gather [hbm4b:s1+s8], $0x80, s29, s8, $0xb8;
	[tilespmem:$0x1D400] =	vst v63  }
0x1bf: {  	_ =	swait.ge [sflag:s28], $0x2000  }
0x1c0: {  	[sflag:s28] =	ssyncset.done $0x0  }
0x1c1: {  	[sflag:s28] =	ssyncadd.s32 $0xFFFFE000  }
0x1c2: {  	[spmem:s3] =	stream.indirect.scatter.add.f32 [tilespmem:s11], [sflag:$0x8], $0x80, s20, s8, $0xb8;
	[tilespmem:$0x1D400] =	vst v63  }
0x1c3: {  	_ = 	snop  }
0x1c4: {  	[spmem:s4] =	stream.indirect.scatter.add.f32 [tilespmem:s13], [sflag:$0xC], $0x1, s20, s8, $0xb8;
	[tilespmem:$0x1D400] =	vst v63  }
0x1c5: {  	_ =	swait.ge [sflag:s30], $0x2000  }
0x1c6: {  	[sflag:s30] =	ssyncset.done $0x0  }
0x1c7: {  	[sflag:s30] =	ssyncadd.s32 $0xFFFFE000  }
0x1c8: {  	_ =	swait.ge [sflag:s31], $0x40  }
0x1c9: {  	[sflag:s31] =	ssyncset.done $0x0  }
0x1ca: {  	s29 =	rddreg [dreg:$0x9];
	[sflag:s31] =	ssyncadd.s32 $0xFFFFFFC0  }
0x1cb: {  	[tilespmem:s10], [sflag:$0x3] =	stream.indirect.gather [hbm4b:s1+s8], $0x80, s29, s8, $0xb8;
	[tilespmem:$0x1D400] =	vst v63  }
0x1cc: {  	_ =	swait.ge [sflag:s6], $0x2000  }
0x1cd: {  	[sflag:s6] =	ssyncset.done $0x0  }
0x1ce: {  	[sflag:s6] =	ssyncadd.s32 $0xFFFFE000  }
0x1cf: {  	[spmem:s3] =	stream.indirect.scatter.add.f32 [tilespmem:s0], [sflag:$0x5], $0x80, s7, s8, $0xb8;
	[tilespmem:$0x1D400] =	vst v63  }
0x1d0: {  	_ = 	snop  }
0x1d1: {  	[spmem:s4] =	stream.indirect.scatter.add.f32 [tilespmem:s13], [sflag:$0x9], $0x1, s7, s8, $0xb8;
	[tilespmem:$0x1D400] =	vst v63  }
0x1d2: {  	_ =	swait.ge [sflag:s16], $0x2000  }
0x1d3: {  	[sflag:s16] =	ssyncset.done $0x0  }
0x1d4: {  	[sflag:s16] =	ssyncadd.s32 $0xFFFFE000  }
0x1d5: {  	_ =	swait.ge [sflag:s17], $0x40  }
0x1d6: {  	[sflag:s17] =	ssyncset.done $0x0  }
0x1d7: {  	s29 =	rddreg [dreg:$0xa];
	[sflag:s17] =	ssyncadd.s32 $0xFFFFFFC0  }
0x1d8: {  	[tilespmem:s11], [sflag:$0x4] =	stream.indirect.gather [hbm4b:s1+s8], $0x80, s29, s8, $0xb8;
	[tilespmem:$0x1D400] =	vst v63  }
0x1d9: {  	_ =	swait.ge [sflag:s18], $0x2000  }
0x1da: {  	s24 =	smov.u32 s2;
	[sflag:s18] =	ssyncset.done $0x0  }
0x1db: {  	s15 =	simm.s32 $0x880;
	s29 =	rddreg [dreg:$0x6];
	[sflag:s18] =	ssyncadd.s32 $0xFFFFE000  }
0x1dc: {  	[spmem:s3] =	stream.indirect.scatter.add.f32 [tilespmem:s14], [sflag:$0x6], $0x80, s15, s8, $0xb8;
	[tilespmem:$0x1D400] =	vst v63  }
0x1dd: {  	s20 =	rddreg [dreg:$0x7];
	s29 =	sadd.s32 s24, s29  }
0x1de: {  	[spmem:s4] =	stream.indirect.scatter.add.f32 [tilespmem:s13], [sflag:$0xA], $0x1, s15, s8, $0xb8;
	[tilespmem:$0x1D400] =	vst v63  }
0x1df: {  	s24 =	sadd.s32 s24, s20;
	s20 =	simm.s32 $0x400;
	s15 =	sadd.s32 $0x80, s29  }
0x1e0: {  	[tilespmem:s20], [sflag:$0xE] =	stream.linear.gather [hbm4b:s15+s5], $0x400, $0x38;
	[tilespmem:$0x1D400] =	vst v63  }
0x1e1: {  	s15 =	sadd.s32 $0x80, s24  }
0x1e2: {  	[tilespmem:s12], [sflag:$0xE] =	stream.linear.gather [hbm4b:s15+s5], $0x400, $0x38;
	[tilespmem:$0x1D400] =	vst v63  }
0x1e3: {  	_ =	swait.ge [sflag:s21], $0x2000  }
0x1e4: {  	[sflag:s21] =	ssyncset.done $0x0  }
0x1e5: {  	[sflag:s21] =	ssyncadd.s32 $0xFFFFE000  }
0x1e6: {  	_ =	swait.ge [sflag:s22], $0x40  }
0x1e7: {  	[sflag:s22] =	ssyncset.done $0x0  }
0x1e8: {  	s15 =	rddreg [dreg:$0xb];
	[sflag:s22] =	ssyncadd.s32 $0xFFFFFFC0  }
0x1e9: {  	[tilespmem:s0], [sflag:$0x1] =	stream.indirect.gather [hbm4b:s1+s8], $0x80, s15, s8, $0xb8;
	[tilespmem:$0x1D400] =	vst v63  }
0x1ea: {  	_ =	swait.ge [sflag:s23], $0x2000  }
0x1eb: {  	[sflag:s23] =	ssyncset.done $0x0  }
0x1ec: {  	s15 =	simm.s32 $0x900;
	[sflag:s23] =	ssyncadd.s32 $0xFFFFE000  }
0x1ed: {  	[spmem:s3] =	stream.indirect.scatter.add.f32 [tilespmem:s10], [sflag:$0x7], $0x80, s15, s8, $0xb8;
	[tilespmem:$0x1D400] =	vst v63  }
0x1ee: {  	_ = 	snop  }
0x1ef: {  	[spmem:s4] =	stream.indirect.scatter.add.f32 [tilespmem:s13], [sflag:$0xB], $0x1, s15, s8, $0xb8;
	[tilespmem:$0x1D400] =	vst v63  }
0x1f0: {  	_ =	swait.ge [sflag:s25], $0x2000  }
0x1f1: {  	[sflag:s25] =	ssyncset.done $0x0  }
0x1f2: {  	[sflag:s25] =	ssyncadd.s32 $0xFFFFE000  }
0x1f3: {  	_ =	swait.ge [sflag:s26], $0x40  }
0x1f4: {  	[sflag:s26] =	ssyncset.done $0x0  }
0x1f5: {  	s15 =	rddreg [dreg:$0xc];
	[sflag:s26] =	ssyncadd.s32 $0xFFFFFFC0  }
0x1f6: {  	[tilespmem:s14], [sflag:$0x2] =	stream.indirect.gather [hbm4b:s1+s8], $0x80, s15, s8, $0xb8;
	[tilespmem:$0x1D400] =	vst v63  }
0x1f7: {  	_ =	swait.ge [sflag:s28], $0x2000  }
0x1f8: {  	[sflag:s28] =	ssyncset.done $0x0  }
0x1f9: {  	s15 =	simm.s32 $0x980;
	[sflag:s28] =	ssyncadd.s32 $0xFFFFE000  }
0x1fa: {  	[spmem:s3] =	stream.indirect.scatter.add.f32 [tilespmem:s11], [sflag:$0x8], $0x80, s15, s8, $0xb8;
	[tilespmem:$0x1D400] =	vst v63  }
0x1fb: {  	_ = 	snop  }
0x1fc: {  	[spmem:s4] =	stream.indirect.scatter.add.f32 [tilespmem:s13], [sflag:$0xC], $0x1, s15, s8, $0xb8;
	[tilespmem:$0x1D400] =	vst v63  }
0x1fd: {  	_ =	swait.ge [sflag:s30], $0x2000  }
0x1fe: {  	[sflag:s30] =	ssyncset.done $0x0  }
0x1ff: {  	[sflag:s30] =	ssyncadd.s32 $0xFFFFE000  }
0x200: {  	_ =	swait.ge [sflag:s31], $0x40  }
0x201: {  	[sflag:s31] =	ssyncset.done $0x0  }
0x202: {  	s15 =	rddreg [dreg:$0xd];
	[sflag:s31] =	ssyncadd.s32 $0xFFFFFFC0  }
0x203: {  	[tilespmem:s10], [sflag:$0x3] =	stream.indirect.gather [hbm4b:s1+s8], $0x80, s15, s8, $0xb8;
	[tilespmem:$0x1D400] =	vst v63  }
0x204: {  	_ =	swait.ge [sflag:s6], $0x2000  }
0x205: {  	[sflag:s6] =	ssyncset.done $0x0  }
0x206: {  	s15 =	simm.s32 $0xA00;
	[sflag:s6] =	ssyncadd.s32 $0xFFFFE000  }
0x207: {  	[spmem:s3] =	stream.indirect.scatter.add.f32 [tilespmem:s0], [sflag:$0x5], $0x80, s15, s8, $0xb8;
	[tilespmem:$0x1D400] =	vst v63  }
0x208: {  	_ = 	snop  }
0x209: {  	[spmem:s4] =	stream.indirect.scatter.add.f32 [tilespmem:s13], [sflag:$0x9], $0x1, s15, s8, $0xb8;
	[tilespmem:$0x1D400] =	vst v63  }
0x20a: {  	_ =	swait.ge [sflag:s16], $0x2000  }
0x20b: {  	[sflag:s16] =	ssyncset.done $0x0  }
0x20c: {  	[sflag:s16] =	ssyncadd.s32 $0xFFFFE000  }
0x20d: {  	_ =	swait.ge [sflag:s17], $0x40  }
0x20e: {  	[sflag:s17] =	ssyncset.done $0x0  }
0x20f: {  	s15 =	rddreg [dreg:$0xe];
	[sflag:s17] =	ssyncadd.s32 $0xFFFFFFC0  }
0x210: {  	[tilespmem:s11], [sflag:$0x4] =	stream.indirect.gather [hbm4b:s1+s8], $0x80, s15, s8, $0xb8;
	[tilespmem:$0x1D400] =	vst v63  }
0x211: {  	_ =	swait.ge [sflag:s18], $0x2000  }
0x212: {  	[sflag:s18] =	ssyncset.done $0x0  }
0x213: {  	s15 =	simm.s32 $0xA80;
	[sflag:s18] =	ssyncadd.s32 $0xFFFFE000  }
0x214: {  	[spmem:s3] =	stream.indirect.scatter.add.f32 [tilespmem:s14], [sflag:$0x6], $0x80, s15, s8, $0xb8;
	[tilespmem:$0x1D400] =	vst v63  }
0x215: {  	_ = 	snop  }
0x216: {  	[spmem:s4] =	stream.indirect.scatter.add.f32 [tilespmem:s13], [sflag:$0xA], $0x1, s15, s8, $0xb8;
	[tilespmem:$0x1D400] =	vst v63  }
0x217: {  	_ =	swait.ge [sflag:s19], $0x400  }
0x218: {  	[sflag:s19] =	ssyncset.done $0x0  }
0x219: {  	[sflag:s19] =	ssyncadd.s32 $0xFFFFFC00  }
0x21a: {  	_ =	swait.ge [sflag:s19], $0x400  }
0x21b: {  	[sflag:s19] =	ssyncset.done $0x0  }
0x21c: {  	[sflag:s19] =	ssyncadd.s32 $0xFFFFFC00  }
0x21d: {  	_ =	swait.ge [sflag:s21], $0x2000  }
0x21e: {  	[sflag:s21] =	ssyncset.done $0x0  }
0x21f: {  	[sflag:s21] =	ssyncadd.s32 $0xFFFFE000  }
0x220: {  	_ =	swait.ge [sflag:s22], $0x40  }
0x221: {  	[sflag:s22] =	ssyncset.done $0x0  }
0x222: {  	[sflag:s22] =	ssyncadd.s32 $0xFFFFFFC0  }
0x223: {  	[tilespmem:s0], [sflag:$0x1] =	stream.indirect.gather [hbm4b:s1+s8], $0x80, s20, s8, $0xb8;
	[tilespmem:$0x1D400] =	vst v63  }
0x224: {  	_ =	swait.ge [sflag:s23], $0x2000  }
0x225: {  	[sflag:s23] =	ssyncset.done $0x0  }
0x226: {  	s20 =	simm.s32 $0xB00;
	[sflag:s23] =	ssyncadd.s32 $0xFFFFE000  }
0x227: {  	[spmem:s3] =	stream.indirect.scatter.add.f32 [tilespmem:s10], [sflag:$0x7], $0x80, s20, s8, $0xb8;
	[tilespmem:$0x1D400] =	vst v63  }
0x228: {  	_ = 	snop  }
0x229: {  	[spmem:s4] =	stream.indirect.scatter.add.f32 [tilespmem:s13], [sflag:$0xB], $0x1, s20, s8, $0xb8;
	[tilespmem:$0x1D400] =	vst v63  }
0x22a: {  	_ =	swait.ge [sflag:s25], $0x2000  }
0x22b: {  	[sflag:s25] =	ssyncset.done $0x0  }
0x22c: {  	[sflag:s25] =	ssyncadd.s32 $0xFFFFE000  }
0x22d: {  	_ =	swait.ge [sflag:s26], $0x40  }
0x22e: {  	[sflag:s26] =	ssyncset.done $0x0  }
0x22f: {  	s20 =	rddreg [dreg:$0xf];
	[sflag:s26] =	ssyncadd.s32 $0xFFFFFFC0  }
0x230: {  	[tilespmem:s14], [sflag:$0x2] =	stream.indirect.gather [hbm4b:s1+s8], $0x80, s20, s8, $0xb8;
	[tilespmem:$0x1D400] =	vst v63  }
0x231: {  	_ =	swait.ge [sflag:s28], $0x2000  }
0x232: {  	[sflag:s28] =	ssyncset.done $0x0  }
0x233: {  	s20 =	simm.s32 $0xB80;
	[sflag:s28] =	ssyncadd.s32 $0xFFFFE000  }
0x234: {  	[spmem:s3] =	stream.indirect.scatter.add.f32 [tilespmem:s11], [sflag:$0x8], $0x80, s20, s8, $0xb8;
	[tilespmem:$0x1D400] =	vst v63  }
0x235: {  	_ = 	snop  }
0x236: {  	[spmem:s4] =	stream.indirect.scatter.add.f32 [tilespmem:s13], [sflag:$0xC], $0x1, s20, s8, $0xb8;
	[tilespmem:$0x1D400] =	vst v63  }
0x237: {  	_ =	swait.ge [sflag:s30], $0x2000  }
0x238: {  	[sflag:s30] =	ssyncset.done $0x0  }
0x239: {  	[sflag:s30] =	ssyncadd.s32 $0xFFFFE000  }
0x23a: {  	_ =	swait.ge [sflag:s31], $0x40  }
0x23b: {  	[sflag:s31] =	ssyncset.done $0x0  }
0x23c: {  	s20 =	rddreg [dreg:$0x10];
	[sflag:s31] =	ssyncadd.s32 $0xFFFFFFC0  }
0x23d: {  	[tilespmem:s10], [sflag:$0x3] =	stream.indirect.gather [hbm4b:s1+s8], $0x80, s20, s8, $0xb8;
	[tilespmem:$0x1D400] =	vst v63  }
0x23e: {  	_ =	swait.ge [sflag:s6], $0x2000  }
0x23f: {  	[sflag:s6] =	ssyncset.done $0x0  }
0x240: {  	[sflag:s6] =	ssyncadd.s32 $0xFFFFE000  }
0x241: {  	[spmem:s3] =	stream.indirect.scatter.add.f32 [tilespmem:s0], [sflag:$0x5], $0x80, s12, s8, $0xb8;
	[tilespmem:$0x1D400] =	vst v63  }
0x242: {  	_ = 	snop  }
0x243: {  	[spmem:s4] =	stream.indirect.scatter.add.f32 [tilespmem:s13], [sflag:$0x9], $0x1, s12, s8, $0xb8;
	[tilespmem:$0x1D400] =	vst v63  }
0x244: {  	_ =	swait.ge [sflag:s16], $0x2000  }
0x245: {  	[sflag:s16] =	ssyncset.done $0x0  }
0x246: {  	[sflag:s16] =	ssyncadd.s32 $0xFFFFE000  }
0x247: {  	_ =	swait.ge [sflag:s17], $0x40  }
0x248: {  	[sflag:s17] =	ssyncset.done $0x0  }
0x249: {  	s20 =	rddreg [dreg:$0x11];
	[sflag:s17] =	ssyncadd.s32 $0xFFFFFFC0  }
0x24a: {  	[tilespmem:s11], [sflag:$0x4] =	stream.indirect.gather [hbm4b:s1+s8], $0x80, s20, s8, $0xb8;
	[tilespmem:$0x1D400] =	vst v63  }
0x24b: {  	_ =	swait.ge [sflag:s18], $0x2000  }
0x24c: {  	[sflag:s18] =	ssyncset.done $0x0  }
0x24d: {  	s20 =	simm.s32 $0xC80;
	[sflag:s18] =	ssyncadd.s32 $0xFFFFE000  }
0x24e: {  	[spmem:s3] =	stream.indirect.scatter.add.f32 [tilespmem:s14], [sflag:$0x6], $0x80, s20, s8, $0xb8;
	[tilespmem:$0x1D400] =	vst v63  }
0x24f: {  	_ = 	snop  }
0x250: {  	[spmem:s4] =	stream.indirect.scatter.add.f32 [tilespmem:s13], [sflag:$0xA], $0x1, s20, s8, $0xb8;
	[tilespmem:$0x1D400] =	vst v63  }
0x251: {  	s15 =	sadd.s32 $0x100, s29  }
0x252: {  	[tilespmem:s5], [sflag:$0xD] =	stream.linear.gather [hbm4b:s15+s5], $0x400, $0x38;
	[tilespmem:$0x1D400] =	vst v63  }
0x253: {  	s24 =	sadd.s32 $0x100, s24  }
0x254: {  	[tilespmem:s7], [sflag:$0xD] =	stream.linear.gather [hbm4b:s24+s5], $0x400, $0x38;
	[tilespmem:$0x1D400] =	vst v63  }
0x255: {  	_ =	swait.ge [sflag:s21], $0x2000  }
0x256: {  	[sflag:s21] =	ssyncset.done $0x0  }
0x257: {  	[sflag:s21] =	ssyncadd.s32 $0xFFFFE000  }
0x258: {  	_ =	swait.ge [sflag:s22], $0x40  }
0x259: {  	[sflag:s22] =	ssyncset.done $0x0  }
0x25a: {  	s24 =	rddreg [dreg:$0x12];
	[sflag:s22] =	ssyncadd.s32 $0xFFFFFFC0  }
0x25b: {  	[tilespmem:s0], [sflag:$0x1] =	stream.indirect.gather [hbm4b:s1+s8], $0x80, s24, s8, $0xb8;
	[tilespmem:$0x1D400] =	vst v63  }
0x25c: {  	_ =	swait.ge [sflag:s23], $0x2000  }
0x25d: {  	[sflag:s23] =	ssyncset.done $0x0  }
0x25e: {  	s24 =	simm.s32 $0xD00;
	[sflag:s23] =	ssyncadd.s32 $0xFFFFE000  }
0x25f: {  	[spmem:s3] =	stream.indirect.scatter.add.f32 [tilespmem:s10], [sflag:$0x7], $0x80, s24, s8, $0xb8;
	[tilespmem:$0x1D400] =	vst v63  }
0x260: {  	_ = 	snop  }
0x261: {  	[spmem:s4] =	stream.indirect.scatter.add.f32 [tilespmem:s13], [sflag:$0xB], $0x1, s24, s8, $0xb8;
	[tilespmem:$0x1D400] =	vst v63  }
0x262: {  	_ =	swait.ge [sflag:s25], $0x2000  }
0x263: {  	[sflag:s25] =	ssyncset.done $0x0  }
0x264: {  	[sflag:s25] =	ssyncadd.s32 $0xFFFFE000  }
0x265: {  	_ =	swait.ge [sflag:s26], $0x40  }
0x266: {  	[sflag:s26] =	ssyncset.done $0x0  }
0x267: {  	s24 =	rddreg [dreg:$0x13];
	[sflag:s26] =	ssyncadd.s32 $0xFFFFFFC0  }
0x268: {  	[tilespmem:s14], [sflag:$0x2] =	stream.indirect.gather [hbm4b:s1+s8], $0x80, s24, s8, $0xb8;
	[tilespmem:$0x1D400] =	vst v63  }
0x269: {  	_ =	swait.ge [sflag:s28], $0x2000  }
0x26a: {  	[sflag:s28] =	ssyncset.done $0x0  }
0x26b: {  	s24 =	simm.s32 $0xD80;
	[sflag:s28] =	ssyncadd.s32 $0xFFFFE000  }
0x26c: {  	[spmem:s3] =	stream.indirect.scatter.add.f32 [tilespmem:s11], [sflag:$0x8], $0x80, s24, s8, $0xb8;
	[tilespmem:$0x1D400] =	vst v63  }
0x26d: {  	_ = 	snop  }
0x26e: {  	[spmem:s4] =	stream.indirect.scatter.add.f32 [tilespmem:s13], [sflag:$0xC], $0x1, s24, s8, $0xb8;
	[tilespmem:$0x1D400] =	vst v63  }
0x26f: {  	_ =	swait.ge [sflag:s30], $0x2000  }
0x270: {  	[sflag:s30] =	ssyncset.done $0x0  }
0x271: {  	[sflag:s30] =	ssyncadd.s32 $0xFFFFE000  }
0x272: {  	_ =	swait.ge [sflag:s31], $0x40  }
0x273: {  	[sflag:s31] =	ssyncset.done $0x0  }
0x274: {  	s24 =	rddreg [dreg:$0x14];
	[sflag:s31] =	ssyncadd.s32 $0xFFFFFFC0  }
0x275: {  	[tilespmem:s10], [sflag:$0x3] =	stream.indirect.gather [hbm4b:s1+s8], $0x80, s24, s8, $0xb8;
	[tilespmem:$0x1D400] =	vst v63  }
0x276: {  	_ =	swait.ge [sflag:s6], $0x2000  }
0x277: {  	[sflag:s6] =	ssyncset.done $0x0  }
0x278: {  	s24 =	simm.s32 $0xE00;
	[sflag:s6] =	ssyncadd.s32 $0xFFFFE000  }
0x279: {  	[spmem:s3] =	stream.indirect.scatter.add.f32 [tilespmem:s0], [sflag:$0x5], $0x80, s24, s8, $0xb8;
	[tilespmem:$0x1D400] =	vst v63  }
0x27a: {  	_ = 	snop  }
0x27b: {  	[spmem:s4] =	stream.indirect.scatter.add.f32 [tilespmem:s13], [sflag:$0x9], $0x1, s24, s8, $0xb8;
	[tilespmem:$0x1D400] =	vst v63  }
0x27c: {  	_ =	swait.ge [sflag:s16], $0x2000  }
0x27d: {  	[sflag:s16] =	ssyncset.done $0x0  }
0x27e: {  	[sflag:s16] =	ssyncadd.s32 $0xFFFFE000  }
0x27f: {  	_ =	swait.ge [sflag:s17], $0x40  }
0x280: {  	[sflag:s17] =	ssyncset.done $0x0  }
0x281: {  	p0 =	sne.s32 s2, $0x900;
	s24 =	rddreg [dreg:$0x15];
	[sflag:s17] =	ssyncadd.s32 $0xFFFFFFC0  }
0x282: {  	[tilespmem:s11], [sflag:$0x4] =	stream.indirect.gather [hbm4b:s1+s8], $0x80, s24, s8, $0xb8;
	[tilespmem:$0x1D400] =	vst v63  }
.Ltmp1:
0x283: {  	_ = 	snop;
	(pc) =	sbr.rel @p0 .LBB2_4-.Ltmp1, $4  }
0x284: {  	_ =	swait.ge [sflag:s18], $0x2000  }
0x285: {  	s2 =	sadd.s32 $0x100, s2;
	s29 =	simm.s32 $0xE80;
	[sflag:s18] =	ssyncset.done $0x0  }
0x286: {  	s20 =	simm.s32 $0xF80;
	s15 =	simm.s32 $0xF00;
	[sflag:s18] =	ssyncadd.s32 $0xFFFFE000  }
0x287: {  	[spmem:s3] =	stream.indirect.scatter.add.f32 [tilespmem:s14], [sflag:$0x6], $0x80, s29, s8, $0xb8;
	[tilespmem:$0x1D400] =	vst v63  }
0x288: {  	[spmem:s4] =	stream.indirect.scatter.add.f32 [tilespmem:s13], [sflag:$0xA], $0x1, s29, s8, $0xb8;
	[tilespmem:$0x1D400] =	vst v63  }
0x289: {  	_ =	swait.ge [sflag:s23], $0x2000  }
0x28a: {  	[sflag:s23] =	ssyncset.done $0x0  }
0x28b: {  	[sflag:s23] =	ssyncadd.s32 $0xFFFFE000  }
0x28c: {  	[spmem:s3] =	stream.indirect.scatter.add.f32 [tilespmem:s10], [sflag:$0x7], $0x80, s15, s8, $0xb8;
	[tilespmem:$0x1D400] =	vst v63  }
0x28d: {  	_ = 	snop  }
0x28e: {  	[spmem:s4] =	stream.indirect.scatter.add.f32 [tilespmem:s13], [sflag:$0xB], $0x1, s15, s8, $0xb8;
	[tilespmem:$0x1D400] =	vst v63  }
0x28f: {  	_ =	swait.ge [sflag:s28], $0x2000  }
0x290: {  	[sflag:s28] =	ssyncset.done $0x0  }
0x291: {  	[sflag:s28] =	ssyncadd.s32 $0xFFFFE000  }
0x292: {  	[spmem:s3] =	stream.indirect.scatter.add.f32 [tilespmem:s11], [sflag:$0x8], $0x80, s20, s8, $0xb8;
	[tilespmem:$0x1D400] =	vst v63  }
0x293: {  	_ = 	snop  }
0x294: {  	[spmem:s4] =	stream.indirect.scatter.add.f32 [tilespmem:s13], [sflag:$0xC], $0x1, s20, s8, $0xb8;
	[tilespmem:$0x1D400] =	vst v63  }
0x295: {  	_ =	swait.ge [sflag:s21], $0x2000  }
0x296: {  	[sflag:s21] =	ssyncset.done $0x0  }
0x297: {  	[sflag:s21] =	ssyncadd.s32 $0xFFFFE000  }
0x298: {  	_ =	swait.ge [sflag:s22], $0x40  }
0x299: {  	[sflag:s22] =	ssyncset.done $0x0  }
0x29a: {  	[sflag:s22] =	ssyncadd.s32 $0xFFFFFFC0  }
0x29b: {  	_ =	swait.ge [sflag:s25], $0x2000  }
0x29c: {  	[sflag:s25] =	ssyncset.done $0x0  }
0x29d: {  	[sflag:s25] =	ssyncadd.s32 $0xFFFFE000  }
0x29e: {  	_ =	swait.ge [sflag:s26], $0x40  }
0x29f: {  	[sflag:s26] =	ssyncset.done $0x0  }
0x2a0: {  	[sflag:s26] =	ssyncadd.s32 $0xFFFFFFC0  }
0x2a1: {  	_ =	swait.ge [sflag:s30], $0x2000  }
0x2a2: {  	[sflag:s30] =	ssyncset.done $0x0  }
0x2a3: {  	[sflag:s30] =	ssyncadd.s32 $0xFFFFE000  }
0x2a4: {  	_ =	swait.ge [sflag:s31], $0x40  }
0x2a5: {  	[sflag:s31] =	ssyncset.done $0x0  }
0x2a6: {  	[sflag:s31] =	ssyncadd.s32 $0xFFFFFFC0  }
0x2a7: {  	_ =	swait.ge [sflag:s16], $0x2000  }
0x2a8: {  	[sflag:s16] =	ssyncset.done $0x0  }
0x2a9: {  	[sflag:s16] =	ssyncadd.s32 $0xFFFFE000  }
0x2aa: {  	_ =	swait.ge [sflag:s17], $0x40  }
0x2ab: {  	[sflag:s17] =	ssyncset.done $0x0  }
0x2ac: {  	[sflag:s17] =	ssyncadd.s32 $0xFFFFFFC0  }
0x2ad: {  	_ =	swait.ge [sflag:s9], $0x400  }
0x2ae: {  	[sflag:s9] =	ssyncset.done $0x0  }
0x2af: {  	[sflag:s9] =	ssyncadd.s32 $0xFFFFFC00  }
0x2b0: {  	_ =	swait.ge [sflag:s9], $0x400  }
0x2b1: {  	[sflag:s9] =	ssyncset.done $0x0  }
0x2b2: {  	[sflag:s9] =	ssyncadd.s32 $0xFFFFFC00  }
0x2b3: {  	[bflag:$0x0] =	sbarrier.arrive $0xFFFF  }
0x2b4: {  	s2 =	rddreg [dreg:$0x16]  }
0x2b5: {  	s24 =	simm.s32 $0xF;
	s7 =	rddreg [dreg:$0x1f]  }
0x2b6: {  	s12 =	rddreg [dreg:$0x19];
	s2 =	sor.u32 $0x1C0F, s2;
	s15 =	sshrl.u32 s7, $0x3  }
0x2b7: {  	[hbm:s12], [sflag:s2] =	dma.local [spmem:s15], $0x800  }
0x2b8: {  	_ =	swait.ge [sflag:s24], $0x800  }
0x2b9: {  	s20 =	sld [smem:$0x7EF];
	_ =	sdelay $0x1  }
0x2ba: {  	[sflag:s24] =	ssyncset.done $0x0  }
0x2bb: {  	s29 =	rddreg [dreg:$0x1a];
	[sflag:s24] =	ssyncadd.s32 $0xFFFFF800;
	s15 =	sshrl.u32 s20, $0x3  }
0x2bc: {  	[hbm:s29], [sflag:s2] =	dma.local [spmem:s15], $0x800  }
0x2bd: {  	_ =	swait.ge [sflag:s24], $0x800  }
0x2be: {  	s7 =	sld [smem:$0x7F0];
	_ =	sdelay $0x1  }
0x2bf: {  	[sflag:s24] =	ssyncset.done $0x0  }
0x2c0: {  	s12 =	rddreg [dreg:$0x1b];
	[sflag:s24] =	ssyncadd.s32 $0xFFFFF800;
	s15 =	sshrl.u32 s7, $0x3  }
0x2c1: {  	[hbm:s12], [sflag:s2] =	dma.local [spmem:s15], $0x800  }
0x2c2: {  	_ =	swait.ge [sflag:s24], $0x800  }
0x2c3: {  	s20 =	sld [smem:$0x7F1];
	_ =	sdelay $0x1  }
0x2c4: {  	[sflag:s24] =	ssyncset.done $0x0  }
0x2c5: {  	s29 =	rddreg [dreg:$0x1c];
	[sflag:s24] =	ssyncadd.s32 $0xFFFFF800;
	s15 =	sshrl.u32 s20, $0x3  }
0x2c6: {  	[hbm:s29], [sflag:s2] =	dma.local [spmem:s15], $0x800  }
0x2c7: {  	_ =	swait.ge [sflag:s24], $0x800  }
0x2c8: {  	s7 =	sld [smem:$0x7F2];
	_ =	sdelay $0x1  }
0x2c9: {  	[sflag:s24] =	ssyncset.done $0x0  }
0x2ca: {  	s12 =	rddreg [dreg:$0x1d];
	[sflag:s24] =	ssyncadd.s32 $0xFFFFF800;
	s15 =	sshrl.u32 s7, $0x3  }
0x2cb: {  	[hbm:s12], [sflag:s2] =	dma.local [spmem:s15], $0x800  }
0x2cc: {  	_ =	swait.ge [sflag:s24], $0x800  }
0x2cd: {  	s20 =	sld [smem:$0x7F3];
	_ =	sdelay $0x1  }
0x2ce: {  	s7 =	simm.s32 $0x20;
	s12 =	simm.s32 $0x10;
	[sflag:s24] =	ssyncset.done $0x0  }
0x2cf: {  	s29 =	rddreg [dreg:$0x1e];
	[sflag:s24] =	ssyncadd.s32 $0xFFFFF800;
	s15 =	sshrl.u32 s20, $0x3  }
0x2d0: {  	[hbm:s29@s7], [sflag:s2] =	dma.strided [spmem:s15@s12], $0x50, s6, $0x10   }
0x2d1: {  	_ =	swait.ge [sflag:s24], $0x50  }
0x2d2: {  	s20 =	sld [smem:$0x7EE]  }
0x2d3: {  	s29 =	sld [smem:$0x7F8];
	_ =	sdelay $0x1  }
0x2d4: {  	s15 =	sadd.s32 $0x1, s20  }
0x2d5: {  	p0 =	sne.s32 s15, s29  }
.Ltmp2:
0x2d6: {  	_ = 	snop;
	(pc) =	sbr.rel @p0 .LBB2_1-.Ltmp2, $3  }
0x2d7: {  	_ =	sdelay $0x1  }
0x2d8: {  	[sflag:s24] =	ssyncset.done $0x0  }
0x2d9: {  	s7 =	simm.s32 $0x800;
	s12 =	simm.s32 $0xC00;
	[sflag:s24] =	ssyncadd.s32 $0xFFFFFFB0  }
0x2da: {  	_ =	sfence.sel $0x180000  }
0x2db: {  	[bflag:$0x0] =	sbarrier.arrive $0xFFFF  }
0x2dc: {  	_ =	strace $0x90000047  }
0x2dd: {  	s0 =	stileid.u32;
	[bflag:$0x2] =	sbarrier.arrive $0xFFFF  }
0x2de: {  	p0 =	sne.s32 s0, $0x0;
	s0 =	rddreg [dreg:$0x5]  }
0x2df: {  	s0 =	sadd.s32 @!p0 $0x100000, s0  }
0x2e0: {  	[sflag:s0] =	ssyncadd.tile.s32 @!p0 $0x1;
	_ =	shalt  }
.Lfunc_end2:
_tile_overlayer_lowered:
.L_overlay_start_2:
0x2e1: {  	(tag) =	ssettag $0x2  }
0x2e2: {  	s0 =	rddreg [dreg:$0x0];
	s2 =	stileid.u32  }
0x2e3: {  	s1 =	rddreg [dreg:$0x1];
	p0 =	sne.s32 s2, $0x0  }
0x2e4: {  	s3 =	rddreg [dreg:$0x2];
	[bflag:$0x3] =	sbarrier.arrive $0xFFFF;
	s2 =	simm.s32 @!p0 $0x1C0F  }
0x2e5: {  	[timem:s3], [sflag:s2] =	dma.local @!p0 [hbm:s0], s1  }
0x2e6: {  	s0 =	simm.s32 @!p0 $0xF  }
0x2e7: {  	_ =	swait.ge @!p0 [sflag:s0], s1  }
0x2e8: {  	s1 =	ssub.s32 @!p0 $0x0, s1;
	[sflag:s0] =	ssyncset.done @!p0 $0x0  }
0x2e9: {  	[sflag:s0] =	ssyncadd.s32 @!p0 s1  }
0x2ea: {  	[bflag:$0x3] =	sbarrier.arrive $0xFFFF  }
0x2eb: {  	_ =	shalt  }

</sc_bundles>
